<compile_context>
chip_gen: v7x
topology: tpu7x:2x2x1
jax: 0.10.2.dev20260603
libtpu: 0.0.44.dev20260713+nightly
codegen_flags: <defaults>
</compile_context>

<pallas_src>
import functools

import jax
import jax.numpy as jnp
from jax import lax
from jax.experimental import pallas as pl
from jax.experimental.pallas import tpu as pltpu
from jax.experimental.pallas import tpu_sc as plsc

EMBED_DIM = 64
POS_DIM = 32
POS_VOCAB = 201
OUT_DIM = EMBED_DIM + 2 * POS_DIM
B, L = 4096, 200
LPAD = 208

NC, NS = 2, 16
NW = NC * NS
ROWS_PER_W = B // NW
STEPS = ROWS_PER_W
NBUF = 4
SPLITS = ((0, 128), (128, 72))


def _emb_body(wid_hbm, p1_hbm, p2_hbm, wtab_hbm, ptab2_hbm, out_hbm,
              widx, p1idx, p2idx, pidx, wbuf, pbuf,
              isem, gsem, wsem):
    c = lax.axis_index("c")
    s = lax.axis_index("s")
    wid = s * NC + c
    row0 = wid * ROWS_PER_W

    def idx_copies(i, b):
        bi = row0 + i
        return [
            pltpu.make_async_copy(wid_hbm.at[bi], widx.at[b, pl.ds(0, L)],
                                  isem.at[b]),
            pltpu.make_async_copy(p1_hbm.at[bi], p1idx.at[b, pl.ds(0, L)],
                                  isem.at[b]),
            pltpu.make_async_copy(p2_hbm.at[bi], p2idx.at[b, pl.ds(0, L)],
                                  isem.at[b]),
        ]

    def pair_indices(b):
        for k in range(LPAD // 16):
            sl = pl.ds(k * 16, 16)
            pidx[b, sl] = p1idx[b, sl] * POS_VOCAB + p2idx[b, sl]

    def gather_copies(b):
        out = []
        for off, n in SPLITS:
            sl = pl.ds(off, n)
            out.append(pltpu.make_async_copy(
                wtab_hbm.at[widx.at[b, sl]], wbuf.at[b, sl], gsem.at[b]))
            out.append(pltpu.make_async_copy(
                ptab2_hbm.at[pidx.at[b, sl]], pbuf.at[b, sl], gsem.at[b]))
        return out

    def write_copies(i, b):
        bi = row0 + i
        return [
            pltpu.make_async_copy(
                wbuf.at[b], out_hbm.at[bi, slice(None), pl.ds(0, EMBED_DIM)],
                wsem.at[b]),
            pltpu.make_async_copy(
                pbuf.at[b],
                out_hbm.at[bi, slice(None), pl.ds(EMBED_DIM, 2 * POS_DIM)],
                wsem.at[b]),
        ]

    def start(copies):
        for cp in copies:
            cp.start()

    def wait(copies):
        for cp in copies:
            cp.wait()

    start(idx_copies(0, 0))
    start(idx_copies(1, 1))
    wait(idx_copies(0, 0))
    pair_indices(0)
    start(gather_copies(0))
    wait(idx_copies(1, 1))
    pair_indices(1)
    start(gather_copies(1))
    start(idx_copies(2, 2))

    def phase(i, p):
        @pl.when(i >= 2)
        def _():
            wait(write_copies(i - 2, (p + 2) % NBUF))

        @pl.when(i + 2 < STEPS)
        def _():
            wait(idx_copies(i + 2, (p + 2) % NBUF))
            pair_indices((p + 2) % NBUF)
            start(gather_copies((p + 2) % NBUF))

        wait(gather_copies(p))
        start(write_copies(i, p))

        @pl.when(i + 3 < STEPS)
        def _():
            start(idx_copies(i + 3, (p + 3) % NBUF))

    def body(j, carry):
        i0 = NBUF * j
        for p in range(NBUF):
            phase(i0 + p, p)
        return carry

    lax.fori_loop(0, STEPS // NBUF, body, 0)

    wait(write_copies(STEPS - 2, (STEPS - 2) % NBUF))
    wait(write_copies(STEPS - 1, (STEPS - 1) % NBUF))


@functools.partial(
    pl.kernel,
    out_type=jax.ShapeDtypeStruct((B, L, OUT_DIM), jnp.float32),
    mesh=plsc.VectorSubcoreMesh(core_axis_name="c", subcore_axis_name="s"),
    compiler_params=pltpu.CompilerParams(use_tc_tiling_on_sc=False),
    scratch_types=[
        pltpu.VMEM((NBUF, LPAD), jnp.int32),
        pltpu.VMEM((NBUF, LPAD), jnp.int32),
        pltpu.VMEM((NBUF, LPAD), jnp.int32),
        pltpu.VMEM((NBUF, LPAD), jnp.int32),
        pltpu.VMEM((NBUF, L, EMBED_DIM), jnp.float32),
        pltpu.VMEM((NBUF, L, 2 * POS_DIM), jnp.float32),
        pltpu.SemaphoreType.DMA((NBUF,)),
        pltpu.SemaphoreType.DMA((NBUF,)),
        pltpu.SemaphoreType.DMA((NBUF,)),
    ],
)
def _emb_kernel(*refs):
    _emb_body(*refs)


def kernel(word_id, pos_1, pos_2, word_table, pos_table):
    pair_table = jnp.concatenate(
        [
            jnp.repeat(pos_table, POS_VOCAB, axis=0),
            jnp.tile(pos_table, (POS_VOCAB, 1)),
        ],
        axis=1,
    )
    return _emb_kernel(word_id, pos_1, pos_2, word_table, pair_table)

# --- scband reference (transcript-rebuilt; emitter-appended) ---
"""Pipeline reference for scband-embedding-layer-28630251995244 (READ-ONLY COPY).

The authoritative reference and input builder live on the scoring server;
editing this copy changes nothing except your own understanding.
"""

import jax, jax.numpy as jnp
import numpy as np

VOCAB = 1000000
EMBED_DIM = 64
POS_VOCAB = 201
POS_DIM = 32
B, L = 4096, 200


def setup_inputs(seed: int = 0) -> dict:
    key = jax.random.key(seed)
    k1, k2, k3, k4, k5 = jax.random.split(key, 5)
    word_id = jax.random.randint(k1, (B, L), 0, VOCAB, dtype=jnp.int64 if jax.config.jax_enable_x64 else jnp.int32)
    pos_1 = jax.random.randint(k2, (B, L), 0, POS_VOCAB, dtype=jnp.int64 if jax.config.jax_enable_x64 else jnp.int32)
    pos_2 = jax.random.randint(k3, (B, L), 0, POS_VOCAB, dtype=jnp.int64 if jax.config.jax_enable_x64 else jnp.int32)
    word_table = jax.random.normal(k4, (VOCAB, EMBED_DIM), dtype=jnp.float32) * 0.02
    pos_table = jax.random.normal(k5, (POS_VOCAB, POS_DIM), dtype=jnp.float32) * 0.02
    return {
        "word_id": word_id,
        "pos_1": pos_1,
        "pos_2": pos_2,
        "word_table": word_table,
        "pos_table": pos_table,
    }


def reference(word_id, pos_1, pos_2, word_table, pos_table):
    # word_embedding lookup
    word_embedded = jnp.take(word_table, word_id, axis=0)
    # shared position embedding, looked up twice
    pos_1_embedded = jnp.take(pos_table, pos_1, axis=0)
    pos_2_embedded = jnp.take(pos_table, pos_2, axis=0)
    outputs = jnp.concatenate([word_embedded, pos_1_embedded, pos_2_embedded], axis=-1)
    return outputs

if __name__ == "__main__":
    import jax
    _d = setup_inputs()
    print(jax.jit(kernel)(*tuple(_d.values())))

</pallas_src>

<mosaic_0001>
#map = affine_map<(d0, d1) -> (0, 0)>
#map1 = affine_map<(d0, d1) -> (0, 0, 0)>
module attributes {stable_mosaic.version = 14 : i64} {
  func.func @_emb_kernel(%arg0: i32, %arg1: i32, %arg2: memref<4096x200xi32, #tpu.memory_space<hbm>>, %arg3: memref<4096x200xi32, #tpu.memory_space<hbm>>, %arg4: memref<4096x200xi32, #tpu.memory_space<hbm>>, %arg5: memref<1000000x64xf32, #tpu.memory_space<hbm>>, %arg6: memref<40401x64xf32, #tpu.memory_space<hbm>>, %arg7: memref<4096x200x128xf32, #tpu.memory_space<hbm>>, %arg8: memref<4x208xi32, #tpu.memory_space<vmem>>, %arg9: memref<4x208xi32, #tpu.memory_space<vmem>>, %arg10: memref<4x208xi32, #tpu.memory_space<vmem>>, %arg11: memref<4x208xi32, #tpu.memory_space<vmem>>, %arg12: memref<4x200x64xf32, #tpu.memory_space<vmem>>, %arg13: memref<4x200x64xf32, #tpu.memory_space<vmem>>, %arg14: memref<4x!tpu.dma_semaphore, #tpu.memory_space<semaphore_mem>>, %arg15: memref<4x!tpu.dma_semaphore, #tpu.memory_space<semaphore_mem>>, %arg16: memref<4x!tpu.dma_semaphore, #tpu.memory_space<semaphore_mem>>) attributes {dimension_semantics = [#tpu.dimension_semantics<core_parallel>, #tpu.dimension_semantics<subcore_parallel>], iteration_bounds = array<i64: 2, 16>, scalar_prefetch = 0 : i64, scratch_operands = 9 : i64, tpu.core_type = #tpu.core_type<sc_vector_subcore>, window_params = [{transform_indices = #map}, {transform_indices = #map}, {transform_indices = #map}, {transform_indices = #map}, {transform_indices = #map}, {transform_indices = #map1}]} {
    %mul3A = arith.constant 2 : i32
    %mul3A_0 = arith.muli %arg1, %mul3A : i32
    %add3A = arith.addi %mul3A_0, %arg0 : i32
    %mul3A_1 = arith.constant 128 : i32
    %mul3A_2 = arith.muli %add3A, %mul3A_1 : i32
    %add3A_3 = arith.constant 0 : i32
    %add3A_4 = arith.addi %mul3A_2, %add3A_3 : i32
    %dma_start3A = arith.constant 0 : i32
    %dma_start3A_5 = arith.constant 0 : i32
    %dma_start3A_6 = arith.constant 0 : i32
    %dma_start3A_7 = tpu.memref_slice %arg8[%dma_start3A, %dma_start3A_6] : memref<4x208xi32, #tpu.memory_space<vmem>> -> memref<1x200xi32, #tpu.memory_space<vmem>>
    %dma_start3A_8 = tpu.memref_squeeze %dma_start3A_7 : memref<1x200xi32, #tpu.memory_space<vmem>> -> memref<200xi32, #tpu.memory_space<vmem>>
    %dma_start3A_9 = arith.constant 0 : i32
    %dma_start3A_10 = tpu.memref_slice %arg2[%add3A_4, %dma_start3A_9] : memref<4096x200xi32, #tpu.memory_space<hbm>> -> memref<1x200xi32, #tpu.memory_space<hbm>>
    %dma_start3A_11 = tpu.memref_squeeze %dma_start3A_10 : memref<1x200xi32, #tpu.memory_space<hbm>> -> memref<200xi32, #tpu.memory_space<hbm>>
    %dma_start3A_12 = tpu.memref_slice %arg14[%dma_start3A_5] : memref<4x!tpu.dma_semaphore, #tpu.memory_space<semaphore_mem>> -> memref<1x!tpu.dma_semaphore, #tpu.memory_space<semaphore_mem>>
    %dma_start3A_13 = tpu.memref_squeeze %dma_start3A_12 : memref<1x!tpu.dma_semaphore, #tpu.memory_space<semaphore_mem>> -> memref<!tpu.dma_semaphore, #tpu.memory_space<semaphore_mem>>
    %dma_start3A_14 = arith.constant 0 : i32
    %dma_start3A_15 = tpu.memref_slice %arg8[%dma_start3A, %dma_start3A_14] : memref<4x208xi32, #tpu.memory_space<vmem>> -> memref<1x200xi32, #tpu.memory_space<vmem>>
    %dma_start3A_16 = tpu.memref_squeeze %dma_start3A_15 : memref<1x200xi32, #tpu.memory_space<vmem>> -> memref<200xi32, #tpu.memory_space<vmem>>
    %dma_start3A_17 = arith.constant 0 : i32
    %dma_start3A_18 = tpu.memref_slice %arg2[%add3A_4, %dma_start3A_17] : memref<4096x200xi32, #tpu.memory_space<hbm>> -> memref<1x200xi32, #tpu.memory_space<hbm>>
    %dma_start3A_19 = tpu.memref_squeeze %dma_start3A_18 : memref<1x200xi32, #tpu.memory_space<hbm>> -> memref<200xi32, #tpu.memory_space<hbm>>
    tpu.enqueue_dma source(%dma_start3A_19 : memref<200xi32, #tpu.memory_space<hbm>>) target(%dma_start3A_16 : memref<200xi32, #tpu.memory_space<vmem>>) target_semaphore(%dma_start3A_13 : memref<!tpu.dma_semaphore, #tpu.memory_space<semaphore_mem>>)
    %dma_start3A_20 = arith.constant 0 : i32
    %dma_start3A_21 = arith.constant 0 : i32
    %dma_start3A_22 = arith.constant 0 : i32
    %dma_start3A_23 = tpu.memref_slice %arg9[%dma_start3A_20, %dma_start3A_22] : memref<4x208xi32, #tpu.memory_space<vmem>> -> memref<1x200xi32, #tpu.memory_space<vmem>>
    %dma_start3A_24 = tpu.memref_squeeze %dma_start3A_23 : memref<1x200xi32, #tpu.memory_space<vmem>> -> memref<200xi32, #tpu.memory_space<vmem>>
    %dma_start3A_25 = arith.constant 0 : i32
    %dma_start3A_26 = tpu.memref_slice %arg3[%add3A_4, %dma_start3A_25] : memref<4096x200xi32, #tpu.memory_space<hbm>> -> memref<1x200xi32, #tpu.memory_space<hbm>>
    %dma_start3A_27 = tpu.memref_squeeze %dma_start3A_26 : memref<1x200xi32, #tpu.memory_space<hbm>> -> memref<200xi32, #tpu.memory_space<hbm>>
    %dma_start3A_28 = tpu.memref_slice %arg14[%dma_start3A_21] : memref<4x!tpu.dma_semaphore, #tpu.memory_space<semaphore_mem>> -> memref<1x!tpu.dma_semaphore, #tpu.memory_space<semaphore_mem>>
    %dma_start3A_29 = tpu.memref_squeeze %dma_start3A_28 : memref<1x!tpu.dma_semaphore, #tpu.memory_space<semaphore_mem>> -> memref<!tpu.dma_semaphore, #tpu.memory_space<semaphore_mem>>
    %dma_start3A_30 = arith.constant 0 : i32
    %dma_start3A_31 = tpu.memref_slice %arg9[%dma_start3A_20, %dma_start3A_30] : memref<4x208xi32, #tpu.memory_space<vmem>> -> memref<1x200xi32, #tpu.memory_space<vmem>>
    %dma_start3A_32 = tpu.memref_squeeze %dma_start3A_31 : memref<1x200xi32, #tpu.memory_space<vmem>> -> memref<200xi32, #tpu.memory_space<vmem>>
    %dma_start3A_33 = arith.constant 0 : i32
    %dma_start3A_34 = tpu.memref_slice %arg3[%add3A_4, %dma_start3A_33] : memref<4096x200xi32, #tpu.memory_space<hbm>> -> memref<1x200xi32, #tpu.memory_space<hbm>>
    %dma_start3A_35 = tpu.memref_squeeze %dma_start3A_34 : memref<1x200xi32, #tpu.memory_space<hbm>> -> memref<200xi32, #tpu.memory_space<hbm>>
    tpu.enqueue_dma source(%dma_start3A_35 : memref<200xi32, #tpu.memory_space<hbm>>) target(%dma_start3A_32 : memref<200xi32, #tpu.memory_space<vmem>>) target_semaphore(%dma_start3A_29 : memref<!tpu.dma_semaphore, #tpu.memory_space<semaphore_mem>>)
    %dma_start3A_36 = arith.constant 0 : i32
    %dma_start3A_37 = arith.constant 0 : i32
    %dma_start3A_38 = arith.constant 0 : i32
    %dma_start3A_39 = tpu.memref_slice %arg10[%dma_start3A_36, %dma_start3A_38] : memref<4x208xi32, #tpu.memory_space<vmem>> -> memref<1x200xi32, #tpu.memory_space<vmem>>
    %dma_start3A_40 = tpu.memref_squeeze %dma_start3A_39 : memref<1x200xi32, #tpu.memory_space<vmem>> -> memref<200xi32, #tpu.memory_space<vmem>>
    %dma_start3A_41 = arith.constant 0 : i32
    %dma_start3A_42 = tpu.memref_slice %arg4[%add3A_4, %dma_start3A_41] : memref<4096x200xi32, #tpu.memory_space<hbm>> -> memref<1x200xi32, #tpu.memory_space<hbm>>
    %dma_start3A_43 = tpu.memref_squeeze %dma_start3A_42 : memref<1x200xi32, #tpu.memory_space<hbm>> -> memref<200xi32, #tpu.memory_space<hbm>>
    %dma_start3A_44 = tpu.memref_slice %arg14[%dma_start3A_37] : memref<4x!tpu.dma_semaphore, #tpu.memory_space<semaphore_mem>> -> memref<1x!tpu.dma_semaphore, #tpu.memory_space<semaphore_mem>>
    %dma_start3A_45 = tpu.memref_squeeze %dma_start3A_44 : memref<1x!tpu.dma_semaphore, #tpu.memory_space<semaphore_mem>> -> memref<!tpu.dma_semaphore, #tpu.memory_space<semaphore_mem>>
    %dma_start3A_46 = arith.constant 0 : i32
    %dma_start3A_47 = tpu.memref_slice %arg10[%dma_start3A_36, %dma_start3A_46] : memref<4x208xi32, #tpu.memory_space<vmem>> -> memref<1x200xi32, #tpu.memory_space<vmem>>
    %dma_start3A_48 = tpu.memref_squeeze %dma_start3A_47 : memref<1x200xi32, #tpu.memory_space<vmem>> -> memref<200xi32, #tpu.memory_space<vmem>>
    %dma_start3A_49 = arith.constant 0 : i32
    %dma_start3A_50 = tpu.memref_slice %arg4[%add3A_4, %dma_start3A_49] : memref<4096x200xi32, #tpu.memory_space<hbm>> -> memref<1x200xi32, #tpu.memory_space<hbm>>
    %dma_start3A_51 = tpu.memref_squeeze %dma_start3A_50 : memref<1x200xi32, #tpu.memory_space<hbm>> -> memref<200xi32, #tpu.memory_space<hbm>>
    tpu.enqueue_dma source(%dma_start3A_51 : memref<200xi32, #tpu.memory_space<hbm>>) target(%dma_start3A_48 : memref<200xi32, #tpu.memory_space<vmem>>) target_semaphore(%dma_start3A_45 : memref<!tpu.dma_semaphore, #tpu.memory_space<semaphore_mem>>)
    %add3A_52 = arith.constant 1 : i32
    %add3A_53 = arith.addi %mul3A_2, %add3A_52 : i32
    %dma_start3A_54 = arith.constant 1 : i32
    %dma_start3A_55 = arith.constant 1 : i32
    %dma_start3A_56 = arith.constant 0 : i32
    %dma_start3A_57 = tpu.memref_slice %arg8[%dma_start3A_54, %dma_start3A_56] : memref<4x208xi32, #tpu.memory_space<vmem>> -> memref<1x200xi32, #tpu.memory_space<vmem>>
    %dma_start3A_58 = tpu.memref_squeeze %dma_start3A_57 : memref<1x200xi32, #tpu.memory_space<vmem>> -> memref<200xi32, #tpu.memory_space<vmem>>
    %dma_start3A_59 = arith.constant 0 : i32
    %dma_start3A_60 = tpu.memref_slice %arg2[%add3A_53, %dma_start3A_59] : memref<4096x200xi32, #tpu.memory_space<hbm>> -> memref<1x200xi32, #tpu.memory_space<hbm>>
    %dma_start3A_61 = tpu.memref_squeeze %dma_start3A_60 : memref<1x200xi32, #tpu.memory_space<hbm>> -> memref<200xi32, #tpu.memory_space<hbm>>
    %dma_start3A_62 = tpu.memref_slice %arg14[%dma_start3A_55] : memref<4x!tpu.dma_semaphore, #tpu.memory_space<semaphore_mem>> -> memref<1x!tpu.dma_semaphore, #tpu.memory_space<semaphore_mem>>
    %dma_start3A_63 = tpu.memref_squeeze %dma_start3A_62 : memref<1x!tpu.dma_semaphore, #tpu.memory_space<semaphore_mem>> -> memref<!tpu.dma_semaphore, #tpu.memory_space<semaphore_mem>>
    %dma_start3A_64 = arith.constant 0 : i32
    %dma_start3A_65 = tpu.memref_slice %arg8[%dma_start3A_54, %dma_start3A_64] : memref<4x208xi32, #tpu.memory_space<vmem>> -> memref<1x200xi32, #tpu.memory_space<vmem>>
    %dma_start3A_66 = tpu.memref_squeeze %dma_start3A_65 : memref<1x200xi32, #tpu.memory_space<vmem>> -> memref<200xi32, #tpu.memory_space<vmem>>
    %dma_start3A_67 = arith.constant 0 : i32
    %dma_start3A_68 = tpu.memref_slice %arg2[%add3A_53, %dma_start3A_67] : memref<4096x200xi32, #tpu.memory_space<hbm>> -> memref<1x200xi32, #tpu.memory_space<hbm>>
    %dma_start3A_69 = tpu.memref_squeeze %dma_start3A_68 : memref<1x200xi32, #tpu.memory_space<hbm>> -> memref<200xi32, #tpu.memory_space<hbm>>
    tpu.enqueue_dma source(%dma_start3A_69 : memref<200xi32, #tpu.memory_space<hbm>>) target(%dma_start3A_66 : memref<200xi32, #tpu.memory_space<vmem>>) target_semaphore(%dma_start3A_63 : memref<!tpu.dma_semaphore, #tpu.memory_space<semaphore_mem>>)
    %dma_start3A_70 = arith.constant 1 : i32
    %dma_start3A_71 = arith.constant 1 : i32
    %dma_start3A_72 = arith.constant 0 : i32
    %dma_start3A_73 = tpu.memref_slice %arg9[%dma_start3A_70, %dma_start3A_72] : memref<4x208xi32, #tpu.memory_space<vmem>> -> memref<1x200xi32, #tpu.memory_space<vmem>>
    %dma_start3A_74 = tpu.memref_squeeze %dma_start3A_73 : memref<1x200xi32, #tpu.memory_space<vmem>> -> memref<200xi32, #tpu.memory_space<vmem>>
    %dma_start3A_75 = arith.constant 0 : i32
    %dma_start3A_76 = tpu.memref_slice %arg3[%add3A_53, %dma_start3A_75] : memref<4096x200xi32, #tpu.memory_space<hbm>> -> memref<1x200xi32, #tpu.memory_space<hbm>>
    %dma_start3A_77 = tpu.memref_squeeze %dma_start3A_76 : memref<1x200xi32, #tpu.memory_space<hbm>> -> memref<200xi32, #tpu.memory_space<hbm>>
    %dma_start3A_78 = tpu.memref_slice %arg14[%dma_start3A_71] : memref<4x!tpu.dma_semaphore, #tpu.memory_space<semaphore_mem>> -> memref<1x!tpu.dma_semaphore, #tpu.memory_space<semaphore_mem>>
    %dma_start3A_79 = tpu.memref_squeeze %dma_start3A_78 : memref<1x!tpu.dma_semaphore, #tpu.memory_space<semaphore_mem>> -> memref<!tpu.dma_semaphore, #tpu.memory_space<semaphore_mem>>
    %dma_start3A_80 = arith.constant 0 : i32
    %dma_start3A_81 = tpu.memref_slice %arg9[%dma_start3A_70, %dma_start3A_80] : memref<4x208xi32, #tpu.memory_space<vmem>> -> memref<1x200xi32, #tpu.memory_space<vmem>>
    %dma_start3A_82 = tpu.memref_squeeze %dma_start3A_81 : memref<1x200xi32, #tpu.memory_space<vmem>> -> memref<200xi32, #tpu.memory_space<vmem>>
    %dma_start3A_83 = arith.constant 0 : i32
    %dma_start3A_84 = tpu.memref_slice %arg3[%add3A_53, %dma_start3A_83] : memref<4096x200xi32, #tpu.memory_space<hbm>> -> memref<1x200xi32, #tpu.memory_space<hbm>>
    %dma_start3A_85 = tpu.memref_squeeze %dma_start3A_84 : memref<1x200xi32, #tpu.memory_space<hbm>> -> memref<200xi32, #tpu.memory_space<hbm>>
    tpu.enqueue_dma source(%dma_start3A_85 : memref<200xi32, #tpu.memory_space<hbm>>) target(%dma_start3A_82 : memref<200xi32, #tpu.memory_space<vmem>>) target_semaphore(%dma_start3A_79 : memref<!tpu.dma_semaphore, #tpu.memory_space<semaphore_mem>>)
    %dma_start3A_86 = arith.constant 1 : i32
    %dma_start3A_87 = arith.constant 1 : i32
    %dma_start3A_88 = arith.constant 0 : i32
    %dma_start3A_89 = tpu.memref_slice %arg10[%dma_start3A_86, %dma_start3A_88] : memref<4x208xi32, #tpu.memory_space<vmem>> -> memref<1x200xi32, #tpu.memory_space<vmem>>
    %dma_start3A_90 = tpu.memref_squeeze %dma_start3A_89 : memref<1x200xi32, #tpu.memory_space<vmem>> -> memref<200xi32, #tpu.memory_space<vmem>>
    %dma_start3A_91 = arith.constant 0 : i32
    %dma_start3A_92 = tpu.memref_slice %arg4[%add3A_53, %dma_start3A_91] : memref<4096x200xi32, #tpu.memory_space<hbm>> -> memref<1x200xi32, #tpu.memory_space<hbm>>
    %dma_start3A_93 = tpu.memref_squeeze %dma_start3A_92 : memref<1x200xi32, #tpu.memory_space<hbm>> -> memref<200xi32, #tpu.memory_space<hbm>>
    %dma_start3A_94 = tpu.memref_slice %arg14[%dma_start3A_87] : memref<4x!tpu.dma_semaphore, #tpu.memory_space<semaphore_mem>> -> memref<1x!tpu.dma_semaphore, #tpu.memory_space<semaphore_mem>>
    %dma_start3A_95 = tpu.memref_squeeze %dma_start3A_94 : memref<1x!tpu.dma_semaphore, #tpu.memory_space<semaphore_mem>> -> memref<!tpu.dma_semaphore, #tpu.memory_space<semaphore_mem>>
    %dma_start3A_96 = arith.constant 0 : i32
    %dma_start3A_97 = tpu.memref_slice %arg10[%dma_start3A_86, %dma_start3A_96] : memref<4x208xi32, #tpu.memory_space<vmem>> -> memref<1x200xi32, #tpu.memory_space<vmem>>
    %dma_start3A_98 = tpu.memref_squeeze %dma_start3A_97 : memref<1x200xi32, #tpu.memory_space<vmem>> -> memref<200xi32, #tpu.memory_space<vmem>>
    %dma_start3A_99 = arith.constant 0 : i32
    %dma_start3A_100 = tpu.memref_slice %arg4[%add3A_53, %dma_start3A_99] : memref<4096x200xi32, #tpu.memory_space<hbm>> -> memref<1x200xi32, #tpu.memory_space<hbm>>
    %dma_start3A_101 = tpu.memref_squeeze %dma_start3A_100 : memref<1x200xi32, #tpu.memory_space<hbm>> -> memref<200xi32, #tpu.memory_space<hbm>>
    tpu.enqueue_dma source(%dma_start3A_101 : memref<200xi32, #tpu.memory_space<hbm>>) target(%dma_start3A_98 : memref<200xi32, #tpu.memory_space<vmem>>) target_semaphore(%dma_start3A_95 : memref<!tpu.dma_semaphore, #tpu.memory_space<semaphore_mem>>)
    %add3A_102 = arith.constant 0 : i32
    %add3A_103 = arith.addi %mul3A_2, %add3A_102 : i32
    %dma_wait3A = arith.constant 0 : i32
    %dma_wait3A_104 = arith.constant 0 : i32
    %dma_wait3A_105 = arith.constant 0 : i32
    %dma_wait3A_106 = tpu.memref_slice %arg8[%dma_wait3A, %dma_wait3A_105] : memref<4x208xi32, #tpu.memory_space<vmem>> -> memref<1x200xi32, #tpu.memory_space<vmem>>
    %dma_wait3A_107 = tpu.memref_squeeze %dma_wait3A_106 : memref<1x200xi32, #tpu.memory_space<vmem>> -> memref<200xi32, #tpu.memory_space<vmem>>
    %dma_wait3A_108 = arith.constant 0 : i32
    %dma_wait3A_109 = tpu.memref_slice %arg2[%add3A_103, %dma_wait3A_108] : memref<4096x200xi32, #tpu.memory_space<hbm>> -> memref<1x200xi32, #tpu.memory_space<hbm>>
    %dma_wait3A_110 = tpu.memref_squeeze %dma_wait3A_109 : memref<1x200xi32, #tpu.memory_space<hbm>> -> memref<200xi32, #tpu.memory_space<hbm>>
    %dma_wait3A_111 = tpu.memref_slice %arg14[%dma_wait3A_104] : memref<4x!tpu.dma_semaphore, #tpu.memory_space<semaphore_mem>> -> memref<1x!tpu.dma_semaphore, #tpu.memory_space<semaphore_mem>>
    %dma_wait3A_112 = tpu.memref_squeeze %dma_wait3A_111 : memref<1x!tpu.dma_semaphore, #tpu.memory_space<semaphore_mem>> -> memref<!tpu.dma_semaphore, #tpu.memory_space<semaphore_mem>>
    %dma_wait3A_113 = arith.constant 0 : i32
    %dma_wait3A_114 = tpu.memref_slice %arg8[%dma_wait3A, %dma_wait3A_113] : memref<4x208xi32, #tpu.memory_space<vmem>> -> memref<1x200xi32, #tpu.memory_space<vmem>>
    %dma_wait3A_115 = tpu.memref_squeeze %dma_wait3A_114 : memref<1x200xi32, #tpu.memory_space<vmem>> -> memref<200xi32, #tpu.memory_space<vmem>>
    %dma_wait3A_116 = arith.constant 0 : i32
    %dma_wait3A_117 = tpu.memref_slice %arg2[%add3A_103, %dma_wait3A_116] : memref<4096x200xi32, #tpu.memory_space<hbm>> -> memref<1x200xi32, #tpu.memory_space<hbm>>
    %dma_wait3A_118 = tpu.memref_squeeze %dma_wait3A_117 : memref<1x200xi32, #tpu.memory_space<hbm>> -> memref<200xi32, #tpu.memory_space<hbm>>
    tpu.wait_dma2 semaphore(%dma_wait3A_112 : memref<!tpu.dma_semaphore, #tpu.memory_space<semaphore_mem>>) src(%dma_wait3A_118 : memref<200xi32, #tpu.memory_space<hbm>>) dst(%dma_wait3A_115 : memref<200xi32, #tpu.memory_space<vmem>>)
    %dma_wait3A_119 = arith.constant 0 : i32
    %dma_wait3A_120 = arith.constant 0 : i32
    %dma_wait3A_121 = arith.constant 0 : i32
    %dma_wait3A_122 = tpu.memref_slice %arg9[%dma_wait3A_119, %dma_wait3A_121] : memref<4x208xi32, #tpu.memory_space<vmem>> -> memref<1x200xi32, #tpu.memory_space<vmem>>
    %dma_wait3A_123 = tpu.memref_squeeze %dma_wait3A_122 : memref<1x200xi32, #tpu.memory_space<vmem>> -> memref<200xi32, #tpu.memory_space<vmem>>
    %dma_wait3A_124 = arith.constant 0 : i32
    %dma_wait3A_125 = tpu.memref_slice %arg3[%add3A_103, %dma_wait3A_124] : memref<4096x200xi32, #tpu.memory_space<hbm>> -> memref<1x200xi32, #tpu.memory_space<hbm>>
    %dma_wait3A_126 = tpu.memref_squeeze %dma_wait3A_125 : memref<1x200xi32, #tpu.memory_space<hbm>> -> memref<200xi32, #tpu.memory_space<hbm>>
    %dma_wait3A_127 = tpu.memref_slice %arg14[%dma_wait3A_120] : memref<4x!tpu.dma_semaphore, #tpu.memory_space<semaphore_mem>> -> memref<1x!tpu.dma_semaphore, #tpu.memory_space<semaphore_mem>>
    %dma_wait3A_128 = tpu.memref_squeeze %dma_wait3A_127 : memref<1x!tpu.dma_semaphore, #tpu.memory_space<semaphore_mem>> -> memref<!tpu.dma_semaphore, #tpu.memory_space<semaphore_mem>>
    %dma_wait3A_129 = arith.constant 0 : i32
    %dma_wait3A_130 = tpu.memref_slice %arg9[%dma_wait3A_119, %dma_wait3A_129] : memref<4x208xi32, #tpu.memory_space<vmem>> -> memref<1x200xi32, #tpu.memory_space<vmem>>
    %dma_wait3A_131 = tpu.memref_squeeze %dma_wait3A_130 : memref<1x200xi32, #tpu.memory_space<vmem>> -> memref<200xi32, #tpu.memory_space<vmem>>
    %dma_wait3A_132 = arith.constant 0 : i32
    %dma_wait3A_133 = tpu.memref_slice %arg3[%add3A_103, %dma_wait3A_132] : memref<4096x200xi32, #tpu.memory_space<hbm>> -> memref<1x200xi32, #tpu.memory_space<hbm>>
    %dma_wait3A_134 = tpu.memref_squeeze %dma_wait3A_133 : memref<1x200xi32, #tpu.memory_space<hbm>> -> memref<200xi32, #tpu.memory_space<hbm>>
    tpu.wait_dma2 semaphore(%dma_wait3A_128 : memref<!tpu.dma_semaphore, #tpu.memory_space<semaphore_mem>>) src(%dma_wait3A_134 : memref<200xi32, #tpu.memory_space<hbm>>) dst(%dma_wait3A_131 : memref<200xi32, #tpu.memory_space<vmem>>)
    %dma_wait3A_135 = arith.constant 0 : i32
    %dma_wait3A_136 = arith.constant 0 : i32
    %dma_wait3A_137 = arith.constant 0 : i32
    %dma_wait3A_138 = tpu.memref_slice %arg10[%dma_wait3A_135, %dma_wait3A_137] : memref<4x208xi32, #tpu.memory_space<vmem>> -> memref<1x200xi32, #tpu.memory_space<vmem>>
    %dma_wait3A_139 = tpu.memref_squeeze %dma_wait3A_138 : memref<1x200xi32, #tpu.memory_space<vmem>> -> memref<200xi32, #tpu.memory_space<vmem>>
    %dma_wait3A_140 = arith.constant 0 : i32
    %dma_wait3A_141 = tpu.memref_slice %arg4[%add3A_103, %dma_wait3A_140] : memref<4096x200xi32, #tpu.memory_space<hbm>> -> memref<1x200xi32, #tpu.memory_space<hbm>>
    %dma_wait3A_142 = tpu.memref_squeeze %dma_wait3A_141 : memref<1x200xi32, #tpu.memory_space<hbm>> -> memref<200xi32, #tpu.memory_space<hbm>>
    %dma_wait3A_143 = tpu.memref_slice %arg14[%dma_wait3A_136] : memref<4x!tpu.dma_semaphore, #tpu.memory_space<semaphore_mem>> -> memref<1x!tpu.dma_semaphore, #tpu.memory_space<semaphore_mem>>
    %dma_wait3A_144 = tpu.memref_squeeze %dma_wait3A_143 : memref<1x!tpu.dma_semaphore, #tpu.memory_space<semaphore_mem>> -> memref<!tpu.dma_semaphore, #tpu.memory_space<semaphore_mem>>
    %dma_wait3A_145 = arith.constant 0 : i32
    %dma_wait3A_146 = tpu.memref_slice %arg10[%dma_wait3A_135, %dma_wait3A_145] : memref<4x208xi32, #tpu.memory_space<vmem>> -> memref<1x200xi32, #tpu.memory_space<vmem>>
    %dma_wait3A_147 = tpu.memref_squeeze %dma_wait3A_146 : memref<1x200xi32, #tpu.memory_space<vmem>> -> memref<200xi32, #tpu.memory_space<vmem>>
    %dma_wait3A_148 = arith.constant 0 : i32
    %dma_wait3A_149 = tpu.memref_slice %arg4[%add3A_103, %dma_wait3A_148] : memref<4096x200xi32, #tpu.memory_space<hbm>> -> memref<1x200xi32, #tpu.memory_space<hbm>>
    %dma_wait3A_150 = tpu.memref_squeeze %dma_wait3A_149 : memref<1x200xi32, #tpu.memory_space<hbm>> -> memref<200xi32, #tpu.memory_space<hbm>>
    tpu.wait_dma2 semaphore(%dma_wait3A_144 : memref<!tpu.dma_semaphore, #tpu.memory_space<semaphore_mem>>) src(%dma_wait3A_150 : memref<200xi32, #tpu.memory_space<hbm>>) dst(%dma_wait3A_147 : memref<200xi32, #tpu.memory_space<vmem>>)
    %get3A = arith.constant 0 : i32
    %get3A_151 = arith.index_cast %get3A : i32 to index
    %get3A_152 = arith.constant 0 : index
    %get3A_153 = tpu.vector_load %arg9[%get3A_151, %get3A_152] {strides = array<i32>} : memref<4x208xi32, #tpu.memory_space<vmem>>, vector<1x16xi32>,
    %get3A_154 = vector.shape_cast %get3A_153 : vector<1x16xi32> to vector<16xi32>
    %mul3A_155 = arith.constant 201 : i32
    %mul3A_156 = vector.broadcast %mul3A_155 : i32 to vector<16xi32>
    %mul3A_157 = arith.muli %get3A_154, %mul3A_156 : vector<16xi32>
    %get3A_158 = arith.constant 0 : i32
    %get3A_159 = arith.index_cast %get3A_158 : i32 to index
    %get3A_160 = arith.constant 0 : index
    %get3A_161 = tpu.vector_load %arg10[%get3A_159, %get3A_160] {strides = array<i32>} : memref<4x208xi32, #tpu.memory_space<vmem>>, vector<1x16xi32>,
    %get3A_162 = vector.shape_cast %get3A_161 : vector<1x16xi32> to vector<16xi32>
    %add3A_163 = arith.addi %mul3A_157, %get3A_162 : vector<16xi32>
    %swap3A = arith.constant 0 : i32
    %swap3A_164 = arith.index_cast %swap3A : i32 to index
    %swap3A_165 = arith.constant 0 : index
    %swap3A_166 = tpu.vector_load %arg11[%swap3A_164, %swap3A_165] {strides = array<i32>} : memref<4x208xi32, #tpu.memory_space<vmem>>, vector<1x16xi32>,
    %swap3A_167 = vector.shape_cast %swap3A_166 : vector<1x16xi32> to vector<16xi32>
    %swap3A_168 = vector.shape_cast %add3A_163 : vector<16xi32> to vector<1x16xi32>
    tpu.vector_store %arg11[%swap3A_164, %swap3A_165], %swap3A_168 {strides = array<i32>} : memref<4x208xi32, #tpu.memory_space<vmem>>, vector<1x16xi32>,
    %get3A_169 = arith.constant 0 : i32
    %get3A_170 = arith.index_cast %get3A_169 : i32 to index
    %get3A_171 = arith.constant 16 : index
    %get3A_172 = tpu.vector_load %arg9[%get3A_170, %get3A_171] {strides = array<i32>} : memref<4x208xi32, #tpu.memory_space<vmem>>, vector<1x16xi32>,
    %get3A_173 = vector.shape_cast %get3A_172 : vector<1x16xi32> to vector<16xi32>
    %mul3A_174 = arith.constant 201 : i32
    %mul3A_175 = vector.broadcast %mul3A_174 : i32 to vector<16xi32>
    %mul3A_176 = arith.muli %get3A_173, %mul3A_175 : vector<16xi32>
    %get3A_177 = arith.constant 0 : i32
    %get3A_178 = arith.index_cast %get3A_177 : i32 to index
    %get3A_179 = arith.constant 16 : index
    %get3A_180 = tpu.vector_load %arg10[%get3A_178, %get3A_179] {strides = array<i32>} : memref<4x208xi32, #tpu.memory_space<vmem>>, vector<1x16xi32>,
    %get3A_181 = vector.shape_cast %get3A_180 : vector<1x16xi32> to vector<16xi32>
    %add3A_182 = arith.addi %mul3A_176, %get3A_181 : vector<16xi32>
    %swap3A_183 = arith.constant 0 : i32
    %swap3A_184 = arith.index_cast %swap3A_183 : i32 to index
    %swap3A_185 = arith.constant 16 : index
    %swap3A_186 = tpu.vector_load %arg11[%swap3A_184, %swap3A_185] {strides = array<i32>} : memref<4x208xi32, #tpu.memory_space<vmem>>, vector<1x16xi32>,
    %swap3A_187 = vector.shape_cast %swap3A_186 : vector<1x16xi32> to vector<16xi32>
    %swap3A_188 = vector.shape_cast %add3A_182 : vector<16xi32> to vector<1x16xi32>
    tpu.vector_store %arg11[%swap3A_184, %swap3A_185], %swap3A_188 {strides = array<i32>} : memref<4x208xi32, #tpu.memory_space<vmem>>, vector<1x16xi32>,
    %get3A_189 = arith.constant 0 : i32
    %get3A_190 = arith.index_cast %get3A_189 : i32 to index
    %get3A_191 = arith.constant 32 : index
    %get3A_192 = tpu.vector_load %arg9[%get3A_190, %get3A_191] {strides = array<i32>} : memref<4x208xi32, #tpu.memory_space<vmem>>, vector<1x16xi32>,
    %get3A_193 = vector.shape_cast %get3A_192 : vector<1x16xi32> to vector<16xi32>
    %mul3A_194 = arith.constant 201 : i32
    %mul3A_195 = vector.broadcast %mul3A_194 : i32 to vector<16xi32>
    %mul3A_196 = arith.muli %get3A_193, %mul3A_195 : vector<16xi32>
    %get3A_197 = arith.constant 0 : i32
    %get3A_198 = arith.index_cast %get3A_197 : i32 to index
    %get3A_199 = arith.constant 32 : index
    %get3A_200 = tpu.vector_load %arg10[%get3A_198, %get3A_199] {strides = array<i32>} : memref<4x208xi32, #tpu.memory_space<vmem>>, vector<1x16xi32>,
    %get3A_201 = vector.shape_cast %get3A_200 : vector<1x16xi32> to vector<16xi32>
    %add3A_202 = arith.addi %mul3A_196, %get3A_201 : vector<16xi32>
    %swap3A_203 = arith.constant 0 : i32
    %swap3A_204 = arith.index_cast %swap3A_203 : i32 to index
    %swap3A_205 = arith.constant 32 : index
    %swap3A_206 = tpu.vector_load %arg11[%swap3A_204, %swap3A_205] {strides = array<i32>} : memref<4x208xi32, #tpu.memory_space<vmem>>, vector<1x16xi32>,
    %swap3A_207 = vector.shape_cast %swap3A_206 : vector<1x16xi32> to vector<16xi32>
    %swap3A_208 = vector.shape_cast %add3A_202 : vector<16xi32> to vector<1x16xi32>
    tpu.vector_store %arg11[%swap3A_204, %swap3A_205], %swap3A_208 {strides = array<i32>} : memref<4x208xi32, #tpu.memory_space<vmem>>, vector<1x16xi32>,
    %get3A_209 = arith.constant 0 : i32
    %get3A_210 = arith.index_cast %get3A_209 : i32 to index
    %get3A_211 = arith.constant 48 : index
    %get3A_212 = tpu.vector_load %arg9[%get3A_210, %get3A_211] {strides = array<i32>} : memref<4x208xi32, #tpu.memory_space<vmem>>, vector<1x16xi32>,
    %get3A_213 = vector.shape_cast %get3A_212 : vector<1x16xi32> to vector<16xi32>
    %mul3A_214 = arith.constant 201 : i32
    %mul3A_215 = vector.broadcast %mul3A_214 : i32 to vector<16xi32>
    %mul3A_216 = arith.muli %get3A_213, %mul3A_215 : vector<16xi32>
    %get3A_217 = arith.constant 0 : i32
    %get3A_218 = arith.index_cast %get3A_217 : i32 to index
    %get3A_219 = arith.constant 48 : index
    %get3A_220 = tpu.vector_load %arg10[%get3A_218, %get3A_219] {strides = array<i32>} : memref<4x208xi32, #tpu.memory_space<vmem>>, vector<1x16xi32>,
    %get3A_221 = vector.shape_cast %get3A_220 : vector<1x16xi32> to vector<16xi32>
    %add3A_222 = arith.addi %mul3A_216, %get3A_221 : vector<16xi32>
    %swap3A_223 = arith.constant 0 : i32
    %swap3A_224 = arith.index_cast %swap3A_223 : i32 to index
    %swap3A_225 = arith.constant 48 : index
    %swap3A_226 = tpu.vector_load %arg11[%swap3A_224, %swap3A_225] {strides = array<i32>} : memref<4x208xi32, #tpu.memory_space<vmem>>, vector<1x16xi32>,
    %swap3A_227 = vector.shape_cast %swap3A_226 : vector<1x16xi32> to vector<16xi32>
    %swap3A_228 = vector.shape_cast %add3A_222 : vector<16xi32> to vector<1x16xi32>
    tpu.vector_store %arg11[%swap3A_224, %swap3A_225], %swap3A_228 {strides = array<i32>} : memref<4x208xi32, #tpu.memory_space<vmem>>, vector<1x16xi32>,
    %get3A_229 = arith.constant 0 : i32
    %get3A_230 = arith.index_cast %get3A_229 : i32 to index
    %get3A_231 = arith.constant 64 : index
    %get3A_232 = tpu.vector_load %arg9[%get3A_230, %get3A_231] {strides = array<i32>} : memref<4x208xi32, #tpu.memory_space<vmem>>, vector<1x16xi32>,
    %get3A_233 = vector.shape_cast %get3A_232 : vector<1x16xi32> to vector<16xi32>
    %mul3A_234 = arith.constant 201 : i32
    %mul3A_235 = vector.broadcast %mul3A_234 : i32 to vector<16xi32>
    %mul3A_236 = arith.muli %get3A_233, %mul3A_235 : vector<16xi32>
    %get3A_237 = arith.constant 0 : i32
    %get3A_238 = arith.index_cast %get3A_237 : i32 to index
    %get3A_239 = arith.constant 64 : index
    %get3A_240 = tpu.vector_load %arg10[%get3A_238, %get3A_239] {strides = array<i32>} : memref<4x208xi32, #tpu.memory_space<vmem>>, vector<1x16xi32>,
    %get3A_241 = vector.shape_cast %get3A_240 : vector<1x16xi32> to vector<16xi32>
    %add3A_242 = arith.addi %mul3A_236, %get3A_241 : vector<16xi32>
    %swap3A_243 = arith.constant 0 : i32
    %swap3A_244 = arith.index_cast %swap3A_243 : i32 to index
    %swap3A_245 = arith.constant 64 : index
    %swap3A_246 = tpu.vector_load %arg11[%swap3A_244, %swap3A_245] {strides = array<i32>} : memref<4x208xi32, #tpu.memory_space<vmem>>, vector<1x16xi32>,
    %swap3A_247 = vector.shape_cast %swap3A_246 : vector<1x16xi32> to vector<16xi32>
    %swap3A_248 = vector.shape_cast %add3A_242 : vector<16xi32> to vector<1x16xi32>
    tpu.vector_store %arg11[%swap3A_244, %swap3A_245], %swap3A_248 {strides = array<i32>} : memref<4x208xi32, #tpu.memory_space<vmem>>, vector<1x16xi32>,
    %get3A_249 = arith.constant 0 : i32
    %get3A_250 = arith.index_cast %get3A_249 : i32 to index
    %get3A_251 = arith.constant 80 : index
    %get3A_252 = tpu.vector_load %arg9[%get3A_250, %get3A_251] {strides = array<i32>} : memref<4x208xi32, #tpu.memory_space<vmem>>, vector<1x16xi32>,
    %get3A_253 = vector.shape_cast %get3A_252 : vector<1x16xi32> to vector<16xi32>
    %mul3A_254 = arith.constant 201 : i32
    %mul3A_255 = vector.broadcast %mul3A_254 : i32 to vector<16xi32>
    %mul3A_256 = arith.muli %get3A_253, %mul3A_255 : vector<16xi32>
    %get3A_257 = arith.constant 0 : i32
    %get3A_258 = arith.index_cast %get3A_257 : i32 to index
    %get3A_259 = arith.constant 80 : index
    %get3A_260 = tpu.vector_load %arg10[%get3A_258, %get3A_259] {strides = array<i32>} : memref<4x208xi32, #tpu.memory_space<vmem>>, vector<1x16xi32>,
    %get3A_261 = vector.shape_cast %get3A_260 : vector<1x16xi32> to vector<16xi32>
    %add3A_262 = arith.addi %mul3A_256, %get3A_261 : vector<16xi32>
    %swap3A_263 = arith.constant 0 : i32
    %swap3A_264 = arith.index_cast %swap3A_263 : i32 to index
    %swap3A_265 = arith.constant 80 : index
    %swap3A_266 = tpu.vector_load %arg11[%swap3A_264, %swap3A_265] {strides = array<i32>} : memref<4x208xi32, #tpu.memory_space<vmem>>, vector<1x16xi32>,
    %swap3A_267 = vector.shape_cast %swap3A_266 : vector<1x16xi32> to vector<16xi32>
    %swap3A_268 = vector.shape_cast %add3A_262 : vector<16xi32> to vector<1x16xi32>
    tpu.vector_store %arg11[%swap3A_264, %swap3A_265], %swap3A_268 {strides = array<i32>} : memref<4x208xi32, #tpu.memory_space<vmem>>, vector<1x16xi32>,
    %get3A_269 = arith.constant 0 : i32
    %get3A_270 = arith.index_cast %get3A_269 : i32 to index
    %get3A_271 = arith.constant 96 : index
    %get3A_272 = tpu.vector_load %arg9[%get3A_270, %get3A_271] {strides = array<i32>} : memref<4x208xi32, #tpu.memory_space<vmem>>, vector<1x16xi32>,
    %get3A_273 = vector.shape_cast %get3A_272 : vector<1x16xi32> to vector<16xi32>
    %mul3A_274 = arith.constant 201 : i32
    %mul3A_275 = vector.broadcast %mul3A_274 : i32 to vector<16xi32>
    %mul3A_276 = arith.muli %get3A_273, %mul3A_275 : vector<16xi32>
    %get3A_277 = arith.constant 0 : i32
    %get3A_278 = arith.index_cast %get3A_277 : i32 to index
    %get3A_279 = arith.constant 96 : index
    %get3A_280 = tpu.vector_load %arg10[%get3A_278, %get3A_279] {strides = array<i32>} : memref<4x208xi32, #tpu.memory_space<vmem>>, vector<1x16xi32>,
    %get3A_281 = vector.shape_cast %get3A_280 : vector<1x16xi32> to vector<16xi32>
    %add3A_282 = arith.addi %mul3A_276, %get3A_281 : vector<16xi32>
    %swap3A_283 = arith.constant 0 : i32
    %swap3A_284 = arith.index_cast %swap3A_283 : i32 to index
    %swap3A_285 = arith.constant 96 : index
    %swap3A_286 = tpu.vector_load %arg11[%swap3A_284, %swap3A_285] {strides = array<i32>} : memref<4x208xi32, #tpu.memory_space<vmem>>, vector<1x16xi32>,
    %swap3A_287 = vector.shape_cast %swap3A_286 : vector<1x16xi32> to vector<16xi32>
    %swap3A_288 = vector.shape_cast %add3A_282 : vector<16xi32> to vector<1x16xi32>
    tpu.vector_store %arg11[%swap3A_284, %swap3A_285], %swap3A_288 {strides = array<i32>} : memref<4x208xi32, #tpu.memory_space<vmem>>, vector<1x16xi32>,
    %get3A_289 = arith.constant 0 : i32
    %get3A_290 = arith.index_cast %get3A_289 : i32 to index
    %get3A_291 = arith.constant 112 : index
    %get3A_292 = tpu.vector_load %arg9[%get3A_290, %get3A_291] {strides = array<i32>} : memref<4x208xi32, #tpu.memory_space<vmem>>, vector<1x16xi32>,
    %get3A_293 = vector.shape_cast %get3A_292 : vector<1x16xi32> to vector<16xi32>
    %mul3A_294 = arith.constant 201 : i32
    %mul3A_295 = vector.broadcast %mul3A_294 : i32 to vector<16xi32>
    %mul3A_296 = arith.muli %get3A_293, %mul3A_295 : vector<16xi32>
    %get3A_297 = arith.constant 0 : i32
    %get3A_298 = arith.index_cast %get3A_297 : i32 to index
    %get3A_299 = arith.constant 112 : index
    %get3A_300 = tpu.vector_load %arg10[%get3A_298, %get3A_299] {strides = array<i32>} : memref<4x208xi32, #tpu.memory_space<vmem>>, vector<1x16xi32>,
    %get3A_301 = vector.shape_cast %get3A_300 : vector<1x16xi32> to vector<16xi32>
    %add3A_302 = arith.addi %mul3A_296, %get3A_301 : vector<16xi32>
    %swap3A_303 = arith.constant 0 : i32
    %swap3A_304 = arith.index_cast %swap3A_303 : i32 to index
    %swap3A_305 = arith.constant 112 : index
    %swap3A_306 = tpu.vector_load %arg11[%swap3A_304, %swap3A_305] {strides = array<i32>} : memref<4x208xi32, #tpu.memory_space<vmem>>, vector<1x16xi32>,
    %swap3A_307 = vector.shape_cast %swap3A_306 : vector<1x16xi32> to vector<16xi32>
    %swap3A_308 = vector.shape_cast %add3A_302 : vector<16xi32> to vector<1x16xi32>
    tpu.vector_store %arg11[%swap3A_304, %swap3A_305], %swap3A_308 {strides = array<i32>} : memref<4x208xi32, #tpu.memory_space<vmem>>, vector<1x16xi32>,
    %get3A_309 = arith.constant 0 : i32
    %get3A_310 = arith.index_cast %get3A_309 : i32 to index
    %get3A_311 = arith.constant 128 : index
    %get3A_312 = tpu.vector_load %arg9[%get3A_310, %get3A_311] {strides = array<i32>} : memref<4x208xi32, #tpu.memory_space<vmem>>, vector<1x16xi32>,
    %get3A_313 = vector.shape_cast %get3A_312 : vector<1x16xi32> to vector<16xi32>
    %mul3A_314 = arith.constant 201 : i32
    %mul3A_315 = vector.broadcast %mul3A_314 : i32 to vector<16xi32>
    %mul3A_316 = arith.muli %get3A_313, %mul3A_315 : vector<16xi32>
    %get3A_317 = arith.constant 0 : i32
    %get3A_318 = arith.index_cast %get3A_317 : i32 to index
    %get3A_319 = arith.constant 128 : index
    %get3A_320 = tpu.vector_load %arg10[%get3A_318, %get3A_319] {strides = array<i32>} : memref<4x208xi32, #tpu.memory_space<vmem>>, vector<1x16xi32>,
    %get3A_321 = vector.shape_cast %get3A_320 : vector<1x16xi32> to vector<16xi32>
    %add3A_322 = arith.addi %mul3A_316, %get3A_321 : vector<16xi32>
    %swap3A_323 = arith.constant 0 : i32
    %swap3A_324 = arith.index_cast %swap3A_323 : i32 to index
    %swap3A_325 = arith.constant 128 : index
    %swap3A_326 = tpu.vector_load %arg11[%swap3A_324, %swap3A_325] {strides = array<i32>} : memref<4x208xi32, #tpu.memory_space<vmem>>, vector<1x16xi32>,
    %swap3A_327 = vector.shape_cast %swap3A_326 : vector<1x16xi32> to vector<16xi32>
    %swap3A_328 = vector.shape_cast %add3A_322 : vector<16xi32> to vector<1x16xi32>
    tpu.vector_store %arg11[%swap3A_324, %swap3A_325], %swap3A_328 {strides = array<i32>} : memref<4x208xi32, #tpu.memory_space<vmem>>, vector<1x16xi32>,
    %get3A_329 = arith.constant 0 : i32
    %get3A_330 = arith.index_cast %get3A_329 : i32 to index
    %get3A_331 = arith.constant 144 : index
    %get3A_332 = tpu.vector_load %arg9[%get3A_330, %get3A_331] {strides = array<i32>} : memref<4x208xi32, #tpu.memory_space<vmem>>, vector<1x16xi32>,
    %get3A_333 = vector.shape_cast %get3A_332 : vector<1x16xi32> to vector<16xi32>
    %mul3A_334 = arith.constant 201 : i32
    %mul3A_335 = vector.broadcast %mul3A_334 : i32 to vector<16xi32>
    %mul3A_336 = arith.muli %get3A_333, %mul3A_335 : vector<16xi32>
    %get3A_337 = arith.constant 0 : i32
    %get3A_338 = arith.index_cast %get3A_337 : i32 to index
    %get3A_339 = arith.constant 144 : index
    %get3A_340 = tpu.vector_load %arg10[%get3A_338, %get3A_339] {strides = array<i32>} : memref<4x208xi32, #tpu.memory_space<vmem>>, vector<1x16xi32>,
    %get3A_341 = vector.shape_cast %get3A_340 : vector<1x16xi32> to vector<16xi32>
    %add3A_342 = arith.addi %mul3A_336, %get3A_341 : vector<16xi32>
    %swap3A_343 = arith.constant 0 : i32
    %swap3A_344 = arith.index_cast %swap3A_343 : i32 to index
    %swap3A_345 = arith.constant 144 : index
    %swap3A_346 = tpu.vector_load %arg11[%swap3A_344, %swap3A_345] {strides = array<i32>} : memref<4x208xi32, #tpu.memory_space<vmem>>, vector<1x16xi32>,
    %swap3A_347 = vector.shape_cast %swap3A_346 : vector<1x16xi32> to vector<16xi32>
    %swap3A_348 = vector.shape_cast %add3A_342 : vector<16xi32> to vector<1x16xi32>
    tpu.vector_store %arg11[%swap3A_344, %swap3A_345], %swap3A_348 {strides = array<i32>} : memref<4x208xi32, #tpu.memory_space<vmem>>, vector<1x16xi32>,
    %get3A_349 = arith.constant 0 : i32
    %get3A_350 = arith.index_cast %get3A_349 : i32 to index
    %get3A_351 = arith.constant 160 : index
    %get3A_352 = tpu.vector_load %arg9[%get3A_350, %get3A_351] {strides = array<i32>} : memref<4x208xi32, #tpu.memory_space<vmem>>, vector<1x16xi32>,
    %get3A_353 = vector.shape_cast %get3A_352 : vector<1x16xi32> to vector<16xi32>
    %mul3A_354 = arith.constant 201 : i32
    %mul3A_355 = vector.broadcast %mul3A_354 : i32 to vector<16xi32>
    %mul3A_356 = arith.muli %get3A_353, %mul3A_355 : vector<16xi32>
    %get3A_357 = arith.constant 0 : i32
    %get3A_358 = arith.index_cast %get3A_357 : i32 to index
    %get3A_359 = arith.constant 160 : index
    %get3A_360 = tpu.vector_load %arg10[%get3A_358, %get3A_359] {strides = array<i32>} : memref<4x208xi32, #tpu.memory_space<vmem>>, vector<1x16xi32>,
    %get3A_361 = vector.shape_cast %get3A_360 : vector<1x16xi32> to vector<16xi32>
    %add3A_362 = arith.addi %mul3A_356, %get3A_361 : vector<16xi32>
    %swap3A_363 = arith.constant 0 : i32
    %swap3A_364 = arith.index_cast %swap3A_363 : i32 to index
    %swap3A_365 = arith.constant 160 : index
    %swap3A_366 = tpu.vector_load %arg11[%swap3A_364, %swap3A_365] {strides = array<i32>} : memref<4x208xi32, #tpu.memory_space<vmem>>, vector<1x16xi32>,
    %swap3A_367 = vector.shape_cast %swap3A_366 : vector<1x16xi32> to vector<16xi32>
    %swap3A_368 = vector.shape_cast %add3A_362 : vector<16xi32> to vector<1x16xi32>
    tpu.vector_store %arg11[%swap3A_364, %swap3A_365], %swap3A_368 {strides = array<i32>} : memref<4x208xi32, #tpu.memory_space<vmem>>, vector<1x16xi32>,
    %get3A_369 = arith.constant 0 : i32
    %get3A_370 = arith.index_cast %get3A_369 : i32 to index
    %get3A_371 = arith.constant 176 : index
    %get3A_372 = tpu.vector_load %arg9[%get3A_370, %get3A_371] {strides = array<i32>} : memref<4x208xi32, #tpu.memory_space<vmem>>, vector<1x16xi32>,
    %get3A_373 = vector.shape_cast %get3A_372 : vector<1x16xi32> to vector<16xi32>
    %mul3A_374 = arith.constant 201 : i32
    %mul3A_375 = vector.broadcast %mul3A_374 : i32 to vector<16xi32>
    %mul3A_376 = arith.muli %get3A_373, %mul3A_375 : vector<16xi32>
    %get3A_377 = arith.constant 0 : i32
    %get3A_378 = arith.index_cast %get3A_377 : i32 to index
    %get3A_379 = arith.constant 176 : index
    %get3A_380 = tpu.vector_load %arg10[%get3A_378, %get3A_379] {strides = array<i32>} : memref<4x208xi32, #tpu.memory_space<vmem>>, vector<1x16xi32>,
    %get3A_381 = vector.shape_cast %get3A_380 : vector<1x16xi32> to vector<16xi32>
    %add3A_382 = arith.addi %mul3A_376, %get3A_381 : vector<16xi32>
    %swap3A_383 = arith.constant 0 : i32
    %swap3A_384 = arith.index_cast %swap3A_383 : i32 to index
    %swap3A_385 = arith.constant 176 : index
    %swap3A_386 = tpu.vector_load %arg11[%swap3A_384, %swap3A_385] {strides = array<i32>} : memref<4x208xi32, #tpu.memory_space<vmem>>, vector<1x16xi32>,
    %swap3A_387 = vector.shape_cast %swap3A_386 : vector<1x16xi32> to vector<16xi32>
    %swap3A_388 = vector.shape_cast %add3A_382 : vector<16xi32> to vector<1x16xi32>
    tpu.vector_store %arg11[%swap3A_384, %swap3A_385], %swap3A_388 {strides = array<i32>} : memref<4x208xi32, #tpu.memory_space<vmem>>, vector<1x16xi32>,
    %get3A_389 = arith.constant 0 : i32
    %get3A_390 = arith.index_cast %get3A_389 : i32 to index
    %get3A_391 = arith.constant 192 : index
    %get3A_392 = tpu.vector_load %arg9[%get3A_390, %get3A_391] {strides = array<i32>} : memref<4x208xi32, #tpu.memory_space<vmem>>, vector<1x16xi32>,
    %get3A_393 = vector.shape_cast %get3A_392 : vector<1x16xi32> to vector<16xi32>
    %mul3A_394 = arith.constant 201 : i32
    %mul3A_395 = vector.broadcast %mul3A_394 : i32 to vector<16xi32>
    %mul3A_396 = arith.muli %get3A_393, %mul3A_395 : vector<16xi32>
    %get3A_397 = arith.constant 0 : i32
    %get3A_398 = arith.index_cast %get3A_397 : i32 to index
    %get3A_399 = arith.constant 192 : index
    %get3A_400 = tpu.vector_load %arg10[%get3A_398, %get3A_399] {strides = array<i32>} : memref<4x208xi32, #tpu.memory_space<vmem>>, vector<1x16xi32>,
    %get3A_401 = vector.shape_cast %get3A_400 : vector<1x16xi32> to vector<16xi32>
    %add3A_402 = arith.addi %mul3A_396, %get3A_401 : vector<16xi32>
    %swap3A_403 = arith.constant 0 : i32
    %swap3A_404 = arith.index_cast %swap3A_403 : i32 to index
    %swap3A_405 = arith.constant 192 : index
    %swap3A_406 = tpu.vector_load %arg11[%swap3A_404, %swap3A_405] {strides = array<i32>} : memref<4x208xi32, #tpu.memory_space<vmem>>, vector<1x16xi32>,
    %swap3A_407 = vector.shape_cast %swap3A_406 : vector<1x16xi32> to vector<16xi32>
    %swap3A_408 = vector.shape_cast %add3A_402 : vector<16xi32> to vector<1x16xi32>
    tpu.vector_store %arg11[%swap3A_404, %swap3A_405], %swap3A_408 {strides = array<i32>} : memref<4x208xi32, #tpu.memory_space<vmem>>, vector<1x16xi32>,
    %dma_start3A_409 = arith.constant 0 : i32
    %dma_start3A_410 = arith.constant 0 : i32
    %dma_start3A_411 = arith.constant 0 : i32
    %dma_start3A_412 = arith.constant 0 : i32
    %dma_start3A_413 = arith.constant 0 : i32
    %dma_start3A_414 = tpu.memref_slice %arg12[%dma_start3A_410, %dma_start3A_412, %dma_start3A_413] : memref<4x200x64xf32, #tpu.memory_space<vmem>> -> memref<1x128x64xf32, #tpu.memory_space<vmem>>
    %dma_start3A_415 = tpu.memref_squeeze %dma_start3A_414 : memref<1x128x64xf32, #tpu.memory_space<vmem>> -> memref<128x64xf32, #tpu.memory_space<vmem>>
    %dma_start3A_416 = arith.constant 0 : i32
    %dma_start3A_417 = tpu.memref_slice %arg8[%dma_start3A_409, %dma_start3A_416] : memref<4x208xi32, #tpu.memory_space<vmem>> -> memref<1x128xi32, #tpu.memory_space<vmem>>
    %dma_start3A_418 = tpu.memref_squeeze %dma_start3A_417 : memref<1x128xi32, #tpu.memory_space<vmem>> -> memref<128xi32, #tpu.memory_space<vmem>>
    %dma_start3A_419 = arith.constant 0 : i32
    %dma_start3A_420 = arith.constant 0 : i32
    %dma_start3A_421 = tpu.memref_slice %arg5[%dma_start3A_419, %dma_start3A_420] : memref<1000000x64xf32, #tpu.memory_space<hbm>> -> memref<1000000x64xf32, #tpu.memory_space<hbm>>
    %dma_start3A_422 = tpu.memref_slice %arg15[%dma_start3A_411] : memref<4x!tpu.dma_semaphore, #tpu.memory_space<semaphore_mem>> -> memref<1x!tpu.dma_semaphore, #tpu.memory_space<semaphore_mem>>
    %dma_start3A_423 = tpu.memref_squeeze %dma_start3A_422 : memref<1x!tpu.dma_semaphore, #tpu.memory_space<semaphore_mem>> -> memref<!tpu.dma_semaphore, #tpu.memory_space<semaphore_mem>>
    tpu.enqueue_indirect_dma source(%dma_start3A_421 : memref<1000000x64xf32, #tpu.memory_space<hbm>>) target(%dma_start3A_415 : memref<128x64xf32, #tpu.memory_space<vmem>>) offsets(%dma_start3A_418 : memref<128xi32, #tpu.memory_space<vmem>>) semaphore(%dma_start3A_423 : memref<!tpu.dma_semaphore, #tpu.memory_space<semaphore_mem>>)
    %dma_start3A_424 = arith.constant 0 : i32
    %dma_start3A_425 = arith.constant 0 : i32
    %dma_start3A_426 = arith.constant 0 : i32
    %dma_start3A_427 = arith.constant 0 : i32
    %dma_start3A_428 = arith.constant 0 : i32
    %dma_start3A_429 = tpu.memref_slice %arg13[%dma_start3A_425, %dma_start3A_427, %dma_start3A_428] : memref<4x200x64xf32, #tpu.memory_space<vmem>> -> memref<1x128x64xf32, #tpu.memory_space<vmem>>
    %dma_start3A_430 = tpu.memref_squeeze %dma_start3A_429 : memref<1x128x64xf32, #tpu.memory_space<vmem>> -> memref<128x64xf32, #tpu.memory_space<vmem>>
    %dma_start3A_431 = arith.constant 0 : i32
    %dma_start3A_432 = tpu.memref_slice %arg11[%dma_start3A_424, %dma_start3A_431] : memref<4x208xi32, #tpu.memory_space<vmem>> -> memref<1x128xi32, #tpu.memory_space<vmem>>
    %dma_start3A_433 = tpu.memref_squeeze %dma_start3A_432 : memref<1x128xi32, #tpu.memory_space<vmem>> -> memref<128xi32, #tpu.memory_space<vmem>>
    %dma_start3A_434 = arith.constant 0 : i32
    %dma_start3A_435 = arith.constant 0 : i32
    %dma_start3A_436 = tpu.memref_slice %arg6[%dma_start3A_434, %dma_start3A_435] : memref<40401x64xf32, #tpu.memory_space<hbm>> -> memref<40401x64xf32, #tpu.memory_space<hbm>>
    %dma_start3A_437 = tpu.memref_slice %arg15[%dma_start3A_426] : memref<4x!tpu.dma_semaphore, #tpu.memory_space<semaphore_mem>> -> memref<1x!tpu.dma_semaphore, #tpu.memory_space<semaphore_mem>>
    %dma_start3A_438 = tpu.memref_squeeze %dma_start3A_437 : memref<1x!tpu.dma_semaphore, #tpu.memory_space<semaphore_mem>> -> memref<!tpu.dma_semaphore, #tpu.memory_space<semaphore_mem>>
    tpu.enqueue_indirect_dma source(%dma_start3A_436 : memref<40401x64xf32, #tpu.memory_space<hbm>>) target(%dma_start3A_430 : memref<128x64xf32, #tpu.memory_space<vmem>>) offsets(%dma_start3A_433 : memref<128xi32, #tpu.memory_space<vmem>>) semaphore(%dma_start3A_438 : memref<!tpu.dma_semaphore, #tpu.memory_space<semaphore_mem>>)
    %dma_start3A_439 = arith.constant 0 : i32
    %dma_start3A_440 = arith.constant 0 : i32
    %dma_start3A_441 = arith.constant 0 : i32
    %dma_start3A_442 = arith.constant 128 : i32
    %dma_start3A_443 = arith.constant 0 : i32
    %dma_start3A_444 = tpu.memref_slice %arg12[%dma_start3A_440, %dma_start3A_442, %dma_start3A_443] : memref<4x200x64xf32, #tpu.memory_space<vmem>> -> memref<1x72x64xf32, #tpu.memory_space<vmem>>
    %dma_start3A_445 = tpu.memref_squeeze %dma_start3A_444 : memref<1x72x64xf32, #tpu.memory_space<vmem>> -> memref<72x64xf32, #tpu.memory_space<vmem>>
    %dma_start3A_446 = arith.constant 128 : i32
    %dma_start3A_447 = tpu.memref_slice %arg8[%dma_start3A_439, %dma_start3A_446] : memref<4x208xi32, #tpu.memory_space<vmem>> -> memref<1x72xi32, #tpu.memory_space<vmem>>
    %dma_start3A_448 = tpu.memref_squeeze %dma_start3A_447 : memref<1x72xi32, #tpu.memory_space<vmem>> -> memref<72xi32, #tpu.memory_space<vmem>>
    %dma_start3A_449 = arith.constant 0 : i32
    %dma_start3A_450 = arith.constant 0 : i32
    %dma_start3A_451 = tpu.memref_slice %arg5[%dma_start3A_449, %dma_start3A_450] : memref<1000000x64xf32, #tpu.memory_space<hbm>> -> memref<1000000x64xf32, #tpu.memory_space<hbm>>
    %dma_start3A_452 = tpu.memref_slice %arg15[%dma_start3A_441] : memref<4x!tpu.dma_semaphore, #tpu.memory_space<semaphore_mem>> -> memref<1x!tpu.dma_semaphore, #tpu.memory_space<semaphore_mem>>
    %dma_start3A_453 = tpu.memref_squeeze %dma_start3A_452 : memref<1x!tpu.dma_semaphore, #tpu.memory_space<semaphore_mem>> -> memref<!tpu.dma_semaphore, #tpu.memory_space<semaphore_mem>>
    tpu.enqueue_indirect_dma source(%dma_start3A_451 : memref<1000000x64xf32, #tpu.memory_space<hbm>>) target(%dma_start3A_445 : memref<72x64xf32, #tpu.memory_space<vmem>>) offsets(%dma_start3A_448 : memref<72xi32, #tpu.memory_space<vmem>>) semaphore(%dma_start3A_453 : memref<!tpu.dma_semaphore, #tpu.memory_space<semaphore_mem>>)
    %dma_start3A_454 = arith.constant 0 : i32
    %dma_start3A_455 = arith.constant 0 : i32
    %dma_start3A_456 = arith.constant 0 : i32
    %dma_start3A_457 = arith.constant 128 : i32
    %dma_start3A_458 = arith.constant 0 : i32
    %dma_start3A_459 = tpu.memref_slice %arg13[%dma_start3A_455, %dma_start3A_457, %dma_start3A_458] : memref<4x200x64xf32, #tpu.memory_space<vmem>> -> memref<1x72x64xf32, #tpu.memory_space<vmem>>
    %dma_start3A_460 = tpu.memref_squeeze %dma_start3A_459 : memref<1x72x64xf32, #tpu.memory_space<vmem>> -> memref<72x64xf32, #tpu.memory_space<vmem>>
    %dma_start3A_461 = arith.constant 128 : i32
    %dma_start3A_462 = tpu.memref_slice %arg11[%dma_start3A_454, %dma_start3A_461] : memref<4x208xi32, #tpu.memory_space<vmem>> -> memref<1x72xi32, #tpu.memory_space<vmem>>
    %dma_start3A_463 = tpu.memref_squeeze %dma_start3A_462 : memref<1x72xi32, #tpu.memory_space<vmem>> -> memref<72xi32, #tpu.memory_space<vmem>>
    %dma_start3A_464 = arith.constant 0 : i32
    %dma_start3A_465 = arith.constant 0 : i32
    %dma_start3A_466 = tpu.memref_slice %arg6[%dma_start3A_464, %dma_start3A_465] : memref<40401x64xf32, #tpu.memory_space<hbm>> -> memref<40401x64xf32, #tpu.memory_space<hbm>>
    %dma_start3A_467 = tpu.memref_slice %arg15[%dma_start3A_456] : memref<4x!tpu.dma_semaphore, #tpu.memory_space<semaphore_mem>> -> memref<1x!tpu.dma_semaphore, #tpu.memory_space<semaphore_mem>>
    %dma_start3A_468 = tpu.memref_squeeze %dma_start3A_467 : memref<1x!tpu.dma_semaphore, #tpu.memory_space<semaphore_mem>> -> memref<!tpu.dma_semaphore, #tpu.memory_space<semaphore_mem>>
    tpu.enqueue_indirect_dma source(%dma_start3A_466 : memref<40401x64xf32, #tpu.memory_space<hbm>>) target(%dma_start3A_460 : memref<72x64xf32, #tpu.memory_space<vmem>>) offsets(%dma_start3A_463 : memref<72xi32, #tpu.memory_space<vmem>>) semaphore(%dma_start3A_468 : memref<!tpu.dma_semaphore, #tpu.memory_space<semaphore_mem>>)
    %add3A_469 = arith.constant 1 : i32
    %add3A_470 = arith.addi %mul3A_2, %add3A_469 : i32
    %dma_wait3A_471 = arith.constant 1 : i32
    %dma_wait3A_472 = arith.constant 1 : i32
    %dma_wait3A_473 = arith.constant 0 : i32
    %dma_wait3A_474 = tpu.memref_slice %arg8[%dma_wait3A_471, %dma_wait3A_473] : memref<4x208xi32, #tpu.memory_space<vmem>> -> memref<1x200xi32, #tpu.memory_space<vmem>>
    %dma_wait3A_475 = tpu.memref_squeeze %dma_wait3A_474 : memref<1x200xi32, #tpu.memory_space<vmem>> -> memref<200xi32, #tpu.memory_space<vmem>>
    %dma_wait3A_476 = arith.constant 0 : i32
    %dma_wait3A_477 = tpu.memref_slice %arg2[%add3A_470, %dma_wait3A_476] : memref<4096x200xi32, #tpu.memory_space<hbm>> -> memref<1x200xi32, #tpu.memory_space<hbm>>
    %dma_wait3A_478 = tpu.memref_squeeze %dma_wait3A_477 : memref<1x200xi32, #tpu.memory_space<hbm>> -> memref<200xi32, #tpu.memory_space<hbm>>
    %dma_wait3A_479 = tpu.memref_slice %arg14[%dma_wait3A_472] : memref<4x!tpu.dma_semaphore, #tpu.memory_space<semaphore_mem>> -> memref<1x!tpu.dma_semaphore, #tpu.memory_space<semaphore_mem>>
    %dma_wait3A_480 = tpu.memref_squeeze %dma_wait3A_479 : memref<1x!tpu.dma_semaphore, #tpu.memory_space<semaphore_mem>> -> memref<!tpu.dma_semaphore, #tpu.memory_space<semaphore_mem>>
    %dma_wait3A_481 = arith.constant 0 : i32
    %dma_wait3A_482 = tpu.memref_slice %arg8[%dma_wait3A_471, %dma_wait3A_481] : memref<4x208xi32, #tpu.memory_space<vmem>> -> memref<1x200xi32, #tpu.memory_space<vmem>>
    %dma_wait3A_483 = tpu.memref_squeeze %dma_wait3A_482 : memref<1x200xi32, #tpu.memory_space<vmem>> -> memref<200xi32, #tpu.memory_space<vmem>>
    %dma_wait3A_484 = arith.constant 0 : i32
    %dma_wait3A_485 = tpu.memref_slice %arg2[%add3A_470, %dma_wait3A_484] : memref<4096x200xi32, #tpu.memory_space<hbm>> -> memref<1x200xi32, #tpu.memory_space<hbm>>
    %dma_wait3A_486 = tpu.memref_squeeze %dma_wait3A_485 : memref<1x200xi32, #tpu.memory_space<hbm>> -> memref<200xi32, #tpu.memory_space<hbm>>
    tpu.wait_dma2 semaphore(%dma_wait3A_480 : memref<!tpu.dma_semaphore, #tpu.memory_space<semaphore_mem>>) src(%dma_wait3A_486 : memref<200xi32, #tpu.memory_space<hbm>>) dst(%dma_wait3A_483 : memref<200xi32, #tpu.memory_space<vmem>>)
    %dma_wait3A_487 = arith.constant 1 : i32
    %dma_wait3A_488 = arith.constant 1 : i32
    %dma_wait3A_489 = arith.constant 0 : i32
    %dma_wait3A_490 = tpu.memref_slice %arg9[%dma_wait3A_487, %dma_wait3A_489] : memref<4x208xi32, #tpu.memory_space<vmem>> -> memref<1x200xi32, #tpu.memory_space<vmem>>
    %dma_wait3A_491 = tpu.memref_squeeze %dma_wait3A_490 : memref<1x200xi32, #tpu.memory_space<vmem>> -> memref<200xi32, #tpu.memory_space<vmem>>
    %dma_wait3A_492 = arith.constant 0 : i32
    %dma_wait3A_493 = tpu.memref_slice %arg3[%add3A_470, %dma_wait3A_492] : memref<4096x200xi32, #tpu.memory_space<hbm>> -> memref<1x200xi32, #tpu.memory_space<hbm>>
    %dma_wait3A_494 = tpu.memref_squeeze %dma_wait3A_493 : memref<1x200xi32, #tpu.memory_space<hbm>> -> memref<200xi32, #tpu.memory_space<hbm>>
    %dma_wait3A_495 = tpu.memref_slice %arg14[%dma_wait3A_488] : memref<4x!tpu.dma_semaphore, #tpu.memory_space<semaphore_mem>> -> memref<1x!tpu.dma_semaphore, #tpu.memory_space<semaphore_mem>>
    %dma_wait3A_496 = tpu.memref_squeeze %dma_wait3A_495 : memref<1x!tpu.dma_semaphore, #tpu.memory_space<semaphore_mem>> -> memref<!tpu.dma_semaphore, #tpu.memory_space<semaphore_mem>>
    %dma_wait3A_497 = arith.constant 0 : i32
    %dma_wait3A_498 = tpu.memref_slice %arg9[%dma_wait3A_487, %dma_wait3A_497] : memref<4x208xi32, #tpu.memory_space<vmem>> -> memref<1x200xi32, #tpu.memory_space<vmem>>
    %dma_wait3A_499 = tpu.memref_squeeze %dma_wait3A_498 : memref<1x200xi32, #tpu.memory_space<vmem>> -> memref<200xi32, #tpu.memory_space<vmem>>
    %dma_wait3A_500 = arith.constant 0 : i32
    %dma_wait3A_501 = tpu.memref_slice %arg3[%add3A_470, %dma_wait3A_500] : memref<4096x200xi32, #tpu.memory_space<hbm>> -> memref<1x200xi32, #tpu.memory_space<hbm>>
    %dma_wait3A_502 = tpu.memref_squeeze %dma_wait3A_501 : memref<1x200xi32, #tpu.memory_space<hbm>> -> memref<200xi32, #tpu.memory_space<hbm>>
    tpu.wait_dma2 semaphore(%dma_wait3A_496 : memref<!tpu.dma_semaphore, #tpu.memory_space<semaphore_mem>>) src(%dma_wait3A_502 : memref<200xi32, #tpu.memory_space<hbm>>) dst(%dma_wait3A_499 : memref<200xi32, #tpu.memory_space<vmem>>)
    %dma_wait3A_503 = arith.constant 1 : i32
    %dma_wait3A_504 = arith.constant 1 : i32
    %dma_wait3A_505 = arith.constant 0 : i32
    %dma_wait3A_506 = tpu.memref_slice %arg10[%dma_wait3A_503, %dma_wait3A_505] : memref<4x208xi32, #tpu.memory_space<vmem>> -> memref<1x200xi32, #tpu.memory_space<vmem>>
    %dma_wait3A_507 = tpu.memref_squeeze %dma_wait3A_506 : memref<1x200xi32, #tpu.memory_space<vmem>> -> memref<200xi32, #tpu.memory_space<vmem>>
    %dma_wait3A_508 = arith.constant 0 : i32
    %dma_wait3A_509 = tpu.memref_slice %arg4[%add3A_470, %dma_wait3A_508] : memref<4096x200xi32, #tpu.memory_space<hbm>> -> memref<1x200xi32, #tpu.memory_space<hbm>>
    %dma_wait3A_510 = tpu.memref_squeeze %dma_wait3A_509 : memref<1x200xi32, #tpu.memory_space<hbm>> -> memref<200xi32, #tpu.memory_space<hbm>>
    %dma_wait3A_511 = tpu.memref_slice %arg14[%dma_wait3A_504] : memref<4x!tpu.dma_semaphore, #tpu.memory_space<semaphore_mem>> -> memref<1x!tpu.dma_semaphore, #tpu.memory_space<semaphore_mem>>
    %dma_wait3A_512 = tpu.memref_squeeze %dma_wait3A_511 : memref<1x!tpu.dma_semaphore, #tpu.memory_space<semaphore_mem>> -> memref<!tpu.dma_semaphore, #tpu.memory_space<semaphore_mem>>
    %dma_wait3A_513 = arith.constant 0 : i32
    %dma_wait3A_514 = tpu.memref_slice %arg10[%dma_wait3A_503, %dma_wait3A_513] : memref<4x208xi32, #tpu.memory_space<vmem>> -> memref<1x200xi32, #tpu.memory_space<vmem>>
    %dma_wait3A_515 = tpu.memref_squeeze %dma_wait3A_514 : memref<1x200xi32, #tpu.memory_space<vmem>> -> memref<200xi32, #tpu.memory_space<vmem>>
    %dma_wait3A_516 = arith.constant 0 : i32
    %dma_wait3A_517 = tpu.memref_slice %arg4[%add3A_470, %dma_wait3A_516] : memref<4096x200xi32, #tpu.memory_space<hbm>> -> memref<1x200xi32, #tpu.memory_space<hbm>>
    %dma_wait3A_518 = tpu.memref_squeeze %dma_wait3A_517 : memref<1x200xi32, #tpu.memory_space<hbm>> -> memref<200xi32, #tpu.memory_space<hbm>>
    tpu.wait_dma2 semaphore(%dma_wait3A_512 : memref<!tpu.dma_semaphore, #tpu.memory_space<semaphore_mem>>) src(%dma_wait3A_518 : memref<200xi32, #tpu.memory_space<hbm>>) dst(%dma_wait3A_515 : memref<200xi32, #tpu.memory_space<vmem>>)
    %get3A_519 = arith.constant 1 : i32
    %get3A_520 = arith.index_cast %get3A_519 : i32 to index
    %get3A_521 = arith.constant 0 : index
    %get3A_522 = tpu.vector_load %arg9[%get3A_520, %get3A_521] {strides = array<i32>} : memref<4x208xi32, #tpu.memory_space<vmem>>, vector<1x16xi32>,
    %get3A_523 = vector.shape_cast %get3A_522 : vector<1x16xi32> to vector<16xi32>
    %mul3A_524 = arith.constant 201 : i32
    %mul3A_525 = vector.broadcast %mul3A_524 : i32 to vector<16xi32>
    %mul3A_526 = arith.muli %get3A_523, %mul3A_525 : vector<16xi32>
    %get3A_527 = arith.constant 1 : i32
    %get3A_528 = arith.index_cast %get3A_527 : i32 to index
    %get3A_529 = arith.constant 0 : index
    %get3A_530 = tpu.vector_load %arg10[%get3A_528, %get3A_529] {strides = array<i32>} : memref<4x208xi32, #tpu.memory_space<vmem>>, vector<1x16xi32>,
    %get3A_531 = vector.shape_cast %get3A_530 : vector<1x16xi32> to vector<16xi32>
    %add3A_532 = arith.addi %mul3A_526, %get3A_531 : vector<16xi32>
    %swap3A_533 = arith.constant 1 : i32
    %swap3A_534 = arith.index_cast %swap3A_533 : i32 to index
    %swap3A_535 = arith.constant 0 : index
    %swap3A_536 = tpu.vector_load %arg11[%swap3A_534, %swap3A_535] {strides = array<i32>} : memref<4x208xi32, #tpu.memory_space<vmem>>, vector<1x16xi32>,
    %swap3A_537 = vector.shape_cast %swap3A_536 : vector<1x16xi32> to vector<16xi32>
    %swap3A_538 = vector.shape_cast %add3A_532 : vector<16xi32> to vector<1x16xi32>
    tpu.vector_store %arg11[%swap3A_534, %swap3A_535], %swap3A_538 {strides = array<i32>} : memref<4x208xi32, #tpu.memory_space<vmem>>, vector<1x16xi32>,
    %get3A_539 = arith.constant 1 : i32
    %get3A_540 = arith.index_cast %get3A_539 : i32 to index
    %get3A_541 = arith.constant 16 : index
    %get3A_542 = tpu.vector_load %arg9[%get3A_540, %get3A_541] {strides = array<i32>} : memref<4x208xi32, #tpu.memory_space<vmem>>, vector<1x16xi32>,
    %get3A_543 = vector.shape_cast %get3A_542 : vector<1x16xi32> to vector<16xi32>
    %mul3A_544 = arith.constant 201 : i32
    %mul3A_545 = vector.broadcast %mul3A_544 : i32 to vector<16xi32>
    %mul3A_546 = arith.muli %get3A_543, %mul3A_545 : vector<16xi32>
    %get3A_547 = arith.constant 1 : i32
    %get3A_548 = arith.index_cast %get3A_547 : i32 to index
    %get3A_549 = arith.constant 16 : index
    %get3A_550 = tpu.vector_load %arg10[%get3A_548, %get3A_549] {strides = array<i32>} : memref<4x208xi32, #tpu.memory_space<vmem>>, vector<1x16xi32>,
    %get3A_551 = vector.shape_cast %get3A_550 : vector<1x16xi32> to vector<16xi32>
    %add3A_552 = arith.addi %mul3A_546, %get3A_551 : vector<16xi32>
    %swap3A_553 = arith.constant 1 : i32
    %swap3A_554 = arith.index_cast %swap3A_553 : i32 to index
    %swap3A_555 = arith.constant 16 : index
    %swap3A_556 = tpu.vector_load %arg11[%swap3A_554, %swap3A_555] {strides = array<i32>} : memref<4x208xi32, #tpu.memory_space<vmem>>, vector<1x16xi32>,
    %swap3A_557 = vector.shape_cast %swap3A_556 : vector<1x16xi32> to vector<16xi32>
    %swap3A_558 = vector.shape_cast %add3A_552 : vector<16xi32> to vector<1x16xi32>
    tpu.vector_store %arg11[%swap3A_554, %swap3A_555], %swap3A_558 {strides = array<i32>} : memref<4x208xi32, #tpu.memory_space<vmem>>, vector<1x16xi32>,
    %get3A_559 = arith.constant 1 : i32
    %get3A_560 = arith.index_cast %get3A_559 : i32 to index
    %get3A_561 = arith.constant 32 : index
    %get3A_562 = tpu.vector_load %arg9[%get3A_560, %get3A_561] {strides = array<i32>} : memref<4x208xi32, #tpu.memory_space<vmem>>, vector<1x16xi32>,
    %get3A_563 = vector.shape_cast %get3A_562 : vector<1x16xi32> to vector<16xi32>
    %mul3A_564 = arith.constant 201 : i32
    %mul3A_565 = vector.broadcast %mul3A_564 : i32 to vector<16xi32>
    %mul3A_566 = arith.muli %get3A_563, %mul3A_565 : vector<16xi32>
    %get3A_567 = arith.constant 1 : i32
    %get3A_568 = arith.index_cast %get3A_567 : i32 to index
    %get3A_569 = arith.constant 32 : index
    %get3A_570 = tpu.vector_load %arg10[%get3A_568, %get3A_569] {strides = array<i32>} : memref<4x208xi32, #tpu.memory_space<vmem>>, vector<1x16xi32>,
    %get3A_571 = vector.shape_cast %get3A_570 : vector<1x16xi32> to vector<16xi32>
    %add3A_572 = arith.addi %mul3A_566, %get3A_571 : vector<16xi32>
    %swap3A_573 = arith.constant 1 : i32
    %swap3A_574 = arith.index_cast %swap3A_573 : i32 to index
    %swap3A_575 = arith.constant 32 : index
    %swap3A_576 = tpu.vector_load %arg11[%swap3A_574, %swap3A_575] {strides = array<i32>} : memref<4x208xi32, #tpu.memory_space<vmem>>, vector<1x16xi32>,
    %swap3A_577 = vector.shape_cast %swap3A_576 : vector<1x16xi32> to vector<16xi32>
    %swap3A_578 = vector.shape_cast %add3A_572 : vector<16xi32> to vector<1x16xi32>
    tpu.vector_store %arg11[%swap3A_574, %swap3A_575], %swap3A_578 {strides = array<i32>} : memref<4x208xi32, #tpu.memory_space<vmem>>, vector<1x16xi32>,
    %get3A_579 = arith.constant 1 : i32
    %get3A_580 = arith.index_cast %get3A_579 : i32 to index
    %get3A_581 = arith.constant 48 : index
    %get3A_582 = tpu.vector_load %arg9[%get3A_580, %get3A_581] {strides = array<i32>} : memref<4x208xi32, #tpu.memory_space<vmem>>, vector<1x16xi32>,
    %get3A_583 = vector.shape_cast %get3A_582 : vector<1x16xi32> to vector<16xi32>
    %mul3A_584 = arith.constant 201 : i32
    %mul3A_585 = vector.broadcast %mul3A_584 : i32 to vector<16xi32>
    %mul3A_586 = arith.muli %get3A_583, %mul3A_585 : vector<16xi32>
    %get3A_587 = arith.constant 1 : i32
    %get3A_588 = arith.index_cast %get3A_587 : i32 to index
    %get3A_589 = arith.constant 48 : index
    %get3A_590 = tpu.vector_load %arg10[%get3A_588, %get3A_589] {strides = array<i32>} : memref<4x208xi32, #tpu.memory_space<vmem>>, vector<1x16xi32>,
    %get3A_591 = vector.shape_cast %get3A_590 : vector<1x16xi32> to vector<16xi32>
    %add3A_592 = arith.addi %mul3A_586, %get3A_591 : vector<16xi32>
    %swap3A_593 = arith.constant 1 : i32
    %swap3A_594 = arith.index_cast %swap3A_593 : i32 to index
    %swap3A_595 = arith.constant 48 : index
    %swap3A_596 = tpu.vector_load %arg11[%swap3A_594, %swap3A_595] {strides = array<i32>} : memref<4x208xi32, #tpu.memory_space<vmem>>, vector<1x16xi32>,
    %swap3A_597 = vector.shape_cast %swap3A_596 : vector<1x16xi32> to vector<16xi32>
    %swap3A_598 = vector.shape_cast %add3A_592 : vector<16xi32> to vector<1x16xi32>
    tpu.vector_store %arg11[%swap3A_594, %swap3A_595], %swap3A_598 {strides = array<i32>} : memref<4x208xi32, #tpu.memory_space<vmem>>, vector<1x16xi32>,
    %get3A_599 = arith.constant 1 : i32
    %get3A_600 = arith.index_cast %get3A_599 : i32 to index
    %get3A_601 = arith.constant 64 : index
    %get3A_602 = tpu.vector_load %arg9[%get3A_600, %get3A_601] {strides = array<i32>} : memref<4x208xi32, #tpu.memory_space<vmem>>, vector<1x16xi32>,
    %get3A_603 = vector.shape_cast %get3A_602 : vector<1x16xi32> to vector<16xi32>
    %mul3A_604 = arith.constant 201 : i32
    %mul3A_605 = vector.broadcast %mul3A_604 : i32 to vector<16xi32>
    %mul3A_606 = arith.muli %get3A_603, %mul3A_605 : vector<16xi32>
    %get3A_607 = arith.constant 1 : i32
    %get3A_608 = arith.index_cast %get3A_607 : i32 to index
    %get3A_609 = arith.constant 64 : index
    %get3A_610 = tpu.vector_load %arg10[%get3A_608, %get3A_609] {strides = array<i32>} : memref<4x208xi32, #tpu.memory_space<vmem>>, vector<1x16xi32>,
    %get3A_611 = vector.shape_cast %get3A_610 : vector<1x16xi32> to vector<16xi32>
    %add3A_612 = arith.addi %mul3A_606, %get3A_611 : vector<16xi32>
    %swap3A_613 = arith.constant 1 : i32
    %swap3A_614 = arith.index_cast %swap3A_613 : i32 to index
    %swap3A_615 = arith.constant 64 : index
    %swap3A_616 = tpu.vector_load %arg11[%swap3A_614, %swap3A_615] {strides = array<i32>} : memref<4x208xi32, #tpu.memory_space<vmem>>, vector<1x16xi32>,
    %swap3A_617 = vector.shape_cast %swap3A_616 : vector<1x16xi32> to vector<16xi32>
    %swap3A_618 = vector.shape_cast %add3A_612 : vector<16xi32> to vector<1x16xi32>
    tpu.vector_store %arg11[%swap3A_614, %swap3A_615], %swap3A_618 {strides = array<i32>} : memref<4x208xi32, #tpu.memory_space<vmem>>, vector<1x16xi32>,
    %get3A_619 = arith.constant 1 : i32
    %get3A_620 = arith.index_cast %get3A_619 : i32 to index
    %get3A_621 = arith.constant 80 : index
    %get3A_622 = tpu.vector_load %arg9[%get3A_620, %get3A_621] {strides = array<i32>} : memref<4x208xi32, #tpu.memory_space<vmem>>, vector<1x16xi32>,
    %get3A_623 = vector.shape_cast %get3A_622 : vector<1x16xi32> to vector<16xi32>
    %mul3A_624 = arith.constant 201 : i32
    %mul3A_625 = vector.broadcast %mul3A_624 : i32 to vector<16xi32>
    %mul3A_626 = arith.muli %get3A_623, %mul3A_625 : vector<16xi32>
    %get3A_627 = arith.constant 1 : i32
    %get3A_628 = arith.index_cast %get3A_627 : i32 to index
    %get3A_629 = arith.constant 80 : index
    %get3A_630 = tpu.vector_load %arg10[%get3A_628, %get3A_629] {strides = array<i32>} : memref<4x208xi32, #tpu.memory_space<vmem>>, vector<1x16xi32>,
    %get3A_631 = vector.shape_cast %get3A_630 : vector<1x16xi32> to vector<16xi32>
    %add3A_632 = arith.addi %mul3A_626, %get3A_631 : vector<16xi32>
    %swap3A_633 = arith.constant 1 : i32
    %swap3A_634 = arith.index_cast %swap3A_633 : i32 to index
    %swap3A_635 = arith.constant 80 : index
    %swap3A_636 = tpu.vector_load %arg11[%swap3A_634, %swap3A_635] {strides = array<i32>} : memref<4x208xi32, #tpu.memory_space<vmem>>, vector<1x16xi32>,
    %swap3A_637 = vector.shape_cast %swap3A_636 : vector<1x16xi32> to vector<16xi32>
    %swap3A_638 = vector.shape_cast %add3A_632 : vector<16xi32> to vector<1x16xi32>
    tpu.vector_store %arg11[%swap3A_634, %swap3A_635], %swap3A_638 {strides = array<i32>} : memref<4x208xi32, #tpu.memory_space<vmem>>, vector<1x16xi32>,
    %get3A_639 = arith.constant 1 : i32
    %get3A_640 = arith.index_cast %get3A_639 : i32 to index
    %get3A_641 = arith.constant 96 : index
    %get3A_642 = tpu.vector_load %arg9[%get3A_640, %get3A_641] {strides = array<i32>} : memref<4x208xi32, #tpu.memory_space<vmem>>, vector<1x16xi32>,
    %get3A_643 = vector.shape_cast %get3A_642 : vector<1x16xi32> to vector<16xi32>
    %mul3A_644 = arith.constant 201 : i32
    %mul3A_645 = vector.broadcast %mul3A_644 : i32 to vector<16xi32>
    %mul3A_646 = arith.muli %get3A_643, %mul3A_645 : vector<16xi32>
    %get3A_647 = arith.constant 1 : i32
    %get3A_648 = arith.index_cast %get3A_647 : i32 to index
    %get3A_649 = arith.constant 96 : index
    %get3A_650 = tpu.vector_load %arg10[%get3A_648, %get3A_649] {strides = array<i32>} : memref<4x208xi32, #tpu.memory_space<vmem>>, vector<1x16xi32>,
    %get3A_651 = vector.shape_cast %get3A_650 : vector<1x16xi32> to vector<16xi32>
    %add3A_652 = arith.addi %mul3A_646, %get3A_651 : vector<16xi32>
    %swap3A_653 = arith.constant 1 : i32
    %swap3A_654 = arith.index_cast %swap3A_653 : i32 to index
    %swap3A_655 = arith.constant 96 : index
    %swap3A_656 = tpu.vector_load %arg11[%swap3A_654, %swap3A_655] {strides = array<i32>} : memref<4x208xi32, #tpu.memory_space<vmem>>, vector<1x16xi32>,
    %swap3A_657 = vector.shape_cast %swap3A_656 : vector<1x16xi32> to vector<16xi32>
    %swap3A_658 = vector.shape_cast %add3A_652 : vector<16xi32> to vector<1x16xi32>
    tpu.vector_store %arg11[%swap3A_654, %swap3A_655], %swap3A_658 {strides = array<i32>} : memref<4x208xi32, #tpu.memory_space<vmem>>, vector<1x16xi32>,
    %get3A_659 = arith.constant 1 : i32
    %get3A_660 = arith.index_cast %get3A_659 : i32 to index
    %get3A_661 = arith.constant 112 : index
    %get3A_662 = tpu.vector_load %arg9[%get3A_660, %get3A_661] {strides = array<i32>} : memref<4x208xi32, #tpu.memory_space<vmem>>, vector<1x16xi32>,
    %get3A_663 = vector.shape_cast %get3A_662 : vector<1x16xi32> to vector<16xi32>
    %mul3A_664 = arith.constant 201 : i32
    %mul3A_665 = vector.broadcast %mul3A_664 : i32 to vector<16xi32>
    %mul3A_666 = arith.muli %get3A_663, %mul3A_665 : vector<16xi32>
    %get3A_667 = arith.constant 1 : i32
    %get3A_668 = arith.index_cast %get3A_667 : i32 to index
    %get3A_669 = arith.constant 112 : index
    %get3A_670 = tpu.vector_load %arg10[%get3A_668, %get3A_669] {strides = array<i32>} : memref<4x208xi32, #tpu.memory_space<vmem>>, vector<1x16xi32>,
    %get3A_671 = vector.shape_cast %get3A_670 : vector<1x16xi32> to vector<16xi32>
    %add3A_672 = arith.addi %mul3A_666, %get3A_671 : vector<16xi32>
    %swap3A_673 = arith.constant 1 : i32
    %swap3A_674 = arith.index_cast %swap3A_673 : i32 to index
    %swap3A_675 = arith.constant 112 : index
    %swap3A_676 = tpu.vector_load %arg11[%swap3A_674, %swap3A_675] {strides = array<i32>} : memref<4x208xi32, #tpu.memory_space<vmem>>, vector<1x16xi32>,
    %swap3A_677 = vector.shape_cast %swap3A_676 : vector<1x16xi32> to vector<16xi32>
    %swap3A_678 = vector.shape_cast %add3A_672 : vector<16xi32> to vector<1x16xi32>
    tpu.vector_store %arg11[%swap3A_674, %swap3A_675], %swap3A_678 {strides = array<i32>} : memref<4x208xi32, #tpu.memory_space<vmem>>, vector<1x16xi32>,
    %get3A_679 = arith.constant 1 : i32
    %get3A_680 = arith.index_cast %get3A_679 : i32 to index
    %get3A_681 = arith.constant 128 : index
    %get3A_682 = tpu.vector_load %arg9[%get3A_680, %get3A_681] {strides = array<i32>} : memref<4x208xi32, #tpu.memory_space<vmem>>, vector<1x16xi32>,
    %get3A_683 = vector.shape_cast %get3A_682 : vector<1x16xi32> to vector<16xi32>
    %mul3A_684 = arith.constant 201 : i32
    %mul3A_685 = vector.broadcast %mul3A_684 : i32 to vector<16xi32>
    %mul3A_686 = arith.muli %get3A_683, %mul3A_685 : vector<16xi32>
    %get3A_687 = arith.constant 1 : i32
    %get3A_688 = arith.index_cast %get3A_687 : i32 to index
    %get3A_689 = arith.constant 128 : index
    %get3A_690 = tpu.vector_load %arg10[%get3A_688, %get3A_689] {strides = array<i32>} : memref<4x208xi32, #tpu.memory_space<vmem>>, vector<1x16xi32>,
    %get3A_691 = vector.shape_cast %get3A_690 : vector<1x16xi32> to vector<16xi32>
    %add3A_692 = arith.addi %mul3A_686, %get3A_691 : vector<16xi32>
    %swap3A_693 = arith.constant 1 : i32
    %swap3A_694 = arith.index_cast %swap3A_693 : i32 to index
    %swap3A_695 = arith.constant 128 : index
    %swap3A_696 = tpu.vector_load %arg11[%swap3A_694, %swap3A_695] {strides = array<i32>} : memref<4x208xi32, #tpu.memory_space<vmem>>, vector<1x16xi32>,
    %swap3A_697 = vector.shape_cast %swap3A_696 : vector<1x16xi32> to vector<16xi32>
    %swap3A_698 = vector.shape_cast %add3A_692 : vector<16xi32> to vector<1x16xi32>
    tpu.vector_store %arg11[%swap3A_694, %swap3A_695], %swap3A_698 {strides = array<i32>} : memref<4x208xi32, #tpu.memory_space<vmem>>, vector<1x16xi32>,
    %get3A_699 = arith.constant 1 : i32
    %get3A_700 = arith.index_cast %get3A_699 : i32 to index
    %get3A_701 = arith.constant 144 : index
    %get3A_702 = tpu.vector_load %arg9[%get3A_700, %get3A_701] {strides = array<i32>} : memref<4x208xi32, #tpu.memory_space<vmem>>, vector<1x16xi32>,
    %get3A_703 = vector.shape_cast %get3A_702 : vector<1x16xi32> to vector<16xi32>
    %mul3A_704 = arith.constant 201 : i32
    %mul3A_705 = vector.broadcast %mul3A_704 : i32 to vector<16xi32>
    %mul3A_706 = arith.muli %get3A_703, %mul3A_705 : vector<16xi32>
    %get3A_707 = arith.constant 1 : i32
    %get3A_708 = arith.index_cast %get3A_707 : i32 to index
    %get3A_709 = arith.constant 144 : index
    %get3A_710 = tpu.vector_load %arg10[%get3A_708, %get3A_709] {strides = array<i32>} : memref<4x208xi32, #tpu.memory_space<vmem>>, vector<1x16xi32>,
    %get3A_711 = vector.shape_cast %get3A_710 : vector<1x16xi32> to vector<16xi32>
    %add3A_712 = arith.addi %mul3A_706, %get3A_711 : vector<16xi32>
    %swap3A_713 = arith.constant 1 : i32
    %swap3A_714 = arith.index_cast %swap3A_713 : i32 to index
    %swap3A_715 = arith.constant 144 : index
    %swap3A_716 = tpu.vector_load %arg11[%swap3A_714, %swap3A_715] {strides = array<i32>} : memref<4x208xi32, #tpu.memory_space<vmem>>, vector<1x16xi32>,
    %swap3A_717 = vector.shape_cast %swap3A_716 : vector<1x16xi32> to vector<16xi32>
    %swap3A_718 = vector.shape_cast %add3A_712 : vector<16xi32> to vector<1x16xi32>
    tpu.vector_store %arg11[%swap3A_714, %swap3A_715], %swap3A_718 {strides = array<i32>} : memref<4x208xi32, #tpu.memory_space<vmem>>, vector<1x16xi32>,
    %get3A_719 = arith.constant 1 : i32
    %get3A_720 = arith.index_cast %get3A_719 : i32 to index
    %get3A_721 = arith.constant 160 : index
    %get3A_722 = tpu.vector_load %arg9[%get3A_720, %get3A_721] {strides = array<i32>} : memref<4x208xi32, #tpu.memory_space<vmem>>, vector<1x16xi32>,
    %get3A_723 = vector.shape_cast %get3A_722 : vector<1x16xi32> to vector<16xi32>
    %mul3A_724 = arith.constant 201 : i32
    %mul3A_725 = vector.broadcast %mul3A_724 : i32 to vector<16xi32>
    %mul3A_726 = arith.muli %get3A_723, %mul3A_725 : vector<16xi32>
    %get3A_727 = arith.constant 1 : i32
    %get3A_728 = arith.index_cast %get3A_727 : i32 to index
    %get3A_729 = arith.constant 160 : index
    %get3A_730 = tpu.vector_load %arg10[%get3A_728, %get3A_729] {strides = array<i32>} : memref<4x208xi32, #tpu.memory_space<vmem>>, vector<1x16xi32>,
    %get3A_731 = vector.shape_cast %get3A_730 : vector<1x16xi32> to vector<16xi32>
    %add3A_732 = arith.addi %mul3A_726, %get3A_731 : vector<16xi32>
    %swap3A_733 = arith.constant 1 : i32
    %swap3A_734 = arith.index_cast %swap3A_733 : i32 to index
    %swap3A_735 = arith.constant 160 : index
    %swap3A_736 = tpu.vector_load %arg11[%swap3A_734, %swap3A_735] {strides = array<i32>} : memref<4x208xi32, #tpu.memory_space<vmem>>, vector<1x16xi32>,
    %swap3A_737 = vector.shape_cast %swap3A_736 : vector<1x16xi32> to vector<16xi32>
    %swap3A_738 = vector.shape_cast %add3A_732 : vector<16xi32> to vector<1x16xi32>
    tpu.vector_store %arg11[%swap3A_734, %swap3A_735], %swap3A_738 {strides = array<i32>} : memref<4x208xi32, #tpu.memory_space<vmem>>, vector<1x16xi32>,
    %get3A_739 = arith.constant 1 : i32
    %get3A_740 = arith.index_cast %get3A_739 : i32 to index
    %get3A_741 = arith.constant 176 : index
    %get3A_742 = tpu.vector_load %arg9[%get3A_740, %get3A_741] {strides = array<i32>} : memref<4x208xi32, #tpu.memory_space<vmem>>, vector<1x16xi32>,
    %get3A_743 = vector.shape_cast %get3A_742 : vector<1x16xi32> to vector<16xi32>
    %mul3A_744 = arith.constant 201 : i32
    %mul3A_745 = vector.broadcast %mul3A_744 : i32 to vector<16xi32>
    %mul3A_746 = arith.muli %get3A_743, %mul3A_745 : vector<16xi32>
    %get3A_747 = arith.constant 1 : i32
    %get3A_748 = arith.index_cast %get3A_747 : i32 to index
    %get3A_749 = arith.constant 176 : index
    %get3A_750 = tpu.vector_load %arg10[%get3A_748, %get3A_749] {strides = array<i32>} : memref<4x208xi32, #tpu.memory_space<vmem>>, vector<1x16xi32>,
    %get3A_751 = vector.shape_cast %get3A_750 : vector<1x16xi32> to vector<16xi32>
    %add3A_752 = arith.addi %mul3A_746, %get3A_751 : vector<16xi32>
    %swap3A_753 = arith.constant 1 : i32
    %swap3A_754 = arith.index_cast %swap3A_753 : i32 to index
    %swap3A_755 = arith.constant 176 : index
    %swap3A_756 = tpu.vector_load %arg11[%swap3A_754, %swap3A_755] {strides = array<i32>} : memref<4x208xi32, #tpu.memory_space<vmem>>, vector<1x16xi32>,
    %swap3A_757 = vector.shape_cast %swap3A_756 : vector<1x16xi32> to vector<16xi32>
    %swap3A_758 = vector.shape_cast %add3A_752 : vector<16xi32> to vector<1x16xi32>
    tpu.vector_store %arg11[%swap3A_754, %swap3A_755], %swap3A_758 {strides = array<i32>} : memref<4x208xi32, #tpu.memory_space<vmem>>, vector<1x16xi32>,
    %get3A_759 = arith.constant 1 : i32
    %get3A_760 = arith.index_cast %get3A_759 : i32 to index
    %get3A_761 = arith.constant 192 : index
    %get3A_762 = tpu.vector_load %arg9[%get3A_760, %get3A_761] {strides = array<i32>} : memref<4x208xi32, #tpu.memory_space<vmem>>, vector<1x16xi32>,
    %get3A_763 = vector.shape_cast %get3A_762 : vector<1x16xi32> to vector<16xi32>
    %mul3A_764 = arith.constant 201 : i32
    %mul3A_765 = vector.broadcast %mul3A_764 : i32 to vector<16xi32>
    %mul3A_766 = arith.muli %get3A_763, %mul3A_765 : vector<16xi32>
    %get3A_767 = arith.constant 1 : i32
    %get3A_768 = arith.index_cast %get3A_767 : i32 to index
    %get3A_769 = arith.constant 192 : index
    %get3A_770 = tpu.vector_load %arg10[%get3A_768, %get3A_769] {strides = array<i32>} : memref<4x208xi32, #tpu.memory_space<vmem>>, vector<1x16xi32>,
    %get3A_771 = vector.shape_cast %get3A_770 : vector<1x16xi32> to vector<16xi32>
    %add3A_772 = arith.addi %mul3A_766, %get3A_771 : vector<16xi32>
    %swap3A_773 = arith.constant 1 : i32
    %swap3A_774 = arith.index_cast %swap3A_773 : i32 to index
    %swap3A_775 = arith.constant 192 : index
    %swap3A_776 = tpu.vector_load %arg11[%swap3A_774, %swap3A_775] {strides = array<i32>} : memref<4x208xi32, #tpu.memory_space<vmem>>, vector<1x16xi32>,
    %swap3A_777 = vector.shape_cast %swap3A_776 : vector<1x16xi32> to vector<16xi32>
    %swap3A_778 = vector.shape_cast %add3A_772 : vector<16xi32> to vector<1x16xi32>
    tpu.vector_store %arg11[%swap3A_774, %swap3A_775], %swap3A_778 {strides = array<i32>} : memref<4x208xi32, #tpu.memory_space<vmem>>, vector<1x16xi32>,
    %dma_start3A_779 = arith.constant 1 : i32
    %dma_start3A_780 = arith.constant 1 : i32
    %dma_start3A_781 = arith.constant 1 : i32
    %dma_start3A_782 = arith.constant 0 : i32
    %dma_start3A_783 = arith.constant 0 : i32
    %dma_start3A_784 = tpu.memref_slice %arg12[%dma_start3A_780, %dma_start3A_782, %dma_start3A_783] : memref<4x200x64xf32, #tpu.memory_space<vmem>> -> memref<1x128x64xf32, #tpu.memory_space<vmem>>
    %dma_start3A_785 = tpu.memref_squeeze %dma_start3A_784 : memref<1x128x64xf32, #tpu.memory_space<vmem>> -> memref<128x64xf32, #tpu.memory_space<vmem>>
    %dma_start3A_786 = arith.constant 0 : i32
    %dma_start3A_787 = tpu.memref_slice %arg8[%dma_start3A_779, %dma_start3A_786] : memref<4x208xi32, #tpu.memory_space<vmem>> -> memref<1x128xi32, #tpu.memory_space<vmem>>
    %dma_start3A_788 = tpu.memref_squeeze %dma_start3A_787 : memref<1x128xi32, #tpu.memory_space<vmem>> -> memref<128xi32, #tpu.memory_space<vmem>>
    %dma_start3A_789 = arith.constant 0 : i32
    %dma_start3A_790 = arith.constant 0 : i32
    %dma_start3A_791 = tpu.memref_slice %arg5[%dma_start3A_789, %dma_start3A_790] : memref<1000000x64xf32, #tpu.memory_space<hbm>> -> memref<1000000x64xf32, #tpu.memory_space<hbm>>
    %dma_start3A_792 = tpu.memref_slice %arg15[%dma_start3A_781] : memref<4x!tpu.dma_semaphore, #tpu.memory_space<semaphore_mem>> -> memref<1x!tpu.dma_semaphore, #tpu.memory_space<semaphore_mem>>
    %dma_start3A_793 = tpu.memref_squeeze %dma_start3A_792 : memref<1x!tpu.dma_semaphore, #tpu.memory_space<semaphore_mem>> -> memref<!tpu.dma_semaphore, #tpu.memory_space<semaphore_mem>>
    tpu.enqueue_indirect_dma source(%dma_start3A_791 : memref<1000000x64xf32, #tpu.memory_space<hbm>>) target(%dma_start3A_785 : memref<128x64xf32, #tpu.memory_space<vmem>>) offsets(%dma_start3A_788 : memref<128xi32, #tpu.memory_space<vmem>>) semaphore(%dma_start3A_793 : memref<!tpu.dma_semaphore, #tpu.memory_space<semaphore_mem>>)
    %dma_start3A_794 = arith.constant 1 : i32
    %dma_start3A_795 = arith.constant 1 : i32
    %dma_start3A_796 = arith.constant 1 : i32
    %dma_start3A_797 = arith.constant 0 : i32
    %dma_start3A_798 = arith.constant 0 : i32
    %dma_start3A_799 = tpu.memref_slice %arg13[%dma_start3A_795, %dma_start3A_797, %dma_start3A_798] : memref<4x200x64xf32, #tpu.memory_space<vmem>> -> memref<1x128x64xf32, #tpu.memory_space<vmem>>
    %dma_start3A_800 = tpu.memref_squeeze %dma_start3A_799 : memref<1x128x64xf32, #tpu.memory_space<vmem>> -> memref<128x64xf32, #tpu.memory_space<vmem>>
    %dma_start3A_801 = arith.constant 0 : i32
    %dma_start3A_802 = tpu.memref_slice %arg11[%dma_start3A_794, %dma_start3A_801] : memref<4x208xi32, #tpu.memory_space<vmem>> -> memref<1x128xi32, #tpu.memory_space<vmem>>
    %dma_start3A_803 = tpu.memref_squeeze %dma_start3A_802 : memref<1x128xi32, #tpu.memory_space<vmem>> -> memref<128xi32, #tpu.memory_space<vmem>>
    %dma_start3A_804 = arith.constant 0 : i32
    %dma_start3A_805 = arith.constant 0 : i32
    %dma_start3A_806 = tpu.memref_slice %arg6[%dma_start3A_804, %dma_start3A_805] : memref<40401x64xf32, #tpu.memory_space<hbm>> -> memref<40401x64xf32, #tpu.memory_space<hbm>>
    %dma_start3A_807 = tpu.memref_slice %arg15[%dma_start3A_796] : memref<4x!tpu.dma_semaphore, #tpu.memory_space<semaphore_mem>> -> memref<1x!tpu.dma_semaphore, #tpu.memory_space<semaphore_mem>>
    %dma_start3A_808 = tpu.memref_squeeze %dma_start3A_807 : memref<1x!tpu.dma_semaphore, #tpu.memory_space<semaphore_mem>> -> memref<!tpu.dma_semaphore, #tpu.memory_space<semaphore_mem>>
    tpu.enqueue_indirect_dma source(%dma_start3A_806 : memref<40401x64xf32, #tpu.memory_space<hbm>>) target(%dma_start3A_800 : memref<128x64xf32, #tpu.memory_space<vmem>>) offsets(%dma_start3A_803 : memref<128xi32, #tpu.memory_space<vmem>>) semaphore(%dma_start3A_808 : memref<!tpu.dma_semaphore, #tpu.memory_space<semaphore_mem>>)
    %dma_start3A_809 = arith.constant 1 : i32
    %dma_start3A_810 = arith.constant 1 : i32
    %dma_start3A_811 = arith.constant 1 : i32
    %dma_start3A_812 = arith.constant 128 : i32
    %dma_start3A_813 = arith.constant 0 : i32
    %dma_start3A_814 = tpu.memref_slice %arg12[%dma_start3A_810, %dma_start3A_812, %dma_start3A_813] : memref<4x200x64xf32, #tpu.memory_space<vmem>> -> memref<1x72x64xf32, #tpu.memory_space<vmem>>
    %dma_start3A_815 = tpu.memref_squeeze %dma_start3A_814 : memref<1x72x64xf32, #tpu.memory_space<vmem>> -> memref<72x64xf32, #tpu.memory_space<vmem>>
    %dma_start3A_816 = arith.constant 128 : i32
    %dma_start3A_817 = tpu.memref_slice %arg8[%dma_start3A_809, %dma_start3A_816] : memref<4x208xi32, #tpu.memory_space<vmem>> -> memref<1x72xi32, #tpu.memory_space<vmem>>
    %dma_start3A_818 = tpu.memref_squeeze %dma_start3A_817 : memref<1x72xi32, #tpu.memory_space<vmem>> -> memref<72xi32, #tpu.memory_space<vmem>>
    %dma_start3A_819 = arith.constant 0 : i32
    %dma_start3A_820 = arith.constant 0 : i32
    %dma_start3A_821 = tpu.memref_slice %arg5[%dma_start3A_819, %dma_start3A_820] : memref<1000000x64xf32, #tpu.memory_space<hbm>> -> memref<1000000x64xf32, #tpu.memory_space<hbm>>
    %dma_start3A_822 = tpu.memref_slice %arg15[%dma_start3A_811] : memref<4x!tpu.dma_semaphore, #tpu.memory_space<semaphore_mem>> -> memref<1x!tpu.dma_semaphore, #tpu.memory_space<semaphore_mem>>
    %dma_start3A_823 = tpu.memref_squeeze %dma_start3A_822 : memref<1x!tpu.dma_semaphore, #tpu.memory_space<semaphore_mem>> -> memref<!tpu.dma_semaphore, #tpu.memory_space<semaphore_mem>>
    tpu.enqueue_indirect_dma source(%dma_start3A_821 : memref<1000000x64xf32, #tpu.memory_space<hbm>>) target(%dma_start3A_815 : memref<72x64xf32, #tpu.memory_space<vmem>>) offsets(%dma_start3A_818 : memref<72xi32, #tpu.memory_space<vmem>>) semaphore(%dma_start3A_823 : memref<!tpu.dma_semaphore, #tpu.memory_space<semaphore_mem>>)
    %dma_start3A_824 = arith.constant 1 : i32
    %dma_start3A_825 = arith.constant 1 : i32
    %dma_start3A_826 = arith.constant 1 : i32
    %dma_start3A_827 = arith.constant 128 : i32
    %dma_start3A_828 = arith.constant 0 : i32
    %dma_start3A_829 = tpu.memref_slice %arg13[%dma_start3A_825, %dma_start3A_827, %dma_start3A_828] : memref<4x200x64xf32, #tpu.memory_space<vmem>> -> memref<1x72x64xf32, #tpu.memory_space<vmem>>
    %dma_start3A_830 = tpu.memref_squeeze %dma_start3A_829 : memref<1x72x64xf32, #tpu.memory_space<vmem>> -> memref<72x64xf32, #tpu.memory_space<vmem>>
    %dma_start3A_831 = arith.constant 128 : i32
    %dma_start3A_832 = tpu.memref_slice %arg11[%dma_start3A_824, %dma_start3A_831] : memref<4x208xi32, #tpu.memory_space<vmem>> -> memref<1x72xi32, #tpu.memory_space<vmem>>
    %dma_start3A_833 = tpu.memref_squeeze %dma_start3A_832 : memref<1x72xi32, #tpu.memory_space<vmem>> -> memref<72xi32, #tpu.memory_space<vmem>>
    %dma_start3A_834 = arith.constant 0 : i32
    %dma_start3A_835 = arith.constant 0 : i32
    %dma_start3A_836 = tpu.memref_slice %arg6[%dma_start3A_834, %dma_start3A_835] : memref<40401x64xf32, #tpu.memory_space<hbm>> -> memref<40401x64xf32, #tpu.memory_space<hbm>>
    %dma_start3A_837 = tpu.memref_slice %arg15[%dma_start3A_826] : memref<4x!tpu.dma_semaphore, #tpu.memory_space<semaphore_mem>> -> memref<1x!tpu.dma_semaphore, #tpu.memory_space<semaphore_mem>>
    %dma_start3A_838 = tpu.memref_squeeze %dma_start3A_837 : memref<1x!tpu.dma_semaphore, #tpu.memory_space<semaphore_mem>> -> memref<!tpu.dma_semaphore, #tpu.memory_space<semaphore_mem>>
    tpu.enqueue_indirect_dma source(%dma_start3A_836 : memref<40401x64xf32, #tpu.memory_space<hbm>>) target(%dma_start3A_830 : memref<72x64xf32, #tpu.memory_space<vmem>>) offsets(%dma_start3A_833 : memref<72xi32, #tpu.memory_space<vmem>>) semaphore(%dma_start3A_838 : memref<!tpu.dma_semaphore, #tpu.memory_space<semaphore_mem>>)
    %add3A_839 = arith.constant 2 : i32
    %add3A_840 = arith.addi %mul3A_2, %add3A_839 : i32
    %dma_start3A_841 = arith.constant 2 : i32
    %dma_start3A_842 = arith.constant 2 : i32
    %dma_start3A_843 = arith.constant 0 : i32
    %dma_start3A_844 = tpu.memref_slice %arg8[%dma_start3A_841, %dma_start3A_843] : memref<4x208xi32, #tpu.memory_space<vmem>> -> memref<1x200xi32, #tpu.memory_space<vmem>>
    %dma_start3A_845 = tpu.memref_squeeze %dma_start3A_844 : memref<1x200xi32, #tpu.memory_space<vmem>> -> memref<200xi32, #tpu.memory_space<vmem>>
    %dma_start3A_846 = arith.constant 0 : i32
    %dma_start3A_847 = tpu.memref_slice %arg2[%add3A_840, %dma_start3A_846] : memref<4096x200xi32, #tpu.memory_space<hbm>> -> memref<1x200xi32, #tpu.memory_space<hbm>>
    %dma_start3A_848 = tpu.memref_squeeze %dma_start3A_847 : memref<1x200xi32, #tpu.memory_space<hbm>> -> memref<200xi32, #tpu.memory_space<hbm>>
    %dma_start3A_849 = tpu.memref_slice %arg14[%dma_start3A_842] : memref<4x!tpu.dma_semaphore, #tpu.memory_space<semaphore_mem>> -> memref<1x!tpu.dma_semaphore, #tpu.memory_space<semaphore_mem>>
    %dma_start3A_850 = tpu.memref_squeeze %dma_start3A_849 : memref<1x!tpu.dma_semaphore, #tpu.memory_space<semaphore_mem>> -> memref<!tpu.dma_semaphore, #tpu.memory_space<semaphore_mem>>
    %dma_start3A_851 = arith.constant 0 : i32
    %dma_start3A_852 = tpu.memref_slice %arg8[%dma_start3A_841, %dma_start3A_851] : memref<4x208xi32, #tpu.memory_space<vmem>> -> memref<1x200xi32, #tpu.memory_space<vmem>>
    %dma_start3A_853 = tpu.memref_squeeze %dma_start3A_852 : memref<1x200xi32, #tpu.memory_space<vmem>> -> memref<200xi32, #tpu.memory_space<vmem>>
    %dma_start3A_854 = arith.constant 0 : i32
    %dma_start3A_855 = tpu.memref_slice %arg2[%add3A_840, %dma_start3A_854] : memref<4096x200xi32, #tpu.memory_space<hbm>> -> memref<1x200xi32, #tpu.memory_space<hbm>>
    %dma_start3A_856 = tpu.memref_squeeze %dma_start3A_855 : memref<1x200xi32, #tpu.memory_space<hbm>> -> memref<200xi32, #tpu.memory_space<hbm>>
    tpu.enqueue_dma source(%dma_start3A_856 : memref<200xi32, #tpu.memory_space<hbm>>) target(%dma_start3A_853 : memref<200xi32, #tpu.memory_space<vmem>>) target_semaphore(%dma_start3A_850 : memref<!tpu.dma_semaphore, #tpu.memory_space<semaphore_mem>>)
    %dma_start3A_857 = arith.constant 2 : i32
    %dma_start3A_858 = arith.constant 2 : i32
    %dma_start3A_859 = arith.constant 0 : i32
    %dma_start3A_860 = tpu.memref_slice %arg9[%dma_start3A_857, %dma_start3A_859] : memref<4x208xi32, #tpu.memory_space<vmem>> -> memref<1x200xi32, #tpu.memory_space<vmem>>
    %dma_start3A_861 = tpu.memref_squeeze %dma_start3A_860 : memref<1x200xi32, #tpu.memory_space<vmem>> -> memref<200xi32, #tpu.memory_space<vmem>>
    %dma_start3A_862 = arith.constant 0 : i32
    %dma_start3A_863 = tpu.memref_slice %arg3[%add3A_840, %dma_start3A_862] : memref<4096x200xi32, #tpu.memory_space<hbm>> -> memref<1x200xi32, #tpu.memory_space<hbm>>
    %dma_start3A_864 = tpu.memref_squeeze %dma_start3A_863 : memref<1x200xi32, #tpu.memory_space<hbm>> -> memref<200xi32, #tpu.memory_space<hbm>>
    %dma_start3A_865 = tpu.memref_slice %arg14[%dma_start3A_858] : memref<4x!tpu.dma_semaphore, #tpu.memory_space<semaphore_mem>> -> memref<1x!tpu.dma_semaphore, #tpu.memory_space<semaphore_mem>>
    %dma_start3A_866 = tpu.memref_squeeze %dma_start3A_865 : memref<1x!tpu.dma_semaphore, #tpu.memory_space<semaphore_mem>> -> memref<!tpu.dma_semaphore, #tpu.memory_space<semaphore_mem>>
    %dma_start3A_867 = arith.constant 0 : i32
    %dma_start3A_868 = tpu.memref_slice %arg9[%dma_start3A_857, %dma_start3A_867] : memref<4x208xi32, #tpu.memory_space<vmem>> -> memref<1x200xi32, #tpu.memory_space<vmem>>
    %dma_start3A_869 = tpu.memref_squeeze %dma_start3A_868 : memref<1x200xi32, #tpu.memory_space<vmem>> -> memref<200xi32, #tpu.memory_space<vmem>>
    %dma_start3A_870 = arith.constant 0 : i32
    %dma_start3A_871 = tpu.memref_slice %arg3[%add3A_840, %dma_start3A_870] : memref<4096x200xi32, #tpu.memory_space<hbm>> -> memref<1x200xi32, #tpu.memory_space<hbm>>
    %dma_start3A_872 = tpu.memref_squeeze %dma_start3A_871 : memref<1x200xi32, #tpu.memory_space<hbm>> -> memref<200xi32, #tpu.memory_space<hbm>>
    tpu.enqueue_dma source(%dma_start3A_872 : memref<200xi32, #tpu.memory_space<hbm>>) target(%dma_start3A_869 : memref<200xi32, #tpu.memory_space<vmem>>) target_semaphore(%dma_start3A_866 : memref<!tpu.dma_semaphore, #tpu.memory_space<semaphore_mem>>)
    %dma_start3A_873 = arith.constant 2 : i32
    %dma_start3A_874 = arith.constant 2 : i32
    %dma_start3A_875 = arith.constant 0 : i32
    %dma_start3A_876 = tpu.memref_slice %arg10[%dma_start3A_873, %dma_start3A_875] : memref<4x208xi32, #tpu.memory_space<vmem>> -> memref<1x200xi32, #tpu.memory_space<vmem>>
    %dma_start3A_877 = tpu.memref_squeeze %dma_start3A_876 : memref<1x200xi32, #tpu.memory_space<vmem>> -> memref<200xi32, #tpu.memory_space<vmem>>
    %dma_start3A_878 = arith.constant 0 : i32
    %dma_start3A_879 = tpu.memref_slice %arg4[%add3A_840, %dma_start3A_878] : memref<4096x200xi32, #tpu.memory_space<hbm>> -> memref<1x200xi32, #tpu.memory_space<hbm>>
    %dma_start3A_880 = tpu.memref_squeeze %dma_start3A_879 : memref<1x200xi32, #tpu.memory_space<hbm>> -> memref<200xi32, #tpu.memory_space<hbm>>
    %dma_start3A_881 = tpu.memref_slice %arg14[%dma_start3A_874] : memref<4x!tpu.dma_semaphore, #tpu.memory_space<semaphore_mem>> -> memref<1x!tpu.dma_semaphore, #tpu.memory_space<semaphore_mem>>
    %dma_start3A_882 = tpu.memref_squeeze %dma_start3A_881 : memref<1x!tpu.dma_semaphore, #tpu.memory_space<semaphore_mem>> -> memref<!tpu.dma_semaphore, #tpu.memory_space<semaphore_mem>>
    %dma_start3A_883 = arith.constant 0 : i32
    %dma_start3A_884 = tpu.memref_slice %arg10[%dma_start3A_873, %dma_start3A_883] : memref<4x208xi32, #tpu.memory_space<vmem>> -> memref<1x200xi32, #tpu.memory_space<vmem>>
    %dma_start3A_885 = tpu.memref_squeeze %dma_start3A_884 : memref<1x200xi32, #tpu.memory_space<vmem>> -> memref<200xi32, #tpu.memory_space<vmem>>
    %dma_start3A_886 = arith.constant 0 : i32
    %dma_start3A_887 = tpu.memref_slice %arg4[%add3A_840, %dma_start3A_886] : memref<4096x200xi32, #tpu.memory_space<hbm>> -> memref<1x200xi32, #tpu.memory_space<hbm>>
    %dma_start3A_888 = tpu.memref_squeeze %dma_start3A_887 : memref<1x200xi32, #tpu.memory_space<hbm>> -> memref<200xi32, #tpu.memory_space<hbm>>
    tpu.enqueue_dma source(%dma_start3A_888 : memref<200xi32, #tpu.memory_space<hbm>>) target(%dma_start3A_885 : memref<200xi32, #tpu.memory_space<vmem>>) target_semaphore(%dma_start3A_882 : memref<!tpu.dma_semaphore, #tpu.memory_space<semaphore_mem>>)
    %scan3A = arith.constant 0 : i32
    %scan3A_889 = arith.constant 0 : i32
    %scan3A_890 = arith.constant 32 : i32
    %scan3A_891 = arith.addi %scan3A_889, %scan3A_890 : i32
    %scan3A_892 = arith.constant 1 : i32
    scf.for %scan3A_978 = %scan3A_889 to %scan3A_891 step %scan3A_892  : i32 {
      %mul3A_979 = arith.constant 4 : i32
      %mul3A_980 = arith.muli %mul3A_979, %scan3A_978 : i32
      %add3A_981 = arith.constant 0 : i32
      %add3A_982 = arith.addi %mul3A_980, %add3A_981 : i32
      %ge3A = arith.constant 2 : i32
      %ge3A_983 = arith.cmpi sge, %add3A_982, %ge3A : i32
      %convert_element_type3A = arith.extui %ge3A_983 : i1 to i32
      %cond3A = arith.constant 0 : i32
      %cond3A_984 = arith.cmpi ne, %convert_element_type3A, %cond3A : i32
      scf.if %cond3A_984 {
        %sub3A = arith.constant 2 : i32
        %sub3A_1465 = arith.subi %add3A_982, %sub3A : i32
        %add3A_1466 = arith.addi %mul3A_2, %sub3A_1465 : i32
        %dma_wait3A_1467 = arith.constant 2 : i32
        %dma_wait3A_1468 = arith.constant 2 : i32
        %dma_wait3A_1469 = arith.constant 0 : i32
        %dma_wait3A_1470 = arith.constant 0 : i32
        %dma_wait3A_1471 = tpu.memref_slice %arg12[%dma_wait3A_1467, %dma_wait3A_1469, %dma_wait3A_1470] : memref<4x200x64xf32, #tpu.memory_space<vmem>> -> memref<1x200x64xf32, #tpu.memory_space<vmem>>
        %dma_wait3A_1472 = tpu.memref_squeeze %dma_wait3A_1471 : memref<1x200x64xf32, #tpu.memory_space<vmem>> -> memref<200x64xf32, #tpu.memory_space<vmem>>
        %dma_wait3A_1473 = arith.constant 0 : i32
        %dma_wait3A_1474 = arith.constant 0 : i32
        %dma_wait3A_1475 = tpu.memref_slice %arg7[%add3A_1466, %dma_wait3A_1473, %dma_wait3A_1474] : memref<4096x200x128xf32, #tpu.memory_space<hbm>> -> memref<1x200x64xf32, #tpu.memory_space<hbm>>
        %dma_wait3A_1476 = tpu.memref_squeeze %dma_wait3A_1475 : memref<1x200x64xf32, #tpu.memory_space<hbm>> -> memref<200x64xf32, #tpu.memory_space<hbm>>
        %dma_wait3A_1477 = tpu.memref_slice %arg16[%dma_wait3A_1468] : memref<4x!tpu.dma_semaphore, #tpu.memory_space<semaphore_mem>> -> memref<1x!tpu.dma_semaphore, #tpu.memory_space<semaphore_mem>>
        %dma_wait3A_1478 = tpu.memref_squeeze %dma_wait3A_1477 : memref<1x!tpu.dma_semaphore, #tpu.memory_space<semaphore_mem>> -> memref<!tpu.dma_semaphore, #tpu.memory_space<semaphore_mem>>
        %dma_wait3A_1479 = arith.constant 0 : i32
        %dma_wait3A_1480 = arith.constant 0 : i32
        %dma_wait3A_1481 = tpu.memref_slice %arg7[%add3A_1466, %dma_wait3A_1479, %dma_wait3A_1480] : memref<4096x200x128xf32, #tpu.memory_space<hbm>> -> memref<1x200x64xf32, #tpu.memory_space<hbm>>
        %dma_wait3A_1482 = tpu.memref_squeeze %dma_wait3A_1481 : memref<1x200x64xf32, #tpu.memory_space<hbm>> -> memref<200x64xf32, #tpu.memory_space<hbm>>
        %dma_wait3A_1483 = arith.constant 0 : i32
        %dma_wait3A_1484 = arith.constant 0 : i32
        %dma_wait3A_1485 = tpu.memref_slice %arg12[%dma_wait3A_1467, %dma_wait3A_1483, %dma_wait3A_1484] : memref<4x200x64xf32, #tpu.memory_space<vmem>> -> memref<1x200x64xf32, #tpu.memory_space<vmem>>
        %dma_wait3A_1486 = tpu.memref_squeeze %dma_wait3A_1485 : memref<1x200x64xf32, #tpu.memory_space<vmem>> -> memref<200x64xf32, #tpu.memory_space<vmem>>
        tpu.wait_dma2 semaphore(%dma_wait3A_1478 : memref<!tpu.dma_semaphore, #tpu.memory_space<semaphore_mem>>) src(%dma_wait3A_1486 : memref<200x64xf32, #tpu.memory_space<vmem>>) dst(%dma_wait3A_1482 : memref<200x64xf32, #tpu.memory_space<hbm>>)
        %dma_wait3A_1487 = arith.constant 2 : i32
        %dma_wait3A_1488 = arith.constant 2 : i32
        %dma_wait3A_1489 = arith.constant 0 : i32
        %dma_wait3A_1490 = arith.constant 0 : i32
        %dma_wait3A_1491 = tpu.memref_slice %arg13[%dma_wait3A_1487, %dma_wait3A_1489, %dma_wait3A_1490] : memref<4x200x64xf32, #tpu.memory_space<vmem>> -> memref<1x200x64xf32, #tpu.memory_space<vmem>>
        %dma_wait3A_1492 = tpu.memref_squeeze %dma_wait3A_1491 : memref<1x200x64xf32, #tpu.memory_space<vmem>> -> memref<200x64xf32, #tpu.memory_space<vmem>>
        %dma_wait3A_1493 = arith.constant 0 : i32
        %dma_wait3A_1494 = arith.constant 64 : i32
        %dma_wait3A_1495 = tpu.memref_slice %arg7[%add3A_1466, %dma_wait3A_1493, %dma_wait3A_1494] : memref<4096x200x128xf32, #tpu.memory_space<hbm>> -> memref<1x200x64xf32, #tpu.memory_space<hbm>>
        %dma_wait3A_1496 = tpu.memref_squeeze %dma_wait3A_1495 : memref<1x200x64xf32, #tpu.memory_space<hbm>> -> memref<200x64xf32, #tpu.memory_space<hbm>>
        %dma_wait3A_1497 = tpu.memref_slice %arg16[%dma_wait3A_1488] : memref<4x!tpu.dma_semaphore, #tpu.memory_space<semaphore_mem>> -> memref<1x!tpu.dma_semaphore, #tpu.memory_space<semaphore_mem>>
        %dma_wait3A_1498 = tpu.memref_squeeze %dma_wait3A_1497 : memref<1x!tpu.dma_semaphore, #tpu.memory_space<semaphore_mem>> -> memref<!tpu.dma_semaphore, #tpu.memory_space<semaphore_mem>>
        %dma_wait3A_1499 = arith.constant 0 : i32
        %dma_wait3A_1500 = arith.constant 64 : i32
        %dma_wait3A_1501 = tpu.memref_slice %arg7[%add3A_1466, %dma_wait3A_1499, %dma_wait3A_1500] : memref<4096x200x128xf32, #tpu.memory_space<hbm>> -> memref<1x200x64xf32, #tpu.memory_space<hbm>>
        %dma_wait3A_1502 = tpu.memref_squeeze %dma_wait3A_1501 : memref<1x200x64xf32, #tpu.memory_space<hbm>> -> memref<200x64xf32, #tpu.memory_space<hbm>>
        %dma_wait3A_1503 = arith.constant 0 : i32
        %dma_wait3A_1504 = arith.constant 0 : i32
        %dma_wait3A_1505 = tpu.memref_slice %arg13[%dma_wait3A_1487, %dma_wait3A_1503, %dma_wait3A_1504] : memref<4x200x64xf32, #tpu.memory_space<vmem>> -> memref<1x200x64xf32, #tpu.memory_space<vmem>>
        %dma_wait3A_1506 = tpu.memref_squeeze %dma_wait3A_1505 : memref<1x200x64xf32, #tpu.memory_space<vmem>> -> memref<200x64xf32, #tpu.memory_space<vmem>>
        tpu.wait_dma2 semaphore(%dma_wait3A_1498 : memref<!tpu.dma_semaphore, #tpu.memory_space<semaphore_mem>>) src(%dma_wait3A_1506 : memref<200x64xf32, #tpu.memory_space<vmem>>) dst(%dma_wait3A_1502 : memref<200x64xf32, #tpu.memory_space<hbm>>)
      } else {
      }
      %add3A_985 = arith.constant 2 : i32
      %add3A_986 = arith.addi %add3A_982, %add3A_985 : i32
      %lt3A = arith.constant 128 : i32
      %lt3A_987 = arith.cmpi slt, %add3A_986, %lt3A : i32
      %convert_element_type3A_988 = arith.extui %lt3A_987 : i1 to i32
      %cond3A_989 = arith.constant 0 : i32
      %cond3A_990 = arith.cmpi ne, %convert_element_type3A_988, %cond3A_989 : i32
      scf.if %cond3A_990 {
        %add3A_1465 = arith.constant 2 : i32
        %add3A_1466 = arith.addi %add3A_982, %add3A_1465 : i32
        %add3A_1467 = arith.addi %mul3A_2, %add3A_1466 : i32
        %dma_wait3A_1468 = arith.constant 2 : i32
        %dma_wait3A_1469 = arith.constant 2 : i32
        %dma_wait3A_1470 = arith.constant 0 : i32
        %dma_wait3A_1471 = tpu.memref_slice %arg8[%dma_wait3A_1468, %dma_wait3A_1470] : memref<4x208xi32, #tpu.memory_space<vmem>> -> memref<1x200xi32, #tpu.memory_space<vmem>>
        %dma_wait3A_1472 = tpu.memref_squeeze %dma_wait3A_1471 : memref<1x200xi32, #tpu.memory_space<vmem>> -> memref<200xi32, #tpu.memory_space<vmem>>
        %dma_wait3A_1473 = arith.constant 0 : i32
        %dma_wait3A_1474 = tpu.memref_slice %arg2[%add3A_1467, %dma_wait3A_1473] : memref<4096x200xi32, #tpu.memory_space<hbm>> -> memref<1x200xi32, #tpu.memory_space<hbm>>
        %dma_wait3A_1475 = tpu.memref_squeeze %dma_wait3A_1474 : memref<1x200xi32, #tpu.memory_space<hbm>> -> memref<200xi32, #tpu.memory_space<hbm>>
        %dma_wait3A_1476 = tpu.memref_slice %arg14[%dma_wait3A_1469] : memref<4x!tpu.dma_semaphore, #tpu.memory_space<semaphore_mem>> -> memref<1x!tpu.dma_semaphore, #tpu.memory_space<semaphore_mem>>
        %dma_wait3A_1477 = tpu.memref_squeeze %dma_wait3A_1476 : memref<1x!tpu.dma_semaphore, #tpu.memory_space<semaphore_mem>> -> memref<!tpu.dma_semaphore, #tpu.memory_space<semaphore_mem>>
        %dma_wait3A_1478 = arith.constant 0 : i32
        %dma_wait3A_1479 = tpu.memref_slice %arg8[%dma_wait3A_1468, %dma_wait3A_1478] : memref<4x208xi32, #tpu.memory_space<vmem>> -> memref<1x200xi32, #tpu.memory_space<vmem>>
        %dma_wait3A_1480 = tpu.memref_squeeze %dma_wait3A_1479 : memref<1x200xi32, #tpu.memory_space<vmem>> -> memref<200xi32, #tpu.memory_space<vmem>>
        %dma_wait3A_1481 = arith.constant 0 : i32
        %dma_wait3A_1482 = tpu.memref_slice %arg2[%add3A_1467, %dma_wait3A_1481] : memref<4096x200xi32, #tpu.memory_space<hbm>> -> memref<1x200xi32, #tpu.memory_space<hbm>>
        %dma_wait3A_1483 = tpu.memref_squeeze %dma_wait3A_1482 : memref<1x200xi32, #tpu.memory_space<hbm>> -> memref<200xi32, #tpu.memory_space<hbm>>
        tpu.wait_dma2 semaphore(%dma_wait3A_1477 : memref<!tpu.dma_semaphore, #tpu.memory_space<semaphore_mem>>) src(%dma_wait3A_1483 : memref<200xi32, #tpu.memory_space<hbm>>) dst(%dma_wait3A_1480 : memref<200xi32, #tpu.memory_space<vmem>>)
        %dma_wait3A_1484 = arith.constant 2 : i32
        %dma_wait3A_1485 = arith.constant 2 : i32
        %dma_wait3A_1486 = arith.constant 0 : i32
        %dma_wait3A_1487 = tpu.memref_slice %arg9[%dma_wait3A_1484, %dma_wait3A_1486] : memref<4x208xi32, #tpu.memory_space<vmem>> -> memref<1x200xi32, #tpu.memory_space<vmem>>
        %dma_wait3A_1488 = tpu.memref_squeeze %dma_wait3A_1487 : memref<1x200xi32, #tpu.memory_space<vmem>> -> memref<200xi32, #tpu.memory_space<vmem>>
        %dma_wait3A_1489 = arith.constant 0 : i32
        %dma_wait3A_1490 = tpu.memref_slice %arg3[%add3A_1467, %dma_wait3A_1489] : memref<4096x200xi32, #tpu.memory_space<hbm>> -> memref<1x200xi32, #tpu.memory_space<hbm>>
        %dma_wait3A_1491 = tpu.memref_squeeze %dma_wait3A_1490 : memref<1x200xi32, #tpu.memory_space<hbm>> -> memref<200xi32, #tpu.memory_space<hbm>>
        %dma_wait3A_1492 = tpu.memref_slice %arg14[%dma_wait3A_1485] : memref<4x!tpu.dma_semaphore, #tpu.memory_space<semaphore_mem>> -> memref<1x!tpu.dma_semaphore, #tpu.memory_space<semaphore_mem>>
        %dma_wait3A_1493 = tpu.memref_squeeze %dma_wait3A_1492 : memref<1x!tpu.dma_semaphore, #tpu.memory_space<semaphore_mem>> -> memref<!tpu.dma_semaphore, #tpu.memory_space<semaphore_mem>>
        %dma_wait3A_1494 = arith.constant 0 : i32
        %dma_wait3A_1495 = tpu.memref_slice %arg9[%dma_wait3A_1484, %dma_wait3A_1494] : memref<4x208xi32, #tpu.memory_space<vmem>> -> memref<1x200xi32, #tpu.memory_space<vmem>>
        %dma_wait3A_1496 = tpu.memref_squeeze %dma_wait3A_1495 : memref<1x200xi32, #tpu.memory_space<vmem>> -> memref<200xi32, #tpu.memory_space<vmem>>
        %dma_wait3A_1497 = arith.constant 0 : i32
        %dma_wait3A_1498 = tpu.memref_slice %arg3[%add3A_1467, %dma_wait3A_1497] : memref<4096x200xi32, #tpu.memory_space<hbm>> -> memref<1x200xi32, #tpu.memory_space<hbm>>
        %dma_wait3A_1499 = tpu.memref_squeeze %dma_wait3A_1498 : memref<1x200xi32, #tpu.memory_space<hbm>> -> memref<200xi32, #tpu.memory_space<hbm>>
        tpu.wait_dma2 semaphore(%dma_wait3A_1493 : memref<!tpu.dma_semaphore, #tpu.memory_space<semaphore_mem>>) src(%dma_wait3A_1499 : memref<200xi32, #tpu.memory_space<hbm>>) dst(%dma_wait3A_1496 : memref<200xi32, #tpu.memory_space<vmem>>)
        %dma_wait3A_1500 = arith.constant 2 : i32
        %dma_wait3A_1501 = arith.constant 2 : i32
        %dma_wait3A_1502 = arith.constant 0 : i32
        %dma_wait3A_1503 = tpu.memref_slice %arg10[%dma_wait3A_1500, %dma_wait3A_1502] : memref<4x208xi32, #tpu.memory_space<vmem>> -> memref<1x200xi32, #tpu.memory_space<vmem>>
        %dma_wait3A_1504 = tpu.memref_squeeze %dma_wait3A_1503 : memref<1x200xi32, #tpu.memory_space<vmem>> -> memref<200xi32, #tpu.memory_space<vmem>>
        %dma_wait3A_1505 = arith.constant 0 : i32
        %dma_wait3A_1506 = tpu.memref_slice %arg4[%add3A_1467, %dma_wait3A_1505] : memref<4096x200xi32, #tpu.memory_space<hbm>> -> memref<1x200xi32, #tpu.memory_space<hbm>>
        %dma_wait3A_1507 = tpu.memref_squeeze %dma_wait3A_1506 : memref<1x200xi32, #tpu.memory_space<hbm>> -> memref<200xi32, #tpu.memory_space<hbm>>
        %dma_wait3A_1508 = tpu.memref_slice %arg14[%dma_wait3A_1501] : memref<4x!tpu.dma_semaphore, #tpu.memory_space<semaphore_mem>> -> memref<1x!tpu.dma_semaphore, #tpu.memory_space<semaphore_mem>>
        %dma_wait3A_1509 = tpu.memref_squeeze %dma_wait3A_1508 : memref<1x!tpu.dma_semaphore, #tpu.memory_space<semaphore_mem>> -> memref<!tpu.dma_semaphore, #tpu.memory_space<semaphore_mem>>
        %dma_wait3A_1510 = arith.constant 0 : i32
        %dma_wait3A_1511 = tpu.memref_slice %arg10[%dma_wait3A_1500, %dma_wait3A_1510] : memref<4x208xi32, #tpu.memory_space<vmem>> -> memref<1x200xi32, #tpu.memory_space<vmem>>
        %dma_wait3A_1512 = tpu.memref_squeeze %dma_wait3A_1511 : memref<1x200xi32, #tpu.memory_space<vmem>> -> memref<200xi32, #tpu.memory_space<vmem>>
        %dma_wait3A_1513 = arith.constant 0 : i32
        %dma_wait3A_1514 = tpu.memref_slice %arg4[%add3A_1467, %dma_wait3A_1513] : memref<4096x200xi32, #tpu.memory_space<hbm>> -> memref<1x200xi32, #tpu.memory_space<hbm>>
        %dma_wait3A_1515 = tpu.memref_squeeze %dma_wait3A_1514 : memref<1x200xi32, #tpu.memory_space<hbm>> -> memref<200xi32, #tpu.memory_space<hbm>>
        tpu.wait_dma2 semaphore(%dma_wait3A_1509 : memref<!tpu.dma_semaphore, #tpu.memory_space<semaphore_mem>>) src(%dma_wait3A_1515 : memref<200xi32, #tpu.memory_space<hbm>>) dst(%dma_wait3A_1512 : memref<200xi32, #tpu.memory_space<vmem>>)
        %get3A_1516 = arith.constant 2 : i32
        %get3A_1517 = arith.index_cast %get3A_1516 : i32 to index
        %get3A_1518 = arith.constant 0 : index
        %get3A_1519 = tpu.vector_load %arg9[%get3A_1517, %get3A_1518] {strides = array<i32>} : memref<4x208xi32, #tpu.memory_space<vmem>>, vector<1x16xi32>,
        %get3A_1520 = vector.shape_cast %get3A_1519 : vector<1x16xi32> to vector<16xi32>
        %mul3A_1521 = arith.constant 201 : i32
        %mul3A_1522 = vector.broadcast %mul3A_1521 : i32 to vector<16xi32>
        %mul3A_1523 = arith.muli %get3A_1520, %mul3A_1522 : vector<16xi32>
        %get3A_1524 = arith.constant 2 : i32
        %get3A_1525 = arith.index_cast %get3A_1524 : i32 to index
        %get3A_1526 = arith.constant 0 : index
        %get3A_1527 = tpu.vector_load %arg10[%get3A_1525, %get3A_1526] {strides = array<i32>} : memref<4x208xi32, #tpu.memory_space<vmem>>, vector<1x16xi32>,
        %get3A_1528 = vector.shape_cast %get3A_1527 : vector<1x16xi32> to vector<16xi32>
        %add3A_1529 = arith.addi %mul3A_1523, %get3A_1528 : vector<16xi32>
        %swap3A_1530 = arith.constant 2 : i32
        %swap3A_1531 = arith.index_cast %swap3A_1530 : i32 to index
        %swap3A_1532 = arith.constant 0 : index
        %swap3A_1533 = tpu.vector_load %arg11[%swap3A_1531, %swap3A_1532] {strides = array<i32>} : memref<4x208xi32, #tpu.memory_space<vmem>>, vector<1x16xi32>,
        %swap3A_1534 = vector.shape_cast %swap3A_1533 : vector<1x16xi32> to vector<16xi32>
        %swap3A_1535 = vector.shape_cast %add3A_1529 : vector<16xi32> to vector<1x16xi32>
        tpu.vector_store %arg11[%swap3A_1531, %swap3A_1532], %swap3A_1535 {strides = array<i32>} : memref<4x208xi32, #tpu.memory_space<vmem>>, vector<1x16xi32>,
        %get3A_1536 = arith.constant 2 : i32
        %get3A_1537 = arith.index_cast %get3A_1536 : i32 to index
        %get3A_1538 = arith.constant 16 : index
        %get3A_1539 = tpu.vector_load %arg9[%get3A_1537, %get3A_1538] {strides = array<i32>} : memref<4x208xi32, #tpu.memory_space<vmem>>, vector<1x16xi32>,
        %get3A_1540 = vector.shape_cast %get3A_1539 : vector<1x16xi32> to vector<16xi32>
        %mul3A_1541 = arith.constant 201 : i32
        %mul3A_1542 = vector.broadcast %mul3A_1541 : i32 to vector<16xi32>
        %mul3A_1543 = arith.muli %get3A_1540, %mul3A_1542 : vector<16xi32>
        %get3A_1544 = arith.constant 2 : i32
        %get3A_1545 = arith.index_cast %get3A_1544 : i32 to index
        %get3A_1546 = arith.constant 16 : index
        %get3A_1547 = tpu.vector_load %arg10[%get3A_1545, %get3A_1546] {strides = array<i32>} : memref<4x208xi32, #tpu.memory_space<vmem>>, vector<1x16xi32>,
        %get3A_1548 = vector.shape_cast %get3A_1547 : vector<1x16xi32> to vector<16xi32>
        %add3A_1549 = arith.addi %mul3A_1543, %get3A_1548 : vector<16xi32>
        %swap3A_1550 = arith.constant 2 : i32
        %swap3A_1551 = arith.index_cast %swap3A_1550 : i32 to index
        %swap3A_1552 = arith.constant 16 : index
        %swap3A_1553 = tpu.vector_load %arg11[%swap3A_1551, %swap3A_1552] {strides = array<i32>} : memref<4x208xi32, #tpu.memory_space<vmem>>, vector<1x16xi32>,
        %swap3A_1554 = vector.shape_cast %swap3A_1553 : vector<1x16xi32> to vector<16xi32>
        %swap3A_1555 = vector.shape_cast %add3A_1549 : vector<16xi32> to vector<1x16xi32>
        tpu.vector_store %arg11[%swap3A_1551, %swap3A_1552], %swap3A_1555 {strides = array<i32>} : memref<4x208xi32, #tpu.memory_space<vmem>>, vector<1x16xi32>,
        %get3A_1556 = arith.constant 2 : i32
        %get3A_1557 = arith.index_cast %get3A_1556 : i32 to index
        %get3A_1558 = arith.constant 32 : index
        %get3A_1559 = tpu.vector_load %arg9[%get3A_1557, %get3A_1558] {strides = array<i32>} : memref<4x208xi32, #tpu.memory_space<vmem>>, vector<1x16xi32>,
        %get3A_1560 = vector.shape_cast %get3A_1559 : vector<1x16xi32> to vector<16xi32>
        %mul3A_1561 = arith.constant 201 : i32
        %mul3A_1562 = vector.broadcast %mul3A_1561 : i32 to vector<16xi32>
        %mul3A_1563 = arith.muli %get3A_1560, %mul3A_1562 : vector<16xi32>
        %get3A_1564 = arith.constant 2 : i32
        %get3A_1565 = arith.index_cast %get3A_1564 : i32 to index
        %get3A_1566 = arith.constant 32 : index
        %get3A_1567 = tpu.vector_load %arg10[%get3A_1565, %get3A_1566] {strides = array<i32>} : memref<4x208xi32, #tpu.memory_space<vmem>>, vector<1x16xi32>,
        %get3A_1568 = vector.shape_cast %get3A_1567 : vector<1x16xi32> to vector<16xi32>
        %add3A_1569 = arith.addi %mul3A_1563, %get3A_1568 : vector<16xi32>
        %swap3A_1570 = arith.constant 2 : i32
        %swap3A_1571 = arith.index_cast %swap3A_1570 : i32 to index
        %swap3A_1572 = arith.constant 32 : index
        %swap3A_1573 = tpu.vector_load %arg11[%swap3A_1571, %swap3A_1572] {strides = array<i32>} : memref<4x208xi32, #tpu.memory_space<vmem>>, vector<1x16xi32>,
        %swap3A_1574 = vector.shape_cast %swap3A_1573 : vector<1x16xi32> to vector<16xi32>
        %swap3A_1575 = vector.shape_cast %add3A_1569 : vector<16xi32> to vector<1x16xi32>
        tpu.vector_store %arg11[%swap3A_1571, %swap3A_1572], %swap3A_1575 {strides = array<i32>} : memref<4x208xi32, #tpu.memory_space<vmem>>, vector<1x16xi32>,
        %get3A_1576 = arith.constant 2 : i32
        %get3A_1577 = arith.index_cast %get3A_1576 : i32 to index
        %get3A_1578 = arith.constant 48 : index
        %get3A_1579 = tpu.vector_load %arg9[%get3A_1577, %get3A_1578] {strides = array<i32>} : memref<4x208xi32, #tpu.memory_space<vmem>>, vector<1x16xi32>,
        %get3A_1580 = vector.shape_cast %get3A_1579 : vector<1x16xi32> to vector<16xi32>
        %mul3A_1581 = arith.constant 201 : i32
        %mul3A_1582 = vector.broadcast %mul3A_1581 : i32 to vector<16xi32>
        %mul3A_1583 = arith.muli %get3A_1580, %mul3A_1582 : vector<16xi32>
        %get3A_1584 = arith.constant 2 : i32
        %get3A_1585 = arith.index_cast %get3A_1584 : i32 to index
        %get3A_1586 = arith.constant 48 : index
        %get3A_1587 = tpu.vector_load %arg10[%get3A_1585, %get3A_1586] {strides = array<i32>} : memref<4x208xi32, #tpu.memory_space<vmem>>, vector<1x16xi32>,
        %get3A_1588 = vector.shape_cast %get3A_1587 : vector<1x16xi32> to vector<16xi32>
        %add3A_1589 = arith.addi %mul3A_1583, %get3A_1588 : vector<16xi32>
        %swap3A_1590 = arith.constant 2 : i32
        %swap3A_1591 = arith.index_cast %swap3A_1590 : i32 to index
        %swap3A_1592 = arith.constant 48 : index
        %swap3A_1593 = tpu.vector_load %arg11[%swap3A_1591, %swap3A_1592] {strides = array<i32>} : memref<4x208xi32, #tpu.memory_space<vmem>>, vector<1x16xi32>,
        %swap3A_1594 = vector.shape_cast %swap3A_1593 : vector<1x16xi32> to vector<16xi32>
        %swap3A_1595 = vector.shape_cast %add3A_1589 : vector<16xi32> to vector<1x16xi32>
        tpu.vector_store %arg11[%swap3A_1591, %swap3A_1592], %swap3A_1595 {strides = array<i32>} : memref<4x208xi32, #tpu.memory_space<vmem>>, vector<1x16xi32>,
        %get3A_1596 = arith.constant 2 : i32
        %get3A_1597 = arith.index_cast %get3A_1596 : i32 to index
        %get3A_1598 = arith.constant 64 : index
        %get3A_1599 = tpu.vector_load %arg9[%get3A_1597, %get3A_1598] {strides = array<i32>} : memref<4x208xi32, #tpu.memory_space<vmem>>, vector<1x16xi32>,
        %get3A_1600 = vector.shape_cast %get3A_1599 : vector<1x16xi32> to vector<16xi32>
        %mul3A_1601 = arith.constant 201 : i32
        %mul3A_1602 = vector.broadcast %mul3A_1601 : i32 to vector<16xi32>
        %mul3A_1603 = arith.muli %get3A_1600, %mul3A_1602 : vector<16xi32>
        %get3A_1604 = arith.constant 2 : i32
        %get3A_1605 = arith.index_cast %get3A_1604 : i32 to index
        %get3A_1606 = arith.constant 64 : index
        %get3A_1607 = tpu.vector_load %arg10[%get3A_1605, %get3A_1606] {strides = array<i32>} : memref<4x208xi32, #tpu.memory_space<vmem>>, vector<1x16xi32>,
        %get3A_1608 = vector.shape_cast %get3A_1607 : vector<1x16xi32> to vector<16xi32>
        %add3A_1609 = arith.addi %mul3A_1603, %get3A_1608 : vector<16xi32>
        %swap3A_1610 = arith.constant 2 : i32
        %swap3A_1611 = arith.index_cast %swap3A_1610 : i32 to index
        %swap3A_1612 = arith.constant 64 : index
        %swap3A_1613 = tpu.vector_load %arg11[%swap3A_1611, %swap3A_1612] {strides = array<i32>} : memref<4x208xi32, #tpu.memory_space<vmem>>, vector<1x16xi32>,
        %swap3A_1614 = vector.shape_cast %swap3A_1613 : vector<1x16xi32> to vector<16xi32>
        %swap3A_1615 = vector.shape_cast %add3A_1609 : vector<16xi32> to vector<1x16xi32>
        tpu.vector_store %arg11[%swap3A_1611, %swap3A_1612], %swap3A_1615 {strides = array<i32>} : memref<4x208xi32, #tpu.memory_space<vmem>>, vector<1x16xi32>,
        %get3A_1616 = arith.constant 2 : i32
        %get3A_1617 = arith.index_cast %get3A_1616 : i32 to index
        %get3A_1618 = arith.constant 80 : index
        %get3A_1619 = tpu.vector_load %arg9[%get3A_1617, %get3A_1618] {strides = array<i32>} : memref<4x208xi32, #tpu.memory_space<vmem>>, vector<1x16xi32>,
        %get3A_1620 = vector.shape_cast %get3A_1619 : vector<1x16xi32> to vector<16xi32>
        %mul3A_1621 = arith.constant 201 : i32
        %mul3A_1622 = vector.broadcast %mul3A_1621 : i32 to vector<16xi32>
        %mul3A_1623 = arith.muli %get3A_1620, %mul3A_1622 : vector<16xi32>
        %get3A_1624 = arith.constant 2 : i32
        %get3A_1625 = arith.index_cast %get3A_1624 : i32 to index
        %get3A_1626 = arith.constant 80 : index
        %get3A_1627 = tpu.vector_load %arg10[%get3A_1625, %get3A_1626] {strides = array<i32>} : memref<4x208xi32, #tpu.memory_space<vmem>>, vector<1x16xi32>,
        %get3A_1628 = vector.shape_cast %get3A_1627 : vector<1x16xi32> to vector<16xi32>
        %add3A_1629 = arith.addi %mul3A_1623, %get3A_1628 : vector<16xi32>
        %swap3A_1630 = arith.constant 2 : i32
        %swap3A_1631 = arith.index_cast %swap3A_1630 : i32 to index
        %swap3A_1632 = arith.constant 80 : index
        %swap3A_1633 = tpu.vector_load %arg11[%swap3A_1631, %swap3A_1632] {strides = array<i32>} : memref<4x208xi32, #tpu.memory_space<vmem>>, vector<1x16xi32>,
        %swap3A_1634 = vector.shape_cast %swap3A_1633 : vector<1x16xi32> to vector<16xi32>
        %swap3A_1635 = vector.shape_cast %add3A_1629 : vector<16xi32> to vector<1x16xi32>
        tpu.vector_store %arg11[%swap3A_1631, %swap3A_1632], %swap3A_1635 {strides = array<i32>} : memref<4x208xi32, #tpu.memory_space<vmem>>, vector<1x16xi32>,
        %get3A_1636 = arith.constant 2 : i32
        %get3A_1637 = arith.index_cast %get3A_1636 : i32 to index
        %get3A_1638 = arith.constant 96 : index
        %get3A_1639 = tpu.vector_load %arg9[%get3A_1637, %get3A_1638] {strides = array<i32>} : memref<4x208xi32, #tpu.memory_space<vmem>>, vector<1x16xi32>,
        %get3A_1640 = vector.shape_cast %get3A_1639 : vector<1x16xi32> to vector<16xi32>
        %mul3A_1641 = arith.constant 201 : i32
        %mul3A_1642 = vector.broadcast %mul3A_1641 : i32 to vector<16xi32>
        %mul3A_1643 = arith.muli %get3A_1640, %mul3A_1642 : vector<16xi32>
        %get3A_1644 = arith.constant 2 : i32
        %get3A_1645 = arith.index_cast %get3A_1644 : i32 to index
        %get3A_1646 = arith.constant 96 : index
        %get3A_1647 = tpu.vector_load %arg10[%get3A_1645, %get3A_1646] {strides = array<i32>} : memref<4x208xi32, #tpu.memory_space<vmem>>, vector<1x16xi32>,
        %get3A_1648 = vector.shape_cast %get3A_1647 : vector<1x16xi32> to vector<16xi32>
        %add3A_1649 = arith.addi %mul3A_1643, %get3A_1648 : vector<16xi32>
        %swap3A_1650 = arith.constant 2 : i32
        %swap3A_1651 = arith.index_cast %swap3A_1650 : i32 to index
        %swap3A_1652 = arith.constant 96 : index
        %swap3A_1653 = tpu.vector_load %arg11[%swap3A_1651, %swap3A_1652] {strides = array<i32>} : memref<4x208xi32, #tpu.memory_space<vmem>>, vector<1x16xi32>,
        %swap3A_1654 = vector.shape_cast %swap3A_1653 : vector<1x16xi32> to vector<16xi32>
        %swap3A_1655 = vector.shape_cast %add3A_1649 : vector<16xi32> to vector<1x16xi32>
        tpu.vector_store %arg11[%swap3A_1651, %swap3A_1652], %swap3A_1655 {strides = array<i32>} : memref<4x208xi32, #tpu.memory_space<vmem>>, vector<1x16xi32>,
        %get3A_1656 = arith.constant 2 : i32
        %get3A_1657 = arith.index_cast %get3A_1656 : i32 to index
        %get3A_1658 = arith.constant 112 : index
        %get3A_1659 = tpu.vector_load %arg9[%get3A_1657, %get3A_1658] {strides = array<i32>} : memref<4x208xi32, #tpu.memory_space<vmem>>, vector<1x16xi32>,
        %get3A_1660 = vector.shape_cast %get3A_1659 : vector<1x16xi32> to vector<16xi32>
        %mul3A_1661 = arith.constant 201 : i32
        %mul3A_1662 = vector.broadcast %mul3A_1661 : i32 to vector<16xi32>
        %mul3A_1663 = arith.muli %get3A_1660, %mul3A_1662 : vector<16xi32>
        %get3A_1664 = arith.constant 2 : i32
        %get3A_1665 = arith.index_cast %get3A_1664 : i32 to index
        %get3A_1666 = arith.constant 112 : index
        %get3A_1667 = tpu.vector_load %arg10[%get3A_1665, %get3A_1666] {strides = array<i32>} : memref<4x208xi32, #tpu.memory_space<vmem>>, vector<1x16xi32>,
        %get3A_1668 = vector.shape_cast %get3A_1667 : vector<1x16xi32> to vector<16xi32>
        %add3A_1669 = arith.addi %mul3A_1663, %get3A_1668 : vector<16xi32>
        %swap3A_1670 = arith.constant 2 : i32
        %swap3A_1671 = arith.index_cast %swap3A_1670 : i32 to index
        %swap3A_1672 = arith.constant 112 : index
        %swap3A_1673 = tpu.vector_load %arg11[%swap3A_1671, %swap3A_1672] {strides = array<i32>} : memref<4x208xi32, #tpu.memory_space<vmem>>, vector<1x16xi32>,
        %swap3A_1674 = vector.shape_cast %swap3A_1673 : vector<1x16xi32> to vector<16xi32>
        %swap3A_1675 = vector.shape_cast %add3A_1669 : vector<16xi32> to vector<1x16xi32>
        tpu.vector_store %arg11[%swap3A_1671, %swap3A_1672], %swap3A_1675 {strides = array<i32>} : memref<4x208xi32, #tpu.memory_space<vmem>>, vector<1x16xi32>,
        %get3A_1676 = arith.constant 2 : i32
        %get3A_1677 = arith.index_cast %get3A_1676 : i32 to index
        %get3A_1678 = arith.constant 128 : index
        %get3A_1679 = tpu.vector_load %arg9[%get3A_1677, %get3A_1678] {strides = array<i32>} : memref<4x208xi32, #tpu.memory_space<vmem>>, vector<1x16xi32>,
        %get3A_1680 = vector.shape_cast %get3A_1679 : vector<1x16xi32> to vector<16xi32>
        %mul3A_1681 = arith.constant 201 : i32
        %mul3A_1682 = vector.broadcast %mul3A_1681 : i32 to vector<16xi32>
        %mul3A_1683 = arith.muli %get3A_1680, %mul3A_1682 : vector<16xi32>
        %get3A_1684 = arith.constant 2 : i32
        %get3A_1685 = arith.index_cast %get3A_1684 : i32 to index
        %get3A_1686 = arith.constant 128 : index
        %get3A_1687 = tpu.vector_load %arg10[%get3A_1685, %get3A_1686] {strides = array<i32>} : memref<4x208xi32, #tpu.memory_space<vmem>>, vector<1x16xi32>,
        %get3A_1688 = vector.shape_cast %get3A_1687 : vector<1x16xi32> to vector<16xi32>
        %add3A_1689 = arith.addi %mul3A_1683, %get3A_1688 : vector<16xi32>
        %swap3A_1690 = arith.constant 2 : i32
        %swap3A_1691 = arith.index_cast %swap3A_1690 : i32 to index
        %swap3A_1692 = arith.constant 128 : index
        %swap3A_1693 = tpu.vector_load %arg11[%swap3A_1691, %swap3A_1692] {strides = array<i32>} : memref<4x208xi32, #tpu.memory_space<vmem>>, vector<1x16xi32>,
        %swap3A_1694 = vector.shape_cast %swap3A_1693 : vector<1x16xi32> to vector<16xi32>
        %swap3A_1695 = vector.shape_cast %add3A_1689 : vector<16xi32> to vector<1x16xi32>
        tpu.vector_store %arg11[%swap3A_1691, %swap3A_1692], %swap3A_1695 {strides = array<i32>} : memref<4x208xi32, #tpu.memory_space<vmem>>, vector<1x16xi32>,
        %get3A_1696 = arith.constant 2 : i32
        %get3A_1697 = arith.index_cast %get3A_1696 : i32 to index
        %get3A_1698 = arith.constant 144 : index
        %get3A_1699 = tpu.vector_load %arg9[%get3A_1697, %get3A_1698] {strides = array<i32>} : memref<4x208xi32, #tpu.memory_space<vmem>>, vector<1x16xi32>,
        %get3A_1700 = vector.shape_cast %get3A_1699 : vector<1x16xi32> to vector<16xi32>
        %mul3A_1701 = arith.constant 201 : i32
        %mul3A_1702 = vector.broadcast %mul3A_1701 : i32 to vector<16xi32>
        %mul3A_1703 = arith.muli %get3A_1700, %mul3A_1702 : vector<16xi32>
        %get3A_1704 = arith.constant 2 : i32
        %get3A_1705 = arith.index_cast %get3A_1704 : i32 to index
        %get3A_1706 = arith.constant 144 : index
        %get3A_1707 = tpu.vector_load %arg10[%get3A_1705, %get3A_1706] {strides = array<i32>} : memref<4x208xi32, #tpu.memory_space<vmem>>, vector<1x16xi32>,
        %get3A_1708 = vector.shape_cast %get3A_1707 : vector<1x16xi32> to vector<16xi32>
        %add3A_1709 = arith.addi %mul3A_1703, %get3A_1708 : vector<16xi32>
        %swap3A_1710 = arith.constant 2 : i32
        %swap3A_1711 = arith.index_cast %swap3A_1710 : i32 to index
        %swap3A_1712 = arith.constant 144 : index
        %swap3A_1713 = tpu.vector_load %arg11[%swap3A_1711, %swap3A_1712] {strides = array<i32>} : memref<4x208xi32, #tpu.memory_space<vmem>>, vector<1x16xi32>,
        %swap3A_1714 = vector.shape_cast %swap3A_1713 : vector<1x16xi32> to vector<16xi32>
        %swap3A_1715 = vector.shape_cast %add3A_1709 : vector<16xi32> to vector<1x16xi32>
        tpu.vector_store %arg11[%swap3A_1711, %swap3A_1712], %swap3A_1715 {strides = array<i32>} : memref<4x208xi32, #tpu.memory_space<vmem>>, vector<1x16xi32>,
        %get3A_1716 = arith.constant 2 : i32
        %get3A_1717 = arith.index_cast %get3A_1716 : i32 to index
        %get3A_1718 = arith.constant 160 : index
        %get3A_1719 = tpu.vector_load %arg9[%get3A_1717, %get3A_1718] {strides = array<i32>} : memref<4x208xi32, #tpu.memory_space<vmem>>, vector<1x16xi32>,
        %get3A_1720 = vector.shape_cast %get3A_1719 : vector<1x16xi32> to vector<16xi32>
        %mul3A_1721 = arith.constant 201 : i32
        %mul3A_1722 = vector.broadcast %mul3A_1721 : i32 to vector<16xi32>
        %mul3A_1723 = arith.muli %get3A_1720, %mul3A_1722 : vector<16xi32>
        %get3A_1724 = arith.constant 2 : i32
        %get3A_1725 = arith.index_cast %get3A_1724 : i32 to index
        %get3A_1726 = arith.constant 160 : index
        %get3A_1727 = tpu.vector_load %arg10[%get3A_1725, %get3A_1726] {strides = array<i32>} : memref<4x208xi32, #tpu.memory_space<vmem>>, vector<1x16xi32>,
        %get3A_1728 = vector.shape_cast %get3A_1727 : vector<1x16xi32> to vector<16xi32>
        %add3A_1729 = arith.addi %mul3A_1723, %get3A_1728 : vector<16xi32>
        %swap3A_1730 = arith.constant 2 : i32
        %swap3A_1731 = arith.index_cast %swap3A_1730 : i32 to index
        %swap3A_1732 = arith.constant 160 : index
        %swap3A_1733 = tpu.vector_load %arg11[%swap3A_1731, %swap3A_1732] {strides = array<i32>} : memref<4x208xi32, #tpu.memory_space<vmem>>, vector<1x16xi32>,
        %swap3A_1734 = vector.shape_cast %swap3A_1733 : vector<1x16xi32> to vector<16xi32>
        %swap3A_1735 = vector.shape_cast %add3A_1729 : vector<16xi32> to vector<1x16xi32>
        tpu.vector_store %arg11[%swap3A_1731, %swap3A_1732], %swap3A_1735 {strides = array<i32>} : memref<4x208xi32, #tpu.memory_space<vmem>>, vector<1x16xi32>,
        %get3A_1736 = arith.constant 2 : i32
        %get3A_1737 = arith.index_cast %get3A_1736 : i32 to index
        %get3A_1738 = arith.constant 176 : index
        %get3A_1739 = tpu.vector_load %arg9[%get3A_1737, %get3A_1738] {strides = array<i32>} : memref<4x208xi32, #tpu.memory_space<vmem>>, vector<1x16xi32>,
        %get3A_1740 = vector.shape_cast %get3A_1739 : vector<1x16xi32> to vector<16xi32>
        %mul3A_1741 = arith.constant 201 : i32
        %mul3A_1742 = vector.broadcast %mul3A_1741 : i32 to vector<16xi32>
        %mul3A_1743 = arith.muli %get3A_1740, %mul3A_1742 : vector<16xi32>
        %get3A_1744 = arith.constant 2 : i32
        %get3A_1745 = arith.index_cast %get3A_1744 : i32 to index
        %get3A_1746 = arith.constant 176 : index
        %get3A_1747 = tpu.vector_load %arg10[%get3A_1745, %get3A_1746] {strides = array<i32>} : memref<4x208xi32, #tpu.memory_space<vmem>>, vector<1x16xi32>,
        %get3A_1748 = vector.shape_cast %get3A_1747 : vector<1x16xi32> to vector<16xi32>
        %add3A_1749 = arith.addi %mul3A_1743, %get3A_1748 : vector<16xi32>
        %swap3A_1750 = arith.constant 2 : i32
        %swap3A_1751 = arith.index_cast %swap3A_1750 : i32 to index
        %swap3A_1752 = arith.constant 176 : index
        %swap3A_1753 = tpu.vector_load %arg11[%swap3A_1751, %swap3A_1752] {strides = array<i32>} : memref<4x208xi32, #tpu.memory_space<vmem>>, vector<1x16xi32>,
        %swap3A_1754 = vector.shape_cast %swap3A_1753 : vector<1x16xi32> to vector<16xi32>
        %swap3A_1755 = vector.shape_cast %add3A_1749 : vector<16xi32> to vector<1x16xi32>
        tpu.vector_store %arg11[%swap3A_1751, %swap3A_1752], %swap3A_1755 {strides = array<i32>} : memref<4x208xi32, #tpu.memory_space<vmem>>, vector<1x16xi32>,
        %get3A_1756 = arith.constant 2 : i32
        %get3A_1757 = arith.index_cast %get3A_1756 : i32 to index
        %get3A_1758 = arith.constant 192 : index
        %get3A_1759 = tpu.vector_load %arg9[%get3A_1757, %get3A_1758] {strides = array<i32>} : memref<4x208xi32, #tpu.memory_space<vmem>>, vector<1x16xi32>,
        %get3A_1760 = vector.shape_cast %get3A_1759 : vector<1x16xi32> to vector<16xi32>
        %mul3A_1761 = arith.constant 201 : i32
        %mul3A_1762 = vector.broadcast %mul3A_1761 : i32 to vector<16xi32>
        %mul3A_1763 = arith.muli %get3A_1760, %mul3A_1762 : vector<16xi32>
        %get3A_1764 = arith.constant 2 : i32
        %get3A_1765 = arith.index_cast %get3A_1764 : i32 to index
        %get3A_1766 = arith.constant 192 : index
        %get3A_1767 = tpu.vector_load %arg10[%get3A_1765, %get3A_1766] {strides = array<i32>} : memref<4x208xi32, #tpu.memory_space<vmem>>, vector<1x16xi32>,
        %get3A_1768 = vector.shape_cast %get3A_1767 : vector<1x16xi32> to vector<16xi32>
        %add3A_1769 = arith.addi %mul3A_1763, %get3A_1768 : vector<16xi32>
        %swap3A_1770 = arith.constant 2 : i32
        %swap3A_1771 = arith.index_cast %swap3A_1770 : i32 to index
        %swap3A_1772 = arith.constant 192 : index
        %swap3A_1773 = tpu.vector_load %arg11[%swap3A_1771, %swap3A_1772] {strides = array<i32>} : memref<4x208xi32, #tpu.memory_space<vmem>>, vector<1x16xi32>,
        %swap3A_1774 = vector.shape_cast %swap3A_1773 : vector<1x16xi32> to vector<16xi32>
        %swap3A_1775 = vector.shape_cast %add3A_1769 : vector<16xi32> to vector<1x16xi32>
        tpu.vector_store %arg11[%swap3A_1771, %swap3A_1772], %swap3A_1775 {strides = array<i32>} : memref<4x208xi32, #tpu.memory_space<vmem>>, vector<1x16xi32>,
        %dma_start3A_1776 = arith.constant 2 : i32
        %dma_start3A_1777 = arith.constant 2 : i32
        %dma_start3A_1778 = arith.constant 2 : i32
        %dma_start3A_1779 = arith.constant 0 : i32
        %dma_start3A_1780 = arith.constant 0 : i32
        %dma_start3A_1781 = tpu.memref_slice %arg12[%dma_start3A_1777, %dma_start3A_1779, %dma_start3A_1780] : memref<4x200x64xf32, #tpu.memory_space<vmem>> -> memref<1x128x64xf32, #tpu.memory_space<vmem>>
        %dma_start3A_1782 = tpu.memref_squeeze %dma_start3A_1781 : memref<1x128x64xf32, #tpu.memory_space<vmem>> -> memref<128x64xf32, #tpu.memory_space<vmem>>
        %dma_start3A_1783 = arith.constant 0 : i32
        %dma_start3A_1784 = tpu.memref_slice %arg8[%dma_start3A_1776, %dma_start3A_1783] : memref<4x208xi32, #tpu.memory_space<vmem>> -> memref<1x128xi32, #tpu.memory_space<vmem>>
        %dma_start3A_1785 = tpu.memref_squeeze %dma_start3A_1784 : memref<1x128xi32, #tpu.memory_space<vmem>> -> memref<128xi32, #tpu.memory_space<vmem>>
        %dma_start3A_1786 = arith.constant 0 : i32
        %dma_start3A_1787 = arith.constant 0 : i32
        %dma_start3A_1788 = tpu.memref_slice %arg5[%dma_start3A_1786, %dma_start3A_1787] : memref<1000000x64xf32, #tpu.memory_space<hbm>> -> memref<1000000x64xf32, #tpu.memory_space<hbm>>
        %dma_start3A_1789 = tpu.memref_slice %arg15[%dma_start3A_1778] : memref<4x!tpu.dma_semaphore, #tpu.memory_space<semaphore_mem>> -> memref<1x!tpu.dma_semaphore, #tpu.memory_space<semaphore_mem>>
        %dma_start3A_1790 = tpu.memref_squeeze %dma_start3A_1789 : memref<1x!tpu.dma_semaphore, #tpu.memory_space<semaphore_mem>> -> memref<!tpu.dma_semaphore, #tpu.memory_space<semaphore_mem>>
        tpu.enqueue_indirect_dma source(%dma_start3A_1788 : memref<1000000x64xf32, #tpu.memory_space<hbm>>) target(%dma_start3A_1782 : memref<128x64xf32, #tpu.memory_space<vmem>>) offsets(%dma_start3A_1785 : memref<128xi32, #tpu.memory_space<vmem>>) semaphore(%dma_start3A_1790 : memref<!tpu.dma_semaphore, #tpu.memory_space<semaphore_mem>>)
        %dma_start3A_1791 = arith.constant 2 : i32
        %dma_start3A_1792 = arith.constant 2 : i32
        %dma_start3A_1793 = arith.constant 2 : i32
        %dma_start3A_1794 = arith.constant 0 : i32
        %dma_start3A_1795 = arith.constant 0 : i32
        %dma_start3A_1796 = tpu.memref_slice %arg13[%dma_start3A_1792, %dma_start3A_1794, %dma_start3A_1795] : memref<4x200x64xf32, #tpu.memory_space<vmem>> -> memref<1x128x64xf32, #tpu.memory_space<vmem>>
        %dma_start3A_1797 = tpu.memref_squeeze %dma_start3A_1796 : memref<1x128x64xf32, #tpu.memory_space<vmem>> -> memref<128x64xf32, #tpu.memory_space<vmem>>
        %dma_start3A_1798 = arith.constant 0 : i32
        %dma_start3A_1799 = tpu.memref_slice %arg11[%dma_start3A_1791, %dma_start3A_1798] : memref<4x208xi32, #tpu.memory_space<vmem>> -> memref<1x128xi32, #tpu.memory_space<vmem>>
        %dma_start3A_1800 = tpu.memref_squeeze %dma_start3A_1799 : memref<1x128xi32, #tpu.memory_space<vmem>> -> memref<128xi32, #tpu.memory_space<vmem>>
        %dma_start3A_1801 = arith.constant 0 : i32
        %dma_start3A_1802 = arith.constant 0 : i32
        %dma_start3A_1803 = tpu.memref_slice %arg6[%dma_start3A_1801, %dma_start3A_1802] : memref<40401x64xf32, #tpu.memory_space<hbm>> -> memref<40401x64xf32, #tpu.memory_space<hbm>>
        %dma_start3A_1804 = tpu.memref_slice %arg15[%dma_start3A_1793] : memref<4x!tpu.dma_semaphore, #tpu.memory_space<semaphore_mem>> -> memref<1x!tpu.dma_semaphore, #tpu.memory_space<semaphore_mem>>
        %dma_start3A_1805 = tpu.memref_squeeze %dma_start3A_1804 : memref<1x!tpu.dma_semaphore, #tpu.memory_space<semaphore_mem>> -> memref<!tpu.dma_semaphore, #tpu.memory_space<semaphore_mem>>
        tpu.enqueue_indirect_dma source(%dma_start3A_1803 : memref<40401x64xf32, #tpu.memory_space<hbm>>) target(%dma_start3A_1797 : memref<128x64xf32, #tpu.memory_space<vmem>>) offsets(%dma_start3A_1800 : memref<128xi32, #tpu.memory_space<vmem>>) semaphore(%dma_start3A_1805 : memref<!tpu.dma_semaphore, #tpu.memory_space<semaphore_mem>>)
        %dma_start3A_1806 = arith.constant 2 : i32
        %dma_start3A_1807 = arith.constant 2 : i32
        %dma_start3A_1808 = arith.constant 2 : i32
        %dma_start3A_1809 = arith.constant 128 : i32
        %dma_start3A_1810 = arith.constant 0 : i32
        %dma_start3A_1811 = tpu.memref_slice %arg12[%dma_start3A_1807, %dma_start3A_1809, %dma_start3A_1810] : memref<4x200x64xf32, #tpu.memory_space<vmem>> -> memref<1x72x64xf32, #tpu.memory_space<vmem>>
        %dma_start3A_1812 = tpu.memref_squeeze %dma_start3A_1811 : memref<1x72x64xf32, #tpu.memory_space<vmem>> -> memref<72x64xf32, #tpu.memory_space<vmem>>
        %dma_start3A_1813 = arith.constant 128 : i32
        %dma_start3A_1814 = tpu.memref_slice %arg8[%dma_start3A_1806, %dma_start3A_1813] : memref<4x208xi32, #tpu.memory_space<vmem>> -> memref<1x72xi32, #tpu.memory_space<vmem>>
        %dma_start3A_1815 = tpu.memref_squeeze %dma_start3A_1814 : memref<1x72xi32, #tpu.memory_space<vmem>> -> memref<72xi32, #tpu.memory_space<vmem>>
        %dma_start3A_1816 = arith.constant 0 : i32
        %dma_start3A_1817 = arith.constant 0 : i32
        %dma_start3A_1818 = tpu.memref_slice %arg5[%dma_start3A_1816, %dma_start3A_1817] : memref<1000000x64xf32, #tpu.memory_space<hbm>> -> memref<1000000x64xf32, #tpu.memory_space<hbm>>
        %dma_start3A_1819 = tpu.memref_slice %arg15[%dma_start3A_1808] : memref<4x!tpu.dma_semaphore, #tpu.memory_space<semaphore_mem>> -> memref<1x!tpu.dma_semaphore, #tpu.memory_space<semaphore_mem>>
        %dma_start3A_1820 = tpu.memref_squeeze %dma_start3A_1819 : memref<1x!tpu.dma_semaphore, #tpu.memory_space<semaphore_mem>> -> memref<!tpu.dma_semaphore, #tpu.memory_space<semaphore_mem>>
        tpu.enqueue_indirect_dma source(%dma_start3A_1818 : memref<1000000x64xf32, #tpu.memory_space<hbm>>) target(%dma_start3A_1812 : memref<72x64xf32, #tpu.memory_space<vmem>>) offsets(%dma_start3A_1815 : memref<72xi32, #tpu.memory_space<vmem>>) semaphore(%dma_start3A_1820 : memref<!tpu.dma_semaphore, #tpu.memory_space<semaphore_mem>>)
        %dma_start3A_1821 = arith.constant 2 : i32
        %dma_start3A_1822 = arith.constant 2 : i32
        %dma_start3A_1823 = arith.constant 2 : i32
        %dma_start3A_1824 = arith.constant 128 : i32
        %dma_start3A_1825 = arith.constant 0 : i32
        %dma_start3A_1826 = tpu.memref_slice %arg13[%dma_start3A_1822, %dma_start3A_1824, %dma_start3A_1825] : memref<4x200x64xf32, #tpu.memory_space<vmem>> -> memref<1x72x64xf32, #tpu.memory_space<vmem>>
        %dma_start3A_1827 = tpu.memref_squeeze %dma_start3A_1826 : memref<1x72x64xf32, #tpu.memory_space<vmem>> -> memref<72x64xf32, #tpu.memory_space<vmem>>
        %dma_start3A_1828 = arith.constant 128 : i32
        %dma_start3A_1829 = tpu.memref_slice %arg11[%dma_start3A_1821, %dma_start3A_1828] : memref<4x208xi32, #tpu.memory_space<vmem>> -> memref<1x72xi32, #tpu.memory_space<vmem>>
        %dma_start3A_1830 = tpu.memref_squeeze %dma_start3A_1829 : memref<1x72xi32, #tpu.memory_space<vmem>> -> memref<72xi32, #tpu.memory_space<vmem>>
        %dma_start3A_1831 = arith.constant 0 : i32
        %dma_start3A_1832 = arith.constant 0 : i32
        %dma_start3A_1833 = tpu.memref_slice %arg6[%dma_start3A_1831, %dma_start3A_1832] : memref<40401x64xf32, #tpu.memory_space<hbm>> -> memref<40401x64xf32, #tpu.memory_space<hbm>>
        %dma_start3A_1834 = tpu.memref_slice %arg15[%dma_start3A_1823] : memref<4x!tpu.dma_semaphore, #tpu.memory_space<semaphore_mem>> -> memref<1x!tpu.dma_semaphore, #tpu.memory_space<semaphore_mem>>
        %dma_start3A_1835 = tpu.memref_squeeze %dma_start3A_1834 : memref<1x!tpu.dma_semaphore, #tpu.memory_space<semaphore_mem>> -> memref<!tpu.dma_semaphore, #tpu.memory_space<semaphore_mem>>
        tpu.enqueue_indirect_dma source(%dma_start3A_1833 : memref<40401x64xf32, #tpu.memory_space<hbm>>) target(%dma_start3A_1827 : memref<72x64xf32, #tpu.memory_space<vmem>>) offsets(%dma_start3A_1830 : memref<72xi32, #tpu.memory_space<vmem>>) semaphore(%dma_start3A_1835 : memref<!tpu.dma_semaphore, #tpu.memory_space<semaphore_mem>>)
      } else {
      }
      %dma_wait3A_991 = arith.constant 0 : i32
      %dma_wait3A_992 = arith.constant 0 : i32
      %dma_wait3A_993 = arith.constant 0 : i32
      %dma_wait3A_994 = arith.constant 0 : i32
      %dma_wait3A_995 = arith.constant 0 : i32
      %dma_wait3A_996 = tpu.memref_slice %arg12[%dma_wait3A_992, %dma_wait3A_994, %dma_wait3A_995] : memref<4x200x64xf32, #tpu.memory_space<vmem>> -> memref<1x128x64xf32, #tpu.memory_space<vmem>>
      %dma_wait3A_997 = tpu.memref_squeeze %dma_wait3A_996 : memref<1x128x64xf32, #tpu.memory_space<vmem>> -> memref<128x64xf32, #tpu.memory_space<vmem>>
      %dma_wait3A_998 = arith.constant 0 : i32
      %dma_wait3A_999 = tpu.memref_slice %arg8[%dma_wait3A_991, %dma_wait3A_998] : memref<4x208xi32, #tpu.memory_space<vmem>> -> memref<1x128xi32, #tpu.memory_space<vmem>>
      %dma_wait3A_1000 = tpu.memref_squeeze %dma_wait3A_999 : memref<1x128xi32, #tpu.memory_space<vmem>> -> memref<128xi32, #tpu.memory_space<vmem>>
      %dma_wait3A_1001 = arith.constant 0 : i32
      %dma_wait3A_1002 = arith.constant 0 : i32
      %dma_wait3A_1003 = tpu.memref_slice %arg5[%dma_wait3A_1001, %dma_wait3A_1002] : memref<1000000x64xf32, #tpu.memory_space<hbm>> -> memref<1000000x64xf32, #tpu.memory_space<hbm>>
      %dma_wait3A_1004 = tpu.memref_slice %arg15[%dma_wait3A_993] : memref<4x!tpu.dma_semaphore, #tpu.memory_space<semaphore_mem>> -> memref<1x!tpu.dma_semaphore, #tpu.memory_space<semaphore_mem>>
      %dma_wait3A_1005 = tpu.memref_squeeze %dma_wait3A_1004 : memref<1x!tpu.dma_semaphore, #tpu.memory_space<semaphore_mem>> -> memref<!tpu.dma_semaphore, #tpu.memory_space<semaphore_mem>>
      tpu.wait_indirect_dma semaphore(%dma_wait3A_1005 : memref<!tpu.dma_semaphore, #tpu.memory_space<semaphore_mem>>) src(%dma_wait3A_1003 : memref<1000000x64xf32, #tpu.memory_space<hbm>>) dst(%dma_wait3A_997 : memref<128x64xf32, #tpu.memory_space<vmem>>)
      %dma_wait3A_1006 = arith.constant 0 : i32
      %dma_wait3A_1007 = arith.constant 0 : i32
      %dma_wait3A_1008 = arith.constant 0 : i32
      %dma_wait3A_1009 = arith.constant 0 : i32
      %dma_wait3A_1010 = arith.constant 0 : i32
      %dma_wait3A_1011 = tpu.memref_slice %arg13[%dma_wait3A_1007, %dma_wait3A_1009, %dma_wait3A_1010] : memref<4x200x64xf32, #tpu.memory_space<vmem>> -> memref<1x128x64xf32, #tpu.memory_space<vmem>>
      %dma_wait3A_1012 = tpu.memref_squeeze %dma_wait3A_1011 : memref<1x128x64xf32, #tpu.memory_space<vmem>> -> memref<128x64xf32, #tpu.memory_space<vmem>>
      %dma_wait3A_1013 = arith.constant 0 : i32
      %dma_wait3A_1014 = tpu.memref_slice %arg11[%dma_wait3A_1006, %dma_wait3A_1013] : memref<4x208xi32, #tpu.memory_space<vmem>> -> memref<1x128xi32, #tpu.memory_space<vmem>>
      %dma_wait3A_1015 = tpu.memref_squeeze %dma_wait3A_1014 : memref<1x128xi32, #tpu.memory_space<vmem>> -> memref<128xi32, #tpu.memory_space<vmem>>
      %dma_wait3A_1016 = arith.constant 0 : i32
      %dma_wait3A_1017 = arith.constant 0 : i32
      %dma_wait3A_1018 = tpu.memref_slice %arg6[%dma_wait3A_1016, %dma_wait3A_1017] : memref<40401x64xf32, #tpu.memory_space<hbm>> -> memref<40401x64xf32, #tpu.memory_space<hbm>>
      %dma_wait3A_1019 = tpu.memref_slice %arg15[%dma_wait3A_1008] : memref<4x!tpu.dma_semaphore, #tpu.memory_space<semaphore_mem>> -> memref<1x!tpu.dma_semaphore, #tpu.memory_space<semaphore_mem>>
      %dma_wait3A_1020 = tpu.memref_squeeze %dma_wait3A_1019 : memref<1x!tpu.dma_semaphore, #tpu.memory_space<semaphore_mem>> -> memref<!tpu.dma_semaphore, #tpu.memory_space<semaphore_mem>>
      tpu.wait_indirect_dma semaphore(%dma_wait3A_1020 : memref<!tpu.dma_semaphore, #tpu.memory_space<semaphore_mem>>) src(%dma_wait3A_1018 : memref<40401x64xf32, #tpu.memory_space<hbm>>) dst(%dma_wait3A_1012 : memref<128x64xf32, #tpu.memory_space<vmem>>)
      %dma_wait3A_1021 = arith.constant 0 : i32
      %dma_wait3A_1022 = arith.constant 0 : i32
      %dma_wait3A_1023 = arith.constant 0 : i32
      %dma_wait3A_1024 = arith.constant 128 : i32
      %dma_wait3A_1025 = arith.constant 0 : i32
      %dma_wait3A_1026 = tpu.memref_slice %arg12[%dma_wait3A_1022, %dma_wait3A_1024, %dma_wait3A_1025] : memref<4x200x64xf32, #tpu.memory_space<vmem>> -> memref<1x72x64xf32, #tpu.memory_space<vmem>>
      %dma_wait3A_1027 = tpu.memref_squeeze %dma_wait3A_1026 : memref<1x72x64xf32, #tpu.memory_space<vmem>> -> memref<72x64xf32, #tpu.memory_space<vmem>>
      %dma_wait3A_1028 = arith.constant 128 : i32
      %dma_wait3A_1029 = tpu.memref_slice %arg8[%dma_wait3A_1021, %dma_wait3A_1028] : memref<4x208xi32, #tpu.memory_space<vmem>> -> memref<1x72xi32, #tpu.memory_space<vmem>>
      %dma_wait3A_1030 = tpu.memref_squeeze %dma_wait3A_1029 : memref<1x72xi32, #tpu.memory_space<vmem>> -> memref<72xi32, #tpu.memory_space<vmem>>
      %dma_wait3A_1031 = arith.constant 0 : i32
      %dma_wait3A_1032 = arith.constant 0 : i32
      %dma_wait3A_1033 = tpu.memref_slice %arg5[%dma_wait3A_1031, %dma_wait3A_1032] : memref<1000000x64xf32, #tpu.memory_space<hbm>> -> memref<1000000x64xf32, #tpu.memory_space<hbm>>
      %dma_wait3A_1034 = tpu.memref_slice %arg15[%dma_wait3A_1023] : memref<4x!tpu.dma_semaphore, #tpu.memory_space<semaphore_mem>> -> memref<1x!tpu.dma_semaphore, #tpu.memory_space<semaphore_mem>>
      %dma_wait3A_1035 = tpu.memref_squeeze %dma_wait3A_1034 : memref<1x!tpu.dma_semaphore, #tpu.memory_space<semaphore_mem>> -> memref<!tpu.dma_semaphore, #tpu.memory_space<semaphore_mem>>
      tpu.wait_indirect_dma semaphore(%dma_wait3A_1035 : memref<!tpu.dma_semaphore, #tpu.memory_space<semaphore_mem>>) src(%dma_wait3A_1033 : memref<1000000x64xf32, #tpu.memory_space<hbm>>) dst(%dma_wait3A_1027 : memref<72x64xf32, #tpu.memory_space<vmem>>)
      %dma_wait3A_1036 = arith.constant 0 : i32
      %dma_wait3A_1037 = arith.constant 0 : i32
      %dma_wait3A_1038 = arith.constant 0 : i32
      %dma_wait3A_1039 = arith.constant 128 : i32
      %dma_wait3A_1040 = arith.constant 0 : i32
      %dma_wait3A_1041 = tpu.memref_slice %arg13[%dma_wait3A_1037, %dma_wait3A_1039, %dma_wait3A_1040] : memref<4x200x64xf32, #tpu.memory_space<vmem>> -> memref<1x72x64xf32, #tpu.memory_space<vmem>>
      %dma_wait3A_1042 = tpu.memref_squeeze %dma_wait3A_1041 : memref<1x72x64xf32, #tpu.memory_space<vmem>> -> memref<72x64xf32, #tpu.memory_space<vmem>>
      %dma_wait3A_1043 = arith.constant 128 : i32
      %dma_wait3A_1044 = tpu.memref_slice %arg11[%dma_wait3A_1036, %dma_wait3A_1043] : memref<4x208xi32, #tpu.memory_space<vmem>> -> memref<1x72xi32, #tpu.memory_space<vmem>>
      %dma_wait3A_1045 = tpu.memref_squeeze %dma_wait3A_1044 : memref<1x72xi32, #tpu.memory_space<vmem>> -> memref<72xi32, #tpu.memory_space<vmem>>
      %dma_wait3A_1046 = arith.constant 0 : i32
      %dma_wait3A_1047 = arith.constant 0 : i32
      %dma_wait3A_1048 = tpu.memref_slice %arg6[%dma_wait3A_1046, %dma_wait3A_1047] : memref<40401x64xf32, #tpu.memory_space<hbm>> -> memref<40401x64xf32, #tpu.memory_space<hbm>>
      %dma_wait3A_1049 = tpu.memref_slice %arg15[%dma_wait3A_1038] : memref<4x!tpu.dma_semaphore, #tpu.memory_space<semaphore_mem>> -> memref<1x!tpu.dma_semaphore, #tpu.memory_space<semaphore_mem>>
      %dma_wait3A_1050 = tpu.memref_squeeze %dma_wait3A_1049 : memref<1x!tpu.dma_semaphore, #tpu.memory_space<semaphore_mem>> -> memref<!tpu.dma_semaphore, #tpu.memory_space<semaphore_mem>>
      tpu.wait_indirect_dma semaphore(%dma_wait3A_1050 : memref<!tpu.dma_semaphore, #tpu.memory_space<semaphore_mem>>) src(%dma_wait3A_1048 : memref<40401x64xf32, #tpu.memory_space<hbm>>) dst(%dma_wait3A_1042 : memref<72x64xf32, #tpu.memory_space<vmem>>)
      %add3A_1051 = arith.addi %mul3A_2, %add3A_982 : i32
      %dma_start3A_1052 = arith.constant 0 : i32
      %dma_start3A_1053 = arith.constant 0 : i32
      %dma_start3A_1054 = arith.constant 0 : i32
      %dma_start3A_1055 = arith.constant 0 : i32
      %dma_start3A_1056 = tpu.memref_slice %arg12[%dma_start3A_1052, %dma_start3A_1054, %dma_start3A_1055] : memref<4x200x64xf32, #tpu.memory_space<vmem>> -> memref<1x200x64xf32, #tpu.memory_space<vmem>>
      %dma_start3A_1057 = tpu.memref_squeeze %dma_start3A_1056 : memref<1x200x64xf32, #tpu.memory_space<vmem>> -> memref<200x64xf32, #tpu.memory_space<vmem>>
      %dma_start3A_1058 = arith.constant 0 : i32
      %dma_start3A_1059 = arith.constant 0 : i32
      %dma_start3A_1060 = tpu.memref_slice %arg7[%add3A_1051, %dma_start3A_1058, %dma_start3A_1059] : memref<4096x200x128xf32, #tpu.memory_space<hbm>> -> memref<1x200x64xf32, #tpu.memory_space<hbm>>
      %dma_start3A_1061 = tpu.memref_squeeze %dma_start3A_1060 : memref<1x200x64xf32, #tpu.memory_space<hbm>> -> memref<200x64xf32, #tpu.memory_space<hbm>>
      %dma_start3A_1062 = tpu.memref_slice %arg16[%dma_start3A_1053] : memref<4x!tpu.dma_semaphore, #tpu.memory_space<semaphore_mem>> -> memref<1x!tpu.dma_semaphore, #tpu.memory_space<semaphore_mem>>
      %dma_start3A_1063 = tpu.memref_squeeze %dma_start3A_1062 : memref<1x!tpu.dma_semaphore, #tpu.memory_space<semaphore_mem>> -> memref<!tpu.dma_semaphore, #tpu.memory_space<semaphore_mem>>
      %dma_start3A_1064 = arith.constant 0 : i32
      %dma_start3A_1065 = arith.constant 0 : i32
      %dma_start3A_1066 = tpu.memref_slice %arg7[%add3A_1051, %dma_start3A_1064, %dma_start3A_1065] : memref<4096x200x128xf32, #tpu.memory_space<hbm>> -> memref<1x200x64xf32, #tpu.memory_space<hbm>>
      %dma_start3A_1067 = tpu.memref_squeeze %dma_start3A_1066 : memref<1x200x64xf32, #tpu.memory_space<hbm>> -> memref<200x64xf32, #tpu.memory_space<hbm>>
      %dma_start3A_1068 = arith.constant 0 : i32
      %dma_start3A_1069 = arith.constant 0 : i32
      %dma_start3A_1070 = tpu.memref_slice %arg12[%dma_start3A_1052, %dma_start3A_1068, %dma_start3A_1069] : memref<4x200x64xf32, #tpu.memory_space<vmem>> -> memref<1x200x64xf32, #tpu.memory_space<vmem>>
      %dma_start3A_1071 = tpu.memref_squeeze %dma_start3A_1070 : memref<1x200x64xf32, #tpu.memory_space<vmem>> -> memref<200x64xf32, #tpu.memory_space<vmem>>
      tpu.enqueue_dma source(%dma_start3A_1071 : memref<200x64xf32, #tpu.memory_space<vmem>>) target(%dma_start3A_1067 : memref<200x64xf32, #tpu.memory_space<hbm>>) target_semaphore(%dma_start3A_1063 : memref<!tpu.dma_semaphore, #tpu.memory_space<semaphore_mem>>)
      %dma_start3A_1072 = arith.constant 0 : i32
      %dma_start3A_1073 = arith.constant 0 : i32
      %dma_start3A_1074 = arith.constant 0 : i32
      %dma_start3A_1075 = arith.constant 0 : i32
      %dma_start3A_1076 = tpu.memref_slice %arg13[%dma_start3A_1072, %dma_start3A_1074, %dma_start3A_1075] : memref<4x200x64xf32, #tpu.memory_space<vmem>> -> memref<1x200x64xf32, #tpu.memory_space<vmem>>
      %dma_start3A_1077 = tpu.memref_squeeze %dma_start3A_1076 : memref<1x200x64xf32, #tpu.memory_space<vmem>> -> memref<200x64xf32, #tpu.memory_space<vmem>>
      %dma_start3A_1078 = arith.constant 0 : i32
      %dma_start3A_1079 = arith.constant 64 : i32
      %dma_start3A_1080 = tpu.memref_slice %arg7[%add3A_1051, %dma_start3A_1078, %dma_start3A_1079] : memref<4096x200x128xf32, #tpu.memory_space<hbm>> -> memref<1x200x64xf32, #tpu.memory_space<hbm>>
      %dma_start3A_1081 = tpu.memref_squeeze %dma_start3A_1080 : memref<1x200x64xf32, #tpu.memory_space<hbm>> -> memref<200x64xf32, #tpu.memory_space<hbm>>
      %dma_start3A_1082 = tpu.memref_slice %arg16[%dma_start3A_1073] : memref<4x!tpu.dma_semaphore, #tpu.memory_space<semaphore_mem>> -> memref<1x!tpu.dma_semaphore, #tpu.memory_space<semaphore_mem>>
      %dma_start3A_1083 = tpu.memref_squeeze %dma_start3A_1082 : memref<1x!tpu.dma_semaphore, #tpu.memory_space<semaphore_mem>> -> memref<!tpu.dma_semaphore, #tpu.memory_space<semaphore_mem>>
      %dma_start3A_1084 = arith.constant 0 : i32
      %dma_start3A_1085 = arith.constant 64 : i32
      %dma_start3A_1086 = tpu.memref_slice %arg7[%add3A_1051, %dma_start3A_1084, %dma_start3A_1085] : memref<4096x200x128xf32, #tpu.memory_space<hbm>> -> memref<1x200x64xf32, #tpu.memory_space<hbm>>
      %dma_start3A_1087 = tpu.memref_squeeze %dma_start3A_1086 : memref<1x200x64xf32, #tpu.memory_space<hbm>> -> memref<200x64xf32, #tpu.memory_space<hbm>>
      %dma_start3A_1088 = arith.constant 0 : i32
      %dma_start3A_1089 = arith.constant 0 : i32
      %dma_start3A_1090 = tpu.memref_slice %arg13[%dma_start3A_1072, %dma_start3A_1088, %dma_start3A_1089] : memref<4x200x64xf32, #tpu.memory_space<vmem>> -> memref<1x200x64xf32, #tpu.memory_space<vmem>>
      %dma_start3A_1091 = tpu.memref_squeeze %dma_start3A_1090 : memref<1x200x64xf32, #tpu.memory_space<vmem>> -> memref<200x64xf32, #tpu.memory_space<vmem>>
      tpu.enqueue_dma source(%dma_start3A_1091 : memref<200x64xf32, #tpu.memory_space<vmem>>) target(%dma_start3A_1087 : memref<200x64xf32, #tpu.memory_space<hbm>>) target_semaphore(%dma_start3A_1083 : memref<!tpu.dma_semaphore, #tpu.memory_space<semaphore_mem>>)
      %add3A_1092 = arith.constant 3 : i32
      %add3A_1093 = arith.addi %add3A_982, %add3A_1092 : i32
      %lt3A_1094 = arith.constant 128 : i32
      %lt3A_1095 = arith.cmpi slt, %add3A_1093, %lt3A_1094 : i32
      %convert_element_type3A_1096 = arith.extui %lt3A_1095 : i1 to i32
      %cond3A_1097 = arith.constant 0 : i32
      %cond3A_1098 = arith.cmpi ne, %convert_element_type3A_1096, %cond3A_1097 : i32
      scf.if %cond3A_1098 {
        %add3A_1465 = arith.constant 3 : i32
        %add3A_1466 = arith.addi %add3A_982, %add3A_1465 : i32
        %add3A_1467 = arith.addi %mul3A_2, %add3A_1466 : i32
        %dma_start3A_1468 = arith.constant 3 : i32
        %dma_start3A_1469 = arith.constant 3 : i32
        %dma_start3A_1470 = arith.constant 0 : i32
        %dma_start3A_1471 = tpu.memref_slice %arg8[%dma_start3A_1468, %dma_start3A_1470] : memref<4x208xi32, #tpu.memory_space<vmem>> -> memref<1x200xi32, #tpu.memory_space<vmem>>
        %dma_start3A_1472 = tpu.memref_squeeze %dma_start3A_1471 : memref<1x200xi32, #tpu.memory_space<vmem>> -> memref<200xi32, #tpu.memory_space<vmem>>
        %dma_start3A_1473 = arith.constant 0 : i32
        %dma_start3A_1474 = tpu.memref_slice %arg2[%add3A_1467, %dma_start3A_1473] : memref<4096x200xi32, #tpu.memory_space<hbm>> -> memref<1x200xi32, #tpu.memory_space<hbm>>
        %dma_start3A_1475 = tpu.memref_squeeze %dma_start3A_1474 : memref<1x200xi32, #tpu.memory_space<hbm>> -> memref<200xi32, #tpu.memory_space<hbm>>
        %dma_start3A_1476 = tpu.memref_slice %arg14[%dma_start3A_1469] : memref<4x!tpu.dma_semaphore, #tpu.memory_space<semaphore_mem>> -> memref<1x!tpu.dma_semaphore, #tpu.memory_space<semaphore_mem>>
        %dma_start3A_1477 = tpu.memref_squeeze %dma_start3A_1476 : memref<1x!tpu.dma_semaphore, #tpu.memory_space<semaphore_mem>> -> memref<!tpu.dma_semaphore, #tpu.memory_space<semaphore_mem>>
        %dma_start3A_1478 = arith.constant 0 : i32
        %dma_start3A_1479 = tpu.memref_slice %arg8[%dma_start3A_1468, %dma_start3A_1478] : memref<4x208xi32, #tpu.memory_space<vmem>> -> memref<1x200xi32, #tpu.memory_space<vmem>>
        %dma_start3A_1480 = tpu.memref_squeeze %dma_start3A_1479 : memref<1x200xi32, #tpu.memory_space<vmem>> -> memref<200xi32, #tpu.memory_space<vmem>>
        %dma_start3A_1481 = arith.constant 0 : i32
        %dma_start3A_1482 = tpu.memref_slice %arg2[%add3A_1467, %dma_start3A_1481] : memref<4096x200xi32, #tpu.memory_space<hbm>> -> memref<1x200xi32, #tpu.memory_space<hbm>>
        %dma_start3A_1483 = tpu.memref_squeeze %dma_start3A_1482 : memref<1x200xi32, #tpu.memory_space<hbm>> -> memref<200xi32, #tpu.memory_space<hbm>>
        tpu.enqueue_dma source(%dma_start3A_1483 : memref<200xi32, #tpu.memory_space<hbm>>) target(%dma_start3A_1480 : memref<200xi32, #tpu.memory_space<vmem>>) target_semaphore(%dma_start3A_1477 : memref<!tpu.dma_semaphore, #tpu.memory_space<semaphore_mem>>)
        %dma_start3A_1484 = arith.constant 3 : i32
        %dma_start3A_1485 = arith.constant 3 : i32
        %dma_start3A_1486 = arith.constant 0 : i32
        %dma_start3A_1487 = tpu.memref_slice %arg9[%dma_start3A_1484, %dma_start3A_1486] : memref<4x208xi32, #tpu.memory_space<vmem>> -> memref<1x200xi32, #tpu.memory_space<vmem>>
        %dma_start3A_1488 = tpu.memref_squeeze %dma_start3A_1487 : memref<1x200xi32, #tpu.memory_space<vmem>> -> memref<200xi32, #tpu.memory_space<vmem>>
        %dma_start3A_1489 = arith.constant 0 : i32
        %dma_start3A_1490 = tpu.memref_slice %arg3[%add3A_1467, %dma_start3A_1489] : memref<4096x200xi32, #tpu.memory_space<hbm>> -> memref<1x200xi32, #tpu.memory_space<hbm>>
        %dma_start3A_1491 = tpu.memref_squeeze %dma_start3A_1490 : memref<1x200xi32, #tpu.memory_space<hbm>> -> memref<200xi32, #tpu.memory_space<hbm>>
        %dma_start3A_1492 = tpu.memref_slice %arg14[%dma_start3A_1485] : memref<4x!tpu.dma_semaphore, #tpu.memory_space<semaphore_mem>> -> memref<1x!tpu.dma_semaphore, #tpu.memory_space<semaphore_mem>>
        %dma_start3A_1493 = tpu.memref_squeeze %dma_start3A_1492 : memref<1x!tpu.dma_semaphore, #tpu.memory_space<semaphore_mem>> -> memref<!tpu.dma_semaphore, #tpu.memory_space<semaphore_mem>>
        %dma_start3A_1494 = arith.constant 0 : i32
        %dma_start3A_1495 = tpu.memref_slice %arg9[%dma_start3A_1484, %dma_start3A_1494] : memref<4x208xi32, #tpu.memory_space<vmem>> -> memref<1x200xi32, #tpu.memory_space<vmem>>
        %dma_start3A_1496 = tpu.memref_squeeze %dma_start3A_1495 : memref<1x200xi32, #tpu.memory_space<vmem>> -> memref<200xi32, #tpu.memory_space<vmem>>
        %dma_start3A_1497 = arith.constant 0 : i32
        %dma_start3A_1498 = tpu.memref_slice %arg3[%add3A_1467, %dma_start3A_1497] : memref<4096x200xi32, #tpu.memory_space<hbm>> -> memref<1x200xi32, #tpu.memory_space<hbm>>
        %dma_start3A_1499 = tpu.memref_squeeze %dma_start3A_1498 : memref<1x200xi32, #tpu.memory_space<hbm>> -> memref<200xi32, #tpu.memory_space<hbm>>
        tpu.enqueue_dma source(%dma_start3A_1499 : memref<200xi32, #tpu.memory_space<hbm>>) target(%dma_start3A_1496 : memref<200xi32, #tpu.memory_space<vmem>>) target_semaphore(%dma_start3A_1493 : memref<!tpu.dma_semaphore, #tpu.memory_space<semaphore_mem>>)
        %dma_start3A_1500 = arith.constant 3 : i32
        %dma_start3A_1501 = arith.constant 3 : i32
        %dma_start3A_1502 = arith.constant 0 : i32
        %dma_start3A_1503 = tpu.memref_slice %arg10[%dma_start3A_1500, %dma_start3A_1502] : memref<4x208xi32, #tpu.memory_space<vmem>> -> memref<1x200xi32, #tpu.memory_space<vmem>>
        %dma_start3A_1504 = tpu.memref_squeeze %dma_start3A_1503 : memref<1x200xi32, #tpu.memory_space<vmem>> -> memref<200xi32, #tpu.memory_space<vmem>>
        %dma_start3A_1505 = arith.constant 0 : i32
        %dma_start3A_1506 = tpu.memref_slice %arg4[%add3A_1467, %dma_start3A_1505] : memref<4096x200xi32, #tpu.memory_space<hbm>> -> memref<1x200xi32, #tpu.memory_space<hbm>>
        %dma_start3A_1507 = tpu.memref_squeeze %dma_start3A_1506 : memref<1x200xi32, #tpu.memory_space<hbm>> -> memref<200xi32, #tpu.memory_space<hbm>>
        %dma_start3A_1508 = tpu.memref_slice %arg14[%dma_start3A_1501] : memref<4x!tpu.dma_semaphore, #tpu.memory_space<semaphore_mem>> -> memref<1x!tpu.dma_semaphore, #tpu.memory_space<semaphore_mem>>
        %dma_start3A_1509 = tpu.memref_squeeze %dma_start3A_1508 : memref<1x!tpu.dma_semaphore, #tpu.memory_space<semaphore_mem>> -> memref<!tpu.dma_semaphore, #tpu.memory_space<semaphore_mem>>
        %dma_start3A_1510 = arith.constant 0 : i32
        %dma_start3A_1511 = tpu.memref_slice %arg10[%dma_start3A_1500, %dma_start3A_1510] : memref<4x208xi32, #tpu.memory_space<vmem>> -> memref<1x200xi32, #tpu.memory_space<vmem>>
        %dma_start3A_1512 = tpu.memref_squeeze %dma_start3A_1511 : memref<1x200xi32, #tpu.memory_space<vmem>> -> memref<200xi32, #tpu.memory_space<vmem>>
        %dma_start3A_1513 = arith.constant 0 : i32
        %dma_start3A_1514 = tpu.memref_slice %arg4[%add3A_1467, %dma_start3A_1513] : memref<4096x200xi32, #tpu.memory_space<hbm>> -> memref<1x200xi32, #tpu.memory_space<hbm>>
        %dma_start3A_1515 = tpu.memref_squeeze %dma_start3A_1514 : memref<1x200xi32, #tpu.memory_space<hbm>> -> memref<200xi32, #tpu.memory_space<hbm>>
        tpu.enqueue_dma source(%dma_start3A_1515 : memref<200xi32, #tpu.memory_space<hbm>>) target(%dma_start3A_1512 : memref<200xi32, #tpu.memory_space<vmem>>) target_semaphore(%dma_start3A_1509 : memref<!tpu.dma_semaphore, #tpu.memory_space<semaphore_mem>>)
      } else {
      }
      %add3A_1099 = arith.constant 1 : i32
      %add3A_1100 = arith.addi %mul3A_980, %add3A_1099 : i32
      %ge3A_1101 = arith.constant 2 : i32
      %ge3A_1102 = arith.cmpi sge, %add3A_1100, %ge3A_1101 : i32
      %convert_element_type3A_1103 = arith.extui %ge3A_1102 : i1 to i32
      %cond3A_1104 = arith.constant 0 : i32
      %cond3A_1105 = arith.cmpi ne, %convert_element_type3A_1103, %cond3A_1104 : i32
      scf.if %cond3A_1105 {
        %sub3A = arith.constant 2 : i32
        %sub3A_1465 = arith.subi %add3A_1100, %sub3A : i32
        %add3A_1466 = arith.addi %mul3A_2, %sub3A_1465 : i32
        %dma_wait3A_1467 = arith.constant 3 : i32
        %dma_wait3A_1468 = arith.constant 3 : i32
        %dma_wait3A_1469 = arith.constant 0 : i32
        %dma_wait3A_1470 = arith.constant 0 : i32
        %dma_wait3A_1471 = tpu.memref_slice %arg12[%dma_wait3A_1467, %dma_wait3A_1469, %dma_wait3A_1470] : memref<4x200x64xf32, #tpu.memory_space<vmem>> -> memref<1x200x64xf32, #tpu.memory_space<vmem>>
        %dma_wait3A_1472 = tpu.memref_squeeze %dma_wait3A_1471 : memref<1x200x64xf32, #tpu.memory_space<vmem>> -> memref<200x64xf32, #tpu.memory_space<vmem>>
        %dma_wait3A_1473 = arith.constant 0 : i32
        %dma_wait3A_1474 = arith.constant 0 : i32
        %dma_wait3A_1475 = tpu.memref_slice %arg7[%add3A_1466, %dma_wait3A_1473, %dma_wait3A_1474] : memref<4096x200x128xf32, #tpu.memory_space<hbm>> -> memref<1x200x64xf32, #tpu.memory_space<hbm>>
        %dma_wait3A_1476 = tpu.memref_squeeze %dma_wait3A_1475 : memref<1x200x64xf32, #tpu.memory_space<hbm>> -> memref<200x64xf32, #tpu.memory_space<hbm>>
        %dma_wait3A_1477 = tpu.memref_slice %arg16[%dma_wait3A_1468] : memref<4x!tpu.dma_semaphore, #tpu.memory_space<semaphore_mem>> -> memref<1x!tpu.dma_semaphore, #tpu.memory_space<semaphore_mem>>
        %dma_wait3A_1478 = tpu.memref_squeeze %dma_wait3A_1477 : memref<1x!tpu.dma_semaphore, #tpu.memory_space<semaphore_mem>> -> memref<!tpu.dma_semaphore, #tpu.memory_space<semaphore_mem>>
        %dma_wait3A_1479 = arith.constant 0 : i32
        %dma_wait3A_1480 = arith.constant 0 : i32
        %dma_wait3A_1481 = tpu.memref_slice %arg7[%add3A_1466, %dma_wait3A_1479, %dma_wait3A_1480] : memref<4096x200x128xf32, #tpu.memory_space<hbm>> -> memref<1x200x64xf32, #tpu.memory_space<hbm>>
        %dma_wait3A_1482 = tpu.memref_squeeze %dma_wait3A_1481 : memref<1x200x64xf32, #tpu.memory_space<hbm>> -> memref<200x64xf32, #tpu.memory_space<hbm>>
        %dma_wait3A_1483 = arith.constant 0 : i32
        %dma_wait3A_1484 = arith.constant 0 : i32
        %dma_wait3A_1485 = tpu.memref_slice %arg12[%dma_wait3A_1467, %dma_wait3A_1483, %dma_wait3A_1484] : memref<4x200x64xf32, #tpu.memory_space<vmem>> -> memref<1x200x64xf32, #tpu.memory_space<vmem>>
        %dma_wait3A_1486 = tpu.memref_squeeze %dma_wait3A_1485 : memref<1x200x64xf32, #tpu.memory_space<vmem>> -> memref<200x64xf32, #tpu.memory_space<vmem>>
        tpu.wait_dma2 semaphore(%dma_wait3A_1478 : memref<!tpu.dma_semaphore, #tpu.memory_space<semaphore_mem>>) src(%dma_wait3A_1486 : memref<200x64xf32, #tpu.memory_space<vmem>>) dst(%dma_wait3A_1482 : memref<200x64xf32, #tpu.memory_space<hbm>>)
        %dma_wait3A_1487 = arith.constant 3 : i32
        %dma_wait3A_1488 = arith.constant 3 : i32
        %dma_wait3A_1489 = arith.constant 0 : i32
        %dma_wait3A_1490 = arith.constant 0 : i32
        %dma_wait3A_1491 = tpu.memref_slice %arg13[%dma_wait3A_1487, %dma_wait3A_1489, %dma_wait3A_1490] : memref<4x200x64xf32, #tpu.memory_space<vmem>> -> memref<1x200x64xf32, #tpu.memory_space<vmem>>
        %dma_wait3A_1492 = tpu.memref_squeeze %dma_wait3A_1491 : memref<1x200x64xf32, #tpu.memory_space<vmem>> -> memref<200x64xf32, #tpu.memory_space<vmem>>
        %dma_wait3A_1493 = arith.constant 0 : i32
        %dma_wait3A_1494 = arith.constant 64 : i32
        %dma_wait3A_1495 = tpu.memref_slice %arg7[%add3A_1466, %dma_wait3A_1493, %dma_wait3A_1494] : memref<4096x200x128xf32, #tpu.memory_space<hbm>> -> memref<1x200x64xf32, #tpu.memory_space<hbm>>
        %dma_wait3A_1496 = tpu.memref_squeeze %dma_wait3A_1495 : memref<1x200x64xf32, #tpu.memory_space<hbm>> -> memref<200x64xf32, #tpu.memory_space<hbm>>
        %dma_wait3A_1497 = tpu.memref_slice %arg16[%dma_wait3A_1488] : memref<4x!tpu.dma_semaphore, #tpu.memory_space<semaphore_mem>> -> memref<1x!tpu.dma_semaphore, #tpu.memory_space<semaphore_mem>>
        %dma_wait3A_1498 = tpu.memref_squeeze %dma_wait3A_1497 : memref<1x!tpu.dma_semaphore, #tpu.memory_space<semaphore_mem>> -> memref<!tpu.dma_semaphore, #tpu.memory_space<semaphore_mem>>
        %dma_wait3A_1499 = arith.constant 0 : i32
        %dma_wait3A_1500 = arith.constant 64 : i32
        %dma_wait3A_1501 = tpu.memref_slice %arg7[%add3A_1466, %dma_wait3A_1499, %dma_wait3A_1500] : memref<4096x200x128xf32, #tpu.memory_space<hbm>> -> memref<1x200x64xf32, #tpu.memory_space<hbm>>
        %dma_wait3A_1502 = tpu.memref_squeeze %dma_wait3A_1501 : memref<1x200x64xf32, #tpu.memory_space<hbm>> -> memref<200x64xf32, #tpu.memory_space<hbm>>
        %dma_wait3A_1503 = arith.constant 0 : i32
        %dma_wait3A_1504 = arith.constant 0 : i32
        %dma_wait3A_1505 = tpu.memref_slice %arg13[%dma_wait3A_1487, %dma_wait3A_1503, %dma_wait3A_1504] : memref<4x200x64xf32, #tpu.memory_space<vmem>> -> memref<1x200x64xf32, #tpu.memory_space<vmem>>
        %dma_wait3A_1506 = tpu.memref_squeeze %dma_wait3A_1505 : memref<1x200x64xf32, #tpu.memory_space<vmem>> -> memref<200x64xf32, #tpu.memory_space<vmem>>
        tpu.wait_dma2 semaphore(%dma_wait3A_1498 : memref<!tpu.dma_semaphore, #tpu.memory_space<semaphore_mem>>) src(%dma_wait3A_1506 : memref<200x64xf32, #tpu.memory_space<vmem>>) dst(%dma_wait3A_1502 : memref<200x64xf32, #tpu.memory_space<hbm>>)
      } else {
      }
      %add3A_1106 = arith.constant 2 : i32
      %add3A_1107 = arith.addi %add3A_1100, %add3A_1106 : i32
      %lt3A_1108 = arith.constant 128 : i32
      %lt3A_1109 = arith.cmpi slt, %add3A_1107, %lt3A_1108 : i32
      %convert_element_type3A_1110 = arith.extui %lt3A_1109 : i1 to i32
      %cond3A_1111 = arith.constant 0 : i32
      %cond3A_1112 = arith.cmpi ne, %convert_element_type3A_1110, %cond3A_1111 : i32
      scf.if %cond3A_1112 {
        %add3A_1465 = arith.constant 2 : i32
        %add3A_1466 = arith.addi %add3A_1100, %add3A_1465 : i32
        %add3A_1467 = arith.addi %mul3A_2, %add3A_1466 : i32
        %dma_wait3A_1468 = arith.constant 3 : i32
        %dma_wait3A_1469 = arith.constant 3 : i32
        %dma_wait3A_1470 = arith.constant 0 : i32
        %dma_wait3A_1471 = tpu.memref_slice %arg8[%dma_wait3A_1468, %dma_wait3A_1470] : memref<4x208xi32, #tpu.memory_space<vmem>> -> memref<1x200xi32, #tpu.memory_space<vmem>>
        %dma_wait3A_1472 = tpu.memref_squeeze %dma_wait3A_1471 : memref<1x200xi32, #tpu.memory_space<vmem>> -> memref<200xi32, #tpu.memory_space<vmem>>
        %dma_wait3A_1473 = arith.constant 0 : i32
        %dma_wait3A_1474 = tpu.memref_slice %arg2[%add3A_1467, %dma_wait3A_1473] : memref<4096x200xi32, #tpu.memory_space<hbm>> -> memref<1x200xi32, #tpu.memory_space<hbm>>
        %dma_wait3A_1475 = tpu.memref_squeeze %dma_wait3A_1474 : memref<1x200xi32, #tpu.memory_space<hbm>> -> memref<200xi32, #tpu.memory_space<hbm>>
        %dma_wait3A_1476 = tpu.memref_slice %arg14[%dma_wait3A_1469] : memref<4x!tpu.dma_semaphore, #tpu.memory_space<semaphore_mem>> -> memref<1x!tpu.dma_semaphore, #tpu.memory_space<semaphore_mem>>
        %dma_wait3A_1477 = tpu.memref_squeeze %dma_wait3A_1476 : memref<1x!tpu.dma_semaphore, #tpu.memory_space<semaphore_mem>> -> memref<!tpu.dma_semaphore, #tpu.memory_space<semaphore_mem>>
        %dma_wait3A_1478 = arith.constant 0 : i32
        %dma_wait3A_1479 = tpu.memref_slice %arg8[%dma_wait3A_1468, %dma_wait3A_1478] : memref<4x208xi32, #tpu.memory_space<vmem>> -> memref<1x200xi32, #tpu.memory_space<vmem>>
        %dma_wait3A_1480 = tpu.memref_squeeze %dma_wait3A_1479 : memref<1x200xi32, #tpu.memory_space<vmem>> -> memref<200xi32, #tpu.memory_space<vmem>>
        %dma_wait3A_1481 = arith.constant 0 : i32
        %dma_wait3A_1482 = tpu.memref_slice %arg2[%add3A_1467, %dma_wait3A_1481] : memref<4096x200xi32, #tpu.memory_space<hbm>> -> memref<1x200xi32, #tpu.memory_space<hbm>>
        %dma_wait3A_1483 = tpu.memref_squeeze %dma_wait3A_1482 : memref<1x200xi32, #tpu.memory_space<hbm>> -> memref<200xi32, #tpu.memory_space<hbm>>
        tpu.wait_dma2 semaphore(%dma_wait3A_1477 : memref<!tpu.dma_semaphore, #tpu.memory_space<semaphore_mem>>) src(%dma_wait3A_1483 : memref<200xi32, #tpu.memory_space<hbm>>) dst(%dma_wait3A_1480 : memref<200xi32, #tpu.memory_space<vmem>>)
        %dma_wait3A_1484 = arith.constant 3 : i32
        %dma_wait3A_1485 = arith.constant 3 : i32
        %dma_wait3A_1486 = arith.constant 0 : i32
        %dma_wait3A_1487 = tpu.memref_slice %arg9[%dma_wait3A_1484, %dma_wait3A_1486] : memref<4x208xi32, #tpu.memory_space<vmem>> -> memref<1x200xi32, #tpu.memory_space<vmem>>
        %dma_wait3A_1488 = tpu.memref_squeeze %dma_wait3A_1487 : memref<1x200xi32, #tpu.memory_space<vmem>> -> memref<200xi32, #tpu.memory_space<vmem>>
        %dma_wait3A_1489 = arith.constant 0 : i32
        %dma_wait3A_1490 = tpu.memref_slice %arg3[%add3A_1467, %dma_wait3A_1489] : memref<4096x200xi32, #tpu.memory_space<hbm>> -> memref<1x200xi32, #tpu.memory_space<hbm>>
        %dma_wait3A_1491 = tpu.memref_squeeze %dma_wait3A_1490 : memref<1x200xi32, #tpu.memory_space<hbm>> -> memref<200xi32, #tpu.memory_space<hbm>>
        %dma_wait3A_1492 = tpu.memref_slice %arg14[%dma_wait3A_1485] : memref<4x!tpu.dma_semaphore, #tpu.memory_space<semaphore_mem>> -> memref<1x!tpu.dma_semaphore, #tpu.memory_space<semaphore_mem>>
        %dma_wait3A_1493 = tpu.memref_squeeze %dma_wait3A_1492 : memref<1x!tpu.dma_semaphore, #tpu.memory_space<semaphore_mem>> -> memref<!tpu.dma_semaphore, #tpu.memory_space<semaphore_mem>>
        %dma_wait3A_1494 = arith.constant 0 : i32
        %dma_wait3A_1495 = tpu.memref_slice %arg9[%dma_wait3A_1484, %dma_wait3A_1494] : memref<4x208xi32, #tpu.memory_space<vmem>> -> memref<1x200xi32, #tpu.memory_space<vmem>>
        %dma_wait3A_1496 = tpu.memref_squeeze %dma_wait3A_1495 : memref<1x200xi32, #tpu.memory_space<vmem>> -> memref<200xi32, #tpu.memory_space<vmem>>
        %dma_wait3A_1497 = arith.constant 0 : i32
        %dma_wait3A_1498 = tpu.memref_slice %arg3[%add3A_1467, %dma_wait3A_1497] : memref<4096x200xi32, #tpu.memory_space<hbm>> -> memref<1x200xi32, #tpu.memory_space<hbm>>
        %dma_wait3A_1499 = tpu.memref_squeeze %dma_wait3A_1498 : memref<1x200xi32, #tpu.memory_space<hbm>> -> memref<200xi32, #tpu.memory_space<hbm>>
        tpu.wait_dma2 semaphore(%dma_wait3A_1493 : memref<!tpu.dma_semaphore, #tpu.memory_space<semaphore_mem>>) src(%dma_wait3A_1499 : memref<200xi32, #tpu.memory_space<hbm>>) dst(%dma_wait3A_1496 : memref<200xi32, #tpu.memory_space<vmem>>)
        %dma_wait3A_1500 = arith.constant 3 : i32
        %dma_wait3A_1501 = arith.constant 3 : i32
        %dma_wait3A_1502 = arith.constant 0 : i32
        %dma_wait3A_1503 = tpu.memref_slice %arg10[%dma_wait3A_1500, %dma_wait3A_1502] : memref<4x208xi32, #tpu.memory_space<vmem>> -> memref<1x200xi32, #tpu.memory_space<vmem>>
        %dma_wait3A_1504 = tpu.memref_squeeze %dma_wait3A_1503 : memref<1x200xi32, #tpu.memory_space<vmem>> -> memref<200xi32, #tpu.memory_space<vmem>>
        %dma_wait3A_1505 = arith.constant 0 : i32
        %dma_wait3A_1506 = tpu.memref_slice %arg4[%add3A_1467, %dma_wait3A_1505] : memref<4096x200xi32, #tpu.memory_space<hbm>> -> memref<1x200xi32, #tpu.memory_space<hbm>>
        %dma_wait3A_1507 = tpu.memref_squeeze %dma_wait3A_1506 : memref<1x200xi32, #tpu.memory_space<hbm>> -> memref<200xi32, #tpu.memory_space<hbm>>
        %dma_wait3A_1508 = tpu.memref_slice %arg14[%dma_wait3A_1501] : memref<4x!tpu.dma_semaphore, #tpu.memory_space<semaphore_mem>> -> memref<1x!tpu.dma_semaphore, #tpu.memory_space<semaphore_mem>>
        %dma_wait3A_1509 = tpu.memref_squeeze %dma_wait3A_1508 : memref<1x!tpu.dma_semaphore, #tpu.memory_space<semaphore_mem>> -> memref<!tpu.dma_semaphore, #tpu.memory_space<semaphore_mem>>
        %dma_wait3A_1510 = arith.constant 0 : i32
        %dma_wait3A_1511 = tpu.memref_slice %arg10[%dma_wait3A_1500, %dma_wait3A_1510] : memref<4x208xi32, #tpu.memory_space<vmem>> -> memref<1x200xi32, #tpu.memory_space<vmem>>
        %dma_wait3A_1512 = tpu.memref_squeeze %dma_wait3A_1511 : memref<1x200xi32, #tpu.memory_space<vmem>> -> memref<200xi32, #tpu.memory_space<vmem>>
        %dma_wait3A_1513 = arith.constant 0 : i32
        %dma_wait3A_1514 = tpu.memref_slice %arg4[%add3A_1467, %dma_wait3A_1513] : memref<4096x200xi32, #tpu.memory_space<hbm>> -> memref<1x200xi32, #tpu.memory_space<hbm>>
        %dma_wait3A_1515 = tpu.memref_squeeze %dma_wait3A_1514 : memref<1x200xi32, #tpu.memory_space<hbm>> -> memref<200xi32, #tpu.memory_space<hbm>>
        tpu.wait_dma2 semaphore(%dma_wait3A_1509 : memref<!tpu.dma_semaphore, #tpu.memory_space<semaphore_mem>>) src(%dma_wait3A_1515 : memref<200xi32, #tpu.memory_space<hbm>>) dst(%dma_wait3A_1512 : memref<200xi32, #tpu.memory_space<vmem>>)
        %get3A_1516 = arith.constant 3 : i32
        %get3A_1517 = arith.index_cast %get3A_1516 : i32 to index
        %get3A_1518 = arith.constant 0 : index
        %get3A_1519 = tpu.vector_load %arg9[%get3A_1517, %get3A_1518] {strides = array<i32>} : memref<4x208xi32, #tpu.memory_space<vmem>>, vector<1x16xi32>,
        %get3A_1520 = vector.shape_cast %get3A_1519 : vector<1x16xi32> to vector<16xi32>
        %mul3A_1521 = arith.constant 201 : i32
        %mul3A_1522 = vector.broadcast %mul3A_1521 : i32 to vector<16xi32>
        %mul3A_1523 = arith.muli %get3A_1520, %mul3A_1522 : vector<16xi32>
        %get3A_1524 = arith.constant 3 : i32
        %get3A_1525 = arith.index_cast %get3A_1524 : i32 to index
        %get3A_1526 = arith.constant 0 : index
        %get3A_1527 = tpu.vector_load %arg10[%get3A_1525, %get3A_1526] {strides = array<i32>} : memref<4x208xi32, #tpu.memory_space<vmem>>, vector<1x16xi32>,
        %get3A_1528 = vector.shape_cast %get3A_1527 : vector<1x16xi32> to vector<16xi32>
        %add3A_1529 = arith.addi %mul3A_1523, %get3A_1528 : vector<16xi32>
        %swap3A_1530 = arith.constant 3 : i32
        %swap3A_1531 = arith.index_cast %swap3A_1530 : i32 to index
        %swap3A_1532 = arith.constant 0 : index
        %swap3A_1533 = tpu.vector_load %arg11[%swap3A_1531, %swap3A_1532] {strides = array<i32>} : memref<4x208xi32, #tpu.memory_space<vmem>>, vector<1x16xi32>,
        %swap3A_1534 = vector.shape_cast %swap3A_1533 : vector<1x16xi32> to vector<16xi32>
        %swap3A_1535 = vector.shape_cast %add3A_1529 : vector<16xi32> to vector<1x16xi32>
        tpu.vector_store %arg11[%swap3A_1531, %swap3A_1532], %swap3A_1535 {strides = array<i32>} : memref<4x208xi32, #tpu.memory_space<vmem>>, vector<1x16xi32>,
        %get3A_1536 = arith.constant 3 : i32
        %get3A_1537 = arith.index_cast %get3A_1536 : i32 to index
        %get3A_1538 = arith.constant 16 : index
        %get3A_1539 = tpu.vector_load %arg9[%get3A_1537, %get3A_1538] {strides = array<i32>} : memref<4x208xi32, #tpu.memory_space<vmem>>, vector<1x16xi32>,
        %get3A_1540 = vector.shape_cast %get3A_1539 : vector<1x16xi32> to vector<16xi32>
        %mul3A_1541 = arith.constant 201 : i32
        %mul3A_1542 = vector.broadcast %mul3A_1541 : i32 to vector<16xi32>
        %mul3A_1543 = arith.muli %get3A_1540, %mul3A_1542 : vector<16xi32>
        %get3A_1544 = arith.constant 3 : i32
        %get3A_1545 = arith.index_cast %get3A_1544 : i32 to index
        %get3A_1546 = arith.constant 16 : index
        %get3A_1547 = tpu.vector_load %arg10[%get3A_1545, %get3A_1546] {strides = array<i32>} : memref<4x208xi32, #tpu.memory_space<vmem>>, vector<1x16xi32>,
        %get3A_1548 = vector.shape_cast %get3A_1547 : vector<1x16xi32> to vector<16xi32>
        %add3A_1549 = arith.addi %mul3A_1543, %get3A_1548 : vector<16xi32>
        %swap3A_1550 = arith.constant 3 : i32
        %swap3A_1551 = arith.index_cast %swap3A_1550 : i32 to index
        %swap3A_1552 = arith.constant 16 : index
        %swap3A_1553 = tpu.vector_load %arg11[%swap3A_1551, %swap3A_1552] {strides = array<i32>} : memref<4x208xi32, #tpu.memory_space<vmem>>, vector<1x16xi32>,
        %swap3A_1554 = vector.shape_cast %swap3A_1553 : vector<1x16xi32> to vector<16xi32>
        %swap3A_1555 = vector.shape_cast %add3A_1549 : vector<16xi32> to vector<1x16xi32>
        tpu.vector_store %arg11[%swap3A_1551, %swap3A_1552], %swap3A_1555 {strides = array<i32>} : memref<4x208xi32, #tpu.memory_space<vmem>>, vector<1x16xi32>,
        %get3A_1556 = arith.constant 3 : i32
        %get3A_1557 = arith.index_cast %get3A_1556 : i32 to index
        %get3A_1558 = arith.constant 32 : index
        %get3A_1559 = tpu.vector_load %arg9[%get3A_1557, %get3A_1558] {strides = array<i32>} : memref<4x208xi32, #tpu.memory_space<vmem>>, vector<1x16xi32>,
        %get3A_1560 = vector.shape_cast %get3A_1559 : vector<1x16xi32> to vector<16xi32>
        %mul3A_1561 = arith.constant 201 : i32
        %mul3A_1562 = vector.broadcast %mul3A_1561 : i32 to vector<16xi32>
        %mul3A_1563 = arith.muli %get3A_1560, %mul3A_1562 : vector<16xi32>
        %get3A_1564 = arith.constant 3 : i32
        %get3A_1565 = arith.index_cast %get3A_1564 : i32 to index
        %get3A_1566 = arith.constant 32 : index
        %get3A_1567 = tpu.vector_load %arg10[%get3A_1565, %get3A_1566] {strides = array<i32>} : memref<4x208xi32, #tpu.memory_space<vmem>>, vector<1x16xi32>,
        %get3A_1568 = vector.shape_cast %get3A_1567 : vector<1x16xi32> to vector<16xi32>
        %add3A_1569 = arith.addi %mul3A_1563, %get3A_1568 : vector<16xi32>
        %swap3A_1570 = arith.constant 3 : i32
        %swap3A_1571 = arith.index_cast %swap3A_1570 : i32 to index
        %swap3A_1572 = arith.constant 32 : index
        %swap3A_1573 = tpu.vector_load %arg11[%swap3A_1571, %swap3A_1572] {strides = array<i32>} : memref<4x208xi32, #tpu.memory_space<vmem>>, vector<1x16xi32>,
        %swap3A_1574 = vector.shape_cast %swap3A_1573 : vector<1x16xi32> to vector<16xi32>
        %swap3A_1575 = vector.shape_cast %add3A_1569 : vector<16xi32> to vector<1x16xi32>
        tpu.vector_store %arg11[%swap3A_1571, %swap3A_1572], %swap3A_1575 {strides = array<i32>} : memref<4x208xi32, #tpu.memory_space<vmem>>, vector<1x16xi32>,
        %get3A_1576 = arith.constant 3 : i32
        %get3A_1577 = arith.index_cast %get3A_1576 : i32 to index
        %get3A_1578 = arith.constant 48 : index
        %get3A_1579 = tpu.vector_load %arg9[%get3A_1577, %get3A_1578] {strides = array<i32>} : memref<4x208xi32, #tpu.memory_space<vmem>>, vector<1x16xi32>,
        %get3A_1580 = vector.shape_cast %get3A_1579 : vector<1x16xi32> to vector<16xi32>
        %mul3A_1581 = arith.constant 201 : i32
        %mul3A_1582 = vector.broadcast %mul3A_1581 : i32 to vector<16xi32>
        %mul3A_1583 = arith.muli %get3A_1580, %mul3A_1582 : vector<16xi32>
        %get3A_1584 = arith.constant 3 : i32
        %get3A_1585 = arith.index_cast %get3A_1584 : i32 to index
        %get3A_1586 = arith.constant 48 : index
        %get3A_1587 = tpu.vector_load %arg10[%get3A_1585, %get3A_1586] {strides = array<i32>} : memref<4x208xi32, #tpu.memory_space<vmem>>, vector<1x16xi32>,
        %get3A_1588 = vector.shape_cast %get3A_1587 : vector<1x16xi32> to vector<16xi32>
        %add3A_1589 = arith.addi %mul3A_1583, %get3A_1588 : vector<16xi32>
        %swap3A_1590 = arith.constant 3 : i32
        %swap3A_1591 = arith.index_cast %swap3A_1590 : i32 to index
        %swap3A_1592 = arith.constant 48 : index
        %swap3A_1593 = tpu.vector_load %arg11[%swap3A_1591, %swap3A_1592] {strides = array<i32>} : memref<4x208xi32, #tpu.memory_space<vmem>>, vector<1x16xi32>,
        %swap3A_1594 = vector.shape_cast %swap3A_1593 : vector<1x16xi32> to vector<16xi32>
        %swap3A_1595 = vector.shape_cast %add3A_1589 : vector<16xi32> to vector<1x16xi32>
        tpu.vector_store %arg11[%swap3A_1591, %swap3A_1592], %swap3A_1595 {strides = array<i32>} : memref<4x208xi32, #tpu.memory_space<vmem>>, vector<1x16xi32>,
        %get3A_1596 = arith.constant 3 : i32
        %get3A_1597 = arith.index_cast %get3A_1596 : i32 to index
        %get3A_1598 = arith.constant 64 : index
        %get3A_1599 = tpu.vector_load %arg9[%get3A_1597, %get3A_1598] {strides = array<i32>} : memref<4x208xi32, #tpu.memory_space<vmem>>, vector<1x16xi32>,
        %get3A_1600 = vector.shape_cast %get3A_1599 : vector<1x16xi32> to vector<16xi32>
        %mul3A_1601 = arith.constant 201 : i32
        %mul3A_1602 = vector.broadcast %mul3A_1601 : i32 to vector<16xi32>
        %mul3A_1603 = arith.muli %get3A_1600, %mul3A_1602 : vector<16xi32>
        %get3A_1604 = arith.constant 3 : i32
        %get3A_1605 = arith.index_cast %get3A_1604 : i32 to index
        %get3A_1606 = arith.constant 64 : index
        %get3A_1607 = tpu.vector_load %arg10[%get3A_1605, %get3A_1606] {strides = array<i32>} : memref<4x208xi32, #tpu.memory_space<vmem>>, vector<1x16xi32>,
        %get3A_1608 = vector.shape_cast %get3A_1607 : vector<1x16xi32> to vector<16xi32>
        %add3A_1609 = arith.addi %mul3A_1603, %get3A_1608 : vector<16xi32>
        %swap3A_1610 = arith.constant 3 : i32
        %swap3A_1611 = arith.index_cast %swap3A_1610 : i32 to index
        %swap3A_1612 = arith.constant 64 : index
        %swap3A_1613 = tpu.vector_load %arg11[%swap3A_1611, %swap3A_1612] {strides = array<i32>} : memref<4x208xi32, #tpu.memory_space<vmem>>, vector<1x16xi32>,
        %swap3A_1614 = vector.shape_cast %swap3A_1613 : vector<1x16xi32> to vector<16xi32>
        %swap3A_1615 = vector.shape_cast %add3A_1609 : vector<16xi32> to vector<1x16xi32>
        tpu.vector_store %arg11[%swap3A_1611, %swap3A_1612], %swap3A_1615 {strides = array<i32>} : memref<4x208xi32, #tpu.memory_space<vmem>>, vector<1x16xi32>,
        %get3A_1616 = arith.constant 3 : i32
        %get3A_1617 = arith.index_cast %get3A_1616 : i32 to index
        %get3A_1618 = arith.constant 80 : index
        %get3A_1619 = tpu.vector_load %arg9[%get3A_1617, %get3A_1618] {strides = array<i32>} : memref<4x208xi32, #tpu.memory_space<vmem>>, vector<1x16xi32>,
        %get3A_1620 = vector.shape_cast %get3A_1619 : vector<1x16xi32> to vector<16xi32>
        %mul3A_1621 = arith.constant 201 : i32
        %mul3A_1622 = vector.broadcast %mul3A_1621 : i32 to vector<16xi32>
        %mul3A_1623 = arith.muli %get3A_1620, %mul3A_1622 : vector<16xi32>
        %get3A_1624 = arith.constant 3 : i32
        %get3A_1625 = arith.index_cast %get3A_1624 : i32 to index
        %get3A_1626 = arith.constant 80 : index
        %get3A_1627 = tpu.vector_load %arg10[%get3A_1625, %get3A_1626] {strides = array<i32>} : memref<4x208xi32, #tpu.memory_space<vmem>>, vector<1x16xi32>,
        %get3A_1628 = vector.shape_cast %get3A_1627 : vector<1x16xi32> to vector<16xi32>
        %add3A_1629 = arith.addi %mul3A_1623, %get3A_1628 : vector<16xi32>
        %swap3A_1630 = arith.constant 3 : i32
        %swap3A_1631 = arith.index_cast %swap3A_1630 : i32 to index
        %swap3A_1632 = arith.constant 80 : index
        %swap3A_1633 = tpu.vector_load %arg11[%swap3A_1631, %swap3A_1632] {strides = array<i32>} : memref<4x208xi32, #tpu.memory_space<vmem>>, vector<1x16xi32>,
        %swap3A_1634 = vector.shape_cast %swap3A_1633 : vector<1x16xi32> to vector<16xi32>
        %swap3A_1635 = vector.shape_cast %add3A_1629 : vector<16xi32> to vector<1x16xi32>
        tpu.vector_store %arg11[%swap3A_1631, %swap3A_1632], %swap3A_1635 {strides = array<i32>} : memref<4x208xi32, #tpu.memory_space<vmem>>, vector<1x16xi32>,
        %get3A_1636 = arith.constant 3 : i32
        %get3A_1637 = arith.index_cast %get3A_1636 : i32 to index
        %get3A_1638 = arith.constant 96 : index
        %get3A_1639 = tpu.vector_load %arg9[%get3A_1637, %get3A_1638] {strides = array<i32>} : memref<4x208xi32, #tpu.memory_space<vmem>>, vector<1x16xi32>,
        %get3A_1640 = vector.shape_cast %get3A_1639 : vector<1x16xi32> to vector<16xi32>
        %mul3A_1641 = arith.constant 201 : i32
        %mul3A_1642 = vector.broadcast %mul3A_1641 : i32 to vector<16xi32>
        %mul3A_1643 = arith.muli %get3A_1640, %mul3A_1642 : vector<16xi32>
        %get3A_1644 = arith.constant 3 : i32
        %get3A_1645 = arith.index_cast %get3A_1644 : i32 to index
        %get3A_1646 = arith.constant 96 : index
        %get3A_1647 = tpu.vector_load %arg10[%get3A_1645, %get3A_1646] {strides = array<i32>} : memref<4x208xi32, #tpu.memory_space<vmem>>, vector<1x16xi32>,
        %get3A_1648 = vector.shape_cast %get3A_1647 : vector<1x16xi32> to vector<16xi32>
        %add3A_1649 = arith.addi %mul3A_1643, %get3A_1648 : vector<16xi32>
        %swap3A_1650 = arith.constant 3 : i32
        %swap3A_1651 = arith.index_cast %swap3A_1650 : i32 to index
        %swap3A_1652 = arith.constant 96 : index
        %swap3A_1653 = tpu.vector_load %arg11[%swap3A_1651, %swap3A_1652] {strides = array<i32>} : memref<4x208xi32, #tpu.memory_space<vmem>>, vector<1x16xi32>,
        %swap3A_1654 = vector.shape_cast %swap3A_1653 : vector<1x16xi32> to vector<16xi32>
        %swap3A_1655 = vector.shape_cast %add3A_1649 : vector<16xi32> to vector<1x16xi32>
        tpu.vector_store %arg11[%swap3A_1651, %swap3A_1652], %swap3A_1655 {strides = array<i32>} : memref<4x208xi32, #tpu.memory_space<vmem>>, vector<1x16xi32>,
        %get3A_1656 = arith.constant 3 : i32
        %get3A_1657 = arith.index_cast %get3A_1656 : i32 to index
        %get3A_1658 = arith.constant 112 : index
        %get3A_1659 = tpu.vector_load %arg9[%get3A_1657, %get3A_1658] {strides = array<i32>} : memref<4x208xi32, #tpu.memory_space<vmem>>, vector<1x16xi32>,
        %get3A_1660 = vector.shape_cast %get3A_1659 : vector<1x16xi32> to vector<16xi32>
        %mul3A_1661 = arith.constant 201 : i32
        %mul3A_1662 = vector.broadcast %mul3A_1661 : i32 to vector<16xi32>
        %mul3A_1663 = arith.muli %get3A_1660, %mul3A_1662 : vector<16xi32>
        %get3A_1664 = arith.constant 3 : i32
        %get3A_1665 = arith.index_cast %get3A_1664 : i32 to index
        %get3A_1666 = arith.constant 112 : index
        %get3A_1667 = tpu.vector_load %arg10[%get3A_1665, %get3A_1666] {strides = array<i32>} : memref<4x208xi32, #tpu.memory_space<vmem>>, vector<1x16xi32>,
        %get3A_1668 = vector.shape_cast %get3A_1667 : vector<1x16xi32> to vector<16xi32>
        %add3A_1669 = arith.addi %mul3A_1663, %get3A_1668 : vector<16xi32>
        %swap3A_1670 = arith.constant 3 : i32
        %swap3A_1671 = arith.index_cast %swap3A_1670 : i32 to index
        %swap3A_1672 = arith.constant 112 : index
        %swap3A_1673 = tpu.vector_load %arg11[%swap3A_1671, %swap3A_1672] {strides = array<i32>} : memref<4x208xi32, #tpu.memory_space<vmem>>, vector<1x16xi32>,
        %swap3A_1674 = vector.shape_cast %swap3A_1673 : vector<1x16xi32> to vector<16xi32>
        %swap3A_1675 = vector.shape_cast %add3A_1669 : vector<16xi32> to vector<1x16xi32>
        tpu.vector_store %arg11[%swap3A_1671, %swap3A_1672], %swap3A_1675 {strides = array<i32>} : memref<4x208xi32, #tpu.memory_space<vmem>>, vector<1x16xi32>,
        %get3A_1676 = arith.constant 3 : i32
        %get3A_1677 = arith.index_cast %get3A_1676 : i32 to index
        %get3A_1678 = arith.constant 128 : index
        %get3A_1679 = tpu.vector_load %arg9[%get3A_1677, %get3A_1678] {strides = array<i32>} : memref<4x208xi32, #tpu.memory_space<vmem>>, vector<1x16xi32>,
        %get3A_1680 = vector.shape_cast %get3A_1679 : vector<1x16xi32> to vector<16xi32>
        %mul3A_1681 = arith.constant 201 : i32
        %mul3A_1682 = vector.broadcast %mul3A_1681 : i32 to vector<16xi32>
        %mul3A_1683 = arith.muli %get3A_1680, %mul3A_1682 : vector<16xi32>
        %get3A_1684 = arith.constant 3 : i32
        %get3A_1685 = arith.index_cast %get3A_1684 : i32 to index
        %get3A_1686 = arith.constant 128 : index
        %get3A_1687 = tpu.vector_load %arg10[%get3A_1685, %get3A_1686] {strides = array<i32>} : memref<4x208xi32, #tpu.memory_space<vmem>>, vector<1x16xi32>,
        %get3A_1688 = vector.shape_cast %get3A_1687 : vector<1x16xi32> to vector<16xi32>
        %add3A_1689 = arith.addi %mul3A_1683, %get3A_1688 : vector<16xi32>
        %swap3A_1690 = arith.constant 3 : i32
        %swap3A_1691 = arith.index_cast %swap3A_1690 : i32 to index
        %swap3A_1692 = arith.constant 128 : index
        %swap3A_1693 = tpu.vector_load %arg11[%swap3A_1691, %swap3A_1692] {strides = array<i32>} : memref<4x208xi32, #tpu.memory_space<vmem>>, vector<1x16xi32>,
        %swap3A_1694 = vector.shape_cast %swap3A_1693 : vector<1x16xi32> to vector<16xi32>
        %swap3A_1695 = vector.shape_cast %add3A_1689 : vector<16xi32> to vector<1x16xi32>
        tpu.vector_store %arg11[%swap3A_1691, %swap3A_1692], %swap3A_1695 {strides = array<i32>} : memref<4x208xi32, #tpu.memory_space<vmem>>, vector<1x16xi32>,
        %get3A_1696 = arith.constant 3 : i32
        %get3A_1697 = arith.index_cast %get3A_1696 : i32 to index
        %get3A_1698 = arith.constant 144 : index
        %get3A_1699 = tpu.vector_load %arg9[%get3A_1697, %get3A_1698] {strides = array<i32>} : memref<4x208xi32, #tpu.memory_space<vmem>>, vector<1x16xi32>,
        %get3A_1700 = vector.shape_cast %get3A_1699 : vector<1x16xi32> to vector<16xi32>
        %mul3A_1701 = arith.constant 201 : i32
        %mul3A_1702 = vector.broadcast %mul3A_1701 : i32 to vector<16xi32>
        %mul3A_1703 = arith.muli %get3A_1700, %mul3A_1702 : vector<16xi32>
        %get3A_1704 = arith.constant 3 : i32
        %get3A_1705 = arith.index_cast %get3A_1704 : i32 to index
        %get3A_1706 = arith.constant 144 : index
        %get3A_1707 = tpu.vector_load %arg10[%get3A_1705, %get3A_1706] {strides = array<i32>} : memref<4x208xi32, #tpu.memory_space<vmem>>, vector<1x16xi32>,
        %get3A_1708 = vector.shape_cast %get3A_1707 : vector<1x16xi32> to vector<16xi32>
        %add3A_1709 = arith.addi %mul3A_1703, %get3A_1708 : vector<16xi32>
        %swap3A_1710 = arith.constant 3 : i32
        %swap3A_1711 = arith.index_cast %swap3A_1710 : i32 to index
        %swap3A_1712 = arith.constant 144 : index
        %swap3A_1713 = tpu.vector_load %arg11[%swap3A_1711, %swap3A_1712] {strides = array<i32>} : memref<4x208xi32, #tpu.memory_space<vmem>>, vector<1x16xi32>,
        %swap3A_1714 = vector.shape_cast %swap3A_1713 : vector<1x16xi32> to vector<16xi32>
        %swap3A_1715 = vector.shape_cast %add3A_1709 : vector<16xi32> to vector<1x16xi32>
        tpu.vector_store %arg11[%swap3A_1711, %swap3A_1712], %swap3A_1715 {strides = array<i32>} : memref<4x208xi32, #tpu.memory_space<vmem>>, vector<1x16xi32>,
        %get3A_1716 = arith.constant 3 : i32
        %get3A_1717 = arith.index_cast %get3A_1716 : i32 to index
        %get3A_1718 = arith.constant 160 : index
        %get3A_1719 = tpu.vector_load %arg9[%get3A_1717, %get3A_1718] {strides = array<i32>} : memref<4x208xi32, #tpu.memory_space<vmem>>, vector<1x16xi32>,
        %get3A_1720 = vector.shape_cast %get3A_1719 : vector<1x16xi32> to vector<16xi32>
        %mul3A_1721 = arith.constant 201 : i32
        %mul3A_1722 = vector.broadcast %mul3A_1721 : i32 to vector<16xi32>
        %mul3A_1723 = arith.muli %get3A_1720, %mul3A_1722 : vector<16xi32>
        %get3A_1724 = arith.constant 3 : i32
        %get3A_1725 = arith.index_cast %get3A_1724 : i32 to index
        %get3A_1726 = arith.constant 160 : index
        %get3A_1727 = tpu.vector_load %arg10[%get3A_1725, %get3A_1726] {strides = array<i32>} : memref<4x208xi32, #tpu.memory_space<vmem>>, vector<1x16xi32>,
        %get3A_1728 = vector.shape_cast %get3A_1727 : vector<1x16xi32> to vector<16xi32>
        %add3A_1729 = arith.addi %mul3A_1723, %get3A_1728 : vector<16xi32>
        %swap3A_1730 = arith.constant 3 : i32
        %swap3A_1731 = arith.index_cast %swap3A_1730 : i32 to index
        %swap3A_1732 = arith.constant 160 : index
        %swap3A_1733 = tpu.vector_load %arg11[%swap3A_1731, %swap3A_1732] {strides = array<i32>} : memref<4x208xi32, #tpu.memory_space<vmem>>, vector<1x16xi32>,
        %swap3A_1734 = vector.shape_cast %swap3A_1733 : vector<1x16xi32> to vector<16xi32>
        %swap3A_1735 = vector.shape_cast %add3A_1729 : vector<16xi32> to vector<1x16xi32>
        tpu.vector_store %arg11[%swap3A_1731, %swap3A_1732], %swap3A_1735 {strides = array<i32>} : memref<4x208xi32, #tpu.memory_space<vmem>>, vector<1x16xi32>,
        %get3A_1736 = arith.constant 3 : i32
        %get3A_1737 = arith.index_cast %get3A_1736 : i32 to index
        %get3A_1738 = arith.constant 176 : index
        %get3A_1739 = tpu.vector_load %arg9[%get3A_1737, %get3A_1738] {strides = array<i32>} : memref<4x208xi32, #tpu.memory_space<vmem>>, vector<1x16xi32>,
        %get3A_1740 = vector.shape_cast %get3A_1739 : vector<1x16xi32> to vector<16xi32>
        %mul3A_1741 = arith.constant 201 : i32
        %mul3A_1742 = vector.broadcast %mul3A_1741 : i32 to vector<16xi32>
        %mul3A_1743 = arith.muli %get3A_1740, %mul3A_1742 : vector<16xi32>
        %get3A_1744 = arith.constant 3 : i32
        %get3A_1745 = arith.index_cast %get3A_1744 : i32 to index
        %get3A_1746 = arith.constant 176 : index
        %get3A_1747 = tpu.vector_load %arg10[%get3A_1745, %get3A_1746] {strides = array<i32>} : memref<4x208xi32, #tpu.memory_space<vmem>>, vector<1x16xi32>,
        %get3A_1748 = vector.shape_cast %get3A_1747 : vector<1x16xi32> to vector<16xi32>
        %add3A_1749 = arith.addi %mul3A_1743, %get3A_1748 : vector<16xi32>
        %swap3A_1750 = arith.constant 3 : i32
        %swap3A_1751 = arith.index_cast %swap3A_1750 : i32 to index
        %swap3A_1752 = arith.constant 176 : index
        %swap3A_1753 = tpu.vector_load %arg11[%swap3A_1751, %swap3A_1752] {strides = array<i32>} : memref<4x208xi32, #tpu.memory_space<vmem>>, vector<1x16xi32>,
        %swap3A_1754 = vector.shape_cast %swap3A_1753 : vector<1x16xi32> to vector<16xi32>
        %swap3A_1755 = vector.shape_cast %add3A_1749 : vector<16xi32> to vector<1x16xi32>
        tpu.vector_store %arg11[%swap3A_1751, %swap3A_1752], %swap3A_1755 {strides = array<i32>} : memref<4x208xi32, #tpu.memory_space<vmem>>, vector<1x16xi32>,
        %get3A_1756 = arith.constant 3 : i32
        %get3A_1757 = arith.index_cast %get3A_1756 : i32 to index
        %get3A_1758 = arith.constant 192 : index
        %get3A_1759 = tpu.vector_load %arg9[%get3A_1757, %get3A_1758] {strides = array<i32>} : memref<4x208xi32, #tpu.memory_space<vmem>>, vector<1x16xi32>,
        %get3A_1760 = vector.shape_cast %get3A_1759 : vector<1x16xi32> to vector<16xi32>
        %mul3A_1761 = arith.constant 201 : i32
        %mul3A_1762 = vector.broadcast %mul3A_1761 : i32 to vector<16xi32>
        %mul3A_1763 = arith.muli %get3A_1760, %mul3A_1762 : vector<16xi32>
        %get3A_1764 = arith.constant 3 : i32
        %get3A_1765 = arith.index_cast %get3A_1764 : i32 to index
        %get3A_1766 = arith.constant 192 : index
        %get3A_1767 = tpu.vector_load %arg10[%get3A_1765, %get3A_1766] {strides = array<i32>} : memref<4x208xi32, #tpu.memory_space<vmem>>, vector<1x16xi32>,
        %get3A_1768 = vector.shape_cast %get3A_1767 : vector<1x16xi32> to vector<16xi32>
        %add3A_1769 = arith.addi %mul3A_1763, %get3A_1768 : vector<16xi32>
        %swap3A_1770 = arith.constant 3 : i32
        %swap3A_1771 = arith.index_cast %swap3A_1770 : i32 to index
        %swap3A_1772 = arith.constant 192 : index
        %swap3A_1773 = tpu.vector_load %arg11[%swap3A_1771, %swap3A_1772] {strides = array<i32>} : memref<4x208xi32, #tpu.memory_space<vmem>>, vector<1x16xi32>,
        %swap3A_1774 = vector.shape_cast %swap3A_1773 : vector<1x16xi32> to vector<16xi32>
        %swap3A_1775 = vector.shape_cast %add3A_1769 : vector<16xi32> to vector<1x16xi32>
        tpu.vector_store %arg11[%swap3A_1771, %swap3A_1772], %swap3A_1775 {strides = array<i32>} : memref<4x208xi32, #tpu.memory_space<vmem>>, vector<1x16xi32>,
        %dma_start3A_1776 = arith.constant 3 : i32
        %dma_start3A_1777 = arith.constant 3 : i32
        %dma_start3A_1778 = arith.constant 3 : i32
        %dma_start3A_1779 = arith.constant 0 : i32
        %dma_start3A_1780 = arith.constant 0 : i32
        %dma_start3A_1781 = tpu.memref_slice %arg12[%dma_start3A_1777, %dma_start3A_1779, %dma_start3A_1780] : memref<4x200x64xf32, #tpu.memory_space<vmem>> -> memref<1x128x64xf32, #tpu.memory_space<vmem>>
        %dma_start3A_1782 = tpu.memref_squeeze %dma_start3A_1781 : memref<1x128x64xf32, #tpu.memory_space<vmem>> -> memref<128x64xf32, #tpu.memory_space<vmem>>
        %dma_start3A_1783 = arith.constant 0 : i32
        %dma_start3A_1784 = tpu.memref_slice %arg8[%dma_start3A_1776, %dma_start3A_1783] : memref<4x208xi32, #tpu.memory_space<vmem>> -> memref<1x128xi32, #tpu.memory_space<vmem>>
        %dma_start3A_1785 = tpu.memref_squeeze %dma_start3A_1784 : memref<1x128xi32, #tpu.memory_space<vmem>> -> memref<128xi32, #tpu.memory_space<vmem>>
        %dma_start3A_1786 = arith.constant 0 : i32
        %dma_start3A_1787 = arith.constant 0 : i32
        %dma_start3A_1788 = tpu.memref_slice %arg5[%dma_start3A_1786, %dma_start3A_1787] : memref<1000000x64xf32, #tpu.memory_space<hbm>> -> memref<1000000x64xf32, #tpu.memory_space<hbm>>
        %dma_start3A_1789 = tpu.memref_slice %arg15[%dma_start3A_1778] : memref<4x!tpu.dma_semaphore, #tpu.memory_space<semaphore_mem>> -> memref<1x!tpu.dma_semaphore, #tpu.memory_space<semaphore_mem>>
        %dma_start3A_1790 = tpu.memref_squeeze %dma_start3A_1789 : memref<1x!tpu.dma_semaphore, #tpu.memory_space<semaphore_mem>> -> memref<!tpu.dma_semaphore, #tpu.memory_space<semaphore_mem>>
        tpu.enqueue_indirect_dma source(%dma_start3A_1788 : memref<1000000x64xf32, #tpu.memory_space<hbm>>) target(%dma_start3A_1782 : memref<128x64xf32, #tpu.memory_space<vmem>>) offsets(%dma_start3A_1785 : memref<128xi32, #tpu.memory_space<vmem>>) semaphore(%dma_start3A_1790 : memref<!tpu.dma_semaphore, #tpu.memory_space<semaphore_mem>>)
        %dma_start3A_1791 = arith.constant 3 : i32
        %dma_start3A_1792 = arith.constant 3 : i32
        %dma_start3A_1793 = arith.constant 3 : i32
        %dma_start3A_1794 = arith.constant 0 : i32
        %dma_start3A_1795 = arith.constant 0 : i32
        %dma_start3A_1796 = tpu.memref_slice %arg13[%dma_start3A_1792, %dma_start3A_1794, %dma_start3A_1795] : memref<4x200x64xf32, #tpu.memory_space<vmem>> -> memref<1x128x64xf32, #tpu.memory_space<vmem>>
        %dma_start3A_1797 = tpu.memref_squeeze %dma_start3A_1796 : memref<1x128x64xf32, #tpu.memory_space<vmem>> -> memref<128x64xf32, #tpu.memory_space<vmem>>
        %dma_start3A_1798 = arith.constant 0 : i32
        %dma_start3A_1799 = tpu.memref_slice %arg11[%dma_start3A_1791, %dma_start3A_1798] : memref<4x208xi32, #tpu.memory_space<vmem>> -> memref<1x128xi32, #tpu.memory_space<vmem>>
        %dma_start3A_1800 = tpu.memref_squeeze %dma_start3A_1799 : memref<1x128xi32, #tpu.memory_space<vmem>> -> memref<128xi32, #tpu.memory_space<vmem>>
        %dma_start3A_1801 = arith.constant 0 : i32
        %dma_start3A_1802 = arith.constant 0 : i32
        %dma_start3A_1803 = tpu.memref_slice %arg6[%dma_start3A_1801, %dma_start3A_1802] : memref<40401x64xf32, #tpu.memory_space<hbm>> -> memref<40401x64xf32, #tpu.memory_space<hbm>>
        %dma_start3A_1804 = tpu.memref_slice %arg15[%dma_start3A_1793] : memref<4x!tpu.dma_semaphore, #tpu.memory_space<semaphore_mem>> -> memref<1x!tpu.dma_semaphore, #tpu.memory_space<semaphore_mem>>
        %dma_start3A_1805 = tpu.memref_squeeze %dma_start3A_1804 : memref<1x!tpu.dma_semaphore, #tpu.memory_space<semaphore_mem>> -> memref<!tpu.dma_semaphore, #tpu.memory_space<semaphore_mem>>
        tpu.enqueue_indirect_dma source(%dma_start3A_1803 : memref<40401x64xf32, #tpu.memory_space<hbm>>) target(%dma_start3A_1797 : memref<128x64xf32, #tpu.memory_space<vmem>>) offsets(%dma_start3A_1800 : memref<128xi32, #tpu.memory_space<vmem>>) semaphore(%dma_start3A_1805 : memref<!tpu.dma_semaphore, #tpu.memory_space<semaphore_mem>>)
        %dma_start3A_1806 = arith.constant 3 : i32
        %dma_start3A_1807 = arith.constant 3 : i32
        %dma_start3A_1808 = arith.constant 3 : i32
        %dma_start3A_1809 = arith.constant 128 : i32
        %dma_start3A_1810 = arith.constant 0 : i32
        %dma_start3A_1811 = tpu.memref_slice %arg12[%dma_start3A_1807, %dma_start3A_1809, %dma_start3A_1810] : memref<4x200x64xf32, #tpu.memory_space<vmem>> -> memref<1x72x64xf32, #tpu.memory_space<vmem>>
        %dma_start3A_1812 = tpu.memref_squeeze %dma_start3A_1811 : memref<1x72x64xf32, #tpu.memory_space<vmem>> -> memref<72x64xf32, #tpu.memory_space<vmem>>
        %dma_start3A_1813 = arith.constant 128 : i32
        %dma_start3A_1814 = tpu.memref_slice %arg8[%dma_start3A_1806, %dma_start3A_1813] : memref<4x208xi32, #tpu.memory_space<vmem>> -> memref<1x72xi32, #tpu.memory_space<vmem>>
        %dma_start3A_1815 = tpu.memref_squeeze %dma_start3A_1814 : memref<1x72xi32, #tpu.memory_space<vmem>> -> memref<72xi32, #tpu.memory_space<vmem>>
        %dma_start3A_1816 = arith.constant 0 : i32
        %dma_start3A_1817 = arith.constant 0 : i32
        %dma_start3A_1818 = tpu.memref_slice %arg5[%dma_start3A_1816, %dma_start3A_1817] : memref<1000000x64xf32, #tpu.memory_space<hbm>> -> memref<1000000x64xf32, #tpu.memory_space<hbm>>
        %dma_start3A_1819 = tpu.memref_slice %arg15[%dma_start3A_1808] : memref<4x!tpu.dma_semaphore, #tpu.memory_space<semaphore_mem>> -> memref<1x!tpu.dma_semaphore, #tpu.memory_space<semaphore_mem>>
        %dma_start3A_1820 = tpu.memref_squeeze %dma_start3A_1819 : memref<1x!tpu.dma_semaphore, #tpu.memory_space<semaphore_mem>> -> memref<!tpu.dma_semaphore, #tpu.memory_space<semaphore_mem>>
        tpu.enqueue_indirect_dma source(%dma_start3A_1818 : memref<1000000x64xf32, #tpu.memory_space<hbm>>) target(%dma_start3A_1812 : memref<72x64xf32, #tpu.memory_space<vmem>>) offsets(%dma_start3A_1815 : memref<72xi32, #tpu.memory_space<vmem>>) semaphore(%dma_start3A_1820 : memref<!tpu.dma_semaphore, #tpu.memory_space<semaphore_mem>>)
        %dma_start3A_1821 = arith.constant 3 : i32
        %dma_start3A_1822 = arith.constant 3 : i32
        %dma_start3A_1823 = arith.constant 3 : i32
        %dma_start3A_1824 = arith.constant 128 : i32
        %dma_start3A_1825 = arith.constant 0 : i32
        %dma_start3A_1826 = tpu.memref_slice %arg13[%dma_start3A_1822, %dma_start3A_1824, %dma_start3A_1825] : memref<4x200x64xf32, #tpu.memory_space<vmem>> -> memref<1x72x64xf32, #tpu.memory_space<vmem>>
        %dma_start3A_1827 = tpu.memref_squeeze %dma_start3A_1826 : memref<1x72x64xf32, #tpu.memory_space<vmem>> -> memref<72x64xf32, #tpu.memory_space<vmem>>
        %dma_start3A_1828 = arith.constant 128 : i32
        %dma_start3A_1829 = tpu.memref_slice %arg11[%dma_start3A_1821, %dma_start3A_1828] : memref<4x208xi32, #tpu.memory_space<vmem>> -> memref<1x72xi32, #tpu.memory_space<vmem>>
        %dma_start3A_1830 = tpu.memref_squeeze %dma_start3A_1829 : memref<1x72xi32, #tpu.memory_space<vmem>> -> memref<72xi32, #tpu.memory_space<vmem>>
        %dma_start3A_1831 = arith.constant 0 : i32
        %dma_start3A_1832 = arith.constant 0 : i32
        %dma_start3A_1833 = tpu.memref_slice %arg6[%dma_start3A_1831, %dma_start3A_1832] : memref<40401x64xf32, #tpu.memory_space<hbm>> -> memref<40401x64xf32, #tpu.memory_space<hbm>>
        %dma_start3A_1834 = tpu.memref_slice %arg15[%dma_start3A_1823] : memref<4x!tpu.dma_semaphore, #tpu.memory_space<semaphore_mem>> -> memref<1x!tpu.dma_semaphore, #tpu.memory_space<semaphore_mem>>
        %dma_start3A_1835 = tpu.memref_squeeze %dma_start3A_1834 : memref<1x!tpu.dma_semaphore, #tpu.memory_space<semaphore_mem>> -> memref<!tpu.dma_semaphore, #tpu.memory_space<semaphore_mem>>
        tpu.enqueue_indirect_dma source(%dma_start3A_1833 : memref<40401x64xf32, #tpu.memory_space<hbm>>) target(%dma_start3A_1827 : memref<72x64xf32, #tpu.memory_space<vmem>>) offsets(%dma_start3A_1830 : memref<72xi32, #tpu.memory_space<vmem>>) semaphore(%dma_start3A_1835 : memref<!tpu.dma_semaphore, #tpu.memory_space<semaphore_mem>>)
      } else {
      }
      %dma_wait3A_1113 = arith.constant 1 : i32
      %dma_wait3A_1114 = arith.constant 1 : i32
      %dma_wait3A_1115 = arith.constant 1 : i32
      %dma_wait3A_1116 = arith.constant 0 : i32
      %dma_wait3A_1117 = arith.constant 0 : i32
      %dma_wait3A_1118 = tpu.memref_slice %arg12[%dma_wait3A_1114, %dma_wait3A_1116, %dma_wait3A_1117] : memref<4x200x64xf32, #tpu.memory_space<vmem>> -> memref<1x128x64xf32, #tpu.memory_space<vmem>>
      %dma_wait3A_1119 = tpu.memref_squeeze %dma_wait3A_1118 : memref<1x128x64xf32, #tpu.memory_space<vmem>> -> memref<128x64xf32, #tpu.memory_space<vmem>>
      %dma_wait3A_1120 = arith.constant 0 : i32
      %dma_wait3A_1121 = tpu.memref_slice %arg8[%dma_wait3A_1113, %dma_wait3A_1120] : memref<4x208xi32, #tpu.memory_space<vmem>> -> memref<1x128xi32, #tpu.memory_space<vmem>>
      %dma_wait3A_1122 = tpu.memref_squeeze %dma_wait3A_1121 : memref<1x128xi32, #tpu.memory_space<vmem>> -> memref<128xi32, #tpu.memory_space<vmem>>
      %dma_wait3A_1123 = arith.constant 0 : i32
      %dma_wait3A_1124 = arith.constant 0 : i32
      %dma_wait3A_1125 = tpu.memref_slice %arg5[%dma_wait3A_1123, %dma_wait3A_1124] : memref<1000000x64xf32, #tpu.memory_space<hbm>> -> memref<1000000x64xf32, #tpu.memory_space<hbm>>
      %dma_wait3A_1126 = tpu.memref_slice %arg15[%dma_wait3A_1115] : memref<4x!tpu.dma_semaphore, #tpu.memory_space<semaphore_mem>> -> memref<1x!tpu.dma_semaphore, #tpu.memory_space<semaphore_mem>>
      %dma_wait3A_1127 = tpu.memref_squeeze %dma_wait3A_1126 : memref<1x!tpu.dma_semaphore, #tpu.memory_space<semaphore_mem>> -> memref<!tpu.dma_semaphore, #tpu.memory_space<semaphore_mem>>
      tpu.wait_indirect_dma semaphore(%dma_wait3A_1127 : memref<!tpu.dma_semaphore, #tpu.memory_space<semaphore_mem>>) src(%dma_wait3A_1125 : memref<1000000x64xf32, #tpu.memory_space<hbm>>) dst(%dma_wait3A_1119 : memref<128x64xf32, #tpu.memory_space<vmem>>)
      %dma_wait3A_1128 = arith.constant 1 : i32
      %dma_wait3A_1129 = arith.constant 1 : i32
      %dma_wait3A_1130 = arith.constant 1 : i32
      %dma_wait3A_1131 = arith.constant 0 : i32
      %dma_wait3A_1132 = arith.constant 0 : i32
      %dma_wait3A_1133 = tpu.memref_slice %arg13[%dma_wait3A_1129, %dma_wait3A_1131, %dma_wait3A_1132] : memref<4x200x64xf32, #tpu.memory_space<vmem>> -> memref<1x128x64xf32, #tpu.memory_space<vmem>>
      %dma_wait3A_1134 = tpu.memref_squeeze %dma_wait3A_1133 : memref<1x128x64xf32, #tpu.memory_space<vmem>> -> memref<128x64xf32, #tpu.memory_space<vmem>>
      %dma_wait3A_1135 = arith.constant 0 : i32
      %dma_wait3A_1136 = tpu.memref_slice %arg11[%dma_wait3A_1128, %dma_wait3A_1135] : memref<4x208xi32, #tpu.memory_space<vmem>> -> memref<1x128xi32, #tpu.memory_space<vmem>>
      %dma_wait3A_1137 = tpu.memref_squeeze %dma_wait3A_1136 : memref<1x128xi32, #tpu.memory_space<vmem>> -> memref<128xi32, #tpu.memory_space<vmem>>
      %dma_wait3A_1138 = arith.constant 0 : i32
      %dma_wait3A_1139 = arith.constant 0 : i32
      %dma_wait3A_1140 = tpu.memref_slice %arg6[%dma_wait3A_1138, %dma_wait3A_1139] : memref<40401x64xf32, #tpu.memory_space<hbm>> -> memref<40401x64xf32, #tpu.memory_space<hbm>>
      %dma_wait3A_1141 = tpu.memref_slice %arg15[%dma_wait3A_1130] : memref<4x!tpu.dma_semaphore, #tpu.memory_space<semaphore_mem>> -> memref<1x!tpu.dma_semaphore, #tpu.memory_space<semaphore_mem>>
      %dma_wait3A_1142 = tpu.memref_squeeze %dma_wait3A_1141 : memref<1x!tpu.dma_semaphore, #tpu.memory_space<semaphore_mem>> -> memref<!tpu.dma_semaphore, #tpu.memory_space<semaphore_mem>>
      tpu.wait_indirect_dma semaphore(%dma_wait3A_1142 : memref<!tpu.dma_semaphore, #tpu.memory_space<semaphore_mem>>) src(%dma_wait3A_1140 : memref<40401x64xf32, #tpu.memory_space<hbm>>) dst(%dma_wait3A_1134 : memref<128x64xf32, #tpu.memory_space<vmem>>)
      %dma_wait3A_1143 = arith.constant 1 : i32
      %dma_wait3A_1144 = arith.constant 1 : i32
      %dma_wait3A_1145 = arith.constant 1 : i32
      %dma_wait3A_1146 = arith.constant 128 : i32
      %dma_wait3A_1147 = arith.constant 0 : i32
      %dma_wait3A_1148 = tpu.memref_slice %arg12[%dma_wait3A_1144, %dma_wait3A_1146, %dma_wait3A_1147] : memref<4x200x64xf32, #tpu.memory_space<vmem>> -> memref<1x72x64xf32, #tpu.memory_space<vmem>>
      %dma_wait3A_1149 = tpu.memref_squeeze %dma_wait3A_1148 : memref<1x72x64xf32, #tpu.memory_space<vmem>> -> memref<72x64xf32, #tpu.memory_space<vmem>>
      %dma_wait3A_1150 = arith.constant 128 : i32
      %dma_wait3A_1151 = tpu.memref_slice %arg8[%dma_wait3A_1143, %dma_wait3A_1150] : memref<4x208xi32, #tpu.memory_space<vmem>> -> memref<1x72xi32, #tpu.memory_space<vmem>>
      %dma_wait3A_1152 = tpu.memref_squeeze %dma_wait3A_1151 : memref<1x72xi32, #tpu.memory_space<vmem>> -> memref<72xi32, #tpu.memory_space<vmem>>
      %dma_wait3A_1153 = arith.constant 0 : i32
      %dma_wait3A_1154 = arith.constant 0 : i32
      %dma_wait3A_1155 = tpu.memref_slice %arg5[%dma_wait3A_1153, %dma_wait3A_1154] : memref<1000000x64xf32, #tpu.memory_space<hbm>> -> memref<1000000x64xf32, #tpu.memory_space<hbm>>
      %dma_wait3A_1156 = tpu.memref_slice %arg15[%dma_wait3A_1145] : memref<4x!tpu.dma_semaphore, #tpu.memory_space<semaphore_mem>> -> memref<1x!tpu.dma_semaphore, #tpu.memory_space<semaphore_mem>>
      %dma_wait3A_1157 = tpu.memref_squeeze %dma_wait3A_1156 : memref<1x!tpu.dma_semaphore, #tpu.memory_space<semaphore_mem>> -> memref<!tpu.dma_semaphore, #tpu.memory_space<semaphore_mem>>
      tpu.wait_indirect_dma semaphore(%dma_wait3A_1157 : memref<!tpu.dma_semaphore, #tpu.memory_space<semaphore_mem>>) src(%dma_wait3A_1155 : memref<1000000x64xf32, #tpu.memory_space<hbm>>) dst(%dma_wait3A_1149 : memref<72x64xf32, #tpu.memory_space<vmem>>)
      %dma_wait3A_1158 = arith.constant 1 : i32
      %dma_wait3A_1159 = arith.constant 1 : i32
      %dma_wait3A_1160 = arith.constant 1 : i32
      %dma_wait3A_1161 = arith.constant 128 : i32
      %dma_wait3A_1162 = arith.constant 0 : i32
      %dma_wait3A_1163 = tpu.memref_slice %arg13[%dma_wait3A_1159, %dma_wait3A_1161, %dma_wait3A_1162] : memref<4x200x64xf32, #tpu.memory_space<vmem>> -> memref<1x72x64xf32, #tpu.memory_space<vmem>>
      %dma_wait3A_1164 = tpu.memref_squeeze %dma_wait3A_1163 : memref<1x72x64xf32, #tpu.memory_space<vmem>> -> memref<72x64xf32, #tpu.memory_space<vmem>>
      %dma_wait3A_1165 = arith.constant 128 : i32
      %dma_wait3A_1166 = tpu.memref_slice %arg11[%dma_wait3A_1158, %dma_wait3A_1165] : memref<4x208xi32, #tpu.memory_space<vmem>> -> memref<1x72xi32, #tpu.memory_space<vmem>>
      %dma_wait3A_1167 = tpu.memref_squeeze %dma_wait3A_1166 : memref<1x72xi32, #tpu.memory_space<vmem>> -> memref<72xi32, #tpu.memory_space<vmem>>
      %dma_wait3A_1168 = arith.constant 0 : i32
      %dma_wait3A_1169 = arith.constant 0 : i32
      %dma_wait3A_1170 = tpu.memref_slice %arg6[%dma_wait3A_1168, %dma_wait3A_1169] : memref<40401x64xf32, #tpu.memory_space<hbm>> -> memref<40401x64xf32, #tpu.memory_space<hbm>>
      %dma_wait3A_1171 = tpu.memref_slice %arg15[%dma_wait3A_1160] : memref<4x!tpu.dma_semaphore, #tpu.memory_space<semaphore_mem>> -> memref<1x!tpu.dma_semaphore, #tpu.memory_space<semaphore_mem>>
      %dma_wait3A_1172 = tpu.memref_squeeze %dma_wait3A_1171 : memref<1x!tpu.dma_semaphore, #tpu.memory_space<semaphore_mem>> -> memref<!tpu.dma_semaphore, #tpu.memory_space<semaphore_mem>>
      tpu.wait_indirect_dma semaphore(%dma_wait3A_1172 : memref<!tpu.dma_semaphore, #tpu.memory_space<semaphore_mem>>) src(%dma_wait3A_1170 : memref<40401x64xf32, #tpu.memory_space<hbm>>) dst(%dma_wait3A_1164 : memref<72x64xf32, #tpu.memory_space<vmem>>)
      %add3A_1173 = arith.addi %mul3A_2, %add3A_1100 : i32
      %dma_start3A_1174 = arith.constant 1 : i32
      %dma_start3A_1175 = arith.constant 1 : i32
      %dma_start3A_1176 = arith.constant 0 : i32
      %dma_start3A_1177 = arith.constant 0 : i32
      %dma_start3A_1178 = tpu.memref_slice %arg12[%dma_start3A_1174, %dma_start3A_1176, %dma_start3A_1177] : memref<4x200x64xf32, #tpu.memory_space<vmem>> -> memref<1x200x64xf32, #tpu.memory_space<vmem>>
      %dma_start3A_1179 = tpu.memref_squeeze %dma_start3A_1178 : memref<1x200x64xf32, #tpu.memory_space<vmem>> -> memref<200x64xf32, #tpu.memory_space<vmem>>
      %dma_start3A_1180 = arith.constant 0 : i32
      %dma_start3A_1181 = arith.constant 0 : i32
      %dma_start3A_1182 = tpu.memref_slice %arg7[%add3A_1173, %dma_start3A_1180, %dma_start3A_1181] : memref<4096x200x128xf32, #tpu.memory_space<hbm>> -> memref<1x200x64xf32, #tpu.memory_space<hbm>>
      %dma_start3A_1183 = tpu.memref_squeeze %dma_start3A_1182 : memref<1x200x64xf32, #tpu.memory_space<hbm>> -> memref<200x64xf32, #tpu.memory_space<hbm>>
      %dma_start3A_1184 = tpu.memref_slice %arg16[%dma_start3A_1175] : memref<4x!tpu.dma_semaphore, #tpu.memory_space<semaphore_mem>> -> memref<1x!tpu.dma_semaphore, #tpu.memory_space<semaphore_mem>>
      %dma_start3A_1185 = tpu.memref_squeeze %dma_start3A_1184 : memref<1x!tpu.dma_semaphore, #tpu.memory_space<semaphore_mem>> -> memref<!tpu.dma_semaphore, #tpu.memory_space<semaphore_mem>>
      %dma_start3A_1186 = arith.constant 0 : i32
      %dma_start3A_1187 = arith.constant 0 : i32
      %dma_start3A_1188 = tpu.memref_slice %arg7[%add3A_1173, %dma_start3A_1186, %dma_start3A_1187] : memref<4096x200x128xf32, #tpu.memory_space<hbm>> -> memref<1x200x64xf32, #tpu.memory_space<hbm>>
      %dma_start3A_1189 = tpu.memref_squeeze %dma_start3A_1188 : memref<1x200x64xf32, #tpu.memory_space<hbm>> -> memref<200x64xf32, #tpu.memory_space<hbm>>
      %dma_start3A_1190 = arith.constant 0 : i32
      %dma_start3A_1191 = arith.constant 0 : i32
      %dma_start3A_1192 = tpu.memref_slice %arg12[%dma_start3A_1174, %dma_start3A_1190, %dma_start3A_1191] : memref<4x200x64xf32, #tpu.memory_space<vmem>> -> memref<1x200x64xf32, #tpu.memory_space<vmem>>
      %dma_start3A_1193 = tpu.memref_squeeze %dma_start3A_1192 : memref<1x200x64xf32, #tpu.memory_space<vmem>> -> memref<200x64xf32, #tpu.memory_space<vmem>>
      tpu.enqueue_dma source(%dma_start3A_1193 : memref<200x64xf32, #tpu.memory_space<vmem>>) target(%dma_start3A_1189 : memref<200x64xf32, #tpu.memory_space<hbm>>) target_semaphore(%dma_start3A_1185 : memref<!tpu.dma_semaphore, #tpu.memory_space<semaphore_mem>>)
      %dma_start3A_1194 = arith.constant 1 : i32
      %dma_start3A_1195 = arith.constant 1 : i32
      %dma_start3A_1196 = arith.constant 0 : i32
      %dma_start3A_1197 = arith.constant 0 : i32
      %dma_start3A_1198 = tpu.memref_slice %arg13[%dma_start3A_1194, %dma_start3A_1196, %dma_start3A_1197] : memref<4x200x64xf32, #tpu.memory_space<vmem>> -> memref<1x200x64xf32, #tpu.memory_space<vmem>>
      %dma_start3A_1199 = tpu.memref_squeeze %dma_start3A_1198 : memref<1x200x64xf32, #tpu.memory_space<vmem>> -> memref<200x64xf32, #tpu.memory_space<vmem>>
      %dma_start3A_1200 = arith.constant 0 : i32
      %dma_start3A_1201 = arith.constant 64 : i32
      %dma_start3A_1202 = tpu.memref_slice %arg7[%add3A_1173, %dma_start3A_1200, %dma_start3A_1201] : memref<4096x200x128xf32, #tpu.memory_space<hbm>> -> memref<1x200x64xf32, #tpu.memory_space<hbm>>
      %dma_start3A_1203 = tpu.memref_squeeze %dma_start3A_1202 : memref<1x200x64xf32, #tpu.memory_space<hbm>> -> memref<200x64xf32, #tpu.memory_space<hbm>>
      %dma_start3A_1204 = tpu.memref_slice %arg16[%dma_start3A_1195] : memref<4x!tpu.dma_semaphore, #tpu.memory_space<semaphore_mem>> -> memref<1x!tpu.dma_semaphore, #tpu.memory_space<semaphore_mem>>
      %dma_start3A_1205 = tpu.memref_squeeze %dma_start3A_1204 : memref<1x!tpu.dma_semaphore, #tpu.memory_space<semaphore_mem>> -> memref<!tpu.dma_semaphore, #tpu.memory_space<semaphore_mem>>
      %dma_start3A_1206 = arith.constant 0 : i32
      %dma_start3A_1207 = arith.constant 64 : i32
      %dma_start3A_1208 = tpu.memref_slice %arg7[%add3A_1173, %dma_start3A_1206, %dma_start3A_1207] : memref<4096x200x128xf32, #tpu.memory_space<hbm>> -> memref<1x200x64xf32, #tpu.memory_space<hbm>>
      %dma_start3A_1209 = tpu.memref_squeeze %dma_start3A_1208 : memref<1x200x64xf32, #tpu.memory_space<hbm>> -> memref<200x64xf32, #tpu.memory_space<hbm>>
      %dma_start3A_1210 = arith.constant 0 : i32
      %dma_start3A_1211 = arith.constant 0 : i32
      %dma_start3A_1212 = tpu.memref_slice %arg13[%dma_start3A_1194, %dma_start3A_1210, %dma_start3A_1211] : memref<4x200x64xf32, #tpu.memory_space<vmem>> -> memref<1x200x64xf32, #tpu.memory_space<vmem>>
      %dma_start3A_1213 = tpu.memref_squeeze %dma_start3A_1212 : memref<1x200x64xf32, #tpu.memory_space<vmem>> -> memref<200x64xf32, #tpu.memory_space<vmem>>
      tpu.enqueue_dma source(%dma_start3A_1213 : memref<200x64xf32, #tpu.memory_space<vmem>>) target(%dma_start3A_1209 : memref<200x64xf32, #tpu.memory_space<hbm>>) target_semaphore(%dma_start3A_1205 : memref<!tpu.dma_semaphore, #tpu.memory_space<semaphore_mem>>)
      %add3A_1214 = arith.constant 3 : i32
      %add3A_1215 = arith.addi %add3A_1100, %add3A_1214 : i32
      %lt3A_1216 = arith.constant 128 : i32
      %lt3A_1217 = arith.cmpi slt, %add3A_1215, %lt3A_1216 : i32
      %convert_element_type3A_1218 = arith.extui %lt3A_1217 : i1 to i32
      %cond3A_1219 = arith.constant 0 : i32
      %cond3A_1220 = arith.cmpi ne, %convert_element_type3A_1218, %cond3A_1219 : i32
      scf.if %cond3A_1220 {
        %add3A_1465 = arith.constant 3 : i32
        %add3A_1466 = arith.addi %add3A_1100, %add3A_1465 : i32
        %add3A_1467 = arith.addi %mul3A_2, %add3A_1466 : i32
        %dma_start3A_1468 = arith.constant 0 : i32
        %dma_start3A_1469 = arith.constant 0 : i32
        %dma_start3A_1470 = arith.constant 0 : i32
        %dma_start3A_1471 = tpu.memref_slice %arg8[%dma_start3A_1468, %dma_start3A_1470] : memref<4x208xi32, #tpu.memory_space<vmem>> -> memref<1x200xi32, #tpu.memory_space<vmem>>
        %dma_start3A_1472 = tpu.memref_squeeze %dma_start3A_1471 : memref<1x200xi32, #tpu.memory_space<vmem>> -> memref<200xi32, #tpu.memory_space<vmem>>
        %dma_start3A_1473 = arith.constant 0 : i32
        %dma_start3A_1474 = tpu.memref_slice %arg2[%add3A_1467, %dma_start3A_1473] : memref<4096x200xi32, #tpu.memory_space<hbm>> -> memref<1x200xi32, #tpu.memory_space<hbm>>
        %dma_start3A_1475 = tpu.memref_squeeze %dma_start3A_1474 : memref<1x200xi32, #tpu.memory_space<hbm>> -> memref<200xi32, #tpu.memory_space<hbm>>
        %dma_start3A_1476 = tpu.memref_slice %arg14[%dma_start3A_1469] : memref<4x!tpu.dma_semaphore, #tpu.memory_space<semaphore_mem>> -> memref<1x!tpu.dma_semaphore, #tpu.memory_space<semaphore_mem>>
        %dma_start3A_1477 = tpu.memref_squeeze %dma_start3A_1476 : memref<1x!tpu.dma_semaphore, #tpu.memory_space<semaphore_mem>> -> memref<!tpu.dma_semaphore, #tpu.memory_space<semaphore_mem>>
        %dma_start3A_1478 = arith.constant 0 : i32
        %dma_start3A_1479 = tpu.memref_slice %arg8[%dma_start3A_1468, %dma_start3A_1478] : memref<4x208xi32, #tpu.memory_space<vmem>> -> memref<1x200xi32, #tpu.memory_space<vmem>>
        %dma_start3A_1480 = tpu.memref_squeeze %dma_start3A_1479 : memref<1x200xi32, #tpu.memory_space<vmem>> -> memref<200xi32, #tpu.memory_space<vmem>>
        %dma_start3A_1481 = arith.constant 0 : i32
        %dma_start3A_1482 = tpu.memref_slice %arg2[%add3A_1467, %dma_start3A_1481] : memref<4096x200xi32, #tpu.memory_space<hbm>> -> memref<1x200xi32, #tpu.memory_space<hbm>>
        %dma_start3A_1483 = tpu.memref_squeeze %dma_start3A_1482 : memref<1x200xi32, #tpu.memory_space<hbm>> -> memref<200xi32, #tpu.memory_space<hbm>>
        tpu.enqueue_dma source(%dma_start3A_1483 : memref<200xi32, #tpu.memory_space<hbm>>) target(%dma_start3A_1480 : memref<200xi32, #tpu.memory_space<vmem>>) target_semaphore(%dma_start3A_1477 : memref<!tpu.dma_semaphore, #tpu.memory_space<semaphore_mem>>)
        %dma_start3A_1484 = arith.constant 0 : i32
        %dma_start3A_1485 = arith.constant 0 : i32
        %dma_start3A_1486 = arith.constant 0 : i32
        %dma_start3A_1487 = tpu.memref_slice %arg9[%dma_start3A_1484, %dma_start3A_1486] : memref<4x208xi32, #tpu.memory_space<vmem>> -> memref<1x200xi32, #tpu.memory_space<vmem>>
        %dma_start3A_1488 = tpu.memref_squeeze %dma_start3A_1487 : memref<1x200xi32, #tpu.memory_space<vmem>> -> memref<200xi32, #tpu.memory_space<vmem>>
        %dma_start3A_1489 = arith.constant 0 : i32
        %dma_start3A_1490 = tpu.memref_slice %arg3[%add3A_1467, %dma_start3A_1489] : memref<4096x200xi32, #tpu.memory_space<hbm>> -> memref<1x200xi32, #tpu.memory_space<hbm>>
        %dma_start3A_1491 = tpu.memref_squeeze %dma_start3A_1490 : memref<1x200xi32, #tpu.memory_space<hbm>> -> memref<200xi32, #tpu.memory_space<hbm>>
        %dma_start3A_1492 = tpu.memref_slice %arg14[%dma_start3A_1485] : memref<4x!tpu.dma_semaphore, #tpu.memory_space<semaphore_mem>> -> memref<1x!tpu.dma_semaphore, #tpu.memory_space<semaphore_mem>>
        %dma_start3A_1493 = tpu.memref_squeeze %dma_start3A_1492 : memref<1x!tpu.dma_semaphore, #tpu.memory_space<semaphore_mem>> -> memref<!tpu.dma_semaphore, #tpu.memory_space<semaphore_mem>>
        %dma_start3A_1494 = arith.constant 0 : i32
        %dma_start3A_1495 = tpu.memref_slice %arg9[%dma_start3A_1484, %dma_start3A_1494] : memref<4x208xi32, #tpu.memory_space<vmem>> -> memref<1x200xi32, #tpu.memory_space<vmem>>
        %dma_start3A_1496 = tpu.memref_squeeze %dma_start3A_1495 : memref<1x200xi32, #tpu.memory_space<vmem>> -> memref<200xi32, #tpu.memory_space<vmem>>
        %dma_start3A_1497 = arith.constant 0 : i32
        %dma_start3A_1498 = tpu.memref_slice %arg3[%add3A_1467, %dma_start3A_1497] : memref<4096x200xi32, #tpu.memory_space<hbm>> -> memref<1x200xi32, #tpu.memory_space<hbm>>
        %dma_start3A_1499 = tpu.memref_squeeze %dma_start3A_1498 : memref<1x200xi32, #tpu.memory_space<hbm>> -> memref<200xi32, #tpu.memory_space<hbm>>
        tpu.enqueue_dma source(%dma_start3A_1499 : memref<200xi32, #tpu.memory_space<hbm>>) target(%dma_start3A_1496 : memref<200xi32, #tpu.memory_space<vmem>>) target_semaphore(%dma_start3A_1493 : memref<!tpu.dma_semaphore, #tpu.memory_space<semaphore_mem>>)
        %dma_start3A_1500 = arith.constant 0 : i32
        %dma_start3A_1501 = arith.constant 0 : i32
        %dma_start3A_1502 = arith.constant 0 : i32
        %dma_start3A_1503 = tpu.memref_slice %arg10[%dma_start3A_1500, %dma_start3A_1502] : memref<4x208xi32, #tpu.memory_space<vmem>> -> memref<1x200xi32, #tpu.memory_space<vmem>>
        %dma_start3A_1504 = tpu.memref_squeeze %dma_start3A_1503 : memref<1x200xi32, #tpu.memory_space<vmem>> -> memref<200xi32, #tpu.memory_space<vmem>>
        %dma_start3A_1505 = arith.constant 0 : i32
        %dma_start3A_1506 = tpu.memref_slice %arg4[%add3A_1467, %dma_start3A_1505] : memref<4096x200xi32, #tpu.memory_space<hbm>> -> memref<1x200xi32, #tpu.memory_space<hbm>>
        %dma_start3A_1507 = tpu.memref_squeeze %dma_start3A_1506 : memref<1x200xi32, #tpu.memory_space<hbm>> -> memref<200xi32, #tpu.memory_space<hbm>>
        %dma_start3A_1508 = tpu.memref_slice %arg14[%dma_start3A_1501] : memref<4x!tpu.dma_semaphore, #tpu.memory_space<semaphore_mem>> -> memref<1x!tpu.dma_semaphore, #tpu.memory_space<semaphore_mem>>
        %dma_start3A_1509 = tpu.memref_squeeze %dma_start3A_1508 : memref<1x!tpu.dma_semaphore, #tpu.memory_space<semaphore_mem>> -> memref<!tpu.dma_semaphore, #tpu.memory_space<semaphore_mem>>
        %dma_start3A_1510 = arith.constant 0 : i32
        %dma_start3A_1511 = tpu.memref_slice %arg10[%dma_start3A_1500, %dma_start3A_1510] : memref<4x208xi32, #tpu.memory_space<vmem>> -> memref<1x200xi32, #tpu.memory_space<vmem>>
        %dma_start3A_1512 = tpu.memref_squeeze %dma_start3A_1511 : memref<1x200xi32, #tpu.memory_space<vmem>> -> memref<200xi32, #tpu.memory_space<vmem>>
        %dma_start3A_1513 = arith.constant 0 : i32
        %dma_start3A_1514 = tpu.memref_slice %arg4[%add3A_1467, %dma_start3A_1513] : memref<4096x200xi32, #tpu.memory_space<hbm>> -> memref<1x200xi32, #tpu.memory_space<hbm>>
        %dma_start3A_1515 = tpu.memref_squeeze %dma_start3A_1514 : memref<1x200xi32, #tpu.memory_space<hbm>> -> memref<200xi32, #tpu.memory_space<hbm>>
        tpu.enqueue_dma source(%dma_start3A_1515 : memref<200xi32, #tpu.memory_space<hbm>>) target(%dma_start3A_1512 : memref<200xi32, #tpu.memory_space<vmem>>) target_semaphore(%dma_start3A_1509 : memref<!tpu.dma_semaphore, #tpu.memory_space<semaphore_mem>>)
      } else {
      }
      %add3A_1221 = arith.constant 2 : i32
      %add3A_1222 = arith.addi %mul3A_980, %add3A_1221 : i32
      %ge3A_1223 = arith.constant 2 : i32
      %ge3A_1224 = arith.cmpi sge, %add3A_1222, %ge3A_1223 : i32
      %convert_element_type3A_1225 = arith.extui %ge3A_1224 : i1 to i32
      %cond3A_1226 = arith.constant 0 : i32
      %cond3A_1227 = arith.cmpi ne, %convert_element_type3A_1225, %cond3A_1226 : i32
      scf.if %cond3A_1227 {
        %sub3A = arith.constant 2 : i32
        %sub3A_1465 = arith.subi %add3A_1222, %sub3A : i32
        %add3A_1466 = arith.addi %mul3A_2, %sub3A_1465 : i32
        %dma_wait3A_1467 = arith.constant 0 : i32
        %dma_wait3A_1468 = arith.constant 0 : i32
        %dma_wait3A_1469 = arith.constant 0 : i32
        %dma_wait3A_1470 = arith.constant 0 : i32
        %dma_wait3A_1471 = tpu.memref_slice %arg12[%dma_wait3A_1467, %dma_wait3A_1469, %dma_wait3A_1470] : memref<4x200x64xf32, #tpu.memory_space<vmem>> -> memref<1x200x64xf32, #tpu.memory_space<vmem>>
        %dma_wait3A_1472 = tpu.memref_squeeze %dma_wait3A_1471 : memref<1x200x64xf32, #tpu.memory_space<vmem>> -> memref<200x64xf32, #tpu.memory_space<vmem>>
        %dma_wait3A_1473 = arith.constant 0 : i32
        %dma_wait3A_1474 = arith.constant 0 : i32
        %dma_wait3A_1475 = tpu.memref_slice %arg7[%add3A_1466, %dma_wait3A_1473, %dma_wait3A_1474] : memref<4096x200x128xf32, #tpu.memory_space<hbm>> -> memref<1x200x64xf32, #tpu.memory_space<hbm>>
        %dma_wait3A_1476 = tpu.memref_squeeze %dma_wait3A_1475 : memref<1x200x64xf32, #tpu.memory_space<hbm>> -> memref<200x64xf32, #tpu.memory_space<hbm>>
        %dma_wait3A_1477 = tpu.memref_slice %arg16[%dma_wait3A_1468] : memref<4x!tpu.dma_semaphore, #tpu.memory_space<semaphore_mem>> -> memref<1x!tpu.dma_semaphore, #tpu.memory_space<semaphore_mem>>
        %dma_wait3A_1478 = tpu.memref_squeeze %dma_wait3A_1477 : memref<1x!tpu.dma_semaphore, #tpu.memory_space<semaphore_mem>> -> memref<!tpu.dma_semaphore, #tpu.memory_space<semaphore_mem>>
        %dma_wait3A_1479 = arith.constant 0 : i32
        %dma_wait3A_1480 = arith.constant 0 : i32
        %dma_wait3A_1481 = tpu.memref_slice %arg7[%add3A_1466, %dma_wait3A_1479, %dma_wait3A_1480] : memref<4096x200x128xf32, #tpu.memory_space<hbm>> -> memref<1x200x64xf32, #tpu.memory_space<hbm>>
        %dma_wait3A_1482 = tpu.memref_squeeze %dma_wait3A_1481 : memref<1x200x64xf32, #tpu.memory_space<hbm>> -> memref<200x64xf32, #tpu.memory_space<hbm>>
        %dma_wait3A_1483 = arith.constant 0 : i32
        %dma_wait3A_1484 = arith.constant 0 : i32
        %dma_wait3A_1485 = tpu.memref_slice %arg12[%dma_wait3A_1467, %dma_wait3A_1483, %dma_wait3A_1484] : memref<4x200x64xf32, #tpu.memory_space<vmem>> -> memref<1x200x64xf32, #tpu.memory_space<vmem>>
        %dma_wait3A_1486 = tpu.memref_squeeze %dma_wait3A_1485 : memref<1x200x64xf32, #tpu.memory_space<vmem>> -> memref<200x64xf32, #tpu.memory_space<vmem>>
        tpu.wait_dma2 semaphore(%dma_wait3A_1478 : memref<!tpu.dma_semaphore, #tpu.memory_space<semaphore_mem>>) src(%dma_wait3A_1486 : memref<200x64xf32, #tpu.memory_space<vmem>>) dst(%dma_wait3A_1482 : memref<200x64xf32, #tpu.memory_space<hbm>>)
        %dma_wait3A_1487 = arith.constant 0 : i32
        %dma_wait3A_1488 = arith.constant 0 : i32
        %dma_wait3A_1489 = arith.constant 0 : i32
        %dma_wait3A_1490 = arith.constant 0 : i32
        %dma_wait3A_1491 = tpu.memref_slice %arg13[%dma_wait3A_1487, %dma_wait3A_1489, %dma_wait3A_1490] : memref<4x200x64xf32, #tpu.memory_space<vmem>> -> memref<1x200x64xf32, #tpu.memory_space<vmem>>
        %dma_wait3A_1492 = tpu.memref_squeeze %dma_wait3A_1491 : memref<1x200x64xf32, #tpu.memory_space<vmem>> -> memref<200x64xf32, #tpu.memory_space<vmem>>
        %dma_wait3A_1493 = arith.constant 0 : i32
        %dma_wait3A_1494 = arith.constant 64 : i32
        %dma_wait3A_1495 = tpu.memref_slice %arg7[%add3A_1466, %dma_wait3A_1493, %dma_wait3A_1494] : memref<4096x200x128xf32, #tpu.memory_space<hbm>> -> memref<1x200x64xf32, #tpu.memory_space<hbm>>
        %dma_wait3A_1496 = tpu.memref_squeeze %dma_wait3A_1495 : memref<1x200x64xf32, #tpu.memory_space<hbm>> -> memref<200x64xf32, #tpu.memory_space<hbm>>
        %dma_wait3A_1497 = tpu.memref_slice %arg16[%dma_wait3A_1488] : memref<4x!tpu.dma_semaphore, #tpu.memory_space<semaphore_mem>> -> memref<1x!tpu.dma_semaphore, #tpu.memory_space<semaphore_mem>>
        %dma_wait3A_1498 = tpu.memref_squeeze %dma_wait3A_1497 : memref<1x!tpu.dma_semaphore, #tpu.memory_space<semaphore_mem>> -> memref<!tpu.dma_semaphore, #tpu.memory_space<semaphore_mem>>
        %dma_wait3A_1499 = arith.constant 0 : i32
        %dma_wait3A_1500 = arith.constant 64 : i32
        %dma_wait3A_1501 = tpu.memref_slice %arg7[%add3A_1466, %dma_wait3A_1499, %dma_wait3A_1500] : memref<4096x200x128xf32, #tpu.memory_space<hbm>> -> memref<1x200x64xf32, #tpu.memory_space<hbm>>
        %dma_wait3A_1502 = tpu.memref_squeeze %dma_wait3A_1501 : memref<1x200x64xf32, #tpu.memory_space<hbm>> -> memref<200x64xf32, #tpu.memory_space<hbm>>
        %dma_wait3A_1503 = arith.constant 0 : i32
        %dma_wait3A_1504 = arith.constant 0 : i32
        %dma_wait3A_1505 = tpu.memref_slice %arg13[%dma_wait3A_1487, %dma_wait3A_1503, %dma_wait3A_1504] : memref<4x200x64xf32, #tpu.memory_space<vmem>> -> memref<1x200x64xf32, #tpu.memory_space<vmem>>
        %dma_wait3A_1506 = tpu.memref_squeeze %dma_wait3A_1505 : memref<1x200x64xf32, #tpu.memory_space<vmem>> -> memref<200x64xf32, #tpu.memory_space<vmem>>
        tpu.wait_dma2 semaphore(%dma_wait3A_1498 : memref<!tpu.dma_semaphore, #tpu.memory_space<semaphore_mem>>) src(%dma_wait3A_1506 : memref<200x64xf32, #tpu.memory_space<vmem>>) dst(%dma_wait3A_1502 : memref<200x64xf32, #tpu.memory_space<hbm>>)
      } else {
      }
      %add3A_1228 = arith.constant 2 : i32
      %add3A_1229 = arith.addi %add3A_1222, %add3A_1228 : i32
      %lt3A_1230 = arith.constant 128 : i32
      %lt3A_1231 = arith.cmpi slt, %add3A_1229, %lt3A_1230 : i32
      %convert_element_type3A_1232 = arith.extui %lt3A_1231 : i1 to i32
      %cond3A_1233 = arith.constant 0 : i32
      %cond3A_1234 = arith.cmpi ne, %convert_element_type3A_1232, %cond3A_1233 : i32
      scf.if %cond3A_1234 {
        %add3A_1465 = arith.constant 2 : i32
        %add3A_1466 = arith.addi %add3A_1222, %add3A_1465 : i32
        %add3A_1467 = arith.addi %mul3A_2, %add3A_1466 : i32
        %dma_wait3A_1468 = arith.constant 0 : i32
        %dma_wait3A_1469 = arith.constant 0 : i32
        %dma_wait3A_1470 = arith.constant 0 : i32
        %dma_wait3A_1471 = tpu.memref_slice %arg8[%dma_wait3A_1468, %dma_wait3A_1470] : memref<4x208xi32, #tpu.memory_space<vmem>> -> memref<1x200xi32, #tpu.memory_space<vmem>>
        %dma_wait3A_1472 = tpu.memref_squeeze %dma_wait3A_1471 : memref<1x200xi32, #tpu.memory_space<vmem>> -> memref<200xi32, #tpu.memory_space<vmem>>
        %dma_wait3A_1473 = arith.constant 0 : i32
        %dma_wait3A_1474 = tpu.memref_slice %arg2[%add3A_1467, %dma_wait3A_1473] : memref<4096x200xi32, #tpu.memory_space<hbm>> -> memref<1x200xi32, #tpu.memory_space<hbm>>
        %dma_wait3A_1475 = tpu.memref_squeeze %dma_wait3A_1474 : memref<1x200xi32, #tpu.memory_space<hbm>> -> memref<200xi32, #tpu.memory_space<hbm>>
        %dma_wait3A_1476 = tpu.memref_slice %arg14[%dma_wait3A_1469] : memref<4x!tpu.dma_semaphore, #tpu.memory_space<semaphore_mem>> -> memref<1x!tpu.dma_semaphore, #tpu.memory_space<semaphore_mem>>
        %dma_wait3A_1477 = tpu.memref_squeeze %dma_wait3A_1476 : memref<1x!tpu.dma_semaphore, #tpu.memory_space<semaphore_mem>> -> memref<!tpu.dma_semaphore, #tpu.memory_space<semaphore_mem>>
        %dma_wait3A_1478 = arith.constant 0 : i32
        %dma_wait3A_1479 = tpu.memref_slice %arg8[%dma_wait3A_1468, %dma_wait3A_1478] : memref<4x208xi32, #tpu.memory_space<vmem>> -> memref<1x200xi32, #tpu.memory_space<vmem>>
        %dma_wait3A_1480 = tpu.memref_squeeze %dma_wait3A_1479 : memref<1x200xi32, #tpu.memory_space<vmem>> -> memref<200xi32, #tpu.memory_space<vmem>>
        %dma_wait3A_1481 = arith.constant 0 : i32
        %dma_wait3A_1482 = tpu.memref_slice %arg2[%add3A_1467, %dma_wait3A_1481] : memref<4096x200xi32, #tpu.memory_space<hbm>> -> memref<1x200xi32, #tpu.memory_space<hbm>>
        %dma_wait3A_1483 = tpu.memref_squeeze %dma_wait3A_1482 : memref<1x200xi32, #tpu.memory_space<hbm>> -> memref<200xi32, #tpu.memory_space<hbm>>
        tpu.wait_dma2 semaphore(%dma_wait3A_1477 : memref<!tpu.dma_semaphore, #tpu.memory_space<semaphore_mem>>) src(%dma_wait3A_1483 : memref<200xi32, #tpu.memory_space<hbm>>) dst(%dma_wait3A_1480 : memref<200xi32, #tpu.memory_space<vmem>>)
        %dma_wait3A_1484 = arith.constant 0 : i32
        %dma_wait3A_1485 = arith.constant 0 : i32
        %dma_wait3A_1486 = arith.constant 0 : i32
        %dma_wait3A_1487 = tpu.memref_slice %arg9[%dma_wait3A_1484, %dma_wait3A_1486] : memref<4x208xi32, #tpu.memory_space<vmem>> -> memref<1x200xi32, #tpu.memory_space<vmem>>
        %dma_wait3A_1488 = tpu.memref_squeeze %dma_wait3A_1487 : memref<1x200xi32, #tpu.memory_space<vmem>> -> memref<200xi32, #tpu.memory_space<vmem>>
        %dma_wait3A_1489 = arith.constant 0 : i32
        %dma_wait3A_1490 = tpu.memref_slice %arg3[%add3A_1467, %dma_wait3A_1489] : memref<4096x200xi32, #tpu.memory_space<hbm>> -> memref<1x200xi32, #tpu.memory_space<hbm>>
        %dma_wait3A_1491 = tpu.memref_squeeze %dma_wait3A_1490 : memref<1x200xi32, #tpu.memory_space<hbm>> -> memref<200xi32, #tpu.memory_space<hbm>>
        %dma_wait3A_1492 = tpu.memref_slice %arg14[%dma_wait3A_1485] : memref<4x!tpu.dma_semaphore, #tpu.memory_space<semaphore_mem>> -> memref<1x!tpu.dma_semaphore, #tpu.memory_space<semaphore_mem>>
        %dma_wait3A_1493 = tpu.memref_squeeze %dma_wait3A_1492 : memref<1x!tpu.dma_semaphore, #tpu.memory_space<semaphore_mem>> -> memref<!tpu.dma_semaphore, #tpu.memory_space<semaphore_mem>>
        %dma_wait3A_1494 = arith.constant 0 : i32
        %dma_wait3A_1495 = tpu.memref_slice %arg9[%dma_wait3A_1484, %dma_wait3A_1494] : memref<4x208xi32, #tpu.memory_space<vmem>> -> memref<1x200xi32, #tpu.memory_space<vmem>>
        %dma_wait3A_1496 = tpu.memref_squeeze %dma_wait3A_1495 : memref<1x200xi32, #tpu.memory_space<vmem>> -> memref<200xi32, #tpu.memory_space<vmem>>
        %dma_wait3A_1497 = arith.constant 0 : i32
        %dma_wait3A_1498 = tpu.memref_slice %arg3[%add3A_1467, %dma_wait3A_1497] : memref<4096x200xi32, #tpu.memory_space<hbm>> -> memref<1x200xi32, #tpu.memory_space<hbm>>
        %dma_wait3A_1499 = tpu.memref_squeeze %dma_wait3A_1498 : memref<1x200xi32, #tpu.memory_space<hbm>> -> memref<200xi32, #tpu.memory_space<hbm>>
        tpu.wait_dma2 semaphore(%dma_wait3A_1493 : memref<!tpu.dma_semaphore, #tpu.memory_space<semaphore_mem>>) src(%dma_wait3A_1499 : memref<200xi32, #tpu.memory_space<hbm>>) dst(%dma_wait3A_1496 : memref<200xi32, #tpu.memory_space<vmem>>)
        %dma_wait3A_1500 = arith.constant 0 : i32
        %dma_wait3A_1501 = arith.constant 0 : i32
        %dma_wait3A_1502 = arith.constant 0 : i32
        %dma_wait3A_1503 = tpu.memref_slice %arg10[%dma_wait3A_1500, %dma_wait3A_1502] : memref<4x208xi32, #tpu.memory_space<vmem>> -> memref<1x200xi32, #tpu.memory_space<vmem>>
        %dma_wait3A_1504 = tpu.memref_squeeze %dma_wait3A_1503 : memref<1x200xi32, #tpu.memory_space<vmem>> -> memref<200xi32, #tpu.memory_space<vmem>>
        %dma_wait3A_1505 = arith.constant 0 : i32
        %dma_wait3A_1506 = tpu.memref_slice %arg4[%add3A_1467, %dma_wait3A_1505] : memref<4096x200xi32, #tpu.memory_space<hbm>> -> memref<1x200xi32, #tpu.memory_space<hbm>>
        %dma_wait3A_1507 = tpu.memref_squeeze %dma_wait3A_1506 : memref<1x200xi32, #tpu.memory_space<hbm>> -> memref<200xi32, #tpu.memory_space<hbm>>
        %dma_wait3A_1508 = tpu.memref_slice %arg14[%dma_wait3A_1501] : memref<4x!tpu.dma_semaphore, #tpu.memory_space<semaphore_mem>> -> memref<1x!tpu.dma_semaphore, #tpu.memory_space<semaphore_mem>>
        %dma_wait3A_1509 = tpu.memref_squeeze %dma_wait3A_1508 : memref<1x!tpu.dma_semaphore, #tpu.memory_space<semaphore_mem>> -> memref<!tpu.dma_semaphore, #tpu.memory_space<semaphore_mem>>
        %dma_wait3A_1510 = arith.constant 0 : i32
        %dma_wait3A_1511 = tpu.memref_slice %arg10[%dma_wait3A_1500, %dma_wait3A_1510] : memref<4x208xi32, #tpu.memory_space<vmem>> -> memref<1x200xi32, #tpu.memory_space<vmem>>
        %dma_wait3A_1512 = tpu.memref_squeeze %dma_wait3A_1511 : memref<1x200xi32, #tpu.memory_space<vmem>> -> memref<200xi32, #tpu.memory_space<vmem>>
        %dma_wait3A_1513 = arith.constant 0 : i32
        %dma_wait3A_1514 = tpu.memref_slice %arg4[%add3A_1467, %dma_wait3A_1513] : memref<4096x200xi32, #tpu.memory_space<hbm>> -> memref<1x200xi32, #tpu.memory_space<hbm>>
        %dma_wait3A_1515 = tpu.memref_squeeze %dma_wait3A_1514 : memref<1x200xi32, #tpu.memory_space<hbm>> -> memref<200xi32, #tpu.memory_space<hbm>>
        tpu.wait_dma2 semaphore(%dma_wait3A_1509 : memref<!tpu.dma_semaphore, #tpu.memory_space<semaphore_mem>>) src(%dma_wait3A_1515 : memref<200xi32, #tpu.memory_space<hbm>>) dst(%dma_wait3A_1512 : memref<200xi32, #tpu.memory_space<vmem>>)
        %get3A_1516 = arith.constant 0 : i32
        %get3A_1517 = arith.index_cast %get3A_1516 : i32 to index
        %get3A_1518 = arith.constant 0 : index
        %get3A_1519 = tpu.vector_load %arg9[%get3A_1517, %get3A_1518] {strides = array<i32>} : memref<4x208xi32, #tpu.memory_space<vmem>>, vector<1x16xi32>,
        %get3A_1520 = vector.shape_cast %get3A_1519 : vector<1x16xi32> to vector<16xi32>
        %mul3A_1521 = arith.constant 201 : i32
        %mul3A_1522 = vector.broadcast %mul3A_1521 : i32 to vector<16xi32>
        %mul3A_1523 = arith.muli %get3A_1520, %mul3A_1522 : vector<16xi32>
        %get3A_1524 = arith.constant 0 : i32
        %get3A_1525 = arith.index_cast %get3A_1524 : i32 to index
        %get3A_1526 = arith.constant 0 : index
        %get3A_1527 = tpu.vector_load %arg10[%get3A_1525, %get3A_1526] {strides = array<i32>} : memref<4x208xi32, #tpu.memory_space<vmem>>, vector<1x16xi32>,
        %get3A_1528 = vector.shape_cast %get3A_1527 : vector<1x16xi32> to vector<16xi32>
        %add3A_1529 = arith.addi %mul3A_1523, %get3A_1528 : vector<16xi32>
        %swap3A_1530 = arith.constant 0 : i32
        %swap3A_1531 = arith.index_cast %swap3A_1530 : i32 to index
        %swap3A_1532 = arith.constant 0 : index
        %swap3A_1533 = tpu.vector_load %arg11[%swap3A_1531, %swap3A_1532] {strides = array<i32>} : memref<4x208xi32, #tpu.memory_space<vmem>>, vector<1x16xi32>,
        %swap3A_1534 = vector.shape_cast %swap3A_1533 : vector<1x16xi32> to vector<16xi32>
        %swap3A_1535 = vector.shape_cast %add3A_1529 : vector<16xi32> to vector<1x16xi32>
        tpu.vector_store %arg11[%swap3A_1531, %swap3A_1532], %swap3A_1535 {strides = array<i32>} : memref<4x208xi32, #tpu.memory_space<vmem>>, vector<1x16xi32>,
        %get3A_1536 = arith.constant 0 : i32
        %get3A_1537 = arith.index_cast %get3A_1536 : i32 to index
        %get3A_1538 = arith.constant 16 : index
        %get3A_1539 = tpu.vector_load %arg9[%get3A_1537, %get3A_1538] {strides = array<i32>} : memref<4x208xi32, #tpu.memory_space<vmem>>, vector<1x16xi32>,
        %get3A_1540 = vector.shape_cast %get3A_1539 : vector<1x16xi32> to vector<16xi32>
        %mul3A_1541 = arith.constant 201 : i32
        %mul3A_1542 = vector.broadcast %mul3A_1541 : i32 to vector<16xi32>
        %mul3A_1543 = arith.muli %get3A_1540, %mul3A_1542 : vector<16xi32>
        %get3A_1544 = arith.constant 0 : i32
        %get3A_1545 = arith.index_cast %get3A_1544 : i32 to index
        %get3A_1546 = arith.constant 16 : index
        %get3A_1547 = tpu.vector_load %arg10[%get3A_1545, %get3A_1546] {strides = array<i32>} : memref<4x208xi32, #tpu.memory_space<vmem>>, vector<1x16xi32>,
        %get3A_1548 = vector.shape_cast %get3A_1547 : vector<1x16xi32> to vector<16xi32>
        %add3A_1549 = arith.addi %mul3A_1543, %get3A_1548 : vector<16xi32>
        %swap3A_1550 = arith.constant 0 : i32
        %swap3A_1551 = arith.index_cast %swap3A_1550 : i32 to index
        %swap3A_1552 = arith.constant 16 : index
        %swap3A_1553 = tpu.vector_load %arg11[%swap3A_1551, %swap3A_1552] {strides = array<i32>} : memref<4x208xi32, #tpu.memory_space<vmem>>, vector<1x16xi32>,
        %swap3A_1554 = vector.shape_cast %swap3A_1553 : vector<1x16xi32> to vector<16xi32>
        %swap3A_1555 = vector.shape_cast %add3A_1549 : vector<16xi32> to vector<1x16xi32>
        tpu.vector_store %arg11[%swap3A_1551, %swap3A_1552], %swap3A_1555 {strides = array<i32>} : memref<4x208xi32, #tpu.memory_space<vmem>>, vector<1x16xi32>,
        %get3A_1556 = arith.constant 0 : i32
        %get3A_1557 = arith.index_cast %get3A_1556 : i32 to index
        %get3A_1558 = arith.constant 32 : index
        %get3A_1559 = tpu.vector_load %arg9[%get3A_1557, %get3A_1558] {strides = array<i32>} : memref<4x208xi32, #tpu.memory_space<vmem>>, vector<1x16xi32>,
        %get3A_1560 = vector.shape_cast %get3A_1559 : vector<1x16xi32> to vector<16xi32>
        %mul3A_1561 = arith.constant 201 : i32
        %mul3A_1562 = vector.broadcast %mul3A_1561 : i32 to vector<16xi32>
        %mul3A_1563 = arith.muli %get3A_1560, %mul3A_1562 : vector<16xi32>
        %get3A_1564 = arith.constant 0 : i32
        %get3A_1565 = arith.index_cast %get3A_1564 : i32 to index
        %get3A_1566 = arith.constant 32 : index
        %get3A_1567 = tpu.vector_load %arg10[%get3A_1565, %get3A_1566] {strides = array<i32>} : memref<4x208xi32, #tpu.memory_space<vmem>>, vector<1x16xi32>,
        %get3A_1568 = vector.shape_cast %get3A_1567 : vector<1x16xi32> to vector<16xi32>
        %add3A_1569 = arith.addi %mul3A_1563, %get3A_1568 : vector<16xi32>
        %swap3A_1570 = arith.constant 0 : i32
        %swap3A_1571 = arith.index_cast %swap3A_1570 : i32 to index
        %swap3A_1572 = arith.constant 32 : index
        %swap3A_1573 = tpu.vector_load %arg11[%swap3A_1571, %swap3A_1572] {strides = array<i32>} : memref<4x208xi32, #tpu.memory_space<vmem>>, vector<1x16xi32>,
        %swap3A_1574 = vector.shape_cast %swap3A_1573 : vector<1x16xi32> to vector<16xi32>
        %swap3A_1575 = vector.shape_cast %add3A_1569 : vector<16xi32> to vector<1x16xi32>
        tpu.vector_store %arg11[%swap3A_1571, %swap3A_1572], %swap3A_1575 {strides = array<i32>} : memref<4x208xi32, #tpu.memory_space<vmem>>, vector<1x16xi32>,
        %get3A_1576 = arith.constant 0 : i32
        %get3A_1577 = arith.index_cast %get3A_1576 : i32 to index
        %get3A_1578 = arith.constant 48 : index
        %get3A_1579 = tpu.vector_load %arg9[%get3A_1577, %get3A_1578] {strides = array<i32>} : memref<4x208xi32, #tpu.memory_space<vmem>>, vector<1x16xi32>,
        %get3A_1580 = vector.shape_cast %get3A_1579 : vector<1x16xi32> to vector<16xi32>
        %mul3A_1581 = arith.constant 201 : i32
        %mul3A_1582 = vector.broadcast %mul3A_1581 : i32 to vector<16xi32>
        %mul3A_1583 = arith.muli %get3A_1580, %mul3A_1582 : vector<16xi32>
        %get3A_1584 = arith.constant 0 : i32
        %get3A_1585 = arith.index_cast %get3A_1584 : i32 to index
        %get3A_1586 = arith.constant 48 : index
        %get3A_1587 = tpu.vector_load %arg10[%get3A_1585, %get3A_1586] {strides = array<i32>} : memref<4x208xi32, #tpu.memory_space<vmem>>, vector<1x16xi32>,
        %get3A_1588 = vector.shape_cast %get3A_1587 : vector<1x16xi32> to vector<16xi32>
        %add3A_1589 = arith.addi %mul3A_1583, %get3A_1588 : vector<16xi32>
        %swap3A_1590 = arith.constant 0 : i32
        %swap3A_1591 = arith.index_cast %swap3A_1590 : i32 to index
        %swap3A_1592 = arith.constant 48 : index
        %swap3A_1593 = tpu.vector_load %arg11[%swap3A_1591, %swap3A_1592] {strides = array<i32>} : memref<4x208xi32, #tpu.memory_space<vmem>>, vector<1x16xi32>,
        %swap3A_1594 = vector.shape_cast %swap3A_1593 : vector<1x16xi32> to vector<16xi32>
        %swap3A_1595 = vector.shape_cast %add3A_1589 : vector<16xi32> to vector<1x16xi32>
        tpu.vector_store %arg11[%swap3A_1591, %swap3A_1592], %swap3A_1595 {strides = array<i32>} : memref<4x208xi32, #tpu.memory_space<vmem>>, vector<1x16xi32>,
        %get3A_1596 = arith.constant 0 : i32
        %get3A_1597 = arith.index_cast %get3A_1596 : i32 to index
        %get3A_1598 = arith.constant 64 : index
        %get3A_1599 = tpu.vector_load %arg9[%get3A_1597, %get3A_1598] {strides = array<i32>} : memref<4x208xi32, #tpu.memory_space<vmem>>, vector<1x16xi32>,
        %get3A_1600 = vector.shape_cast %get3A_1599 : vector<1x16xi32> to vector<16xi32>
        %mul3A_1601 = arith.constant 201 : i32
        %mul3A_1602 = vector.broadcast %mul3A_1601 : i32 to vector<16xi32>
        %mul3A_1603 = arith.muli %get3A_1600, %mul3A_1602 : vector<16xi32>
        %get3A_1604 = arith.constant 0 : i32
        %get3A_1605 = arith.index_cast %get3A_1604 : i32 to index
        %get3A_1606 = arith.constant 64 : index
        %get3A_1607 = tpu.vector_load %arg10[%get3A_1605, %get3A_1606] {strides = array<i32>} : memref<4x208xi32, #tpu.memory_space<vmem>>, vector<1x16xi32>,
        %get3A_1608 = vector.shape_cast %get3A_1607 : vector<1x16xi32> to vector<16xi32>
        %add3A_1609 = arith.addi %mul3A_1603, %get3A_1608 : vector<16xi32>
        %swap3A_1610 = arith.constant 0 : i32
        %swap3A_1611 = arith.index_cast %swap3A_1610 : i32 to index
        %swap3A_1612 = arith.constant 64 : index
        %swap3A_1613 = tpu.vector_load %arg11[%swap3A_1611, %swap3A_1612] {strides = array<i32>} : memref<4x208xi32, #tpu.memory_space<vmem>>, vector<1x16xi32>,
        %swap3A_1614 = vector.shape_cast %swap3A_1613 : vector<1x16xi32> to vector<16xi32>
        %swap3A_1615 = vector.shape_cast %add3A_1609 : vector<16xi32> to vector<1x16xi32>
        tpu.vector_store %arg11[%swap3A_1611, %swap3A_1612], %swap3A_1615 {strides = array<i32>} : memref<4x208xi32, #tpu.memory_space<vmem>>, vector<1x16xi32>,
        %get3A_1616 = arith.constant 0 : i32
        %get3A_1617 = arith.index_cast %get3A_1616 : i32 to index
        %get3A_1618 = arith.constant 80 : index
        %get3A_1619 = tpu.vector_load %arg9[%get3A_1617, %get3A_1618] {strides = array<i32>} : memref<4x208xi32, #tpu.memory_space<vmem>>, vector<1x16xi32>,
        %get3A_1620 = vector.shape_cast %get3A_1619 : vector<1x16xi32> to vector<16xi32>
        %mul3A_1621 = arith.constant 201 : i32
        %mul3A_1622 = vector.broadcast %mul3A_1621 : i32 to vector<16xi32>
        %mul3A_1623 = arith.muli %get3A_1620, %mul3A_1622 : vector<16xi32>
        %get3A_1624 = arith.constant 0 : i32
        %get3A_1625 = arith.index_cast %get3A_1624 : i32 to index
        %get3A_1626 = arith.constant 80 : index
        %get3A_1627 = tpu.vector_load %arg10[%get3A_1625, %get3A_1626] {strides = array<i32>} : memref<4x208xi32, #tpu.memory_space<vmem>>, vector<1x16xi32>,
        %get3A_1628 = vector.shape_cast %get3A_1627 : vector<1x16xi32> to vector<16xi32>
        %add3A_1629 = arith.addi %mul3A_1623, %get3A_1628 : vector<16xi32>
        %swap3A_1630 = arith.constant 0 : i32
        %swap3A_1631 = arith.index_cast %swap3A_1630 : i32 to index
        %swap3A_1632 = arith.constant 80 : index
        %swap3A_1633 = tpu.vector_load %arg11[%swap3A_1631, %swap3A_1632] {strides = array<i32>} : memref<4x208xi32, #tpu.memory_space<vmem>>, vector<1x16xi32>,
        %swap3A_1634 = vector.shape_cast %swap3A_1633 : vector<1x16xi32> to vector<16xi32>
        %swap3A_1635 = vector.shape_cast %add3A_1629 : vector<16xi32> to vector<1x16xi32>
        tpu.vector_store %arg11[%swap3A_1631, %swap3A_1632], %swap3A_1635 {strides = array<i32>} : memref<4x208xi32, #tpu.memory_space<vmem>>, vector<1x16xi32>,
        %get3A_1636 = arith.constant 0 : i32
        %get3A_1637 = arith.index_cast %get3A_1636 : i32 to index
        %get3A_1638 = arith.constant 96 : index
        %get3A_1639 = tpu.vector_load %arg9[%get3A_1637, %get3A_1638] {strides = array<i32>} : memref<4x208xi32, #tpu.memory_space<vmem>>, vector<1x16xi32>,
        %get3A_1640 = vector.shape_cast %get3A_1639 : vector<1x16xi32> to vector<16xi32>
        %mul3A_1641 = arith.constant 201 : i32
        %mul3A_1642 = vector.broadcast %mul3A_1641 : i32 to vector<16xi32>
        %mul3A_1643 = arith.muli %get3A_1640, %mul3A_1642 : vector<16xi32>
        %get3A_1644 = arith.constant 0 : i32
        %get3A_1645 = arith.index_cast %get3A_1644 : i32 to index
        %get3A_1646 = arith.constant 96 : index
        %get3A_1647 = tpu.vector_load %arg10[%get3A_1645, %get3A_1646] {strides = array<i32>} : memref<4x208xi32, #tpu.memory_space<vmem>>, vector<1x16xi32>,
        %get3A_1648 = vector.shape_cast %get3A_1647 : vector<1x16xi32> to vector<16xi32>
        %add3A_1649 = arith.addi %mul3A_1643, %get3A_1648 : vector<16xi32>
        %swap3A_1650 = arith.constant 0 : i32
        %swap3A_1651 = arith.index_cast %swap3A_1650 : i32 to index
        %swap3A_1652 = arith.constant 96 : index
        %swap3A_1653 = tpu.vector_load %arg11[%swap3A_1651, %swap3A_1652] {strides = array<i32>} : memref<4x208xi32, #tpu.memory_space<vmem>>, vector<1x16xi32>,
        %swap3A_1654 = vector.shape_cast %swap3A_1653 : vector<1x16xi32> to vector<16xi32>
        %swap3A_1655 = vector.shape_cast %add3A_1649 : vector<16xi32> to vector<1x16xi32>
        tpu.vector_store %arg11[%swap3A_1651, %swap3A_1652], %swap3A_1655 {strides = array<i32>} : memref<4x208xi32, #tpu.memory_space<vmem>>, vector<1x16xi32>,
        %get3A_1656 = arith.constant 0 : i32
        %get3A_1657 = arith.index_cast %get3A_1656 : i32 to index
        %get3A_1658 = arith.constant 112 : index
        %get3A_1659 = tpu.vector_load %arg9[%get3A_1657, %get3A_1658] {strides = array<i32>} : memref<4x208xi32, #tpu.memory_space<vmem>>, vector<1x16xi32>,
        %get3A_1660 = vector.shape_cast %get3A_1659 : vector<1x16xi32> to vector<16xi32>
        %mul3A_1661 = arith.constant 201 : i32
        %mul3A_1662 = vector.broadcast %mul3A_1661 : i32 to vector<16xi32>
        %mul3A_1663 = arith.muli %get3A_1660, %mul3A_1662 : vector<16xi32>
        %get3A_1664 = arith.constant 0 : i32
        %get3A_1665 = arith.index_cast %get3A_1664 : i32 to index
        %get3A_1666 = arith.constant 112 : index
        %get3A_1667 = tpu.vector_load %arg10[%get3A_1665, %get3A_1666] {strides = array<i32>} : memref<4x208xi32, #tpu.memory_space<vmem>>, vector<1x16xi32>,
        %get3A_1668 = vector.shape_cast %get3A_1667 : vector<1x16xi32> to vector<16xi32>
        %add3A_1669 = arith.addi %mul3A_1663, %get3A_1668 : vector<16xi32>
        %swap3A_1670 = arith.constant 0 : i32
        %swap3A_1671 = arith.index_cast %swap3A_1670 : i32 to index
        %swap3A_1672 = arith.constant 112 : index
        %swap3A_1673 = tpu.vector_load %arg11[%swap3A_1671, %swap3A_1672] {strides = array<i32>} : memref<4x208xi32, #tpu.memory_space<vmem>>, vector<1x16xi32>,
        %swap3A_1674 = vector.shape_cast %swap3A_1673 : vector<1x16xi32> to vector<16xi32>
        %swap3A_1675 = vector.shape_cast %add3A_1669 : vector<16xi32> to vector<1x16xi32>
        tpu.vector_store %arg11[%swap3A_1671, %swap3A_1672], %swap3A_1675 {strides = array<i32>} : memref<4x208xi32, #tpu.memory_space<vmem>>, vector<1x16xi32>,
        %get3A_1676 = arith.constant 0 : i32
        %get3A_1677 = arith.index_cast %get3A_1676 : i32 to index
        %get3A_1678 = arith.constant 128 : index
        %get3A_1679 = tpu.vector_load %arg9[%get3A_1677, %get3A_1678] {strides = array<i32>} : memref<4x208xi32, #tpu.memory_space<vmem>>, vector<1x16xi32>,
        %get3A_1680 = vector.shape_cast %get3A_1679 : vector<1x16xi32> to vector<16xi32>
        %mul3A_1681 = arith.constant 201 : i32
        %mul3A_1682 = vector.broadcast %mul3A_1681 : i32 to vector<16xi32>
        %mul3A_1683 = arith.muli %get3A_1680, %mul3A_1682 : vector<16xi32>
        %get3A_1684 = arith.constant 0 : i32
        %get3A_1685 = arith.index_cast %get3A_1684 : i32 to index
        %get3A_1686 = arith.constant 128 : index
        %get3A_1687 = tpu.vector_load %arg10[%get3A_1685, %get3A_1686] {strides = array<i32>} : memref<4x208xi32, #tpu.memory_space<vmem>>, vector<1x16xi32>,
        %get3A_1688 = vector.shape_cast %get3A_1687 : vector<1x16xi32> to vector<16xi32>
        %add3A_1689 = arith.addi %mul3A_1683, %get3A_1688 : vector<16xi32>
        %swap3A_1690 = arith.constant 0 : i32
        %swap3A_1691 = arith.index_cast %swap3A_1690 : i32 to index
        %swap3A_1692 = arith.constant 128 : index
        %swap3A_1693 = tpu.vector_load %arg11[%swap3A_1691, %swap3A_1692] {strides = array<i32>} : memref<4x208xi32, #tpu.memory_space<vmem>>, vector<1x16xi32>,
        %swap3A_1694 = vector.shape_cast %swap3A_1693 : vector<1x16xi32> to vector<16xi32>
        %swap3A_1695 = vector.shape_cast %add3A_1689 : vector<16xi32> to vector<1x16xi32>
        tpu.vector_store %arg11[%swap3A_1691, %swap3A_1692], %swap3A_1695 {strides = array<i32>} : memref<4x208xi32, #tpu.memory_space<vmem>>, vector<1x16xi32>,
        %get3A_1696 = arith.constant 0 : i32
        %get3A_1697 = arith.index_cast %get3A_1696 : i32 to index
        %get3A_1698 = arith.constant 144 : index
        %get3A_1699 = tpu.vector_load %arg9[%get3A_1697, %get3A_1698] {strides = array<i32>} : memref<4x208xi32, #tpu.memory_space<vmem>>, vector<1x16xi32>,
        %get3A_1700 = vector.shape_cast %get3A_1699 : vector<1x16xi32> to vector<16xi32>
        %mul3A_1701 = arith.constant 201 : i32
        %mul3A_1702 = vector.broadcast %mul3A_1701 : i32 to vector<16xi32>
        %mul3A_1703 = arith.muli %get3A_1700, %mul3A_1702 : vector<16xi32>
        %get3A_1704 = arith.constant 0 : i32
        %get3A_1705 = arith.index_cast %get3A_1704 : i32 to index
        %get3A_1706 = arith.constant 144 : index
        %get3A_1707 = tpu.vector_load %arg10[%get3A_1705, %get3A_1706] {strides = array<i32>} : memref<4x208xi32, #tpu.memory_space<vmem>>, vector<1x16xi32>,
        %get3A_1708 = vector.shape_cast %get3A_1707 : vector<1x16xi32> to vector<16xi32>
        %add3A_1709 = arith.addi %mul3A_1703, %get3A_1708 : vector<16xi32>
        %swap3A_1710 = arith.constant 0 : i32
        %swap3A_1711 = arith.index_cast %swap3A_1710 : i32 to index
        %swap3A_1712 = arith.constant 144 : index
        %swap3A_1713 = tpu.vector_load %arg11[%swap3A_1711, %swap3A_1712] {strides = array<i32>} : memref<4x208xi32, #tpu.memory_space<vmem>>, vector<1x16xi32>,
        %swap3A_1714 = vector.shape_cast %swap3A_1713 : vector<1x16xi32> to vector<16xi32>
        %swap3A_1715 = vector.shape_cast %add3A_1709 : vector<16xi32> to vector<1x16xi32>
        tpu.vector_store %arg11[%swap3A_1711, %swap3A_1712], %swap3A_1715 {strides = array<i32>} : memref<4x208xi32, #tpu.memory_space<vmem>>, vector<1x16xi32>,
        %get3A_1716 = arith.constant 0 : i32
        %get3A_1717 = arith.index_cast %get3A_1716 : i32 to index
        %get3A_1718 = arith.constant 160 : index
        %get3A_1719 = tpu.vector_load %arg9[%get3A_1717, %get3A_1718] {strides = array<i32>} : memref<4x208xi32, #tpu.memory_space<vmem>>, vector<1x16xi32>,
        %get3A_1720 = vector.shape_cast %get3A_1719 : vector<1x16xi32> to vector<16xi32>
        %mul3A_1721 = arith.constant 201 : i32
        %mul3A_1722 = vector.broadcast %mul3A_1721 : i32 to vector<16xi32>
        %mul3A_1723 = arith.muli %get3A_1720, %mul3A_1722 : vector<16xi32>
        %get3A_1724 = arith.constant 0 : i32
        %get3A_1725 = arith.index_cast %get3A_1724 : i32 to index
        %get3A_1726 = arith.constant 160 : index
        %get3A_1727 = tpu.vector_load %arg10[%get3A_1725, %get3A_1726] {strides = array<i32>} : memref<4x208xi32, #tpu.memory_space<vmem>>, vector<1x16xi32>,
        %get3A_1728 = vector.shape_cast %get3A_1727 : vector<1x16xi32> to vector<16xi32>
        %add3A_1729 = arith.addi %mul3A_1723, %get3A_1728 : vector<16xi32>
        %swap3A_1730 = arith.constant 0 : i32
        %swap3A_1731 = arith.index_cast %swap3A_1730 : i32 to index
        %swap3A_1732 = arith.constant 160 : index
        %swap3A_1733 = tpu.vector_load %arg11[%swap3A_1731, %swap3A_1732] {strides = array<i32>} : memref<4x208xi32, #tpu.memory_space<vmem>>, vector<1x16xi32>,
        %swap3A_1734 = vector.shape_cast %swap3A_1733 : vector<1x16xi32> to vector<16xi32>
        %swap3A_1735 = vector.shape_cast %add3A_1729 : vector<16xi32> to vector<1x16xi32>
        tpu.vector_store %arg11[%swap3A_1731, %swap3A_1732], %swap3A_1735 {strides = array<i32>} : memref<4x208xi32, #tpu.memory_space<vmem>>, vector<1x16xi32>,
        %get3A_1736 = arith.constant 0 : i32
        %get3A_1737 = arith.index_cast %get3A_1736 : i32 to index
        %get3A_1738 = arith.constant 176 : index
        %get3A_1739 = tpu.vector_load %arg9[%get3A_1737, %get3A_1738] {strides = array<i32>} : memref<4x208xi32, #tpu.memory_space<vmem>>, vector<1x16xi32>,
        %get3A_1740 = vector.shape_cast %get3A_1739 : vector<1x16xi32> to vector<16xi32>
        %mul3A_1741 = arith.constant 201 : i32
        %mul3A_1742 = vector.broadcast %mul3A_1741 : i32 to vector<16xi32>
        %mul3A_1743 = arith.muli %get3A_1740, %mul3A_1742 : vector<16xi32>
        %get3A_1744 = arith.constant 0 : i32
        %get3A_1745 = arith.index_cast %get3A_1744 : i32 to index
        %get3A_1746 = arith.constant 176 : index
        %get3A_1747 = tpu.vector_load %arg10[%get3A_1745, %get3A_1746] {strides = array<i32>} : memref<4x208xi32, #tpu.memory_space<vmem>>, vector<1x16xi32>,
        %get3A_1748 = vector.shape_cast %get3A_1747 : vector<1x16xi32> to vector<16xi32>
        %add3A_1749 = arith.addi %mul3A_1743, %get3A_1748 : vector<16xi32>
        %swap3A_1750 = arith.constant 0 : i32
        %swap3A_1751 = arith.index_cast %swap3A_1750 : i32 to index
        %swap3A_1752 = arith.constant 176 : index
        %swap3A_1753 = tpu.vector_load %arg11[%swap3A_1751, %swap3A_1752] {strides = array<i32>} : memref<4x208xi32, #tpu.memory_space<vmem>>, vector<1x16xi32>,
        %swap3A_1754 = vector.shape_cast %swap3A_1753 : vector<1x16xi32> to vector<16xi32>
        %swap3A_1755 = vector.shape_cast %add3A_1749 : vector<16xi32> to vector<1x16xi32>
        tpu.vector_store %arg11[%swap3A_1751, %swap3A_1752], %swap3A_1755 {strides = array<i32>} : memref<4x208xi32, #tpu.memory_space<vmem>>, vector<1x16xi32>,
        %get3A_1756 = arith.constant 0 : i32
        %get3A_1757 = arith.index_cast %get3A_1756 : i32 to index
        %get3A_1758 = arith.constant 192 : index
        %get3A_1759 = tpu.vector_load %arg9[%get3A_1757, %get3A_1758] {strides = array<i32>} : memref<4x208xi32, #tpu.memory_space<vmem>>, vector<1x16xi32>,
        %get3A_1760 = vector.shape_cast %get3A_1759 : vector<1x16xi32> to vector<16xi32>
        %mul3A_1761 = arith.constant 201 : i32
        %mul3A_1762 = vector.broadcast %mul3A_1761 : i32 to vector<16xi32>
        %mul3A_1763 = arith.muli %get3A_1760, %mul3A_1762 : vector<16xi32>
        %get3A_1764 = arith.constant 0 : i32
        %get3A_1765 = arith.index_cast %get3A_1764 : i32 to index
        %get3A_1766 = arith.constant 192 : index
        %get3A_1767 = tpu.vector_load %arg10[%get3A_1765, %get3A_1766] {strides = array<i32>} : memref<4x208xi32, #tpu.memory_space<vmem>>, vector<1x16xi32>,
        %get3A_1768 = vector.shape_cast %get3A_1767 : vector<1x16xi32> to vector<16xi32>
        %add3A_1769 = arith.addi %mul3A_1763, %get3A_1768 : vector<16xi32>
        %swap3A_1770 = arith.constant 0 : i32
        %swap3A_1771 = arith.index_cast %swap3A_1770 : i32 to index
        %swap3A_1772 = arith.constant 192 : index
        %swap3A_1773 = tpu.vector_load %arg11[%swap3A_1771, %swap3A_1772] {strides = array<i32>} : memref<4x208xi32, #tpu.memory_space<vmem>>, vector<1x16xi32>,
        %swap3A_1774 = vector.shape_cast %swap3A_1773 : vector<1x16xi32> to vector<16xi32>
        %swap3A_1775 = vector.shape_cast %add3A_1769 : vector<16xi32> to vector<1x16xi32>
        tpu.vector_store %arg11[%swap3A_1771, %swap3A_1772], %swap3A_1775 {strides = array<i32>} : memref<4x208xi32, #tpu.memory_space<vmem>>, vector<1x16xi32>,
        %dma_start3A_1776 = arith.constant 0 : i32
        %dma_start3A_1777 = arith.constant 0 : i32
        %dma_start3A_1778 = arith.constant 0 : i32
        %dma_start3A_1779 = arith.constant 0 : i32
        %dma_start3A_1780 = arith.constant 0 : i32
        %dma_start3A_1781 = tpu.memref_slice %arg12[%dma_start3A_1777, %dma_start3A_1779, %dma_start3A_1780] : memref<4x200x64xf32, #tpu.memory_space<vmem>> -> memref<1x128x64xf32, #tpu.memory_space<vmem>>
        %dma_start3A_1782 = tpu.memref_squeeze %dma_start3A_1781 : memref<1x128x64xf32, #tpu.memory_space<vmem>> -> memref<128x64xf32, #tpu.memory_space<vmem>>
        %dma_start3A_1783 = arith.constant 0 : i32
        %dma_start3A_1784 = tpu.memref_slice %arg8[%dma_start3A_1776, %dma_start3A_1783] : memref<4x208xi32, #tpu.memory_space<vmem>> -> memref<1x128xi32, #tpu.memory_space<vmem>>
        %dma_start3A_1785 = tpu.memref_squeeze %dma_start3A_1784 : memref<1x128xi32, #tpu.memory_space<vmem>> -> memref<128xi32, #tpu.memory_space<vmem>>
        %dma_start3A_1786 = arith.constant 0 : i32
        %dma_start3A_1787 = arith.constant 0 : i32
        %dma_start3A_1788 = tpu.memref_slice %arg5[%dma_start3A_1786, %dma_start3A_1787] : memref<1000000x64xf32, #tpu.memory_space<hbm>> -> memref<1000000x64xf32, #tpu.memory_space<hbm>>
        %dma_start3A_1789 = tpu.memref_slice %arg15[%dma_start3A_1778] : memref<4x!tpu.dma_semaphore, #tpu.memory_space<semaphore_mem>> -> memref<1x!tpu.dma_semaphore, #tpu.memory_space<semaphore_mem>>
        %dma_start3A_1790 = tpu.memref_squeeze %dma_start3A_1789 : memref<1x!tpu.dma_semaphore, #tpu.memory_space<semaphore_mem>> -> memref<!tpu.dma_semaphore, #tpu.memory_space<semaphore_mem>>
        tpu.enqueue_indirect_dma source(%dma_start3A_1788 : memref<1000000x64xf32, #tpu.memory_space<hbm>>) target(%dma_start3A_1782 : memref<128x64xf32, #tpu.memory_space<vmem>>) offsets(%dma_start3A_1785 : memref<128xi32, #tpu.memory_space<vmem>>) semaphore(%dma_start3A_1790 : memref<!tpu.dma_semaphore, #tpu.memory_space<semaphore_mem>>)
        %dma_start3A_1791 = arith.constant 0 : i32
        %dma_start3A_1792 = arith.constant 0 : i32
        %dma_start3A_1793 = arith.constant 0 : i32
        %dma_start3A_1794 = arith.constant 0 : i32
        %dma_start3A_1795 = arith.constant 0 : i32
        %dma_start3A_1796 = tpu.memref_slice %arg13[%dma_start3A_1792, %dma_start3A_1794, %dma_start3A_1795] : memref<4x200x64xf32, #tpu.memory_space<vmem>> -> memref<1x128x64xf32, #tpu.memory_space<vmem>>
        %dma_start3A_1797 = tpu.memref_squeeze %dma_start3A_1796 : memref<1x128x64xf32, #tpu.memory_space<vmem>> -> memref<128x64xf32, #tpu.memory_space<vmem>>
        %dma_start3A_1798 = arith.constant 0 : i32
        %dma_start3A_1799 = tpu.memref_slice %arg11[%dma_start3A_1791, %dma_start3A_1798] : memref<4x208xi32, #tpu.memory_space<vmem>> -> memref<1x128xi32, #tpu.memory_space<vmem>>
        %dma_start3A_1800 = tpu.memref_squeeze %dma_start3A_1799 : memref<1x128xi32, #tpu.memory_space<vmem>> -> memref<128xi32, #tpu.memory_space<vmem>>
        %dma_start3A_1801 = arith.constant 0 : i32
        %dma_start3A_1802 = arith.constant 0 : i32
        %dma_start3A_1803 = tpu.memref_slice %arg6[%dma_start3A_1801, %dma_start3A_1802] : memref<40401x64xf32, #tpu.memory_space<hbm>> -> memref<40401x64xf32, #tpu.memory_space<hbm>>
        %dma_start3A_1804 = tpu.memref_slice %arg15[%dma_start3A_1793] : memref<4x!tpu.dma_semaphore, #tpu.memory_space<semaphore_mem>> -> memref<1x!tpu.dma_semaphore, #tpu.memory_space<semaphore_mem>>
        %dma_start3A_1805 = tpu.memref_squeeze %dma_start3A_1804 : memref<1x!tpu.dma_semaphore, #tpu.memory_space<semaphore_mem>> -> memref<!tpu.dma_semaphore, #tpu.memory_space<semaphore_mem>>
        tpu.enqueue_indirect_dma source(%dma_start3A_1803 : memref<40401x64xf32, #tpu.memory_space<hbm>>) target(%dma_start3A_1797 : memref<128x64xf32, #tpu.memory_space<vmem>>) offsets(%dma_start3A_1800 : memref<128xi32, #tpu.memory_space<vmem>>) semaphore(%dma_start3A_1805 : memref<!tpu.dma_semaphore, #tpu.memory_space<semaphore_mem>>)
        %dma_start3A_1806 = arith.constant 0 : i32
        %dma_start3A_1807 = arith.constant 0 : i32
        %dma_start3A_1808 = arith.constant 0 : i32
        %dma_start3A_1809 = arith.constant 128 : i32
        %dma_start3A_1810 = arith.constant 0 : i32
        %dma_start3A_1811 = tpu.memref_slice %arg12[%dma_start3A_1807, %dma_start3A_1809, %dma_start3A_1810] : memref<4x200x64xf32, #tpu.memory_space<vmem>> -> memref<1x72x64xf32, #tpu.memory_space<vmem>>
        %dma_start3A_1812 = tpu.memref_squeeze %dma_start3A_1811 : memref<1x72x64xf32, #tpu.memory_space<vmem>> -> memref<72x64xf32, #tpu.memory_space<vmem>>
        %dma_start3A_1813 = arith.constant 128 : i32
        %dma_start3A_1814 = tpu.memref_slice %arg8[%dma_start3A_1806, %dma_start3A_1813] : memref<4x208xi32, #tpu.memory_space<vmem>> -> memref<1x72xi32, #tpu.memory_space<vmem>>
        %dma_start3A_1815 = tpu.memref_squeeze %dma_start3A_1814 : memref<1x72xi32, #tpu.memory_space<vmem>> -> memref<72xi32, #tpu.memory_space<vmem>>
        %dma_start3A_1816 = arith.constant 0 : i32
        %dma_start3A_1817 = arith.constant 0 : i32
        %dma_start3A_1818 = tpu.memref_slice %arg5[%dma_start3A_1816, %dma_start3A_1817] : memref<1000000x64xf32, #tpu.memory_space<hbm>> -> memref<1000000x64xf32, #tpu.memory_space<hbm>>
        %dma_start3A_1819 = tpu.memref_slice %arg15[%dma_start3A_1808] : memref<4x!tpu.dma_semaphore, #tpu.memory_space<semaphore_mem>> -> memref<1x!tpu.dma_semaphore, #tpu.memory_space<semaphore_mem>>
        %dma_start3A_1820 = tpu.memref_squeeze %dma_start3A_1819 : memref<1x!tpu.dma_semaphore, #tpu.memory_space<semaphore_mem>> -> memref<!tpu.dma_semaphore, #tpu.memory_space<semaphore_mem>>
        tpu.enqueue_indirect_dma source(%dma_start3A_1818 : memref<1000000x64xf32, #tpu.memory_space<hbm>>) target(%dma_start3A_1812 : memref<72x64xf32, #tpu.memory_space<vmem>>) offsets(%dma_start3A_1815 : memref<72xi32, #tpu.memory_space<vmem>>) semaphore(%dma_start3A_1820 : memref<!tpu.dma_semaphore, #tpu.memory_space<semaphore_mem>>)
        %dma_start3A_1821 = arith.constant 0 : i32
        %dma_start3A_1822 = arith.constant 0 : i32
        %dma_start3A_1823 = arith.constant 0 : i32
        %dma_start3A_1824 = arith.constant 128 : i32
        %dma_start3A_1825 = arith.constant 0 : i32
        %dma_start3A_1826 = tpu.memref_slice %arg13[%dma_start3A_1822, %dma_start3A_1824, %dma_start3A_1825] : memref<4x200x64xf32, #tpu.memory_space<vmem>> -> memref<1x72x64xf32, #tpu.memory_space<vmem>>
        %dma_start3A_1827 = tpu.memref_squeeze %dma_start3A_1826 : memref<1x72x64xf32, #tpu.memory_space<vmem>> -> memref<72x64xf32, #tpu.memory_space<vmem>>
        %dma_start3A_1828 = arith.constant 128 : i32
        %dma_start3A_1829 = tpu.memref_slice %arg11[%dma_start3A_1821, %dma_start3A_1828] : memref<4x208xi32, #tpu.memory_space<vmem>> -> memref<1x72xi32, #tpu.memory_space<vmem>>
        %dma_start3A_1830 = tpu.memref_squeeze %dma_start3A_1829 : memref<1x72xi32, #tpu.memory_space<vmem>> -> memref<72xi32, #tpu.memory_space<vmem>>
        %dma_start3A_1831 = arith.constant 0 : i32
        %dma_start3A_1832 = arith.constant 0 : i32
        %dma_start3A_1833 = tpu.memref_slice %arg6[%dma_start3A_1831, %dma_start3A_1832] : memref<40401x64xf32, #tpu.memory_space<hbm>> -> memref<40401x64xf32, #tpu.memory_space<hbm>>
        %dma_start3A_1834 = tpu.memref_slice %arg15[%dma_start3A_1823] : memref<4x!tpu.dma_semaphore, #tpu.memory_space<semaphore_mem>> -> memref<1x!tpu.dma_semaphore, #tpu.memory_space<semaphore_mem>>
        %dma_start3A_1835 = tpu.memref_squeeze %dma_start3A_1834 : memref<1x!tpu.dma_semaphore, #tpu.memory_space<semaphore_mem>> -> memref<!tpu.dma_semaphore, #tpu.memory_space<semaphore_mem>>
        tpu.enqueue_indirect_dma source(%dma_start3A_1833 : memref<40401x64xf32, #tpu.memory_space<hbm>>) target(%dma_start3A_1827 : memref<72x64xf32, #tpu.memory_space<vmem>>) offsets(%dma_start3A_1830 : memref<72xi32, #tpu.memory_space<vmem>>) semaphore(%dma_start3A_1835 : memref<!tpu.dma_semaphore, #tpu.memory_space<semaphore_mem>>)
      } else {
      }
      %dma_wait3A_1235 = arith.constant 2 : i32
      %dma_wait3A_1236 = arith.constant 2 : i32
      %dma_wait3A_1237 = arith.constant 2 : i32
      %dma_wait3A_1238 = arith.constant 0 : i32
      %dma_wait3A_1239 = arith.constant 0 : i32
      %dma_wait3A_1240 = tpu.memref_slice %arg12[%dma_wait3A_1236, %dma_wait3A_1238, %dma_wait3A_1239] : memref<4x200x64xf32, #tpu.memory_space<vmem>> -> memref<1x128x64xf32, #tpu.memory_space<vmem>>
      %dma_wait3A_1241 = tpu.memref_squeeze %dma_wait3A_1240 : memref<1x128x64xf32, #tpu.memory_space<vmem>> -> memref<128x64xf32, #tpu.memory_space<vmem>>
      %dma_wait3A_1242 = arith.constant 0 : i32
      %dma_wait3A_1243 = tpu.memref_slice %arg8[%dma_wait3A_1235, %dma_wait3A_1242] : memref<4x208xi32, #tpu.memory_space<vmem>> -> memref<1x128xi32, #tpu.memory_space<vmem>>
      %dma_wait3A_1244 = tpu.memref_squeeze %dma_wait3A_1243 : memref<1x128xi32, #tpu.memory_space<vmem>> -> memref<128xi32, #tpu.memory_space<vmem>>
      %dma_wait3A_1245 = arith.constant 0 : i32
      %dma_wait3A_1246 = arith.constant 0 : i32
      %dma_wait3A_1247 = tpu.memref_slice %arg5[%dma_wait3A_1245, %dma_wait3A_1246] : memref<1000000x64xf32, #tpu.memory_space<hbm>> -> memref<1000000x64xf32, #tpu.memory_space<hbm>>
      %dma_wait3A_1248 = tpu.memref_slice %arg15[%dma_wait3A_1237] : memref<4x!tpu.dma_semaphore, #tpu.memory_space<semaphore_mem>> -> memref<1x!tpu.dma_semaphore, #tpu.memory_space<semaphore_mem>>
      %dma_wait3A_1249 = tpu.memref_squeeze %dma_wait3A_1248 : memref<1x!tpu.dma_semaphore, #tpu.memory_space<semaphore_mem>> -> memref<!tpu.dma_semaphore, #tpu.memory_space<semaphore_mem>>
      tpu.wait_indirect_dma semaphore(%dma_wait3A_1249 : memref<!tpu.dma_semaphore, #tpu.memory_space<semaphore_mem>>) src(%dma_wait3A_1247 : memref<1000000x64xf32, #tpu.memory_space<hbm>>) dst(%dma_wait3A_1241 : memref<128x64xf32, #tpu.memory_space<vmem>>)
      %dma_wait3A_1250 = arith.constant 2 : i32
      %dma_wait3A_1251 = arith.constant 2 : i32
      %dma_wait3A_1252 = arith.constant 2 : i32
      %dma_wait3A_1253 = arith.constant 0 : i32
      %dma_wait3A_1254 = arith.constant 0 : i32
      %dma_wait3A_1255 = tpu.memref_slice %arg13[%dma_wait3A_1251, %dma_wait3A_1253, %dma_wait3A_1254] : memref<4x200x64xf32, #tpu.memory_space<vmem>> -> memref<1x128x64xf32, #tpu.memory_space<vmem>>
      %dma_wait3A_1256 = tpu.memref_squeeze %dma_wait3A_1255 : memref<1x128x64xf32, #tpu.memory_space<vmem>> -> memref<128x64xf32, #tpu.memory_space<vmem>>
      %dma_wait3A_1257 = arith.constant 0 : i32
      %dma_wait3A_1258 = tpu.memref_slice %arg11[%dma_wait3A_1250, %dma_wait3A_1257] : memref<4x208xi32, #tpu.memory_space<vmem>> -> memref<1x128xi32, #tpu.memory_space<vmem>>
      %dma_wait3A_1259 = tpu.memref_squeeze %dma_wait3A_1258 : memref<1x128xi32, #tpu.memory_space<vmem>> -> memref<128xi32, #tpu.memory_space<vmem>>
      %dma_wait3A_1260 = arith.constant 0 : i32
      %dma_wait3A_1261 = arith.constant 0 : i32
      %dma_wait3A_1262 = tpu.memref_slice %arg6[%dma_wait3A_1260, %dma_wait3A_1261] : memref<40401x64xf32, #tpu.memory_space<hbm>> -> memref<40401x64xf32, #tpu.memory_space<hbm>>
      %dma_wait3A_1263 = tpu.memref_slice %arg15[%dma_wait3A_1252] : memref<4x!tpu.dma_semaphore, #tpu.memory_space<semaphore_mem>> -> memref<1x!tpu.dma_semaphore, #tpu.memory_space<semaphore_mem>>
      %dma_wait3A_1264 = tpu.memref_squeeze %dma_wait3A_1263 : memref<1x!tpu.dma_semaphore, #tpu.memory_space<semaphore_mem>> -> memref<!tpu.dma_semaphore, #tpu.memory_space<semaphore_mem>>
      tpu.wait_indirect_dma semaphore(%dma_wait3A_1264 : memref<!tpu.dma_semaphore, #tpu.memory_space<semaphore_mem>>) src(%dma_wait3A_1262 : memref<40401x64xf32, #tpu.memory_space<hbm>>) dst(%dma_wait3A_1256 : memref<128x64xf32, #tpu.memory_space<vmem>>)
      %dma_wait3A_1265 = arith.constant 2 : i32
      %dma_wait3A_1266 = arith.constant 2 : i32
      %dma_wait3A_1267 = arith.constant 2 : i32
      %dma_wait3A_1268 = arith.constant 128 : i32
      %dma_wait3A_1269 = arith.constant 0 : i32
      %dma_wait3A_1270 = tpu.memref_slice %arg12[%dma_wait3A_1266, %dma_wait3A_1268, %dma_wait3A_1269] : memref<4x200x64xf32, #tpu.memory_space<vmem>> -> memref<1x72x64xf32, #tpu.memory_space<vmem>>
      %dma_wait3A_1271 = tpu.memref_squeeze %dma_wait3A_1270 : memref<1x72x64xf32, #tpu.memory_space<vmem>> -> memref<72x64xf32, #tpu.memory_space<vmem>>
      %dma_wait3A_1272 = arith.constant 128 : i32
      %dma_wait3A_1273 = tpu.memref_slice %arg8[%dma_wait3A_1265, %dma_wait3A_1272] : memref<4x208xi32, #tpu.memory_space<vmem>> -> memref<1x72xi32, #tpu.memory_space<vmem>>
      %dma_wait3A_1274 = tpu.memref_squeeze %dma_wait3A_1273 : memref<1x72xi32, #tpu.memory_space<vmem>> -> memref<72xi32, #tpu.memory_space<vmem>>
      %dma_wait3A_1275 = arith.constant 0 : i32
      %dma_wait3A_1276 = arith.constant 0 : i32
      %dma_wait3A_1277 = tpu.memref_slice %arg5[%dma_wait3A_1275, %dma_wait3A_1276] : memref<1000000x64xf32, #tpu.memory_space<hbm>> -> memref<1000000x64xf32, #tpu.memory_space<hbm>>
      %dma_wait3A_1278 = tpu.memref_slice %arg15[%dma_wait3A_1267] : memref<4x!tpu.dma_semaphore, #tpu.memory_space<semaphore_mem>> -> memref<1x!tpu.dma_semaphore, #tpu.memory_space<semaphore_mem>>
      %dma_wait3A_1279 = tpu.memref_squeeze %dma_wait3A_1278 : memref<1x!tpu.dma_semaphore, #tpu.memory_space<semaphore_mem>> -> memref<!tpu.dma_semaphore, #tpu.memory_space<semaphore_mem>>
      tpu.wait_indirect_dma semaphore(%dma_wait3A_1279 : memref<!tpu.dma_semaphore, #tpu.memory_space<semaphore_mem>>) src(%dma_wait3A_1277 : memref<1000000x64xf32, #tpu.memory_space<hbm>>) dst(%dma_wait3A_1271 : memref<72x64xf32, #tpu.memory_space<vmem>>)
      %dma_wait3A_1280 = arith.constant 2 : i32
      %dma_wait3A_1281 = arith.constant 2 : i32
      %dma_wait3A_1282 = arith.constant 2 : i32
      %dma_wait3A_1283 = arith.constant 128 : i32
      %dma_wait3A_1284 = arith.constant 0 : i32
      %dma_wait3A_1285 = tpu.memref_slice %arg13[%dma_wait3A_1281, %dma_wait3A_1283, %dma_wait3A_1284] : memref<4x200x64xf32, #tpu.memory_space<vmem>> -> memref<1x72x64xf32, #tpu.memory_space<vmem>>
      %dma_wait3A_1286 = tpu.memref_squeeze %dma_wait3A_1285 : memref<1x72x64xf32, #tpu.memory_space<vmem>> -> memref<72x64xf32, #tpu.memory_space<vmem>>
      %dma_wait3A_1287 = arith.constant 128 : i32
      %dma_wait3A_1288 = tpu.memref_slice %arg11[%dma_wait3A_1280, %dma_wait3A_1287] : memref<4x208xi32, #tpu.memory_space<vmem>> -> memref<1x72xi32, #tpu.memory_space<vmem>>
      %dma_wait3A_1289 = tpu.memref_squeeze %dma_wait3A_1288 : memref<1x72xi32, #tpu.memory_space<vmem>> -> memref<72xi32, #tpu.memory_space<vmem>>
      %dma_wait3A_1290 = arith.constant 0 : i32
      %dma_wait3A_1291 = arith.constant 0 : i32
      %dma_wait3A_1292 = tpu.memref_slice %arg6[%dma_wait3A_1290, %dma_wait3A_1291] : memref<40401x64xf32, #tpu.memory_space<hbm>> -> memref<40401x64xf32, #tpu.memory_space<hbm>>
      %dma_wait3A_1293 = tpu.memref_slice %arg15[%dma_wait3A_1282] : memref<4x!tpu.dma_semaphore, #tpu.memory_space<semaphore_mem>> -> memref<1x!tpu.dma_semaphore, #tpu.memory_space<semaphore_mem>>
      %dma_wait3A_1294 = tpu.memref_squeeze %dma_wait3A_1293 : memref<1x!tpu.dma_semaphore, #tpu.memory_space<semaphore_mem>> -> memref<!tpu.dma_semaphore, #tpu.memory_space<semaphore_mem>>
      tpu.wait_indirect_dma semaphore(%dma_wait3A_1294 : memref<!tpu.dma_semaphore, #tpu.memory_space<semaphore_mem>>) src(%dma_wait3A_1292 : memref<40401x64xf32, #tpu.memory_space<hbm>>) dst(%dma_wait3A_1286 : memref<72x64xf32, #tpu.memory_space<vmem>>)
      %add3A_1295 = arith.addi %mul3A_2, %add3A_1222 : i32
      %dma_start3A_1296 = arith.constant 2 : i32
      %dma_start3A_1297 = arith.constant 2 : i32
      %dma_start3A_1298 = arith.constant 0 : i32
      %dma_start3A_1299 = arith.constant 0 : i32
      %dma_start3A_1300 = tpu.memref_slice %arg12[%dma_start3A_1296, %dma_start3A_1298, %dma_start3A_1299] : memref<4x200x64xf32, #tpu.memory_space<vmem>> -> memref<1x200x64xf32, #tpu.memory_space<vmem>>
      %dma_start3A_1301 = tpu.memref_squeeze %dma_start3A_1300 : memref<1x200x64xf32, #tpu.memory_space<vmem>> -> memref<200x64xf32, #tpu.memory_space<vmem>>
      %dma_start3A_1302 = arith.constant 0 : i32
      %dma_start3A_1303 = arith.constant 0 : i32
      %dma_start3A_1304 = tpu.memref_slice %arg7[%add3A_1295, %dma_start3A_1302, %dma_start3A_1303] : memref<4096x200x128xf32, #tpu.memory_space<hbm>> -> memref<1x200x64xf32, #tpu.memory_space<hbm>>
      %dma_start3A_1305 = tpu.memref_squeeze %dma_start3A_1304 : memref<1x200x64xf32, #tpu.memory_space<hbm>> -> memref<200x64xf32, #tpu.memory_space<hbm>>
      %dma_start3A_1306 = tpu.memref_slice %arg16[%dma_start3A_1297] : memref<4x!tpu.dma_semaphore, #tpu.memory_space<semaphore_mem>> -> memref<1x!tpu.dma_semaphore, #tpu.memory_space<semaphore_mem>>
      %dma_start3A_1307 = tpu.memref_squeeze %dma_start3A_1306 : memref<1x!tpu.dma_semaphore, #tpu.memory_space<semaphore_mem>> -> memref<!tpu.dma_semaphore, #tpu.memory_space<semaphore_mem>>
      %dma_start3A_1308 = arith.constant 0 : i32
      %dma_start3A_1309 = arith.constant 0 : i32
      %dma_start3A_1310 = tpu.memref_slice %arg7[%add3A_1295, %dma_start3A_1308, %dma_start3A_1309] : memref<4096x200x128xf32, #tpu.memory_space<hbm>> -> memref<1x200x64xf32, #tpu.memory_space<hbm>>
      %dma_start3A_1311 = tpu.memref_squeeze %dma_start3A_1310 : memref<1x200x64xf32, #tpu.memory_space<hbm>> -> memref<200x64xf32, #tpu.memory_space<hbm>>
      %dma_start3A_1312 = arith.constant 0 : i32
      %dma_start3A_1313 = arith.constant 0 : i32
      %dma_start3A_1314 = tpu.memref_slice %arg12[%dma_start3A_1296, %dma_start3A_1312, %dma_start3A_1313] : memref<4x200x64xf32, #tpu.memory_space<vmem>> -> memref<1x200x64xf32, #tpu.memory_space<vmem>>
      %dma_start3A_1315 = tpu.memref_squeeze %dma_start3A_1314 : memref<1x200x64xf32, #tpu.memory_space<vmem>> -> memref<200x64xf32, #tpu.memory_space<vmem>>
      tpu.enqueue_dma source(%dma_start3A_1315 : memref<200x64xf32, #tpu.memory_space<vmem>>) target(%dma_start3A_1311 : memref<200x64xf32, #tpu.memory_space<hbm>>) target_semaphore(%dma_start3A_1307 : memref<!tpu.dma_semaphore, #tpu.memory_space<semaphore_mem>>)
      %dma_start3A_1316 = arith.constant 2 : i32
      %dma_start3A_1317 = arith.constant 2 : i32
      %dma_start3A_1318 = arith.constant 0 : i32
      %dma_start3A_1319 = arith.constant 0 : i32
      %dma_start3A_1320 = tpu.memref_slice %arg13[%dma_start3A_1316, %dma_start3A_1318, %dma_start3A_1319] : memref<4x200x64xf32, #tpu.memory_space<vmem>> -> memref<1x200x64xf32, #tpu.memory_space<vmem>>
      %dma_start3A_1321 = tpu.memref_squeeze %dma_start3A_1320 : memref<1x200x64xf32, #tpu.memory_space<vmem>> -> memref<200x64xf32, #tpu.memory_space<vmem>>
      %dma_start3A_1322 = arith.constant 0 : i32
      %dma_start3A_1323 = arith.constant 64 : i32
      %dma_start3A_1324 = tpu.memref_slice %arg7[%add3A_1295, %dma_start3A_1322, %dma_start3A_1323] : memref<4096x200x128xf32, #tpu.memory_space<hbm>> -> memref<1x200x64xf32, #tpu.memory_space<hbm>>
      %dma_start3A_1325 = tpu.memref_squeeze %dma_start3A_1324 : memref<1x200x64xf32, #tpu.memory_space<hbm>> -> memref<200x64xf32, #tpu.memory_space<hbm>>
      %dma_start3A_1326 = tpu.memref_slice %arg16[%dma_start3A_1317] : memref<4x!tpu.dma_semaphore, #tpu.memory_space<semaphore_mem>> -> memref<1x!tpu.dma_semaphore, #tpu.memory_space<semaphore_mem>>
      %dma_start3A_1327 = tpu.memref_squeeze %dma_start3A_1326 : memref<1x!tpu.dma_semaphore, #tpu.memory_space<semaphore_mem>> -> memref<!tpu.dma_semaphore, #tpu.memory_space<semaphore_mem>>
      %dma_start3A_1328 = arith.constant 0 : i32
      %dma_start3A_1329 = arith.constant 64 : i32
      %dma_start3A_1330 = tpu.memref_slice %arg7[%add3A_1295, %dma_start3A_1328, %dma_start3A_1329] : memref<4096x200x128xf32, #tpu.memory_space<hbm>> -> memref<1x200x64xf32, #tpu.memory_space<hbm>>
      %dma_start3A_1331 = tpu.memref_squeeze %dma_start3A_1330 : memref<1x200x64xf32, #tpu.memory_space<hbm>> -> memref<200x64xf32, #tpu.memory_space<hbm>>
      %dma_start3A_1332 = arith.constant 0 : i32
      %dma_start3A_1333 = arith.constant 0 : i32
      %dma_start3A_1334 = tpu.memref_slice %arg13[%dma_start3A_1316, %dma_start3A_1332, %dma_start3A_1333] : memref<4x200x64xf32, #tpu.memory_space<vmem>> -> memref<1x200x64xf32, #tpu.memory_space<vmem>>
      %dma_start3A_1335 = tpu.memref_squeeze %dma_start3A_1334 : memref<1x200x64xf32, #tpu.memory_space<vmem>> -> memref<200x64xf32, #tpu.memory_space<vmem>>
      tpu.enqueue_dma source(%dma_start3A_1335 : memref<200x64xf32, #tpu.memory_space<vmem>>) target(%dma_start3A_1331 : memref<200x64xf32, #tpu.memory_space<hbm>>) target_semaphore(%dma_start3A_1327 : memref<!tpu.dma_semaphore, #tpu.memory_space<semaphore_mem>>)
      %add3A_1336 = arith.constant 3 : i32
      %add3A_1337 = arith.addi %add3A_1222, %add3A_1336 : i32
      %lt3A_1338 = arith.constant 128 : i32
      %lt3A_1339 = arith.cmpi slt, %add3A_1337, %lt3A_1338 : i32
      %convert_element_type3A_1340 = arith.extui %lt3A_1339 : i1 to i32
      %cond3A_1341 = arith.constant 0 : i32
      %cond3A_1342 = arith.cmpi ne, %convert_element_type3A_1340, %cond3A_1341 : i32
      scf.if %cond3A_1342 {
        %add3A_1465 = arith.constant 3 : i32
        %add3A_1466 = arith.addi %add3A_1222, %add3A_1465 : i32
        %add3A_1467 = arith.addi %mul3A_2, %add3A_1466 : i32
        %dma_start3A_1468 = arith.constant 1 : i32
        %dma_start3A_1469 = arith.constant 1 : i32
        %dma_start3A_1470 = arith.constant 0 : i32
        %dma_start3A_1471 = tpu.memref_slice %arg8[%dma_start3A_1468, %dma_start3A_1470] : memref<4x208xi32, #tpu.memory_space<vmem>> -> memref<1x200xi32, #tpu.memory_space<vmem>>
        %dma_start3A_1472 = tpu.memref_squeeze %dma_start3A_1471 : memref<1x200xi32, #tpu.memory_space<vmem>> -> memref<200xi32, #tpu.memory_space<vmem>>
        %dma_start3A_1473 = arith.constant 0 : i32
        %dma_start3A_1474 = tpu.memref_slice %arg2[%add3A_1467, %dma_start3A_1473] : memref<4096x200xi32, #tpu.memory_space<hbm>> -> memref<1x200xi32, #tpu.memory_space<hbm>>
        %dma_start3A_1475 = tpu.memref_squeeze %dma_start3A_1474 : memref<1x200xi32, #tpu.memory_space<hbm>> -> memref<200xi32, #tpu.memory_space<hbm>>
        %dma_start3A_1476 = tpu.memref_slice %arg14[%dma_start3A_1469] : memref<4x!tpu.dma_semaphore, #tpu.memory_space<semaphore_mem>> -> memref<1x!tpu.dma_semaphore, #tpu.memory_space<semaphore_mem>>
        %dma_start3A_1477 = tpu.memref_squeeze %dma_start3A_1476 : memref<1x!tpu.dma_semaphore, #tpu.memory_space<semaphore_mem>> -> memref<!tpu.dma_semaphore, #tpu.memory_space<semaphore_mem>>
        %dma_start3A_1478 = arith.constant 0 : i32
        %dma_start3A_1479 = tpu.memref_slice %arg8[%dma_start3A_1468, %dma_start3A_1478] : memref<4x208xi32, #tpu.memory_space<vmem>> -> memref<1x200xi32, #tpu.memory_space<vmem>>
        %dma_start3A_1480 = tpu.memref_squeeze %dma_start3A_1479 : memref<1x200xi32, #tpu.memory_space<vmem>> -> memref<200xi32, #tpu.memory_space<vmem>>
        %dma_start3A_1481 = arith.constant 0 : i32
        %dma_start3A_1482 = tpu.memref_slice %arg2[%add3A_1467, %dma_start3A_1481] : memref<4096x200xi32, #tpu.memory_space<hbm>> -> memref<1x200xi32, #tpu.memory_space<hbm>>
        %dma_start3A_1483 = tpu.memref_squeeze %dma_start3A_1482 : memref<1x200xi32, #tpu.memory_space<hbm>> -> memref<200xi32, #tpu.memory_space<hbm>>
        tpu.enqueue_dma source(%dma_start3A_1483 : memref<200xi32, #tpu.memory_space<hbm>>) target(%dma_start3A_1480 : memref<200xi32, #tpu.memory_space<vmem>>) target_semaphore(%dma_start3A_1477 : memref<!tpu.dma_semaphore, #tpu.memory_space<semaphore_mem>>)
        %dma_start3A_1484 = arith.constant 1 : i32
        %dma_start3A_1485 = arith.constant 1 : i32
        %dma_start3A_1486 = arith.constant 0 : i32
        %dma_start3A_1487 = tpu.memref_slice %arg9[%dma_start3A_1484, %dma_start3A_1486] : memref<4x208xi32, #tpu.memory_space<vmem>> -> memref<1x200xi32, #tpu.memory_space<vmem>>
        %dma_start3A_1488 = tpu.memref_squeeze %dma_start3A_1487 : memref<1x200xi32, #tpu.memory_space<vmem>> -> memref<200xi32, #tpu.memory_space<vmem>>
        %dma_start3A_1489 = arith.constant 0 : i32
        %dma_start3A_1490 = tpu.memref_slice %arg3[%add3A_1467, %dma_start3A_1489] : memref<4096x200xi32, #tpu.memory_space<hbm>> -> memref<1x200xi32, #tpu.memory_space<hbm>>
        %dma_start3A_1491 = tpu.memref_squeeze %dma_start3A_1490 : memref<1x200xi32, #tpu.memory_space<hbm>> -> memref<200xi32, #tpu.memory_space<hbm>>
        %dma_start3A_1492 = tpu.memref_slice %arg14[%dma_start3A_1485] : memref<4x!tpu.dma_semaphore, #tpu.memory_space<semaphore_mem>> -> memref<1x!tpu.dma_semaphore, #tpu.memory_space<semaphore_mem>>
        %dma_start3A_1493 = tpu.memref_squeeze %dma_start3A_1492 : memref<1x!tpu.dma_semaphore, #tpu.memory_space<semaphore_mem>> -> memref<!tpu.dma_semaphore, #tpu.memory_space<semaphore_mem>>
        %dma_start3A_1494 = arith.constant 0 : i32
        %dma_start3A_1495 = tpu.memref_slice %arg9[%dma_start3A_1484, %dma_start3A_1494] : memref<4x208xi32, #tpu.memory_space<vmem>> -> memref<1x200xi32, #tpu.memory_space<vmem>>
        %dma_start3A_1496 = tpu.memref_squeeze %dma_start3A_1495 : memref<1x200xi32, #tpu.memory_space<vmem>> -> memref<200xi32, #tpu.memory_space<vmem>>
        %dma_start3A_1497 = arith.constant 0 : i32
        %dma_start3A_1498 = tpu.memref_slice %arg3[%add3A_1467, %dma_start3A_1497] : memref<4096x200xi32, #tpu.memory_space<hbm>> -> memref<1x200xi32, #tpu.memory_space<hbm>>
        %dma_start3A_1499 = tpu.memref_squeeze %dma_start3A_1498 : memref<1x200xi32, #tpu.memory_space<hbm>> -> memref<200xi32, #tpu.memory_space<hbm>>
        tpu.enqueue_dma source(%dma_start3A_1499 : memref<200xi32, #tpu.memory_space<hbm>>) target(%dma_start3A_1496 : memref<200xi32, #tpu.memory_space<vmem>>) target_semaphore(%dma_start3A_1493 : memref<!tpu.dma_semaphore, #tpu.memory_space<semaphore_mem>>)
        %dma_start3A_1500 = arith.constant 1 : i32
        %dma_start3A_1501 = arith.constant 1 : i32
        %dma_start3A_1502 = arith.constant 0 : i32
        %dma_start3A_1503 = tpu.memref_slice %arg10[%dma_start3A_1500, %dma_start3A_1502] : memref<4x208xi32, #tpu.memory_space<vmem>> -> memref<1x200xi32, #tpu.memory_space<vmem>>
        %dma_start3A_1504 = tpu.memref_squeeze %dma_start3A_1503 : memref<1x200xi32, #tpu.memory_space<vmem>> -> memref<200xi32, #tpu.memory_space<vmem>>
        %dma_start3A_1505 = arith.constant 0 : i32
        %dma_start3A_1506 = tpu.memref_slice %arg4[%add3A_1467, %dma_start3A_1505] : memref<4096x200xi32, #tpu.memory_space<hbm>> -> memref<1x200xi32, #tpu.memory_space<hbm>>
        %dma_start3A_1507 = tpu.memref_squeeze %dma_start3A_1506 : memref<1x200xi32, #tpu.memory_space<hbm>> -> memref<200xi32, #tpu.memory_space<hbm>>
        %dma_start3A_1508 = tpu.memref_slice %arg14[%dma_start3A_1501] : memref<4x!tpu.dma_semaphore, #tpu.memory_space<semaphore_mem>> -> memref<1x!tpu.dma_semaphore, #tpu.memory_space<semaphore_mem>>
        %dma_start3A_1509 = tpu.memref_squeeze %dma_start3A_1508 : memref<1x!tpu.dma_semaphore, #tpu.memory_space<semaphore_mem>> -> memref<!tpu.dma_semaphore, #tpu.memory_space<semaphore_mem>>
        %dma_start3A_1510 = arith.constant 0 : i32
        %dma_start3A_1511 = tpu.memref_slice %arg10[%dma_start3A_1500, %dma_start3A_1510] : memref<4x208xi32, #tpu.memory_space<vmem>> -> memref<1x200xi32, #tpu.memory_space<vmem>>
        %dma_start3A_1512 = tpu.memref_squeeze %dma_start3A_1511 : memref<1x200xi32, #tpu.memory_space<vmem>> -> memref<200xi32, #tpu.memory_space<vmem>>
        %dma_start3A_1513 = arith.constant 0 : i32
        %dma_start3A_1514 = tpu.memref_slice %arg4[%add3A_1467, %dma_start3A_1513] : memref<4096x200xi32, #tpu.memory_space<hbm>> -> memref<1x200xi32, #tpu.memory_space<hbm>>
        %dma_start3A_1515 = tpu.memref_squeeze %dma_start3A_1514 : memref<1x200xi32, #tpu.memory_space<hbm>> -> memref<200xi32, #tpu.memory_space<hbm>>
        tpu.enqueue_dma source(%dma_start3A_1515 : memref<200xi32, #tpu.memory_space<hbm>>) target(%dma_start3A_1512 : memref<200xi32, #tpu.memory_space<vmem>>) target_semaphore(%dma_start3A_1509 : memref<!tpu.dma_semaphore, #tpu.memory_space<semaphore_mem>>)
      } else {
      }
      %add3A_1343 = arith.constant 3 : i32
      %add3A_1344 = arith.addi %mul3A_980, %add3A_1343 : i32
      %ge3A_1345 = arith.constant 2 : i32
      %ge3A_1346 = arith.cmpi sge, %add3A_1344, %ge3A_1345 : i32
      %convert_element_type3A_1347 = arith.extui %ge3A_1346 : i1 to i32
      %cond3A_1348 = arith.constant 0 : i32
      %cond3A_1349 = arith.cmpi ne, %convert_element_type3A_1347, %cond3A_1348 : i32
      scf.if %cond3A_1349 {
        %sub3A = arith.constant 2 : i32
        %sub3A_1465 = arith.subi %add3A_1344, %sub3A : i32
        %add3A_1466 = arith.addi %mul3A_2, %sub3A_1465 : i32
        %dma_wait3A_1467 = arith.constant 1 : i32
        %dma_wait3A_1468 = arith.constant 1 : i32
        %dma_wait3A_1469 = arith.constant 0 : i32
        %dma_wait3A_1470 = arith.constant 0 : i32
        %dma_wait3A_1471 = tpu.memref_slice %arg12[%dma_wait3A_1467, %dma_wait3A_1469, %dma_wait3A_1470] : memref<4x200x64xf32, #tpu.memory_space<vmem>> -> memref<1x200x64xf32, #tpu.memory_space<vmem>>
        %dma_wait3A_1472 = tpu.memref_squeeze %dma_wait3A_1471 : memref<1x200x64xf32, #tpu.memory_space<vmem>> -> memref<200x64xf32, #tpu.memory_space<vmem>>
        %dma_wait3A_1473 = arith.constant 0 : i32
        %dma_wait3A_1474 = arith.constant 0 : i32
        %dma_wait3A_1475 = tpu.memref_slice %arg7[%add3A_1466, %dma_wait3A_1473, %dma_wait3A_1474] : memref<4096x200x128xf32, #tpu.memory_space<hbm>> -> memref<1x200x64xf32, #tpu.memory_space<hbm>>
        %dma_wait3A_1476 = tpu.memref_squeeze %dma_wait3A_1475 : memref<1x200x64xf32, #tpu.memory_space<hbm>> -> memref<200x64xf32, #tpu.memory_space<hbm>>
        %dma_wait3A_1477 = tpu.memref_slice %arg16[%dma_wait3A_1468] : memref<4x!tpu.dma_semaphore, #tpu.memory_space<semaphore_mem>> -> memref<1x!tpu.dma_semaphore, #tpu.memory_space<semaphore_mem>>
        %dma_wait3A_1478 = tpu.memref_squeeze %dma_wait3A_1477 : memref<1x!tpu.dma_semaphore, #tpu.memory_space<semaphore_mem>> -> memref<!tpu.dma_semaphore, #tpu.memory_space<semaphore_mem>>
        %dma_wait3A_1479 = arith.constant 0 : i32
        %dma_wait3A_1480 = arith.constant 0 : i32
        %dma_wait3A_1481 = tpu.memref_slice %arg7[%add3A_1466, %dma_wait3A_1479, %dma_wait3A_1480] : memref<4096x200x128xf32, #tpu.memory_space<hbm>> -> memref<1x200x64xf32, #tpu.memory_space<hbm>>
        %dma_wait3A_1482 = tpu.memref_squeeze %dma_wait3A_1481 : memref<1x200x64xf32, #tpu.memory_space<hbm>> -> memref<200x64xf32, #tpu.memory_space<hbm>>
        %dma_wait3A_1483 = arith.constant 0 : i32
        %dma_wait3A_1484 = arith.constant 0 : i32
        %dma_wait3A_1485 = tpu.memref_slice %arg12[%dma_wait3A_1467, %dma_wait3A_1483, %dma_wait3A_1484] : memref<4x200x64xf32, #tpu.memory_space<vmem>> -> memref<1x200x64xf32, #tpu.memory_space<vmem>>
        %dma_wait3A_1486 = tpu.memref_squeeze %dma_wait3A_1485 : memref<1x200x64xf32, #tpu.memory_space<vmem>> -> memref<200x64xf32, #tpu.memory_space<vmem>>
        tpu.wait_dma2 semaphore(%dma_wait3A_1478 : memref<!tpu.dma_semaphore, #tpu.memory_space<semaphore_mem>>) src(%dma_wait3A_1486 : memref<200x64xf32, #tpu.memory_space<vmem>>) dst(%dma_wait3A_1482 : memref<200x64xf32, #tpu.memory_space<hbm>>)
        %dma_wait3A_1487 = arith.constant 1 : i32
        %dma_wait3A_1488 = arith.constant 1 : i32
        %dma_wait3A_1489 = arith.constant 0 : i32
        %dma_wait3A_1490 = arith.constant 0 : i32
        %dma_wait3A_1491 = tpu.memref_slice %arg13[%dma_wait3A_1487, %dma_wait3A_1489, %dma_wait3A_1490] : memref<4x200x64xf32, #tpu.memory_space<vmem>> -> memref<1x200x64xf32, #tpu.memory_space<vmem>>
        %dma_wait3A_1492 = tpu.memref_squeeze %dma_wait3A_1491 : memref<1x200x64xf32, #tpu.memory_space<vmem>> -> memref<200x64xf32, #tpu.memory_space<vmem>>
        %dma_wait3A_1493 = arith.constant 0 : i32
        %dma_wait3A_1494 = arith.constant 64 : i32
        %dma_wait3A_1495 = tpu.memref_slice %arg7[%add3A_1466, %dma_wait3A_1493, %dma_wait3A_1494] : memref<4096x200x128xf32, #tpu.memory_space<hbm>> -> memref<1x200x64xf32, #tpu.memory_space<hbm>>
        %dma_wait3A_1496 = tpu.memref_squeeze %dma_wait3A_1495 : memref<1x200x64xf32, #tpu.memory_space<hbm>> -> memref<200x64xf32, #tpu.memory_space<hbm>>
        %dma_wait3A_1497 = tpu.memref_slice %arg16[%dma_wait3A_1488] : memref<4x!tpu.dma_semaphore, #tpu.memory_space<semaphore_mem>> -> memref<1x!tpu.dma_semaphore, #tpu.memory_space<semaphore_mem>>
        %dma_wait3A_1498 = tpu.memref_squeeze %dma_wait3A_1497 : memref<1x!tpu.dma_semaphore, #tpu.memory_space<semaphore_mem>> -> memref<!tpu.dma_semaphore, #tpu.memory_space<semaphore_mem>>
        %dma_wait3A_1499 = arith.constant 0 : i32
        %dma_wait3A_1500 = arith.constant 64 : i32
        %dma_wait3A_1501 = tpu.memref_slice %arg7[%add3A_1466, %dma_wait3A_1499, %dma_wait3A_1500] : memref<4096x200x128xf32, #tpu.memory_space<hbm>> -> memref<1x200x64xf32, #tpu.memory_space<hbm>>
        %dma_wait3A_1502 = tpu.memref_squeeze %dma_wait3A_1501 : memref<1x200x64xf32, #tpu.memory_space<hbm>> -> memref<200x64xf32, #tpu.memory_space<hbm>>
        %dma_wait3A_1503 = arith.constant 0 : i32
        %dma_wait3A_1504 = arith.constant 0 : i32
        %dma_wait3A_1505 = tpu.memref_slice %arg13[%dma_wait3A_1487, %dma_wait3A_1503, %dma_wait3A_1504] : memref<4x200x64xf32, #tpu.memory_space<vmem>> -> memref<1x200x64xf32, #tpu.memory_space<vmem>>
        %dma_wait3A_1506 = tpu.memref_squeeze %dma_wait3A_1505 : memref<1x200x64xf32, #tpu.memory_space<vmem>> -> memref<200x64xf32, #tpu.memory_space<vmem>>
        tpu.wait_dma2 semaphore(%dma_wait3A_1498 : memref<!tpu.dma_semaphore, #tpu.memory_space<semaphore_mem>>) src(%dma_wait3A_1506 : memref<200x64xf32, #tpu.memory_space<vmem>>) dst(%dma_wait3A_1502 : memref<200x64xf32, #tpu.memory_space<hbm>>)
      } else {
      }
      %add3A_1350 = arith.constant 2 : i32
      %add3A_1351 = arith.addi %add3A_1344, %add3A_1350 : i32
      %lt3A_1352 = arith.constant 128 : i32
      %lt3A_1353 = arith.cmpi slt, %add3A_1351, %lt3A_1352 : i32
      %convert_element_type3A_1354 = arith.extui %lt3A_1353 : i1 to i32
      %cond3A_1355 = arith.constant 0 : i32
      %cond3A_1356 = arith.cmpi ne, %convert_element_type3A_1354, %cond3A_1355 : i32
      scf.if %cond3A_1356 {
        %add3A_1465 = arith.constant 2 : i32
        %add3A_1466 = arith.addi %add3A_1344, %add3A_1465 : i32
        %add3A_1467 = arith.addi %mul3A_2, %add3A_1466 : i32
        %dma_wait3A_1468 = arith.constant 1 : i32
        %dma_wait3A_1469 = arith.constant 1 : i32
        %dma_wait3A_1470 = arith.constant 0 : i32
        %dma_wait3A_1471 = tpu.memref_slice %arg8[%dma_wait3A_1468, %dma_wait3A_1470] : memref<4x208xi32, #tpu.memory_space<vmem>> -> memref<1x200xi32, #tpu.memory_space<vmem>>
        %dma_wait3A_1472 = tpu.memref_squeeze %dma_wait3A_1471 : memref<1x200xi32, #tpu.memory_space<vmem>> -> memref<200xi32, #tpu.memory_space<vmem>>
        %dma_wait3A_1473 = arith.constant 0 : i32
        %dma_wait3A_1474 = tpu.memref_slice %arg2[%add3A_1467, %dma_wait3A_1473] : memref<4096x200xi32, #tpu.memory_space<hbm>> -> memref<1x200xi32, #tpu.memory_space<hbm>>
        %dma_wait3A_1475 = tpu.memref_squeeze %dma_wait3A_1474 : memref<1x200xi32, #tpu.memory_space<hbm>> -> memref<200xi32, #tpu.memory_space<hbm>>
        %dma_wait3A_1476 = tpu.memref_slice %arg14[%dma_wait3A_1469] : memref<4x!tpu.dma_semaphore, #tpu.memory_space<semaphore_mem>> -> memref<1x!tpu.dma_semaphore, #tpu.memory_space<semaphore_mem>>
        %dma_wait3A_1477 = tpu.memref_squeeze %dma_wait3A_1476 : memref<1x!tpu.dma_semaphore, #tpu.memory_space<semaphore_mem>> -> memref<!tpu.dma_semaphore, #tpu.memory_space<semaphore_mem>>
        %dma_wait3A_1478 = arith.constant 0 : i32
        %dma_wait3A_1479 = tpu.memref_slice %arg8[%dma_wait3A_1468, %dma_wait3A_1478] : memref<4x208xi32, #tpu.memory_space<vmem>> -> memref<1x200xi32, #tpu.memory_space<vmem>>
        %dma_wait3A_1480 = tpu.memref_squeeze %dma_wait3A_1479 : memref<1x200xi32, #tpu.memory_space<vmem>> -> memref<200xi32, #tpu.memory_space<vmem>>
        %dma_wait3A_1481 = arith.constant 0 : i32
        %dma_wait3A_1482 = tpu.memref_slice %arg2[%add3A_1467, %dma_wait3A_1481] : memref<4096x200xi32, #tpu.memory_space<hbm>> -> memref<1x200xi32, #tpu.memory_space<hbm>>
        %dma_wait3A_1483 = tpu.memref_squeeze %dma_wait3A_1482 : memref<1x200xi32, #tpu.memory_space<hbm>> -> memref<200xi32, #tpu.memory_space<hbm>>
        tpu.wait_dma2 semaphore(%dma_wait3A_1477 : memref<!tpu.dma_semaphore, #tpu.memory_space<semaphore_mem>>) src(%dma_wait3A_1483 : memref<200xi32, #tpu.memory_space<hbm>>) dst(%dma_wait3A_1480 : memref<200xi32, #tpu.memory_space<vmem>>)
        %dma_wait3A_1484 = arith.constant 1 : i32
        %dma_wait3A_1485 = arith.constant 1 : i32
        %dma_wait3A_1486 = arith.constant 0 : i32
        %dma_wait3A_1487 = tpu.memref_slice %arg9[%dma_wait3A_1484, %dma_wait3A_1486] : memref<4x208xi32, #tpu.memory_space<vmem>> -> memref<1x200xi32, #tpu.memory_space<vmem>>
        %dma_wait3A_1488 = tpu.memref_squeeze %dma_wait3A_1487 : memref<1x200xi32, #tpu.memory_space<vmem>> -> memref<200xi32, #tpu.memory_space<vmem>>
        %dma_wait3A_1489 = arith.constant 0 : i32
        %dma_wait3A_1490 = tpu.memref_slice %arg3[%add3A_1467, %dma_wait3A_1489] : memref<4096x200xi32, #tpu.memory_space<hbm>> -> memref<1x200xi32, #tpu.memory_space<hbm>>
        %dma_wait3A_1491 = tpu.memref_squeeze %dma_wait3A_1490 : memref<1x200xi32, #tpu.memory_space<hbm>> -> memref<200xi32, #tpu.memory_space<hbm>>
        %dma_wait3A_1492 = tpu.memref_slice %arg14[%dma_wait3A_1485] : memref<4x!tpu.dma_semaphore, #tpu.memory_space<semaphore_mem>> -> memref<1x!tpu.dma_semaphore, #tpu.memory_space<semaphore_mem>>
        %dma_wait3A_1493 = tpu.memref_squeeze %dma_wait3A_1492 : memref<1x!tpu.dma_semaphore, #tpu.memory_space<semaphore_mem>> -> memref<!tpu.dma_semaphore, #tpu.memory_space<semaphore_mem>>
        %dma_wait3A_1494 = arith.constant 0 : i32
        %dma_wait3A_1495 = tpu.memref_slice %arg9[%dma_wait3A_1484, %dma_wait3A_1494] : memref<4x208xi32, #tpu.memory_space<vmem>> -> memref<1x200xi32, #tpu.memory_space<vmem>>
        %dma_wait3A_1496 = tpu.memref_squeeze %dma_wait3A_1495 : memref<1x200xi32, #tpu.memory_space<vmem>> -> memref<200xi32, #tpu.memory_space<vmem>>
        %dma_wait3A_1497 = arith.constant 0 : i32
        %dma_wait3A_1498 = tpu.memref_slice %arg3[%add3A_1467, %dma_wait3A_1497] : memref<4096x200xi32, #tpu.memory_space<hbm>> -> memref<1x200xi32, #tpu.memory_space<hbm>>
        %dma_wait3A_1499 = tpu.memref_squeeze %dma_wait3A_1498 : memref<1x200xi32, #tpu.memory_space<hbm>> -> memref<200xi32, #tpu.memory_space<hbm>>
        tpu.wait_dma2 semaphore(%dma_wait3A_1493 : memref<!tpu.dma_semaphore, #tpu.memory_space<semaphore_mem>>) src(%dma_wait3A_1499 : memref<200xi32, #tpu.memory_space<hbm>>) dst(%dma_wait3A_1496 : memref<200xi32, #tpu.memory_space<vmem>>)
        %dma_wait3A_1500 = arith.constant 1 : i32
        %dma_wait3A_1501 = arith.constant 1 : i32
        %dma_wait3A_1502 = arith.constant 0 : i32
        %dma_wait3A_1503 = tpu.memref_slice %arg10[%dma_wait3A_1500, %dma_wait3A_1502] : memref<4x208xi32, #tpu.memory_space<vmem>> -> memref<1x200xi32, #tpu.memory_space<vmem>>
        %dma_wait3A_1504 = tpu.memref_squeeze %dma_wait3A_1503 : memref<1x200xi32, #tpu.memory_space<vmem>> -> memref<200xi32, #tpu.memory_space<vmem>>
        %dma_wait3A_1505 = arith.constant 0 : i32
        %dma_wait3A_1506 = tpu.memref_slice %arg4[%add3A_1467, %dma_wait3A_1505] : memref<4096x200xi32, #tpu.memory_space<hbm>> -> memref<1x200xi32, #tpu.memory_space<hbm>>
        %dma_wait3A_1507 = tpu.memref_squeeze %dma_wait3A_1506 : memref<1x200xi32, #tpu.memory_space<hbm>> -> memref<200xi32, #tpu.memory_space<hbm>>
        %dma_wait3A_1508 = tpu.memref_slice %arg14[%dma_wait3A_1501] : memref<4x!tpu.dma_semaphore, #tpu.memory_space<semaphore_mem>> -> memref<1x!tpu.dma_semaphore, #tpu.memory_space<semaphore_mem>>
        %dma_wait3A_1509 = tpu.memref_squeeze %dma_wait3A_1508 : memref<1x!tpu.dma_semaphore, #tpu.memory_space<semaphore_mem>> -> memref<!tpu.dma_semaphore, #tpu.memory_space<semaphore_mem>>
        %dma_wait3A_1510 = arith.constant 0 : i32
        %dma_wait3A_1511 = tpu.memref_slice %arg10[%dma_wait3A_1500, %dma_wait3A_1510] : memref<4x208xi32, #tpu.memory_space<vmem>> -> memref<1x200xi32, #tpu.memory_space<vmem>>
        %dma_wait3A_1512 = tpu.memref_squeeze %dma_wait3A_1511 : memref<1x200xi32, #tpu.memory_space<vmem>> -> memref<200xi32, #tpu.memory_space<vmem>>
        %dma_wait3A_1513 = arith.constant 0 : i32
        %dma_wait3A_1514 = tpu.memref_slice %arg4[%add3A_1467, %dma_wait3A_1513] : memref<4096x200xi32, #tpu.memory_space<hbm>> -> memref<1x200xi32, #tpu.memory_space<hbm>>
        %dma_wait3A_1515 = tpu.memref_squeeze %dma_wait3A_1514 : memref<1x200xi32, #tpu.memory_space<hbm>> -> memref<200xi32, #tpu.memory_space<hbm>>
        tpu.wait_dma2 semaphore(%dma_wait3A_1509 : memref<!tpu.dma_semaphore, #tpu.memory_space<semaphore_mem>>) src(%dma_wait3A_1515 : memref<200xi32, #tpu.memory_space<hbm>>) dst(%dma_wait3A_1512 : memref<200xi32, #tpu.memory_space<vmem>>)
        %get3A_1516 = arith.constant 1 : i32
        %get3A_1517 = arith.index_cast %get3A_1516 : i32 to index
        %get3A_1518 = arith.constant 0 : index
        %get3A_1519 = tpu.vector_load %arg9[%get3A_1517, %get3A_1518] {strides = array<i32>} : memref<4x208xi32, #tpu.memory_space<vmem>>, vector<1x16xi32>,
        %get3A_1520 = vector.shape_cast %get3A_1519 : vector<1x16xi32> to vector<16xi32>
        %mul3A_1521 = arith.constant 201 : i32
        %mul3A_1522 = vector.broadcast %mul3A_1521 : i32 to vector<16xi32>
        %mul3A_1523 = arith.muli %get3A_1520, %mul3A_1522 : vector<16xi32>
        %get3A_1524 = arith.constant 1 : i32
        %get3A_1525 = arith.index_cast %get3A_1524 : i32 to index
        %get3A_1526 = arith.constant 0 : index
        %get3A_1527 = tpu.vector_load %arg10[%get3A_1525, %get3A_1526] {strides = array<i32>} : memref<4x208xi32, #tpu.memory_space<vmem>>, vector<1x16xi32>,
        %get3A_1528 = vector.shape_cast %get3A_1527 : vector<1x16xi32> to vector<16xi32>
        %add3A_1529 = arith.addi %mul3A_1523, %get3A_1528 : vector<16xi32>
        %swap3A_1530 = arith.constant 1 : i32
        %swap3A_1531 = arith.index_cast %swap3A_1530 : i32 to index
        %swap3A_1532 = arith.constant 0 : index
        %swap3A_1533 = tpu.vector_load %arg11[%swap3A_1531, %swap3A_1532] {strides = array<i32>} : memref<4x208xi32, #tpu.memory_space<vmem>>, vector<1x16xi32>,
        %swap3A_1534 = vector.shape_cast %swap3A_1533 : vector<1x16xi32> to vector<16xi32>
        %swap3A_1535 = vector.shape_cast %add3A_1529 : vector<16xi32> to vector<1x16xi32>
        tpu.vector_store %arg11[%swap3A_1531, %swap3A_1532], %swap3A_1535 {strides = array<i32>} : memref<4x208xi32, #tpu.memory_space<vmem>>, vector<1x16xi32>,
        %get3A_1536 = arith.constant 1 : i32
        %get3A_1537 = arith.index_cast %get3A_1536 : i32 to index
        %get3A_1538 = arith.constant 16 : index
        %get3A_1539 = tpu.vector_load %arg9[%get3A_1537, %get3A_1538] {strides = array<i32>} : memref<4x208xi32, #tpu.memory_space<vmem>>, vector<1x16xi32>,
        %get3A_1540 = vector.shape_cast %get3A_1539 : vector<1x16xi32> to vector<16xi32>
        %mul3A_1541 = arith.constant 201 : i32
        %mul3A_1542 = vector.broadcast %mul3A_1541 : i32 to vector<16xi32>
        %mul3A_1543 = arith.muli %get3A_1540, %mul3A_1542 : vector<16xi32>
        %get3A_1544 = arith.constant 1 : i32
        %get3A_1545 = arith.index_cast %get3A_1544 : i32 to index
        %get3A_1546 = arith.constant 16 : index
        %get3A_1547 = tpu.vector_load %arg10[%get3A_1545, %get3A_1546] {strides = array<i32>} : memref<4x208xi32, #tpu.memory_space<vmem>>, vector<1x16xi32>,
        %get3A_1548 = vector.shape_cast %get3A_1547 : vector<1x16xi32> to vector<16xi32>
        %add3A_1549 = arith.addi %mul3A_1543, %get3A_1548 : vector<16xi32>
        %swap3A_1550 = arith.constant 1 : i32
        %swap3A_1551 = arith.index_cast %swap3A_1550 : i32 to index
        %swap3A_1552 = arith.constant 16 : index
        %swap3A_1553 = tpu.vector_load %arg11[%swap3A_1551, %swap3A_1552] {strides = array<i32>} : memref<4x208xi32, #tpu.memory_space<vmem>>, vector<1x16xi32>,
        %swap3A_1554 = vector.shape_cast %swap3A_1553 : vector<1x16xi32> to vector<16xi32>
        %swap3A_1555 = vector.shape_cast %add3A_1549 : vector<16xi32> to vector<1x16xi32>
        tpu.vector_store %arg11[%swap3A_1551, %swap3A_1552], %swap3A_1555 {strides = array<i32>} : memref<4x208xi32, #tpu.memory_space<vmem>>, vector<1x16xi32>,
        %get3A_1556 = arith.constant 1 : i32
        %get3A_1557 = arith.index_cast %get3A_1556 : i32 to index
        %get3A_1558 = arith.constant 32 : index
        %get3A_1559 = tpu.vector_load %arg9[%get3A_1557, %get3A_1558] {strides = array<i32>} : memref<4x208xi32, #tpu.memory_space<vmem>>, vector<1x16xi32>,
        %get3A_1560 = vector.shape_cast %get3A_1559 : vector<1x16xi32> to vector<16xi32>
        %mul3A_1561 = arith.constant 201 : i32
        %mul3A_1562 = vector.broadcast %mul3A_1561 : i32 to vector<16xi32>
        %mul3A_1563 = arith.muli %get3A_1560, %mul3A_1562 : vector<16xi32>
        %get3A_1564 = arith.constant 1 : i32
        %get3A_1565 = arith.index_cast %get3A_1564 : i32 to index
        %get3A_1566 = arith.constant 32 : index
        %get3A_1567 = tpu.vector_load %arg10[%get3A_1565, %get3A_1566] {strides = array<i32>} : memref<4x208xi32, #tpu.memory_space<vmem>>, vector<1x16xi32>,
        %get3A_1568 = vector.shape_cast %get3A_1567 : vector<1x16xi32> to vector<16xi32>
        %add3A_1569 = arith.addi %mul3A_1563, %get3A_1568 : vector<16xi32>
        %swap3A_1570 = arith.constant 1 : i32
        %swap3A_1571 = arith.index_cast %swap3A_1570 : i32 to index
        %swap3A_1572 = arith.constant 32 : index
        %swap3A_1573 = tpu.vector_load %arg11[%swap3A_1571, %swap3A_1572] {strides = array<i32>} : memref<4x208xi32, #tpu.memory_space<vmem>>, vector<1x16xi32>,
        %swap3A_1574 = vector.shape_cast %swap3A_1573 : vector<1x16xi32> to vector<16xi32>
        %swap3A_1575 = vector.shape_cast %add3A_1569 : vector<16xi32> to vector<1x16xi32>
        tpu.vector_store %arg11[%swap3A_1571, %swap3A_1572], %swap3A_1575 {strides = array<i32>} : memref<4x208xi32, #tpu.memory_space<vmem>>, vector<1x16xi32>,
        %get3A_1576 = arith.constant 1 : i32
        %get3A_1577 = arith.index_cast %get3A_1576 : i32 to index
        %get3A_1578 = arith.constant 48 : index
        %get3A_1579 = tpu.vector_load %arg9[%get3A_1577, %get3A_1578] {strides = array<i32>} : memref<4x208xi32, #tpu.memory_space<vmem>>, vector<1x16xi32>,
        %get3A_1580 = vector.shape_cast %get3A_1579 : vector<1x16xi32> to vector<16xi32>
        %mul3A_1581 = arith.constant 201 : i32
        %mul3A_1582 = vector.broadcast %mul3A_1581 : i32 to vector<16xi32>
        %mul3A_1583 = arith.muli %get3A_1580, %mul3A_1582 : vector<16xi32>
        %get3A_1584 = arith.constant 1 : i32
        %get3A_1585 = arith.index_cast %get3A_1584 : i32 to index
        %get3A_1586 = arith.constant 48 : index
        %get3A_1587 = tpu.vector_load %arg10[%get3A_1585, %get3A_1586] {strides = array<i32>} : memref<4x208xi32, #tpu.memory_space<vmem>>, vector<1x16xi32>,
        %get3A_1588 = vector.shape_cast %get3A_1587 : vector<1x16xi32> to vector<16xi32>
        %add3A_1589 = arith.addi %mul3A_1583, %get3A_1588 : vector<16xi32>
        %swap3A_1590 = arith.constant 1 : i32
        %swap3A_1591 = arith.index_cast %swap3A_1590 : i32 to index
        %swap3A_1592 = arith.constant 48 : index
        %swap3A_1593 = tpu.vector_load %arg11[%swap3A_1591, %swap3A_1592] {strides = array<i32>} : memref<4x208xi32, #tpu.memory_space<vmem>>, vector<1x16xi32>,
        %swap3A_1594 = vector.shape_cast %swap3A_1593 : vector<1x16xi32> to vector<16xi32>
        %swap3A_1595 = vector.shape_cast %add3A_1589 : vector<16xi32> to vector<1x16xi32>
        tpu.vector_store %arg11[%swap3A_1591, %swap3A_1592], %swap3A_1595 {strides = array<i32>} : memref<4x208xi32, #tpu.memory_space<vmem>>, vector<1x16xi32>,
        %get3A_1596 = arith.constant 1 : i32
        %get3A_1597 = arith.index_cast %get3A_1596 : i32 to index
        %get3A_1598 = arith.constant 64 : index
        %get3A_1599 = tpu.vector_load %arg9[%get3A_1597, %get3A_1598] {strides = array<i32>} : memref<4x208xi32, #tpu.memory_space<vmem>>, vector<1x16xi32>,
        %get3A_1600 = vector.shape_cast %get3A_1599 : vector<1x16xi32> to vector<16xi32>
        %mul3A_1601 = arith.constant 201 : i32
        %mul3A_1602 = vector.broadcast %mul3A_1601 : i32 to vector<16xi32>
        %mul3A_1603 = arith.muli %get3A_1600, %mul3A_1602 : vector<16xi32>
        %get3A_1604 = arith.constant 1 : i32
        %get3A_1605 = arith.index_cast %get3A_1604 : i32 to index
        %get3A_1606 = arith.constant 64 : index
        %get3A_1607 = tpu.vector_load %arg10[%get3A_1605, %get3A_1606] {strides = array<i32>} : memref<4x208xi32, #tpu.memory_space<vmem>>, vector<1x16xi32>,
        %get3A_1608 = vector.shape_cast %get3A_1607 : vector<1x16xi32> to vector<16xi32>
        %add3A_1609 = arith.addi %mul3A_1603, %get3A_1608 : vector<16xi32>
        %swap3A_1610 = arith.constant 1 : i32
        %swap3A_1611 = arith.index_cast %swap3A_1610 : i32 to index
        %swap3A_1612 = arith.constant 64 : index
        %swap3A_1613 = tpu.vector_load %arg11[%swap3A_1611, %swap3A_1612] {strides = array<i32>} : memref<4x208xi32, #tpu.memory_space<vmem>>, vector<1x16xi32>,
        %swap3A_1614 = vector.shape_cast %swap3A_1613 : vector<1x16xi32> to vector<16xi32>
        %swap3A_1615 = vector.shape_cast %add3A_1609 : vector<16xi32> to vector<1x16xi32>
        tpu.vector_store %arg11[%swap3A_1611, %swap3A_1612], %swap3A_1615 {strides = array<i32>} : memref<4x208xi32, #tpu.memory_space<vmem>>, vector<1x16xi32>,
        %get3A_1616 = arith.constant 1 : i32
        %get3A_1617 = arith.index_cast %get3A_1616 : i32 to index
        %get3A_1618 = arith.constant 80 : index
        %get3A_1619 = tpu.vector_load %arg9[%get3A_1617, %get3A_1618] {strides = array<i32>} : memref<4x208xi32, #tpu.memory_space<vmem>>, vector<1x16xi32>,
        %get3A_1620 = vector.shape_cast %get3A_1619 : vector<1x16xi32> to vector<16xi32>
        %mul3A_1621 = arith.constant 201 : i32
        %mul3A_1622 = vector.broadcast %mul3A_1621 : i32 to vector<16xi32>
        %mul3A_1623 = arith.muli %get3A_1620, %mul3A_1622 : vector<16xi32>
        %get3A_1624 = arith.constant 1 : i32
        %get3A_1625 = arith.index_cast %get3A_1624 : i32 to index
        %get3A_1626 = arith.constant 80 : index
        %get3A_1627 = tpu.vector_load %arg10[%get3A_1625, %get3A_1626] {strides = array<i32>} : memref<4x208xi32, #tpu.memory_space<vmem>>, vector<1x16xi32>,
        %get3A_1628 = vector.shape_cast %get3A_1627 : vector<1x16xi32> to vector<16xi32>
        %add3A_1629 = arith.addi %mul3A_1623, %get3A_1628 : vector<16xi32>
        %swap3A_1630 = arith.constant 1 : i32
        %swap3A_1631 = arith.index_cast %swap3A_1630 : i32 to index
        %swap3A_1632 = arith.constant 80 : index
        %swap3A_1633 = tpu.vector_load %arg11[%swap3A_1631, %swap3A_1632] {strides = array<i32>} : memref<4x208xi32, #tpu.memory_space<vmem>>, vector<1x16xi32>,
        %swap3A_1634 = vector.shape_cast %swap3A_1633 : vector<1x16xi32> to vector<16xi32>
        %swap3A_1635 = vector.shape_cast %add3A_1629 : vector<16xi32> to vector<1x16xi32>
        tpu.vector_store %arg11[%swap3A_1631, %swap3A_1632], %swap3A_1635 {strides = array<i32>} : memref<4x208xi32, #tpu.memory_space<vmem>>, vector<1x16xi32>,
        %get3A_1636 = arith.constant 1 : i32
        %get3A_1637 = arith.index_cast %get3A_1636 : i32 to index
        %get3A_1638 = arith.constant 96 : index
        %get3A_1639 = tpu.vector_load %arg9[%get3A_1637, %get3A_1638] {strides = array<i32>} : memref<4x208xi32, #tpu.memory_space<vmem>>, vector<1x16xi32>,
        %get3A_1640 = vector.shape_cast %get3A_1639 : vector<1x16xi32> to vector<16xi32>
        %mul3A_1641 = arith.constant 201 : i32
        %mul3A_1642 = vector.broadcast %mul3A_1641 : i32 to vector<16xi32>
        %mul3A_1643 = arith.muli %get3A_1640, %mul3A_1642 : vector<16xi32>
        %get3A_1644 = arith.constant 1 : i32
        %get3A_1645 = arith.index_cast %get3A_1644 : i32 to index
        %get3A_1646 = arith.constant 96 : index
        %get3A_1647 = tpu.vector_load %arg10[%get3A_1645, %get3A_1646] {strides = array<i32>} : memref<4x208xi32, #tpu.memory_space<vmem>>, vector<1x16xi32>,
        %get3A_1648 = vector.shape_cast %get3A_1647 : vector<1x16xi32> to vector<16xi32>
        %add3A_1649 = arith.addi %mul3A_1643, %get3A_1648 : vector<16xi32>
        %swap3A_1650 = arith.constant 1 : i32
        %swap3A_1651 = arith.index_cast %swap3A_1650 : i32 to index
        %swap3A_1652 = arith.constant 96 : index
        %swap3A_1653 = tpu.vector_load %arg11[%swap3A_1651, %swap3A_1652] {strides = array<i32>} : memref<4x208xi32, #tpu.memory_space<vmem>>, vector<1x16xi32>,
        %swap3A_1654 = vector.shape_cast %swap3A_1653 : vector<1x16xi32> to vector<16xi32>
        %swap3A_1655 = vector.shape_cast %add3A_1649 : vector<16xi32> to vector<1x16xi32>
        tpu.vector_store %arg11[%swap3A_1651, %swap3A_1652], %swap3A_1655 {strides = array<i32>} : memref<4x208xi32, #tpu.memory_space<vmem>>, vector<1x16xi32>,
        %get3A_1656 = arith.constant 1 : i32
        %get3A_1657 = arith.index_cast %get3A_1656 : i32 to index
        %get3A_1658 = arith.constant 112 : index
        %get3A_1659 = tpu.vector_load %arg9[%get3A_1657, %get3A_1658] {strides = array<i32>} : memref<4x208xi32, #tpu.memory_space<vmem>>, vector<1x16xi32>,
        %get3A_1660 = vector.shape_cast %get3A_1659 : vector<1x16xi32> to vector<16xi32>
        %mul3A_1661 = arith.constant 201 : i32
        %mul3A_1662 = vector.broadcast %mul3A_1661 : i32 to vector<16xi32>
        %mul3A_1663 = arith.muli %get3A_1660, %mul3A_1662 : vector<16xi32>
        %get3A_1664 = arith.constant 1 : i32
        %get3A_1665 = arith.index_cast %get3A_1664 : i32 to index
        %get3A_1666 = arith.constant 112 : index
        %get3A_1667 = tpu.vector_load %arg10[%get3A_1665, %get3A_1666] {strides = array<i32>} : memref<4x208xi32, #tpu.memory_space<vmem>>, vector<1x16xi32>,
        %get3A_1668 = vector.shape_cast %get3A_1667 : vector<1x16xi32> to vector<16xi32>
        %add3A_1669 = arith.addi %mul3A_1663, %get3A_1668 : vector<16xi32>
        %swap3A_1670 = arith.constant 1 : i32
        %swap3A_1671 = arith.index_cast %swap3A_1670 : i32 to index
        %swap3A_1672 = arith.constant 112 : index
        %swap3A_1673 = tpu.vector_load %arg11[%swap3A_1671, %swap3A_1672] {strides = array<i32>} : memref<4x208xi32, #tpu.memory_space<vmem>>, vector<1x16xi32>,
        %swap3A_1674 = vector.shape_cast %swap3A_1673 : vector<1x16xi32> to vector<16xi32>
        %swap3A_1675 = vector.shape_cast %add3A_1669 : vector<16xi32> to vector<1x16xi32>
        tpu.vector_store %arg11[%swap3A_1671, %swap3A_1672], %swap3A_1675 {strides = array<i32>} : memref<4x208xi32, #tpu.memory_space<vmem>>, vector<1x16xi32>,
        %get3A_1676 = arith.constant 1 : i32
        %get3A_1677 = arith.index_cast %get3A_1676 : i32 to index
        %get3A_1678 = arith.constant 128 : index
        %get3A_1679 = tpu.vector_load %arg9[%get3A_1677, %get3A_1678] {strides = array<i32>} : memref<4x208xi32, #tpu.memory_space<vmem>>, vector<1x16xi32>,
        %get3A_1680 = vector.shape_cast %get3A_1679 : vector<1x16xi32> to vector<16xi32>
        %mul3A_1681 = arith.constant 201 : i32
        %mul3A_1682 = vector.broadcast %mul3A_1681 : i32 to vector<16xi32>
        %mul3A_1683 = arith.muli %get3A_1680, %mul3A_1682 : vector<16xi32>
        %get3A_1684 = arith.constant 1 : i32
        %get3A_1685 = arith.index_cast %get3A_1684 : i32 to index
        %get3A_1686 = arith.constant 128 : index
        %get3A_1687 = tpu.vector_load %arg10[%get3A_1685, %get3A_1686] {strides = array<i32>} : memref<4x208xi32, #tpu.memory_space<vmem>>, vector<1x16xi32>,
        %get3A_1688 = vector.shape_cast %get3A_1687 : vector<1x16xi32> to vector<16xi32>
        %add3A_1689 = arith.addi %mul3A_1683, %get3A_1688 : vector<16xi32>
        %swap3A_1690 = arith.constant 1 : i32
        %swap3A_1691 = arith.index_cast %swap3A_1690 : i32 to index
        %swap3A_1692 = arith.constant 128 : index
        %swap3A_1693 = tpu.vector_load %arg11[%swap3A_1691, %swap3A_1692] {strides = array<i32>} : memref<4x208xi32, #tpu.memory_space<vmem>>, vector<1x16xi32>,
        %swap3A_1694 = vector.shape_cast %swap3A_1693 : vector<1x16xi32> to vector<16xi32>
        %swap3A_1695 = vector.shape_cast %add3A_1689 : vector<16xi32> to vector<1x16xi32>
        tpu.vector_store %arg11[%swap3A_1691, %swap3A_1692], %swap3A_1695 {strides = array<i32>} : memref<4x208xi32, #tpu.memory_space<vmem>>, vector<1x16xi32>,
        %get3A_1696 = arith.constant 1 : i32
        %get3A_1697 = arith.index_cast %get3A_1696 : i32 to index
        %get3A_1698 = arith.constant 144 : index
        %get3A_1699 = tpu.vector_load %arg9[%get3A_1697, %get3A_1698] {strides = array<i32>} : memref<4x208xi32, #tpu.memory_space<vmem>>, vector<1x16xi32>,
        %get3A_1700 = vector.shape_cast %get3A_1699 : vector<1x16xi32> to vector<16xi32>
        %mul3A_1701 = arith.constant 201 : i32
        %mul3A_1702 = vector.broadcast %mul3A_1701 : i32 to vector<16xi32>
        %mul3A_1703 = arith.muli %get3A_1700, %mul3A_1702 : vector<16xi32>
        %get3A_1704 = arith.constant 1 : i32
        %get3A_1705 = arith.index_cast %get3A_1704 : i32 to index
        %get3A_1706 = arith.constant 144 : index
        %get3A_1707 = tpu.vector_load %arg10[%get3A_1705, %get3A_1706] {strides = array<i32>} : memref<4x208xi32, #tpu.memory_space<vmem>>, vector<1x16xi32>,
        %get3A_1708 = vector.shape_cast %get3A_1707 : vector<1x16xi32> to vector<16xi32>
        %add3A_1709 = arith.addi %mul3A_1703, %get3A_1708 : vector<16xi32>
        %swap3A_1710 = arith.constant 1 : i32
        %swap3A_1711 = arith.index_cast %swap3A_1710 : i32 to index
        %swap3A_1712 = arith.constant 144 : index
        %swap3A_1713 = tpu.vector_load %arg11[%swap3A_1711, %swap3A_1712] {strides = array<i32>} : memref<4x208xi32, #tpu.memory_space<vmem>>, vector<1x16xi32>,
        %swap3A_1714 = vector.shape_cast %swap3A_1713 : vector<1x16xi32> to vector<16xi32>
        %swap3A_1715 = vector.shape_cast %add3A_1709 : vector<16xi32> to vector<1x16xi32>
        tpu.vector_store %arg11[%swap3A_1711, %swap3A_1712], %swap3A_1715 {strides = array<i32>} : memref<4x208xi32, #tpu.memory_space<vmem>>, vector<1x16xi32>,
        %get3A_1716 = arith.constant 1 : i32
        %get3A_1717 = arith.index_cast %get3A_1716 : i32 to index
        %get3A_1718 = arith.constant 160 : index
        %get3A_1719 = tpu.vector_load %arg9[%get3A_1717, %get3A_1718] {strides = array<i32>} : memref<4x208xi32, #tpu.memory_space<vmem>>, vector<1x16xi32>,
        %get3A_1720 = vector.shape_cast %get3A_1719 : vector<1x16xi32> to vector<16xi32>
        %mul3A_1721 = arith.constant 201 : i32
        %mul3A_1722 = vector.broadcast %mul3A_1721 : i32 to vector<16xi32>
        %mul3A_1723 = arith.muli %get3A_1720, %mul3A_1722 : vector<16xi32>
        %get3A_1724 = arith.constant 1 : i32
        %get3A_1725 = arith.index_cast %get3A_1724 : i32 to index
        %get3A_1726 = arith.constant 160 : index
        %get3A_1727 = tpu.vector_load %arg10[%get3A_1725, %get3A_1726] {strides = array<i32>} : memref<4x208xi32, #tpu.memory_space<vmem>>, vector<1x16xi32>,
        %get3A_1728 = vector.shape_cast %get3A_1727 : vector<1x16xi32> to vector<16xi32>
        %add3A_1729 = arith.addi %mul3A_1723, %get3A_1728 : vector<16xi32>
        %swap3A_1730 = arith.constant 1 : i32
        %swap3A_1731 = arith.index_cast %swap3A_1730 : i32 to index
        %swap3A_1732 = arith.constant 160 : index
        %swap3A_1733 = tpu.vector_load %arg11[%swap3A_1731, %swap3A_1732] {strides = array<i32>} : memref<4x208xi32, #tpu.memory_space<vmem>>, vector<1x16xi32>,
        %swap3A_1734 = vector.shape_cast %swap3A_1733 : vector<1x16xi32> to vector<16xi32>
        %swap3A_1735 = vector.shape_cast %add3A_1729 : vector<16xi32> to vector<1x16xi32>
        tpu.vector_store %arg11[%swap3A_1731, %swap3A_1732], %swap3A_1735 {strides = array<i32>} : memref<4x208xi32, #tpu.memory_space<vmem>>, vector<1x16xi32>,
        %get3A_1736 = arith.constant 1 : i32
        %get3A_1737 = arith.index_cast %get3A_1736 : i32 to index
        %get3A_1738 = arith.constant 176 : index
        %get3A_1739 = tpu.vector_load %arg9[%get3A_1737, %get3A_1738] {strides = array<i32>} : memref<4x208xi32, #tpu.memory_space<vmem>>, vector<1x16xi32>,
        %get3A_1740 = vector.shape_cast %get3A_1739 : vector<1x16xi32> to vector<16xi32>
        %mul3A_1741 = arith.constant 201 : i32
        %mul3A_1742 = vector.broadcast %mul3A_1741 : i32 to vector<16xi32>
        %mul3A_1743 = arith.muli %get3A_1740, %mul3A_1742 : vector<16xi32>
        %get3A_1744 = arith.constant 1 : i32
        %get3A_1745 = arith.index_cast %get3A_1744 : i32 to index
        %get3A_1746 = arith.constant 176 : index
        %get3A_1747 = tpu.vector_load %arg10[%get3A_1745, %get3A_1746] {strides = array<i32>} : memref<4x208xi32, #tpu.memory_space<vmem>>, vector<1x16xi32>,
        %get3A_1748 = vector.shape_cast %get3A_1747 : vector<1x16xi32> to vector<16xi32>
        %add3A_1749 = arith.addi %mul3A_1743, %get3A_1748 : vector<16xi32>
        %swap3A_1750 = arith.constant 1 : i32
        %swap3A_1751 = arith.index_cast %swap3A_1750 : i32 to index
        %swap3A_1752 = arith.constant 176 : index
        %swap3A_1753 = tpu.vector_load %arg11[%swap3A_1751, %swap3A_1752] {strides = array<i32>} : memref<4x208xi32, #tpu.memory_space<vmem>>, vector<1x16xi32>,
        %swap3A_1754 = vector.shape_cast %swap3A_1753 : vector<1x16xi32> to vector<16xi32>
        %swap3A_1755 = vector.shape_cast %add3A_1749 : vector<16xi32> to vector<1x16xi32>
        tpu.vector_store %arg11[%swap3A_1751, %swap3A_1752], %swap3A_1755 {strides = array<i32>} : memref<4x208xi32, #tpu.memory_space<vmem>>, vector<1x16xi32>,
        %get3A_1756 = arith.constant 1 : i32
        %get3A_1757 = arith.index_cast %get3A_1756 : i32 to index
        %get3A_1758 = arith.constant 192 : index
        %get3A_1759 = tpu.vector_load %arg9[%get3A_1757, %get3A_1758] {strides = array<i32>} : memref<4x208xi32, #tpu.memory_space<vmem>>, vector<1x16xi32>,
        %get3A_1760 = vector.shape_cast %get3A_1759 : vector<1x16xi32> to vector<16xi32>
        %mul3A_1761 = arith.constant 201 : i32
        %mul3A_1762 = vector.broadcast %mul3A_1761 : i32 to vector<16xi32>
        %mul3A_1763 = arith.muli %get3A_1760, %mul3A_1762 : vector<16xi32>
        %get3A_1764 = arith.constant 1 : i32
        %get3A_1765 = arith.index_cast %get3A_1764 : i32 to index
        %get3A_1766 = arith.constant 192 : index
        %get3A_1767 = tpu.vector_load %arg10[%get3A_1765, %get3A_1766] {strides = array<i32>} : memref<4x208xi32, #tpu.memory_space<vmem>>, vector<1x16xi32>,
        %get3A_1768 = vector.shape_cast %get3A_1767 : vector<1x16xi32> to vector<16xi32>
        %add3A_1769 = arith.addi %mul3A_1763, %get3A_1768 : vector<16xi32>
        %swap3A_1770 = arith.constant 1 : i32
        %swap3A_1771 = arith.index_cast %swap3A_1770 : i32 to index
        %swap3A_1772 = arith.constant 192 : index
        %swap3A_1773 = tpu.vector_load %arg11[%swap3A_1771, %swap3A_1772] {strides = array<i32>} : memref<4x208xi32, #tpu.memory_space<vmem>>, vector<1x16xi32>,
        %swap3A_1774 = vector.shape_cast %swap3A_1773 : vector<1x16xi32> to vector<16xi32>
        %swap3A_1775 = vector.shape_cast %add3A_1769 : vector<16xi32> to vector<1x16xi32>
        tpu.vector_store %arg11[%swap3A_1771, %swap3A_1772], %swap3A_1775 {strides = array<i32>} : memref<4x208xi32, #tpu.memory_space<vmem>>, vector<1x16xi32>,
        %dma_start3A_1776 = arith.constant 1 : i32
        %dma_start3A_1777 = arith.constant 1 : i32
        %dma_start3A_1778 = arith.constant 1 : i32
        %dma_start3A_1779 = arith.constant 0 : i32
        %dma_start3A_1780 = arith.constant 0 : i32
        %dma_start3A_1781 = tpu.memref_slice %arg12[%dma_start3A_1777, %dma_start3A_1779, %dma_start3A_1780] : memref<4x200x64xf32, #tpu.memory_space<vmem>> -> memref<1x128x64xf32, #tpu.memory_space<vmem>>
        %dma_start3A_1782 = tpu.memref_squeeze %dma_start3A_1781 : memref<1x128x64xf32, #tpu.memory_space<vmem>> -> memref<128x64xf32, #tpu.memory_space<vmem>>
        %dma_start3A_1783 = arith.constant 0 : i32
        %dma_start3A_1784 = tpu.memref_slice %arg8[%dma_start3A_1776, %dma_start3A_1783] : memref<4x208xi32, #tpu.memory_space<vmem>> -> memref<1x128xi32, #tpu.memory_space<vmem>>
        %dma_start3A_1785 = tpu.memref_squeeze %dma_start3A_1784 : memref<1x128xi32, #tpu.memory_space<vmem>> -> memref<128xi32, #tpu.memory_space<vmem>>
        %dma_start3A_1786 = arith.constant 0 : i32
        %dma_start3A_1787 = arith.constant 0 : i32
        %dma_start3A_1788 = tpu.memref_slice %arg5[%dma_start3A_1786, %dma_start3A_1787] : memref<1000000x64xf32, #tpu.memory_space<hbm>> -> memref<1000000x64xf32, #tpu.memory_space<hbm>>
        %dma_start3A_1789 = tpu.memref_slice %arg15[%dma_start3A_1778] : memref<4x!tpu.dma_semaphore, #tpu.memory_space<semaphore_mem>> -> memref<1x!tpu.dma_semaphore, #tpu.memory_space<semaphore_mem>>
        %dma_start3A_1790 = tpu.memref_squeeze %dma_start3A_1789 : memref<1x!tpu.dma_semaphore, #tpu.memory_space<semaphore_mem>> -> memref<!tpu.dma_semaphore, #tpu.memory_space<semaphore_mem>>
        tpu.enqueue_indirect_dma source(%dma_start3A_1788 : memref<1000000x64xf32, #tpu.memory_space<hbm>>) target(%dma_start3A_1782 : memref<128x64xf32, #tpu.memory_space<vmem>>) offsets(%dma_start3A_1785 : memref<128xi32, #tpu.memory_space<vmem>>) semaphore(%dma_start3A_1790 : memref<!tpu.dma_semaphore, #tpu.memory_space<semaphore_mem>>)
        %dma_start3A_1791 = arith.constant 1 : i32
        %dma_start3A_1792 = arith.constant 1 : i32
        %dma_start3A_1793 = arith.constant 1 : i32
        %dma_start3A_1794 = arith.constant 0 : i32
        %dma_start3A_1795 = arith.constant 0 : i32
        %dma_start3A_1796 = tpu.memref_slice %arg13[%dma_start3A_1792, %dma_start3A_1794, %dma_start3A_1795] : memref<4x200x64xf32, #tpu.memory_space<vmem>> -> memref<1x128x64xf32, #tpu.memory_space<vmem>>
        %dma_start3A_1797 = tpu.memref_squeeze %dma_start3A_1796 : memref<1x128x64xf32, #tpu.memory_space<vmem>> -> memref<128x64xf32, #tpu.memory_space<vmem>>
        %dma_start3A_1798 = arith.constant 0 : i32
        %dma_start3A_1799 = tpu.memref_slice %arg11[%dma_start3A_1791, %dma_start3A_1798] : memref<4x208xi32, #tpu.memory_space<vmem>> -> memref<1x128xi32, #tpu.memory_space<vmem>>
        %dma_start3A_1800 = tpu.memref_squeeze %dma_start3A_1799 : memref<1x128xi32, #tpu.memory_space<vmem>> -> memref<128xi32, #tpu.memory_space<vmem>>
        %dma_start3A_1801 = arith.constant 0 : i32
        %dma_start3A_1802 = arith.constant 0 : i32
        %dma_start3A_1803 = tpu.memref_slice %arg6[%dma_start3A_1801, %dma_start3A_1802] : memref<40401x64xf32, #tpu.memory_space<hbm>> -> memref<40401x64xf32, #tpu.memory_space<hbm>>
        %dma_start3A_1804 = tpu.memref_slice %arg15[%dma_start3A_1793] : memref<4x!tpu.dma_semaphore, #tpu.memory_space<semaphore_mem>> -> memref<1x!tpu.dma_semaphore, #tpu.memory_space<semaphore_mem>>
        %dma_start3A_1805 = tpu.memref_squeeze %dma_start3A_1804 : memref<1x!tpu.dma_semaphore, #tpu.memory_space<semaphore_mem>> -> memref<!tpu.dma_semaphore, #tpu.memory_space<semaphore_mem>>
        tpu.enqueue_indirect_dma source(%dma_start3A_1803 : memref<40401x64xf32, #tpu.memory_space<hbm>>) target(%dma_start3A_1797 : memref<128x64xf32, #tpu.memory_space<vmem>>) offsets(%dma_start3A_1800 : memref<128xi32, #tpu.memory_space<vmem>>) semaphore(%dma_start3A_1805 : memref<!tpu.dma_semaphore, #tpu.memory_space<semaphore_mem>>)
        %dma_start3A_1806 = arith.constant 1 : i32
        %dma_start3A_1807 = arith.constant 1 : i32
        %dma_start3A_1808 = arith.constant 1 : i32
        %dma_start3A_1809 = arith.constant 128 : i32
        %dma_start3A_1810 = arith.constant 0 : i32
        %dma_start3A_1811 = tpu.memref_slice %arg12[%dma_start3A_1807, %dma_start3A_1809, %dma_start3A_1810] : memref<4x200x64xf32, #tpu.memory_space<vmem>> -> memref<1x72x64xf32, #tpu.memory_space<vmem>>
        %dma_start3A_1812 = tpu.memref_squeeze %dma_start3A_1811 : memref<1x72x64xf32, #tpu.memory_space<vmem>> -> memref<72x64xf32, #tpu.memory_space<vmem>>
        %dma_start3A_1813 = arith.constant 128 : i32
        %dma_start3A_1814 = tpu.memref_slice %arg8[%dma_start3A_1806, %dma_start3A_1813] : memref<4x208xi32, #tpu.memory_space<vmem>> -> memref<1x72xi32, #tpu.memory_space<vmem>>
        %dma_start3A_1815 = tpu.memref_squeeze %dma_start3A_1814 : memref<1x72xi32, #tpu.memory_space<vmem>> -> memref<72xi32, #tpu.memory_space<vmem>>
        %dma_start3A_1816 = arith.constant 0 : i32
        %dma_start3A_1817 = arith.constant 0 : i32
        %dma_start3A_1818 = tpu.memref_slice %arg5[%dma_start3A_1816, %dma_start3A_1817] : memref<1000000x64xf32, #tpu.memory_space<hbm>> -> memref<1000000x64xf32, #tpu.memory_space<hbm>>
        %dma_start3A_1819 = tpu.memref_slice %arg15[%dma_start3A_1808] : memref<4x!tpu.dma_semaphore, #tpu.memory_space<semaphore_mem>> -> memref<1x!tpu.dma_semaphore, #tpu.memory_space<semaphore_mem>>
        %dma_start3A_1820 = tpu.memref_squeeze %dma_start3A_1819 : memref<1x!tpu.dma_semaphore, #tpu.memory_space<semaphore_mem>> -> memref<!tpu.dma_semaphore, #tpu.memory_space<semaphore_mem>>
        tpu.enqueue_indirect_dma source(%dma_start3A_1818 : memref<1000000x64xf32, #tpu.memory_space<hbm>>) target(%dma_start3A_1812 : memref<72x64xf32, #tpu.memory_space<vmem>>) offsets(%dma_start3A_1815 : memref<72xi32, #tpu.memory_space<vmem>>) semaphore(%dma_start3A_1820 : memref<!tpu.dma_semaphore, #tpu.memory_space<semaphore_mem>>)
        %dma_start3A_1821 = arith.constant 1 : i32
        %dma_start3A_1822 = arith.constant 1 : i32
        %dma_start3A_1823 = arith.constant 1 : i32
        %dma_start3A_1824 = arith.constant 128 : i32
        %dma_start3A_1825 = arith.constant 0 : i32
        %dma_start3A_1826 = tpu.memref_slice %arg13[%dma_start3A_1822, %dma_start3A_1824, %dma_start3A_1825] : memref<4x200x64xf32, #tpu.memory_space<vmem>> -> memref<1x72x64xf32, #tpu.memory_space<vmem>>
        %dma_start3A_1827 = tpu.memref_squeeze %dma_start3A_1826 : memref<1x72x64xf32, #tpu.memory_space<vmem>> -> memref<72x64xf32, #tpu.memory_space<vmem>>
        %dma_start3A_1828 = arith.constant 128 : i32
        %dma_start3A_1829 = tpu.memref_slice %arg11[%dma_start3A_1821, %dma_start3A_1828] : memref<4x208xi32, #tpu.memory_space<vmem>> -> memref<1x72xi32, #tpu.memory_space<vmem>>
        %dma_start3A_1830 = tpu.memref_squeeze %dma_start3A_1829 : memref<1x72xi32, #tpu.memory_space<vmem>> -> memref<72xi32, #tpu.memory_space<vmem>>
        %dma_start3A_1831 = arith.constant 0 : i32
        %dma_start3A_1832 = arith.constant 0 : i32
        %dma_start3A_1833 = tpu.memref_slice %arg6[%dma_start3A_1831, %dma_start3A_1832] : memref<40401x64xf32, #tpu.memory_space<hbm>> -> memref<40401x64xf32, #tpu.memory_space<hbm>>
        %dma_start3A_1834 = tpu.memref_slice %arg15[%dma_start3A_1823] : memref<4x!tpu.dma_semaphore, #tpu.memory_space<semaphore_mem>> -> memref<1x!tpu.dma_semaphore, #tpu.memory_space<semaphore_mem>>
        %dma_start3A_1835 = tpu.memref_squeeze %dma_start3A_1834 : memref<1x!tpu.dma_semaphore, #tpu.memory_space<semaphore_mem>> -> memref<!tpu.dma_semaphore, #tpu.memory_space<semaphore_mem>>
        tpu.enqueue_indirect_dma source(%dma_start3A_1833 : memref<40401x64xf32, #tpu.memory_space<hbm>>) target(%dma_start3A_1827 : memref<72x64xf32, #tpu.memory_space<vmem>>) offsets(%dma_start3A_1830 : memref<72xi32, #tpu.memory_space<vmem>>) semaphore(%dma_start3A_1835 : memref<!tpu.dma_semaphore, #tpu.memory_space<semaphore_mem>>)
      } else {
      }
      %dma_wait3A_1357 = arith.constant 3 : i32
      %dma_wait3A_1358 = arith.constant 3 : i32
      %dma_wait3A_1359 = arith.constant 3 : i32
      %dma_wait3A_1360 = arith.constant 0 : i32
      %dma_wait3A_1361 = arith.constant 0 : i32
      %dma_wait3A_1362 = tpu.memref_slice %arg12[%dma_wait3A_1358, %dma_wait3A_1360, %dma_wait3A_1361] : memref<4x200x64xf32, #tpu.memory_space<vmem>> -> memref<1x128x64xf32, #tpu.memory_space<vmem>>
      %dma_wait3A_1363 = tpu.memref_squeeze %dma_wait3A_1362 : memref<1x128x64xf32, #tpu.memory_space<vmem>> -> memref<128x64xf32, #tpu.memory_space<vmem>>
      %dma_wait3A_1364 = arith.constant 0 : i32
      %dma_wait3A_1365 = tpu.memref_slice %arg8[%dma_wait3A_1357, %dma_wait3A_1364] : memref<4x208xi32, #tpu.memory_space<vmem>> -> memref<1x128xi32, #tpu.memory_space<vmem>>
      %dma_wait3A_1366 = tpu.memref_squeeze %dma_wait3A_1365 : memref<1x128xi32, #tpu.memory_space<vmem>> -> memref<128xi32, #tpu.memory_space<vmem>>
      %dma_wait3A_1367 = arith.constant 0 : i32
      %dma_wait3A_1368 = arith.constant 0 : i32
      %dma_wait3A_1369 = tpu.memref_slice %arg5[%dma_wait3A_1367, %dma_wait3A_1368] : memref<1000000x64xf32, #tpu.memory_space<hbm>> -> memref<1000000x64xf32, #tpu.memory_space<hbm>>
      %dma_wait3A_1370 = tpu.memref_slice %arg15[%dma_wait3A_1359] : memref<4x!tpu.dma_semaphore, #tpu.memory_space<semaphore_mem>> -> memref<1x!tpu.dma_semaphore, #tpu.memory_space<semaphore_mem>>
      %dma_wait3A_1371 = tpu.memref_squeeze %dma_wait3A_1370 : memref<1x!tpu.dma_semaphore, #tpu.memory_space<semaphore_mem>> -> memref<!tpu.dma_semaphore, #tpu.memory_space<semaphore_mem>>
      tpu.wait_indirect_dma semaphore(%dma_wait3A_1371 : memref<!tpu.dma_semaphore, #tpu.memory_space<semaphore_mem>>) src(%dma_wait3A_1369 : memref<1000000x64xf32, #tpu.memory_space<hbm>>) dst(%dma_wait3A_1363 : memref<128x64xf32, #tpu.memory_space<vmem>>)
      %dma_wait3A_1372 = arith.constant 3 : i32
      %dma_wait3A_1373 = arith.constant 3 : i32
      %dma_wait3A_1374 = arith.constant 3 : i32
      %dma_wait3A_1375 = arith.constant 0 : i32
      %dma_wait3A_1376 = arith.constant 0 : i32
      %dma_wait3A_1377 = tpu.memref_slice %arg13[%dma_wait3A_1373, %dma_wait3A_1375, %dma_wait3A_1376] : memref<4x200x64xf32, #tpu.memory_space<vmem>> -> memref<1x128x64xf32, #tpu.memory_space<vmem>>
      %dma_wait3A_1378 = tpu.memref_squeeze %dma_wait3A_1377 : memref<1x128x64xf32, #tpu.memory_space<vmem>> -> memref<128x64xf32, #tpu.memory_space<vmem>>
      %dma_wait3A_1379 = arith.constant 0 : i32
      %dma_wait3A_1380 = tpu.memref_slice %arg11[%dma_wait3A_1372, %dma_wait3A_1379] : memref<4x208xi32, #tpu.memory_space<vmem>> -> memref<1x128xi32, #tpu.memory_space<vmem>>
      %dma_wait3A_1381 = tpu.memref_squeeze %dma_wait3A_1380 : memref<1x128xi32, #tpu.memory_space<vmem>> -> memref<128xi32, #tpu.memory_space<vmem>>
      %dma_wait3A_1382 = arith.constant 0 : i32
      %dma_wait3A_1383 = arith.constant 0 : i32
      %dma_wait3A_1384 = tpu.memref_slice %arg6[%dma_wait3A_1382, %dma_wait3A_1383] : memref<40401x64xf32, #tpu.memory_space<hbm>> -> memref<40401x64xf32, #tpu.memory_space<hbm>>
      %dma_wait3A_1385 = tpu.memref_slice %arg15[%dma_wait3A_1374] : memref<4x!tpu.dma_semaphore, #tpu.memory_space<semaphore_mem>> -> memref<1x!tpu.dma_semaphore, #tpu.memory_space<semaphore_mem>>
      %dma_wait3A_1386 = tpu.memref_squeeze %dma_wait3A_1385 : memref<1x!tpu.dma_semaphore, #tpu.memory_space<semaphore_mem>> -> memref<!tpu.dma_semaphore, #tpu.memory_space<semaphore_mem>>
      tpu.wait_indirect_dma semaphore(%dma_wait3A_1386 : memref<!tpu.dma_semaphore, #tpu.memory_space<semaphore_mem>>) src(%dma_wait3A_1384 : memref<40401x64xf32, #tpu.memory_space<hbm>>) dst(%dma_wait3A_1378 : memref<128x64xf32, #tpu.memory_space<vmem>>)
      %dma_wait3A_1387 = arith.constant 3 : i32
      %dma_wait3A_1388 = arith.constant 3 : i32
      %dma_wait3A_1389 = arith.constant 3 : i32
      %dma_wait3A_1390 = arith.constant 128 : i32
      %dma_wait3A_1391 = arith.constant 0 : i32
      %dma_wait3A_1392 = tpu.memref_slice %arg12[%dma_wait3A_1388, %dma_wait3A_1390, %dma_wait3A_1391] : memref<4x200x64xf32, #tpu.memory_space<vmem>> -> memref<1x72x64xf32, #tpu.memory_space<vmem>>
      %dma_wait3A_1393 = tpu.memref_squeeze %dma_wait3A_1392 : memref<1x72x64xf32, #tpu.memory_space<vmem>> -> memref<72x64xf32, #tpu.memory_space<vmem>>
      %dma_wait3A_1394 = arith.constant 128 : i32
      %dma_wait3A_1395 = tpu.memref_slice %arg8[%dma_wait3A_1387, %dma_wait3A_1394] : memref<4x208xi32, #tpu.memory_space<vmem>> -> memref<1x72xi32, #tpu.memory_space<vmem>>
      %dma_wait3A_1396 = tpu.memref_squeeze %dma_wait3A_1395 : memref<1x72xi32, #tpu.memory_space<vmem>> -> memref<72xi32, #tpu.memory_space<vmem>>
      %dma_wait3A_1397 = arith.constant 0 : i32
      %dma_wait3A_1398 = arith.constant 0 : i32
      %dma_wait3A_1399 = tpu.memref_slice %arg5[%dma_wait3A_1397, %dma_wait3A_1398] : memref<1000000x64xf32, #tpu.memory_space<hbm>> -> memref<1000000x64xf32, #tpu.memory_space<hbm>>
      %dma_wait3A_1400 = tpu.memref_slice %arg15[%dma_wait3A_1389] : memref<4x!tpu.dma_semaphore, #tpu.memory_space<semaphore_mem>> -> memref<1x!tpu.dma_semaphore, #tpu.memory_space<semaphore_mem>>
      %dma_wait3A_1401 = tpu.memref_squeeze %dma_wait3A_1400 : memref<1x!tpu.dma_semaphore, #tpu.memory_space<semaphore_mem>> -> memref<!tpu.dma_semaphore, #tpu.memory_space<semaphore_mem>>
      tpu.wait_indirect_dma semaphore(%dma_wait3A_1401 : memref<!tpu.dma_semaphore, #tpu.memory_space<semaphore_mem>>) src(%dma_wait3A_1399 : memref<1000000x64xf32, #tpu.memory_space<hbm>>) dst(%dma_wait3A_1393 : memref<72x64xf32, #tpu.memory_space<vmem>>)
      %dma_wait3A_1402 = arith.constant 3 : i32
      %dma_wait3A_1403 = arith.constant 3 : i32
      %dma_wait3A_1404 = arith.constant 3 : i32
      %dma_wait3A_1405 = arith.constant 128 : i32
      %dma_wait3A_1406 = arith.constant 0 : i32
      %dma_wait3A_1407 = tpu.memref_slice %arg13[%dma_wait3A_1403, %dma_wait3A_1405, %dma_wait3A_1406] : memref<4x200x64xf32, #tpu.memory_space<vmem>> -> memref<1x72x64xf32, #tpu.memory_space<vmem>>
      %dma_wait3A_1408 = tpu.memref_squeeze %dma_wait3A_1407 : memref<1x72x64xf32, #tpu.memory_space<vmem>> -> memref<72x64xf32, #tpu.memory_space<vmem>>
      %dma_wait3A_1409 = arith.constant 128 : i32
      %dma_wait3A_1410 = tpu.memref_slice %arg11[%dma_wait3A_1402, %dma_wait3A_1409] : memref<4x208xi32, #tpu.memory_space<vmem>> -> memref<1x72xi32, #tpu.memory_space<vmem>>
      %dma_wait3A_1411 = tpu.memref_squeeze %dma_wait3A_1410 : memref<1x72xi32, #tpu.memory_space<vmem>> -> memref<72xi32, #tpu.memory_space<vmem>>
      %dma_wait3A_1412 = arith.constant 0 : i32
      %dma_wait3A_1413 = arith.constant 0 : i32
      %dma_wait3A_1414 = tpu.memref_slice %arg6[%dma_wait3A_1412, %dma_wait3A_1413] : memref<40401x64xf32, #tpu.memory_space<hbm>> -> memref<40401x64xf32, #tpu.memory_space<hbm>>
      %dma_wait3A_1415 = tpu.memref_slice %arg15[%dma_wait3A_1404] : memref<4x!tpu.dma_semaphore, #tpu.memory_space<semaphore_mem>> -> memref<1x!tpu.dma_semaphore, #tpu.memory_space<semaphore_mem>>
      %dma_wait3A_1416 = tpu.memref_squeeze %dma_wait3A_1415 : memref<1x!tpu.dma_semaphore, #tpu.memory_space<semaphore_mem>> -> memref<!tpu.dma_semaphore, #tpu.memory_space<semaphore_mem>>
      tpu.wait_indirect_dma semaphore(%dma_wait3A_1416 : memref<!tpu.dma_semaphore, #tpu.memory_space<semaphore_mem>>) src(%dma_wait3A_1414 : memref<40401x64xf32, #tpu.memory_space<hbm>>) dst(%dma_wait3A_1408 : memref<72x64xf32, #tpu.memory_space<vmem>>)
      %add3A_1417 = arith.addi %mul3A_2, %add3A_1344 : i32
      %dma_start3A_1418 = arith.constant 3 : i32
      %dma_start3A_1419 = arith.constant 3 : i32
      %dma_start3A_1420 = arith.constant 0 : i32
      %dma_start3A_1421 = arith.constant 0 : i32
      %dma_start3A_1422 = tpu.memref_slice %arg12[%dma_start3A_1418, %dma_start3A_1420, %dma_start3A_1421] : memref<4x200x64xf32, #tpu.memory_space<vmem>> -> memref<1x200x64xf32, #tpu.memory_space<vmem>>
      %dma_start3A_1423 = tpu.memref_squeeze %dma_start3A_1422 : memref<1x200x64xf32, #tpu.memory_space<vmem>> -> memref<200x64xf32, #tpu.memory_space<vmem>>
      %dma_start3A_1424 = arith.constant 0 : i32
      %dma_start3A_1425 = arith.constant 0 : i32
      %dma_start3A_1426 = tpu.memref_slice %arg7[%add3A_1417, %dma_start3A_1424, %dma_start3A_1425] : memref<4096x200x128xf32, #tpu.memory_space<hbm>> -> memref<1x200x64xf32, #tpu.memory_space<hbm>>
      %dma_start3A_1427 = tpu.memref_squeeze %dma_start3A_1426 : memref<1x200x64xf32, #tpu.memory_space<hbm>> -> memref<200x64xf32, #tpu.memory_space<hbm>>
      %dma_start3A_1428 = tpu.memref_slice %arg16[%dma_start3A_1419] : memref<4x!tpu.dma_semaphore, #tpu.memory_space<semaphore_mem>> -> memref<1x!tpu.dma_semaphore, #tpu.memory_space<semaphore_mem>>
      %dma_start3A_1429 = tpu.memref_squeeze %dma_start3A_1428 : memref<1x!tpu.dma_semaphore, #tpu.memory_space<semaphore_mem>> -> memref<!tpu.dma_semaphore, #tpu.memory_space<semaphore_mem>>
      %dma_start3A_1430 = arith.constant 0 : i32
      %dma_start3A_1431 = arith.constant 0 : i32
      %dma_start3A_1432 = tpu.memref_slice %arg7[%add3A_1417, %dma_start3A_1430, %dma_start3A_1431] : memref<4096x200x128xf32, #tpu.memory_space<hbm>> -> memref<1x200x64xf32, #tpu.memory_space<hbm>>
      %dma_start3A_1433 = tpu.memref_squeeze %dma_start3A_1432 : memref<1x200x64xf32, #tpu.memory_space<hbm>> -> memref<200x64xf32, #tpu.memory_space<hbm>>
      %dma_start3A_1434 = arith.constant 0 : i32
      %dma_start3A_1435 = arith.constant 0 : i32
      %dma_start3A_1436 = tpu.memref_slice %arg12[%dma_start3A_1418, %dma_start3A_1434, %dma_start3A_1435] : memref<4x200x64xf32, #tpu.memory_space<vmem>> -> memref<1x200x64xf32, #tpu.memory_space<vmem>>
      %dma_start3A_1437 = tpu.memref_squeeze %dma_start3A_1436 : memref<1x200x64xf32, #tpu.memory_space<vmem>> -> memref<200x64xf32, #tpu.memory_space<vmem>>
      tpu.enqueue_dma source(%dma_start3A_1437 : memref<200x64xf32, #tpu.memory_space<vmem>>) target(%dma_start3A_1433 : memref<200x64xf32, #tpu.memory_space<hbm>>) target_semaphore(%dma_start3A_1429 : memref<!tpu.dma_semaphore, #tpu.memory_space<semaphore_mem>>)
      %dma_start3A_1438 = arith.constant 3 : i32
      %dma_start3A_1439 = arith.constant 3 : i32
      %dma_start3A_1440 = arith.constant 0 : i32
      %dma_start3A_1441 = arith.constant 0 : i32
      %dma_start3A_1442 = tpu.memref_slice %arg13[%dma_start3A_1438, %dma_start3A_1440, %dma_start3A_1441] : memref<4x200x64xf32, #tpu.memory_space<vmem>> -> memref<1x200x64xf32, #tpu.memory_space<vmem>>
      %dma_start3A_1443 = tpu.memref_squeeze %dma_start3A_1442 : memref<1x200x64xf32, #tpu.memory_space<vmem>> -> memref<200x64xf32, #tpu.memory_space<vmem>>
      %dma_start3A_1444 = arith.constant 0 : i32
      %dma_start3A_1445 = arith.constant 64 : i32
      %dma_start3A_1446 = tpu.memref_slice %arg7[%add3A_1417, %dma_start3A_1444, %dma_start3A_1445] : memref<4096x200x128xf32, #tpu.memory_space<hbm>> -> memref<1x200x64xf32, #tpu.memory_space<hbm>>
      %dma_start3A_1447 = tpu.memref_squeeze %dma_start3A_1446 : memref<1x200x64xf32, #tpu.memory_space<hbm>> -> memref<200x64xf32, #tpu.memory_space<hbm>>
      %dma_start3A_1448 = tpu.memref_slice %arg16[%dma_start3A_1439] : memref<4x!tpu.dma_semaphore, #tpu.memory_space<semaphore_mem>> -> memref<1x!tpu.dma_semaphore, #tpu.memory_space<semaphore_mem>>
      %dma_start3A_1449 = tpu.memref_squeeze %dma_start3A_1448 : memref<1x!tpu.dma_semaphore, #tpu.memory_space<semaphore_mem>> -> memref<!tpu.dma_semaphore, #tpu.memory_space<semaphore_mem>>
      %dma_start3A_1450 = arith.constant 0 : i32
      %dma_start3A_1451 = arith.constant 64 : i32
      %dma_start3A_1452 = tpu.memref_slice %arg7[%add3A_1417, %dma_start3A_1450, %dma_start3A_1451] : memref<4096x200x128xf32, #tpu.memory_space<hbm>> -> memref<1x200x64xf32, #tpu.memory_space<hbm>>
      %dma_start3A_1453 = tpu.memref_squeeze %dma_start3A_1452 : memref<1x200x64xf32, #tpu.memory_space<hbm>> -> memref<200x64xf32, #tpu.memory_space<hbm>>
      %dma_start3A_1454 = arith.constant 0 : i32
      %dma_start3A_1455 = arith.constant 0 : i32
      %dma_start3A_1456 = tpu.memref_slice %arg13[%dma_start3A_1438, %dma_start3A_1454, %dma_start3A_1455] : memref<4x200x64xf32, #tpu.memory_space<vmem>> -> memref<1x200x64xf32, #tpu.memory_space<vmem>>
      %dma_start3A_1457 = tpu.memref_squeeze %dma_start3A_1456 : memref<1x200x64xf32, #tpu.memory_space<vmem>> -> memref<200x64xf32, #tpu.memory_space<vmem>>
      tpu.enqueue_dma source(%dma_start3A_1457 : memref<200x64xf32, #tpu.memory_space<vmem>>) target(%dma_start3A_1453 : memref<200x64xf32, #tpu.memory_space<hbm>>) target_semaphore(%dma_start3A_1449 : memref<!tpu.dma_semaphore, #tpu.memory_space<semaphore_mem>>)
      %add3A_1458 = arith.constant 3 : i32
      %add3A_1459 = arith.addi %add3A_1344, %add3A_1458 : i32
      %lt3A_1460 = arith.constant 128 : i32
      %lt3A_1461 = arith.cmpi slt, %add3A_1459, %lt3A_1460 : i32
      %convert_element_type3A_1462 = arith.extui %lt3A_1461 : i1 to i32
      %cond3A_1463 = arith.constant 0 : i32
      %cond3A_1464 = arith.cmpi ne, %convert_element_type3A_1462, %cond3A_1463 : i32
      scf.if %cond3A_1464 {
        %add3A_1465 = arith.constant 3 : i32
        %add3A_1466 = arith.addi %add3A_1344, %add3A_1465 : i32
        %add3A_1467 = arith.addi %mul3A_2, %add3A_1466 : i32
        %dma_start3A_1468 = arith.constant 2 : i32
        %dma_start3A_1469 = arith.constant 2 : i32
        %dma_start3A_1470 = arith.constant 0 : i32
        %dma_start3A_1471 = tpu.memref_slice %arg8[%dma_start3A_1468, %dma_start3A_1470] : memref<4x208xi32, #tpu.memory_space<vmem>> -> memref<1x200xi32, #tpu.memory_space<vmem>>
        %dma_start3A_1472 = tpu.memref_squeeze %dma_start3A_1471 : memref<1x200xi32, #tpu.memory_space<vmem>> -> memref<200xi32, #tpu.memory_space<vmem>>
        %dma_start3A_1473 = arith.constant 0 : i32
        %dma_start3A_1474 = tpu.memref_slice %arg2[%add3A_1467, %dma_start3A_1473] : memref<4096x200xi32, #tpu.memory_space<hbm>> -> memref<1x200xi32, #tpu.memory_space<hbm>>
        %dma_start3A_1475 = tpu.memref_squeeze %dma_start3A_1474 : memref<1x200xi32, #tpu.memory_space<hbm>> -> memref<200xi32, #tpu.memory_space<hbm>>
        %dma_start3A_1476 = tpu.memref_slice %arg14[%dma_start3A_1469] : memref<4x!tpu.dma_semaphore, #tpu.memory_space<semaphore_mem>> -> memref<1x!tpu.dma_semaphore, #tpu.memory_space<semaphore_mem>>
        %dma_start3A_1477 = tpu.memref_squeeze %dma_start3A_1476 : memref<1x!tpu.dma_semaphore, #tpu.memory_space<semaphore_mem>> -> memref<!tpu.dma_semaphore, #tpu.memory_space<semaphore_mem>>
        %dma_start3A_1478 = arith.constant 0 : i32
        %dma_start3A_1479 = tpu.memref_slice %arg8[%dma_start3A_1468, %dma_start3A_1478] : memref<4x208xi32, #tpu.memory_space<vmem>> -> memref<1x200xi32, #tpu.memory_space<vmem>>
        %dma_start3A_1480 = tpu.memref_squeeze %dma_start3A_1479 : memref<1x200xi32, #tpu.memory_space<vmem>> -> memref<200xi32, #tpu.memory_space<vmem>>
        %dma_start3A_1481 = arith.constant 0 : i32
        %dma_start3A_1482 = tpu.memref_slice %arg2[%add3A_1467, %dma_start3A_1481] : memref<4096x200xi32, #tpu.memory_space<hbm>> -> memref<1x200xi32, #tpu.memory_space<hbm>>
        %dma_start3A_1483 = tpu.memref_squeeze %dma_start3A_1482 : memref<1x200xi32, #tpu.memory_space<hbm>> -> memref<200xi32, #tpu.memory_space<hbm>>
        tpu.enqueue_dma source(%dma_start3A_1483 : memref<200xi32, #tpu.memory_space<hbm>>) target(%dma_start3A_1480 : memref<200xi32, #tpu.memory_space<vmem>>) target_semaphore(%dma_start3A_1477 : memref<!tpu.dma_semaphore, #tpu.memory_space<semaphore_mem>>)
        %dma_start3A_1484 = arith.constant 2 : i32
        %dma_start3A_1485 = arith.constant 2 : i32
        %dma_start3A_1486 = arith.constant 0 : i32
        %dma_start3A_1487 = tpu.memref_slice %arg9[%dma_start3A_1484, %dma_start3A_1486] : memref<4x208xi32, #tpu.memory_space<vmem>> -> memref<1x200xi32, #tpu.memory_space<vmem>>
        %dma_start3A_1488 = tpu.memref_squeeze %dma_start3A_1487 : memref<1x200xi32, #tpu.memory_space<vmem>> -> memref<200xi32, #tpu.memory_space<vmem>>
        %dma_start3A_1489 = arith.constant 0 : i32
        %dma_start3A_1490 = tpu.memref_slice %arg3[%add3A_1467, %dma_start3A_1489] : memref<4096x200xi32, #tpu.memory_space<hbm>> -> memref<1x200xi32, #tpu.memory_space<hbm>>
        %dma_start3A_1491 = tpu.memref_squeeze %dma_start3A_1490 : memref<1x200xi32, #tpu.memory_space<hbm>> -> memref<200xi32, #tpu.memory_space<hbm>>
        %dma_start3A_1492 = tpu.memref_slice %arg14[%dma_start3A_1485] : memref<4x!tpu.dma_semaphore, #tpu.memory_space<semaphore_mem>> -> memref<1x!tpu.dma_semaphore, #tpu.memory_space<semaphore_mem>>
        %dma_start3A_1493 = tpu.memref_squeeze %dma_start3A_1492 : memref<1x!tpu.dma_semaphore, #tpu.memory_space<semaphore_mem>> -> memref<!tpu.dma_semaphore, #tpu.memory_space<semaphore_mem>>
        %dma_start3A_1494 = arith.constant 0 : i32
        %dma_start3A_1495 = tpu.memref_slice %arg9[%dma_start3A_1484, %dma_start3A_1494] : memref<4x208xi32, #tpu.memory_space<vmem>> -> memref<1x200xi32, #tpu.memory_space<vmem>>
        %dma_start3A_1496 = tpu.memref_squeeze %dma_start3A_1495 : memref<1x200xi32, #tpu.memory_space<vmem>> -> memref<200xi32, #tpu.memory_space<vmem>>
        %dma_start3A_1497 = arith.constant 0 : i32
        %dma_start3A_1498 = tpu.memref_slice %arg3[%add3A_1467, %dma_start3A_1497] : memref<4096x200xi32, #tpu.memory_space<hbm>> -> memref<1x200xi32, #tpu.memory_space<hbm>>
        %dma_start3A_1499 = tpu.memref_squeeze %dma_start3A_1498 : memref<1x200xi32, #tpu.memory_space<hbm>> -> memref<200xi32, #tpu.memory_space<hbm>>
        tpu.enqueue_dma source(%dma_start3A_1499 : memref<200xi32, #tpu.memory_space<hbm>>) target(%dma_start3A_1496 : memref<200xi32, #tpu.memory_space<vmem>>) target_semaphore(%dma_start3A_1493 : memref<!tpu.dma_semaphore, #tpu.memory_space<semaphore_mem>>)
        %dma_start3A_1500 = arith.constant 2 : i32
        %dma_start3A_1501 = arith.constant 2 : i32
        %dma_start3A_1502 = arith.constant 0 : i32
        %dma_start3A_1503 = tpu.memref_slice %arg10[%dma_start3A_1500, %dma_start3A_1502] : memref<4x208xi32, #tpu.memory_space<vmem>> -> memref<1x200xi32, #tpu.memory_space<vmem>>
        %dma_start3A_1504 = tpu.memref_squeeze %dma_start3A_1503 : memref<1x200xi32, #tpu.memory_space<vmem>> -> memref<200xi32, #tpu.memory_space<vmem>>
        %dma_start3A_1505 = arith.constant 0 : i32
        %dma_start3A_1506 = tpu.memref_slice %arg4[%add3A_1467, %dma_start3A_1505] : memref<4096x200xi32, #tpu.memory_space<hbm>> -> memref<1x200xi32, #tpu.memory_space<hbm>>
        %dma_start3A_1507 = tpu.memref_squeeze %dma_start3A_1506 : memref<1x200xi32, #tpu.memory_space<hbm>> -> memref<200xi32, #tpu.memory_space<hbm>>
        %dma_start3A_1508 = tpu.memref_slice %arg14[%dma_start3A_1501] : memref<4x!tpu.dma_semaphore, #tpu.memory_space<semaphore_mem>> -> memref<1x!tpu.dma_semaphore, #tpu.memory_space<semaphore_mem>>
        %dma_start3A_1509 = tpu.memref_squeeze %dma_start3A_1508 : memref<1x!tpu.dma_semaphore, #tpu.memory_space<semaphore_mem>> -> memref<!tpu.dma_semaphore, #tpu.memory_space<semaphore_mem>>
        %dma_start3A_1510 = arith.constant 0 : i32
        %dma_start3A_1511 = tpu.memref_slice %arg10[%dma_start3A_1500, %dma_start3A_1510] : memref<4x208xi32, #tpu.memory_space<vmem>> -> memref<1x200xi32, #tpu.memory_space<vmem>>
        %dma_start3A_1512 = tpu.memref_squeeze %dma_start3A_1511 : memref<1x200xi32, #tpu.memory_space<vmem>> -> memref<200xi32, #tpu.memory_space<vmem>>
        %dma_start3A_1513 = arith.constant 0 : i32
        %dma_start3A_1514 = tpu.memref_slice %arg4[%add3A_1467, %dma_start3A_1513] : memref<4096x200xi32, #tpu.memory_space<hbm>> -> memref<1x200xi32, #tpu.memory_space<hbm>>
        %dma_start3A_1515 = tpu.memref_squeeze %dma_start3A_1514 : memref<1x200xi32, #tpu.memory_space<hbm>> -> memref<200xi32, #tpu.memory_space<hbm>>
        tpu.enqueue_dma source(%dma_start3A_1515 : memref<200xi32, #tpu.memory_space<hbm>>) target(%dma_start3A_1512 : memref<200xi32, #tpu.memory_space<vmem>>) target_semaphore(%dma_start3A_1509 : memref<!tpu.dma_semaphore, #tpu.memory_space<semaphore_mem>>)
      } else {
      }
    }
    %scan3A_893 = arith.constant 32 : i32
    %add3A_894 = arith.constant 126 : i32
    %add3A_895 = arith.addi %mul3A_2, %add3A_894 : i32
    %dma_wait3A_896 = arith.constant 2 : i32
    %dma_wait3A_897 = arith.constant 2 : i32
    %dma_wait3A_898 = arith.constant 0 : i32
    %dma_wait3A_899 = arith.constant 0 : i32
    %dma_wait3A_900 = tpu.memref_slice %arg12[%dma_wait3A_896, %dma_wait3A_898, %dma_wait3A_899] : memref<4x200x64xf32, #tpu.memory_space<vmem>> -> memref<1x200x64xf32, #tpu.memory_space<vmem>>
    %dma_wait3A_901 = tpu.memref_squeeze %dma_wait3A_900 : memref<1x200x64xf32, #tpu.memory_space<vmem>> -> memref<200x64xf32, #tpu.memory_space<vmem>>
    %dma_wait3A_902 = arith.constant 0 : i32
    %dma_wait3A_903 = arith.constant 0 : i32
    %dma_wait3A_904 = tpu.memref_slice %arg7[%add3A_895, %dma_wait3A_902, %dma_wait3A_903] : memref<4096x200x128xf32, #tpu.memory_space<hbm>> -> memref<1x200x64xf32, #tpu.memory_space<hbm>>
    %dma_wait3A_905 = tpu.memref_squeeze %dma_wait3A_904 : memref<1x200x64xf32, #tpu.memory_space<hbm>> -> memref<200x64xf32, #tpu.memory_space<hbm>>
    %dma_wait3A_906 = tpu.memref_slice %arg16[%dma_wait3A_897] : memref<4x!tpu.dma_semaphore, #tpu.memory_space<semaphore_mem>> -> memref<1x!tpu.dma_semaphore, #tpu.memory_space<semaphore_mem>>
    %dma_wait3A_907 = tpu.memref_squeeze %dma_wait3A_906 : memref<1x!tpu.dma_semaphore, #tpu.memory_space<semaphore_mem>> -> memref<!tpu.dma_semaphore, #tpu.memory_space<semaphore_mem>>
    %dma_wait3A_908 = arith.constant 0 : i32
    %dma_wait3A_909 = arith.constant 0 : i32
    %dma_wait3A_910 = tpu.memref_slice %arg7[%add3A_895, %dma_wait3A_908, %dma_wait3A_909] : memref<4096x200x128xf32, #tpu.memory_space<hbm>> -> memref<1x200x64xf32, #tpu.memory_space<hbm>>
    %dma_wait3A_911 = tpu.memref_squeeze %dma_wait3A_910 : memref<1x200x64xf32, #tpu.memory_space<hbm>> -> memref<200x64xf32, #tpu.memory_space<hbm>>
    %dma_wait3A_912 = arith.constant 0 : i32
    %dma_wait3A_913 = arith.constant 0 : i32
    %dma_wait3A_914 = tpu.memref_slice %arg12[%dma_wait3A_896, %dma_wait3A_912, %dma_wait3A_913] : memref<4x200x64xf32, #tpu.memory_space<vmem>> -> memref<1x200x64xf32, #tpu.memory_space<vmem>>
    %dma_wait3A_915 = tpu.memref_squeeze %dma_wait3A_914 : memref<1x200x64xf32, #tpu.memory_space<vmem>> -> memref<200x64xf32, #tpu.memory_space<vmem>>
    tpu.wait_dma2 semaphore(%dma_wait3A_907 : memref<!tpu.dma_semaphore, #tpu.memory_space<semaphore_mem>>) src(%dma_wait3A_915 : memref<200x64xf32, #tpu.memory_space<vmem>>) dst(%dma_wait3A_911 : memref<200x64xf32, #tpu.memory_space<hbm>>)
    %dma_wait3A_916 = arith.constant 2 : i32
    %dma_wait3A_917 = arith.constant 2 : i32
    %dma_wait3A_918 = arith.constant 0 : i32
    %dma_wait3A_919 = arith.constant 0 : i32
    %dma_wait3A_920 = tpu.memref_slice %arg13[%dma_wait3A_916, %dma_wait3A_918, %dma_wait3A_919] : memref<4x200x64xf32, #tpu.memory_space<vmem>> -> memref<1x200x64xf32, #tpu.memory_space<vmem>>
    %dma_wait3A_921 = tpu.memref_squeeze %dma_wait3A_920 : memref<1x200x64xf32, #tpu.memory_space<vmem>> -> memref<200x64xf32, #tpu.memory_space<vmem>>
    %dma_wait3A_922 = arith.constant 0 : i32
    %dma_wait3A_923 = arith.constant 64 : i32
    %dma_wait3A_924 = tpu.memref_slice %arg7[%add3A_895, %dma_wait3A_922, %dma_wait3A_923] : memref<4096x200x128xf32, #tpu.memory_space<hbm>> -> memref<1x200x64xf32, #tpu.memory_space<hbm>>
    %dma_wait3A_925 = tpu.memref_squeeze %dma_wait3A_924 : memref<1x200x64xf32, #tpu.memory_space<hbm>> -> memref<200x64xf32, #tpu.memory_space<hbm>>
    %dma_wait3A_926 = tpu.memref_slice %arg16[%dma_wait3A_917] : memref<4x!tpu.dma_semaphore, #tpu.memory_space<semaphore_mem>> -> memref<1x!tpu.dma_semaphore, #tpu.memory_space<semaphore_mem>>
    %dma_wait3A_927 = tpu.memref_squeeze %dma_wait3A_926 : memref<1x!tpu.dma_semaphore, #tpu.memory_space<semaphore_mem>> -> memref<!tpu.dma_semaphore, #tpu.memory_space<semaphore_mem>>
    %dma_wait3A_928 = arith.constant 0 : i32
    %dma_wait3A_929 = arith.constant 64 : i32
    %dma_wait3A_930 = tpu.memref_slice %arg7[%add3A_895, %dma_wait3A_928, %dma_wait3A_929] : memref<4096x200x128xf32, #tpu.memory_space<hbm>> -> memref<1x200x64xf32, #tpu.memory_space<hbm>>
    %dma_wait3A_931 = tpu.memref_squeeze %dma_wait3A_930 : memref<1x200x64xf32, #tpu.memory_space<hbm>> -> memref<200x64xf32, #tpu.memory_space<hbm>>
    %dma_wait3A_932 = arith.constant 0 : i32
    %dma_wait3A_933 = arith.constant 0 : i32
    %dma_wait3A_934 = tpu.memref_slice %arg13[%dma_wait3A_916, %dma_wait3A_932, %dma_wait3A_933] : memref<4x200x64xf32, #tpu.memory_space<vmem>> -> memref<1x200x64xf32, #tpu.memory_space<vmem>>
    %dma_wait3A_935 = tpu.memref_squeeze %dma_wait3A_934 : memref<1x200x64xf32, #tpu.memory_space<vmem>> -> memref<200x64xf32, #tpu.memory_space<vmem>>
    tpu.wait_dma2 semaphore(%dma_wait3A_927 : memref<!tpu.dma_semaphore, #tpu.memory_space<semaphore_mem>>) src(%dma_wait3A_935 : memref<200x64xf32, #tpu.memory_space<vmem>>) dst(%dma_wait3A_931 : memref<200x64xf32, #tpu.memory_space<hbm>>)
    %add3A_936 = arith.constant 127 : i32
    %add3A_937 = arith.addi %mul3A_2, %add3A_936 : i32
    %dma_wait3A_938 = arith.constant 3 : i32
    %dma_wait3A_939 = arith.constant 3 : i32
    %dma_wait3A_940 = arith.constant 0 : i32
    %dma_wait3A_941 = arith.constant 0 : i32
    %dma_wait3A_942 = tpu.memref_slice %arg12[%dma_wait3A_938, %dma_wait3A_940, %dma_wait3A_941] : memref<4x200x64xf32, #tpu.memory_space<vmem>> -> memref<1x200x64xf32, #tpu.memory_space<vmem>>
    %dma_wait3A_943 = tpu.memref_squeeze %dma_wait3A_942 : memref<1x200x64xf32, #tpu.memory_space<vmem>> -> memref<200x64xf32, #tpu.memory_space<vmem>>
    %dma_wait3A_944 = arith.constant 0 : i32
    %dma_wait3A_945 = arith.constant 0 : i32
    %dma_wait3A_946 = tpu.memref_slice %arg7[%add3A_937, %dma_wait3A_944, %dma_wait3A_945] : memref<4096x200x128xf32, #tpu.memory_space<hbm>> -> memref<1x200x64xf32, #tpu.memory_space<hbm>>
    %dma_wait3A_947 = tpu.memref_squeeze %dma_wait3A_946 : memref<1x200x64xf32, #tpu.memory_space<hbm>> -> memref<200x64xf32, #tpu.memory_space<hbm>>
    %dma_wait3A_948 = tpu.memref_slice %arg16[%dma_wait3A_939] : memref<4x!tpu.dma_semaphore, #tpu.memory_space<semaphore_mem>> -> memref<1x!tpu.dma_semaphore, #tpu.memory_space<semaphore_mem>>
    %dma_wait3A_949 = tpu.memref_squeeze %dma_wait3A_948 : memref<1x!tpu.dma_semaphore, #tpu.memory_space<semaphore_mem>> -> memref<!tpu.dma_semaphore, #tpu.memory_space<semaphore_mem>>
    %dma_wait3A_950 = arith.constant 0 : i32
    %dma_wait3A_951 = arith.constant 0 : i32
    %dma_wait3A_952 = tpu.memref_slice %arg7[%add3A_937, %dma_wait3A_950, %dma_wait3A_951] : memref<4096x200x128xf32, #tpu.memory_space<hbm>> -> memref<1x200x64xf32, #tpu.memory_space<hbm>>
    %dma_wait3A_953 = tpu.memref_squeeze %dma_wait3A_952 : memref<1x200x64xf32, #tpu.memory_space<hbm>> -> memref<200x64xf32, #tpu.memory_space<hbm>>
    %dma_wait3A_954 = arith.constant 0 : i32
    %dma_wait3A_955 = arith.constant 0 : i32
    %dma_wait3A_956 = tpu.memref_slice %arg12[%dma_wait3A_938, %dma_wait3A_954, %dma_wait3A_955] : memref<4x200x64xf32, #tpu.memory_space<vmem>> -> memref<1x200x64xf32, #tpu.memory_space<vmem>>
    %dma_wait3A_957 = tpu.memref_squeeze %dma_wait3A_956 : memref<1x200x64xf32, #tpu.memory_space<vmem>> -> memref<200x64xf32, #tpu.memory_space<vmem>>
    tpu.wait_dma2 semaphore(%dma_wait3A_949 : memref<!tpu.dma_semaphore, #tpu.memory_space<semaphore_mem>>) src(%dma_wait3A_957 : memref<200x64xf32, #tpu.memory_space<vmem>>) dst(%dma_wait3A_953 : memref<200x64xf32, #tpu.memory_space<hbm>>)
    %dma_wait3A_958 = arith.constant 3 : i32
    %dma_wait3A_959 = arith.constant 3 : i32
    %dma_wait3A_960 = arith.constant 0 : i32
    %dma_wait3A_961 = arith.constant 0 : i32
    %dma_wait3A_962 = tpu.memref_slice %arg13[%dma_wait3A_958, %dma_wait3A_960, %dma_wait3A_961] : memref<4x200x64xf32, #tpu.memory_space<vmem>> -> memref<1x200x64xf32, #tpu.memory_space<vmem>>
    %dma_wait3A_963 = tpu.memref_squeeze %dma_wait3A_962 : memref<1x200x64xf32, #tpu.memory_space<vmem>> -> memref<200x64xf32, #tpu.memory_space<vmem>>
    %dma_wait3A_964 = arith.constant 0 : i32
    %dma_wait3A_965 = arith.constant 64 : i32
    %dma_wait3A_966 = tpu.memref_slice %arg7[%add3A_937, %dma_wait3A_964, %dma_wait3A_965] : memref<4096x200x128xf32, #tpu.memory_space<hbm>> -> memref<1x200x64xf32, #tpu.memory_space<hbm>>
    %dma_wait3A_967 = tpu.memref_squeeze %dma_wait3A_966 : memref<1x200x64xf32, #tpu.memory_space<hbm>> -> memref<200x64xf32, #tpu.memory_space<hbm>>
    %dma_wait3A_968 = tpu.memref_slice %arg16[%dma_wait3A_959] : memref<4x!tpu.dma_semaphore, #tpu.memory_space<semaphore_mem>> -> memref<1x!tpu.dma_semaphore, #tpu.memory_space<semaphore_mem>>
    %dma_wait3A_969 = tpu.memref_squeeze %dma_wait3A_968 : memref<1x!tpu.dma_semaphore, #tpu.memory_space<semaphore_mem>> -> memref<!tpu.dma_semaphore, #tpu.memory_space<semaphore_mem>>
    %dma_wait3A_970 = arith.constant 0 : i32
    %dma_wait3A_971 = arith.constant 64 : i32
    %dma_wait3A_972 = tpu.memref_slice %arg7[%add3A_937, %dma_wait3A_970, %dma_wait3A_971] : memref<4096x200x128xf32, #tpu.memory_space<hbm>> -> memref<1x200x64xf32, #tpu.memory_space<hbm>>
    %dma_wait3A_973 = tpu.memref_squeeze %dma_wait3A_972 : memref<1x200x64xf32, #tpu.memory_space<hbm>> -> memref<200x64xf32, #tpu.memory_space<hbm>>
    %dma_wait3A_974 = arith.constant 0 : i32
    %dma_wait3A_975 = arith.constant 0 : i32
    %dma_wait3A_976 = tpu.memref_slice %arg13[%dma_wait3A_958, %dma_wait3A_974, %dma_wait3A_975] : memref<4x200x64xf32, #tpu.memory_space<vmem>> -> memref<1x200x64xf32, #tpu.memory_space<vmem>>
    %dma_wait3A_977 = tpu.memref_squeeze %dma_wait3A_976 : memref<1x200x64xf32, #tpu.memory_space<vmem>> -> memref<200x64xf32, #tpu.memory_space<vmem>>
    tpu.wait_dma2 semaphore(%dma_wait3A_969 : memref<!tpu.dma_semaphore, #tpu.memory_space<semaphore_mem>>) src(%dma_wait3A_977 : memref<200x64xf32, #tpu.memory_space<vmem>>) dst(%dma_wait3A_973 : memref<200x64xf32, #tpu.memory_space<hbm>>)
    return
  }
}

</mosaic_0001>

<sc_bundles>
// kernel: kernel.3.cloned.1.call-start
scs
__scs_entry_jumppad:
0x0: {  	(pc) =	sbr.rel $0x88, $3  }
0x1: {  	(tag) =	ssettag $0x0;
	lr =	simm.s32 $0x1  }
0x2: {  	[smem:$0x3F9C] =	sst lr;
	_ =	strace $0xD0000000  }
0x3: {  	_ = 	snop  }
0x4: {  	_ = 	snop  }
0x5: {  	_ = 	snop  }
0x6: {  	_ = 	snop  }
0x7: {  	_ = 	snop  }
__scs_overlays_trampoline_lowered:
0x8: {  	[smem:$0x3FAB] =	sst s0  }
0x9: {  	[smem:$0x3FAC] =	sst s1  }
0xa: {  	[smem:$0x3FAD] =	sst s2  }
0xb: {  	[smem:$0x3FAE] =	sst s3  }
0xc: {  	[smem:$0x3FAF] =	sst s4  }
0xd: {  	[smem:$0x3FB0] =	sst s5  }
0xe: {  	[smem:$0x3FB1] =	sst s6  }
0xf: {  	[smem:$0x3FB2] =	sst s7  }
0x10: {  	[smem:$0x3FB3] =	sst s8  }
0x11: {  	[smem:$0x3FB4] =	sst s9;
	s0 =	simm.s32 @!p0 $0x0  }
0x12: {  	s1 =	sld [smem:$0x3F9A];
	s0 =	simm.s32 @p0 $0x1  }
0x13: {  	[smem:$0x3FB5] =	sst s0;
	s0 =	simm.s32 @!p1 $0x0  }
0x14: {  	s2 =	sld [smem:$0x3F99];
	s0 =	simm.s32 @p1 $0x1  }
0x15: {  	[smem:$0x3FB6] =	sst s0;
	s0 =	simm.s32 @!p2 $0x0  }
0x16: {  	s3 =	sld [smem:$0x3FDB];
	s0 =	simm.s32 @p2 $0x1  }
0x17: {  	s4 =	simm.s32 $0x1BF5;
	[smem:$0x3FB8] =	sst s0  }
0x18: {  	s0 =	sld [smem:$0x3F9B];
	_ =	swait.ge [sflag:s4], $0x0  }
0x19: {  	s7 =	sld [smem:$0x3F9C]  }
0x1a: {  	s8 =	sadd.s32 $0xFFFFE003, lr  }
0x1b: {  	s9 =	sadd.s32 $0xFFFFFEF7, lr;
	s5 =	simm.s32 $0xFFFFFFFF;
	p2 =	slt.u32 s8, $0xFFFFF086  }
0x1c: {  	p1 =	slt.u32 s9, $0xF7A;
	s5 =	simm.s32 @!p2 $0x0  }
0x1d: {  	s5 =	simm.s32 @p1 $0x1;
	p0 =	seq.s32 s7, s2  }
0x1e: {  	s7 =	smul.u32 @!p0 $0xF7A, s2;
	p2 =	seq.s32 @!p0 s5, $0x0  }
0x1f: {  	s9 =	smul.u32 $0xF7A, s1;
	s8 =	simm.s32 @!p0 $0x1BF5;
	p2 =	por !p2, p0  }
0x20: {  	[sflag:s8] =	ssyncset.s32 @!p0 $0xFFFFF086;
	s6 =	sadd.s32 @!p0 s3, s7;
	s7 =	simm.s32 @!p0 $0x108  }
0x21: {  	s3 =	sadd.s32 s3, s9;
	s6 =	sadd.s32 @!p0 $0x88, s6;
	s7 =	simm.s32 @p2 $0x1082  }
0x22: {  	[simem:s7], [sflag:s8] =	dma.local @!p0 [hbm:s6], $0xF7A  }
0x23: {  	s9 =	sor.u32 $0xD0000000, s2;
	s6 =	simm.s32 $0x108;
	_ =	swait.ge @!p0 [sflag:s8], $0x0  }
0x24: {  	s3 =	sadd.s32 $0x88, s3;
	s6 =	simm.s32 @!p1 $0x1082;
	[sflag:s4] =	ssyncset.s32 $0xFFFFF086  }
0x25: {  	[simem:s6], [sflag:s4] =	dma.local [hbm:s3], $0xF7A  }
0x26: {  	[smem:$0x3F9C] =	sst s1;
	(tag) =	ssettag s2;
	_ =	strace s9  }
0x27: {  	s1 =	sld [smem:$0x3FAC]  }
0x28: {  	s2 =	sld [smem:$0x3FAD]  }
0x29: {  	s4 =	sld [smem:$0x3FAF]  }
0x2a: {  	p0 =	seq.s32 s5, $0x0;
	s5 =	sld [smem:$0x3FB0]  }
0x2b: {  	s6 =	sld [smem:$0x3FB1]  }
0x2c: {  	s7 =	sld [smem:$0x3FB2]  }
0x2d: {  	s3 =	simm.s32 $0x108;
	s8 =	sld [smem:$0x3FB3]  }
0x2e: {  	s3 =	simm.s32 @!p0 $0x1082;
	s9 =	sld [smem:$0x3FB4]  }
0x2f: {  	lr =	sadd.s32 s0, s3;
	s0 =	sld [smem:$0x3FAB]  }
0x30: {  	s3 =	sld [smem:$0x3FAE]  }
0x31: {  	[smem:$0x3FB7] =	sst s10  }
0x32: {  	s10 =	sld [smem:$0x3FB5];
	_ =	sdelay $0x3  }
0x33: {  	p0 =	seq.s32 s10, $0x1;
	s10 =	sld [smem:$0x3FB7];
	_ =	sdelay $0x3  }
0x34: {  	[smem:$0x3FB7] =	sst s10  }
0x35: {  	s10 =	sld [smem:$0x3FB6];
	_ =	sdelay $0x3  }
0x36: {  	p1 =	seq.s32 s10, $0x1;
	s10 =	sld [smem:$0x3FB7];
	_ =	sdelay $0x3  }
0x37: {  	[smem:$0x3FB7] =	sst s10  }
0x38: {  	s10 =	sld [smem:$0x3FB8]  }
0x39: {  	_ = 	snop;
	(pc) =	sbr.ind lr, $3  }
0x3a: {  	_ = 	snop  }
0x3b: {  	_ = 	snop  }
0x3c: {  	p2 =	seq.s32 s10, $0x1;
	s10 =	sld [smem:$0x3FB7]  }
0x3d: {  	_ =	shalt  }
0x3e: {  	_ =	shalt  }
0x3f: {  	_ =	shalt  }
0x40: {  	_ =	shalt  }
0x41: {  	_ =	shalt  }
0x42: {  	_ =	shalt  }
0x43: {  	_ =	shalt  }
0x44: {  	_ =	shalt  }
0x45: {  	_ =	shalt  }
0x46: {  	_ =	shalt  }
0x47: {  	_ =	shalt  }
0x48: {  	_ =	shalt  }
0x49: {  	_ =	shalt  }
0x4a: {  	_ =	shalt  }
0x4b: {  	_ =	shalt  }
0x4c: {  	_ =	shalt  }
0x4d: {  	_ =	shalt  }
0x4e: {  	_ =	shalt  }
0x4f: {  	_ =	shalt  }
0x50: {  	_ =	shalt  }
0x51: {  	_ =	shalt  }
0x52: {  	_ =	shalt  }
0x53: {  	_ =	shalt  }
0x54: {  	_ =	shalt  }
0x55: {  	_ =	shalt  }
0x56: {  	_ =	shalt  }
0x57: {  	_ =	shalt  }
0x58: {  	_ =	shalt  }
0x59: {  	_ =	shalt  }
0x5a: {  	_ =	shalt  }
0x5b: {  	_ =	shalt  }
0x5c: {  	_ =	shalt  }
0x5d: {  	_ =	shalt  }
0x5e: {  	_ =	shalt  }
0x5f: {  	_ =	shalt  }
0x60: {  	_ =	shalt  }
0x61: {  	_ =	shalt  }
0x62: {  	_ =	shalt  }
0x63: {  	_ =	shalt  }
0x64: {  	_ =	shalt  }
0x65: {  	_ =	shalt  }
0x66: {  	_ =	shalt  }
0x67: {  	_ =	shalt  }
0x68: {  	_ =	shalt  }
0x69: {  	_ =	shalt  }
0x6a: {  	_ =	shalt  }
0x6b: {  	_ =	shalt  }
0x6c: {  	_ =	shalt  }
0x6d: {  	_ =	shalt  }
0x6e: {  	_ =	shalt  }
0x6f: {  	_ =	shalt  }
0x70: {  	_ =	shalt  }
0x71: {  	_ =	shalt  }
0x72: {  	_ =	shalt  }
0x73: {  	_ =	shalt  }
0x74: {  	_ =	shalt  }
0x75: {  	_ =	shalt  }
0x76: {  	_ =	shalt  }
0x77: {  	_ =	shalt  }
0x78: {  	_ =	shalt  }
0x79: {  	_ =	shalt  }
0x7a: {  	_ =	shalt  }
0x7b: {  	_ =	shalt  }
0x7c: {  	_ =	shalt  }
0x7d: {  	_ =	shalt  }
0x7e: {  	_ =	shalt  }
0x7f: {  	_ =	shalt  }
0x80: {  	_ =	shalt  }
0x81: {  	_ =	shalt  }
0x82: {  	_ =	shalt  }
0x83: {  	_ =	shalt  }
0x84: {  	_ =	shalt  }
0x85: {  	_ =	shalt  }
0x86: {  	_ =	shalt  }
0x87: {  	_ =	shalt  }
.Lfunc_end0:
.L_simem_size_0:
called_computation_lowered:
.L_overlay_start_0:
0x88: {  	s2 =	sld [smem:$0x3FD9]  }
0x89: {  	s3 =	sld [smem:$0x3FFE];
	_ =	sdelay $0x1  }
0x8a: {  	s1 =	srdreg.scid  }
0x8b: {  	s0 =	sand.u32 $0x1, s1  }
0x8c: {  	s17 =	sshll.u32 s0, $0xA;
	s2 =	sadd.s32 s3, s2  }
0x8d: {  	s2 =	sadd.s32 s2, s17  }
0x8e: {  	[smem:$0x3FC3] =	sst s2  }
0x8f: {  	_ = 	snop  }
0x90: {  	s2 =	sld [smem:$0x3FD0];
	(tm) =	ssettm $0x1  }
0x91: {  	s18 =	sld [smem:$0x3FFB];
	_ =	sdelay $0x3  }
0x92: {  	_ =	strace s18  }
0x93: {  	s3 =	sld [smem:$0x3FFC];
	_ =	sdelay $0x3  }
0x94: {  	_ =	strace s3  }
0x95: {  	s3 =	sld [smem:$0x3FFD];
	_ =	sdelay $0x3  }
0x96: {  	_ =	strace s3  }
0x97: {  	_ =	strace $0x8FFFFFFF  }
0x98: {  	s19 =	sld [smem:$0x3FDB];
	_ =	sdelay $0x1  }
0x99: {  	s4 =	simm.s32 $_scs_section_size  }
0x9a: {  	s5 =	simm.s32 $_size__tile_overlayer_lowered;
	s6 =	simm.s32 $_tile_overlayer_lowered  }
0x9b: {  	s22 =	simm.s32 $0x1BFF;
	s21 =	sshll.u32 s6, $0x1;
	s3 =	sadd.s32 s4, s19  }
0x9c: {  	s7 =	simm.s32 $0x0;
	s20 =	sshll.u32 s5, $0x1;
	s5 =	sadd.s32 s21, s3  }
0x9d: {  	[timem:s7], [sflag:s22] =	dma.local [hbm:s5], s20  }
0x9e: {  	_ =	swait.ge [sflag:s22], s20  }
0x9f: {  	s4 =	ssub.s32 $0x0, s20;
	[sflag:s22] =	ssyncset.done $0x0  }
0xa0: {  	[sflag:s22] =	ssyncadd.s32 s4;
	_ =	sdelay $0x1  }
0xa1: {  	s23 =	simm.s32 $0x1B8B  }
0xa2: {  	_ =	swait.ge [sflag:s23], $0x1  }
0xa3: {  	[sflag:s23] =	ssyncset.done $0x0  }
0xa4: {  	s25 =	simm.s32 $0x1B8E;
	s24 =	sld [smem:$0x3FFE];
	[sflag:s23] =	ssyncadd.s32 $0xFFFFFFFF  }
0xa5: {  	s26 =	simm.s32 $execute0_lowered;
	[smem:$0x3FD2] =	sst s25  }
0xa6: {  	s5 =	sshll.u32 s26, $0x1;
	_ =	strace $0x80000046;
	[dreg:$0x1] =	wrdreg $0xFFFFFFFF  }
0xa7: {  	s28 =	simm.s32 $_size_execute0_lowered;
	s3 =	sadd.s32 s3, s5;
	[dreg:$0x0] =	wrdreg $0x0  }
0xa8: {  	s5 =	sshll.u32 s28, $0x1;
	[dreg:$0x2] =	wrdreg s3  }
0xa9: {  	[dreg:$0x3] =	wrdreg s5  }
0xaa: {  	[dreg:$0x4] =	wrdreg $0xC0  }
0xab: {  	_ =	task [dreg:s7], $0x5FFFF  }
0xac: {  	[dreg:$0x1] =	wrdreg $0xFFFFFFFF  }
0xad: {  	[dreg:$0x0] =	wrdreg $0x60  }
0xae: {  	[dreg:$0x2] =	wrdreg s24  }
0xaf: {  	[dreg:$0x3] =	wrdreg s2  }
0xb0: {  	[dreg:$0x4] =	wrdreg $0x9  }
0xb1: {  	_ =	task.clear_ibuf [dreg:s7], $0x5FFFF;
	_ =	strace $0x90000046  }
0xb2: {  	s29 =	simm.s32 $0x9;
	_ =	strace $0x80000048  }
0xb3: {  	_ =	swait.ge [sflag:s29], $0x1  }
0xb4: {  	[sflag:s29] =	ssyncadd.s32 $0xFFFFFFFF  }
0xb5: {  	_ =	strace $0x90000048  }
0xb6: {  	_ =	sfence  }
0xb7: {  	s30 =	sld [smem:$0x0];
	_ =	sdelay $0x2  }
0xb8: {  	s31 =	sshll.u32 s1, $0xD;
	s1 =	sshrl.u32 s1, $0x2  }
0xb9: {  	s3 =	sand.u32 $0x4000, s31;
	s1 =	sadd.s32 s1, s30  }
0xba: {  	s0 =	sor.u32 s3, s0;
	s1 =	sshll.u32 s1, $0x11  }
0xbb: {  	s0 =	sor.u32 s1, s0  }
0xbc: {  	s0 =	sadd.s32 $0x8F2B, s0  }
0xbd: {  	[sflag:s0] =	ssyncadd.remote.s32 $0x1  }
0xbe: {  	_ =	sfence.sel $0xFFFF  }
0xbf: {  	[dreg:$0x0] =	wrdreg $0xFFFFFFFF;
	(pc) =	sbr.abs _section_cstart, $3  }
0xc0: {  	[dreg:$0x1] =	wrdreg $0xFFFFFFFF  }
0xc1: {  	_ =	task.clear_ibuf [dreg:s7], $0x2FFFF;
	_ =	strace $0x9FFFFFFF  }
0xc2: {  	(tm) =	ssettm $0x7FFFFFFF  }
0xc3: {  	_ =	shalt  }
tec
execute0_lowered:
.L_overlay_start_1:
0x0: {  	(tag) =	ssettag $0x1  }
0x1: {  	s0 =	rddreg [dreg:$0x0]  }
0x2: {  	s1 =	rddreg [dreg:$0x1];
	s3 =	srdreg.scid;
	s2 =	simm.s32 $0x0  }
0x3: {  	s12 =	stileid.u32;
	s30 =	simm.s32 $0x48;
	s28 =	simm.s32 $0x16B00  }
0x4: {  	s31 =	simm.s32 $0x7;
	s5 =	sand.u32 $0x1, s3;
	[smem:$0x7FF] =	sst s2  }
0x5: {  	s13 =	sshll.u32 s12, $0x8;
	s6 =	sadd.s32 $0x81C00, s0;
	s21 =	smul.u32 $0x1900, s12  }
0x6: {  	s7 =	sadd.s32 $0x68C00, s0;
	s10 =	sadd.s32 $0x4FC00, s0;
	s12 =	smul.u32 $0xC8000, s12  }
0x7: {  	s4 =	sshll.u32 s5, $0x7;
	_ =	strace $0x80000047;
	s23 =	smul.u32 $0xC80, s5  }
0x8: {  	s8 =	ssub.s32 $0x2, s5;
	s5 =	smul.u32 $0x64000, s5;
	s3 =	sor.u32 s4, s13  }
0x9: {  	s11 =	sshrl.u32 s8, $0x1;
	s4 =	sadd.s32 $0xC00, s0;
	s25 =	sadd.s32 s12, s1  }
0xa: {  	s26 =	sadd.s32 s21, s7;
	s29 =	sadd.s32 s21, s10;
	s12 =	simm.s32 $0x6  }
0xb: {  	s1 =	simm.s32 $0x8;
	s9 =	smul.u32 $0x19, s3;
	s14 =	ssub.s32 s8, s11  }
0xc: {  	s3 =	sadd.s32 $0xF43000, s0;
	s11 =	simm.s32 $0x0;
	s0 =	smax.u32 s14, $0x1  }
0xd: {  	s14 =	simm.s32 $0x4;
	s15 =	sadd.s32 s6, s9;
	s16 =	sadd.s32 s7, s9  }
0xe: {  	s17 =	sadd.s32 s10, s9;
	s18 =	sor.u32 $0x19, s9;
	[dreg:$0xc] =	wrdreg s0  }
0xf: {  	s22 =	sor.u32 $0x32, s9;
	s0 =	sadd.s32 s5, s25;
	[dreg:$0x3] =	wrdreg s15  }
0x10: {  	s25 =	simm.s32 $0x80;
	s5 =	simm.s32 $0x2;
	[dreg:$0x4] =	wrdreg s16  }
0x11: {  	s9 =	simm.s32 $0x40;
	[dreg:$0x5] =	wrdreg s17;
	s19 =	sadd.s32 s6, s18  }
0x12: {  	s20 =	sadd.s32 s7, s18;
	s8 =	sadd.s32 s10, s18;
	[dreg:$0x6] =	wrdreg s19  }
0x13: {  	s13 =	sadd.s32 s6, s22;
	s24 =	sadd.s32 s7, s22;
	[dreg:$0x7] =	wrdreg s20  }
0x14: {  	s6 =	sadd.s32 s21, s6;
	s16 =	sadd.s32 s23, s26;
	[dreg:$0x8] =	wrdreg s8  }
0x15: {  	s17 =	sadd.s32 s23, s29;
	s0 =	sadd.s32 $0x2588, s0;
	[dreg:$0x9] =	wrdreg s13  }
.Ltmp0:
0x16: {  	s7 =	simm.s32 $0x5;
	[dreg:$0xa] =	wrdreg s24;
	(pc) =	sbr.rel .LBB2_1-.Ltmp0, $4  }
0x17: {  	s8 =	sadd.s32 s10, s22;
	s15 =	sadd.s32 s23, s6;
	[dreg:$0xd] =	wrdreg s0  }
0x18: {  	s24 =	simm.s32 $0x1;
	s20 =	simm.s32 $0xD00;
	s13 =	simm.s32 $0xD500  }
0x19: {  	s23 =	simm.s32 $0x3F00;
	s10 =	simm.s32 $0x1A0;
	s19 =	simm.s32 $0x3  }
0x1a: {  	s22 =	simm.s32 $0x9;
	s0 =	simm.s32 $0xA;
	[dreg:$0xb] =	wrdreg s8  }
.LBB2_10:
0x1b: {  	s6 =	simm.s32 $0xB  }
0x1c: {  	_ =	swait.ge [sflag:s6], $0x3200  }
0x1d: {  	[sflag:s6] =	ssyncset.done $0x0  }
0x1e: {  	[sflag:s6] =	ssyncadd.s32 $0xFFFFCE00  }
0x1f: {  	_ =	swait.ge [sflag:s6], $0x3200  }
0x20: {  	[sflag:s6] =	ssyncset.done $0x0  }
0x21: {  	s8 =	simm.s32 $0xC;
	[sflag:s6] =	ssyncadd.s32 $0xFFFFCE00  }
0x22: {  	_ =	swait.ge [sflag:s8], $0x3200  }
0x23: {  	[sflag:s8] =	ssyncset.done $0x0  }
0x24: {  	[sflag:s8] =	ssyncadd.s32 $0xFFFFCE00  }
0x25: {  	_ =	swait.ge [sflag:s8], $0x3200  }
0x26: {  	s11 =	rddreg [dreg:$0xe]  }
0x27: {  	s29 =	rddreg [dreg:$0xc];
	s11 =	sadd.s32 $0x1, s11  }
0x28: {  	p0 =	sne.s32 s11, s29  }
.Ltmp1:
0x29: {  	_ = 	snop;
	(pc) =	sbr.rel @!p0 .LBB2_11-.Ltmp1, $3  }
0x2a: {  	_ =	sdelay $0x1  }
0x2b: {  	[sflag:s8] =	ssyncset.done $0x0  }
0x2c: {  	[sflag:s8] =	ssyncadd.s32 $0xFFFFCE00  }
.LBB2_1:
0x2d: {  	[dreg:$0xe] =	wrdreg s11  }
0x2e: {  	s6 =	rddreg [dreg:$0x3]  }
0x2f: {  	[tilespmem:s2], [sflag:$0x1] =	stream.linear.gather [hbm4b:s6+s2], $0xC8, $0x38;
	[tilespmem:$0x19D00] =	vst v63  }
0x30: {  	s21 =	rddreg [dreg:$0x4];
	s8 =	simm.s32 $0x340  }
0x31: {  	[tilespmem:s8], [sflag:$0x1] =	stream.linear.gather [hbm4b:s21+s2], $0xC8, $0x38;
	[tilespmem:$0x19D00] =	vst v63  }
0x32: {  	s26 =	rddreg [dreg:$0x5];
	s29 =	simm.s32 $0x680  }
0x33: {  	[tilespmem:s29], [sflag:$0x1] =	stream.linear.gather [hbm4b:s26+s2], $0xC8, $0x38;
	[tilespmem:$0x19D00] =	vst v63  }
0x34: {  	s11 =	rddreg [dreg:$0x6];
	s8 =	simm.s32 $0xD0  }
0x35: {  	[tilespmem:s8], [sflag:$0x2] =	stream.linear.gather [hbm4b:s11+s2], $0xC8, $0x38;
	[tilespmem:$0x19D00] =	vst v63  }
0x36: {  	s18 =	rddreg [dreg:$0x7];
	s21 =	simm.s32 $0x410  }
0x37: {  	[tilespmem:s21], [sflag:$0x2] =	stream.linear.gather [hbm4b:s18+s2], $0xC8, $0x38;
	[tilespmem:$0x19D00] =	vst v63  }
0x38: {  	s26 =	rddreg [dreg:$0x8];
	s29 =	simm.s32 $0x750  }
0x39: {  	[tilespmem:s29], [sflag:$0x2] =	stream.linear.gather [hbm4b:s26+s2], $0xC8, $0x38;
	[tilespmem:$0x19D00] =	vst v63  }
0x3a: {  	_ =	swait.ge [sflag:s24], $0xC8  }
0x3b: {  	[sflag:s24] =	ssyncset.done $0x0  }
0x3c: {  	[sflag:s24] =	ssyncadd.s32 $0xFFFFFF38  }
0x3d: {  	_ =	swait.ge [sflag:s24], $0xC8  }
0x3e: {  	[sflag:s24] =	ssyncset.done $0x0  }
0x3f: {  	[sflag:s24] =	ssyncadd.s32 $0xFFFFFF38  }
0x40: {  	_ =	swait.ge [sflag:s24], $0xC8  }
0x41: {  	[sflag:s24] =	ssyncset.done $0x0  }
0x42: {  	[sflag:s24] =	ssyncadd.s32 $0xFFFFFF38  }
0x43: {  	v0 =	vld [tilespmem:$0x340]  }
0x44: {  	v1 =	vld [tilespmem:$0x680]  }
0x45: {  	v2 =	vld [tilespmem:$0x350]  }
0x46: {  	v3 =	vld [tilespmem:$0x690]  }
0x47: {  	v4 =	vld [tilespmem:$0x360]  }
0x48: {  	v5 =	vld [tilespmem:$0x6A0]  }
0x49: {  	v6 =	vld [tilespmem:$0x370]  }
0x4a: {  	v7 =	vld [tilespmem:$0x6B0]  }
0x4b: {  	v8 =	vld [tilespmem:$0x380]  }
0x4c: {  	v9 =	vld [tilespmem:$0x6C0]  }
0x4d: {  	v10 =	vld [tilespmem:$0x390]  }
0x4e: {  	v11 =	vld [tilespmem:$0x6D0]  }
0x4f: {  	v12 =	vld [tilespmem:$0x3A0]  }
0x50: {  	v13 =	vld [tilespmem:$0x6E0]  }
0x51: {  	v14 =	vld [tilespmem:$0x3B0]  }
0x52: {  	v15 =	vld [tilespmem:$0x6F0]  }
0x53: {  	v16 =	vld [tilespmem:$0x3C0];
	v0 =	vmul.u32 $0xC9, v0  }
0x54: {  	v17 =	vld [tilespmem:$0x700];
	v2 =	vmul.u32 $0xC9, v2  }
0x55: {  	v29 =	vld [tilespmem:$0x3D0];
	v28 =	vmul.u32 $0xC9, v4;
	v0 =	vadd.s32 v1, v0  }
0x56: {  	v32 =	vld [tilespmem:$0x710];
	v31 =	vmul.u32 $0xC9, v6;
	v30 =	vadd.s32 v3, v2;
	[tilespmem:$0x9C0] =	vst v0  }
0x57: {  	v35 =	vld [tilespmem:$0x3E0];
	v34 =	vmul.u32 $0xC9, v8;
	v33 =	vadd.s32 v5, v28;
	[tilespmem:$0x9D0] =	vst v30  }
0x58: {  	v38 =	vld [tilespmem:$0x720];
	v37 =	vmul.u32 $0xC9, v10;
	v36 =	vadd.s32 v7, v31;
	[tilespmem:$0x9E0] =	vst v33  }
0x59: {  	v41 =	vld [tilespmem:$0x3F0];
	v40 =	vmul.u32 $0xC9, v12;
	v39 =	vadd.s32 v9, v34;
	[tilespmem:$0x9F0] =	vst v36  }
0x5a: {  	v44 =	vld [tilespmem:$0x400];
	v43 =	vmul.u32 $0xC9, v14;
	v42 =	vadd.s32 v11, v37;
	[tilespmem:$0xA00] =	vst v39  }
0x5b: {  	v47 =	vld [tilespmem:$0x730];
	v46 =	vmul.u32 $0xC9, v16;
	v45 =	vadd.s32 v13, v40;
	[tilespmem:$0xA10] =	vst v42  }
0x5c: {  	v50 =	vld [tilespmem:$0x740];
	v49 =	vmul.u32 $0xC9, v29;
	v48 =	vadd.s32 v15, v43;
	[tilespmem:$0xA20] =	vst v45  }
0x5d: {  	v52 =	vmul.u32 $0xC9, v35;
	v51 =	vadd.s32 v17, v46;
	[tilespmem:$0xA30] =	vst v48  }
0x5e: {  	v54 =	vmul.u32 $0xC9, v41;
	v53 =	vadd.s32 v32, v49;
	[tilespmem:$0xA40] =	vst v51  }
0x5f: {  	v56 =	vmul.u32 $0xC9, v44;
	v55 =	vadd.s32 v38, v52;
	[tilespmem:$0xA50] =	vst v53  }
0x60: {  	v57 =	vadd.s32 v47, v54;
	[tilespmem:$0xA60] =	vst v55  }
0x61: {  	v58 =	vadd.s32 v50, v56;
	[tilespmem:$0xA70] =	vst v57  }
0x62: {  	[tilespmem:$0xA80] =	vst v58  }
0x63: {  	[tilespmem:s20], [sflag:$0x5] =	stream.indirect.gather [hbm4b:s3+s25], $0x40, s2, s25, $0xb8;
	[tilespmem:$0x19D00] =	vst v63  }
0x64: {  	s18 =	simm.s32 $0x9C0  }
0x65: {  	[tilespmem:s13], [sflag:$0x5] =	stream.indirect.gather [hbm4b:s4+s25], $0x40, s18, s25, $0xb8;
	[tilespmem:$0x19D00] =	vst v63  }
0x66: {  	s21 =	simm.s32 $0x2D00  }
0x67: {  	[tilespmem:s21], [sflag:$0x5] =	stream.indirect.gather [hbm4b:s3+s30], $0x40, s25, s30, $0xb8;
	[tilespmem:$0x19D00] =	vst v63  }
0x68: {  	s26 =	simm.s32 $0xA40;
	s29 =	simm.s32 $0xF500  }
0x69: {  	[tilespmem:s29], [sflag:$0x5] =	stream.indirect.gather [hbm4b:s4+s30], $0x40, s26, s30, $0xb8;
	[tilespmem:$0x19D00] =	vst v63  }
0x6a: {  	_ =	swait.ge [sflag:s5], $0xC8  }
0x6b: {  	[sflag:s5] =	ssyncset.done $0x0  }
0x6c: {  	[sflag:s5] =	ssyncadd.s32 $0xFFFFFF38  }
0x6d: {  	_ =	swait.ge [sflag:s5], $0xC8  }
0x6e: {  	[sflag:s5] =	ssyncset.done $0x0  }
0x6f: {  	[sflag:s5] =	ssyncadd.s32 $0xFFFFFF38  }
0x70: {  	_ =	swait.ge [sflag:s5], $0xC8  }
0x71: {  	[sflag:s5] =	ssyncset.done $0x0  }
0x72: {  	[sflag:s5] =	ssyncadd.s32 $0xFFFFFF38  }
0x73: {  	v59 =	vld [tilespmem:$0x410]  }
0x74: {  	v60 =	vld [tilespmem:$0x750]  }
0x75: {  	v61 =	vld [tilespmem:$0x420]  }
0x76: {  	v62 =	vld [tilespmem:$0x760]  }
0x77: {  	v63 =	vld [tilespmem:$0x430]  }
0x78: {  	v20 =	vld [tilespmem:$0x770]  }
0x79: {  	v21 =	vld [tilespmem:$0x440]  }
0x7a: {  	v22 =	vld [tilespmem:$0x780]  }
0x7b: {  	v23 =	vld [tilespmem:$0x450]  }
0x7c: {  	v24 =	vld [tilespmem:$0x790]  }
0x7d: {  	v25 =	vld [tilespmem:$0x460]  }
0x7e: {  	v26 =	vld [tilespmem:$0x7A0]  }
0x7f: {  	v27 =	vld [tilespmem:$0x470]  }
0x80: {  	v28 =	vld [tilespmem:$0x7B0]  }
0x81: {  	v29 =	vld [tilespmem:$0x480]  }
0x82: {  	v30 =	vld [tilespmem:$0x7C0]  }
0x83: {  	v31 =	vld [tilespmem:$0x490];
	v0 =	vmul.u32 $0xC9, v59  }
0x84: {  	v32 =	vld [tilespmem:$0x7D0];
	v2 =	vmul.u32 $0xC9, v61  }
0x85: {  	v34 =	vld [tilespmem:$0x4A0];
	v33 =	vmul.u32 $0xC9, v63;
	v0 =	vadd.s32 v60, v0  }
0x86: {  	v37 =	vld [tilespmem:$0x7E0];
	v36 =	vmul.u32 $0xC9, v21;
	v35 =	vadd.s32 v62, v2;
	[tilespmem:$0xA90] =	vst v0  }
0x87: {  	v40 =	vld [tilespmem:$0x4B0];
	v39 =	vmul.u32 $0xC9, v23;
	v38 =	vadd.s32 v20, v33;
	[tilespmem:$0xAA0] =	vst v35  }
0x88: {  	v43 =	vld [tilespmem:$0x7F0];
	v42 =	vmul.u32 $0xC9, v25;
	v41 =	vadd.s32 v22, v36;
	[tilespmem:$0xAB0] =	vst v38  }
0x89: {  	v46 =	vld [tilespmem:$0x4C0];
	v45 =	vmul.u32 $0xC9, v27;
	v44 =	vadd.s32 v24, v39;
	[tilespmem:$0xAC0] =	vst v41  }
0x8a: {  	v49 =	vld [tilespmem:$0x4D0];
	v48 =	vmul.u32 $0xC9, v29;
	v47 =	vadd.s32 v26, v42;
	[tilespmem:$0xAD0] =	vst v44  }
0x8b: {  	v52 =	vld [tilespmem:$0x800];
	v51 =	vmul.u32 $0xC9, v31;
	v50 =	vadd.s32 v28, v45;
	[tilespmem:$0xAE0] =	vst v47  }
0x8c: {  	v55 =	vld [tilespmem:$0x810];
	v54 =	vmul.u32 $0xC9, v34;
	v53 =	vadd.s32 v30, v48;
	[tilespmem:$0xAF0] =	vst v50  }
0x8d: {  	v57 =	vmul.u32 $0xC9, v40;
	v56 =	vadd.s32 v32, v51;
	[tilespmem:$0xB00] =	vst v53  }
0x8e: {  	v59 =	vmul.u32 $0xC9, v46;
	v58 =	vadd.s32 v37, v54;
	[tilespmem:$0xB10] =	vst v56  }
0x8f: {  	v61 =	vmul.u32 $0xC9, v49;
	v60 =	vadd.s32 v43, v57;
	[tilespmem:$0xB20] =	vst v58  }
0x90: {  	v62 =	vadd.s32 v52, v59;
	[tilespmem:$0xB30] =	vst v60  }
0x91: {  	v63 =	vadd.s32 v55, v61;
	[tilespmem:$0xB40] =	vst v62  }
0x92: {  	[tilespmem:$0xB50] =	vst v63  }
0x93: {  	[tilespmem:s23], [sflag:$0x6] =	stream.indirect.gather [hbm4b:s3+s25], $0x40, s8, s25, $0xb8;
	[tilespmem:$0x19D00] =	vst v63  }
0x94: {  	s11 =	simm.s32 $0x10700;
	s8 =	simm.s32 $0xA90  }
0x95: {  	[tilespmem:s11], [sflag:$0x6] =	stream.indirect.gather [hbm4b:s4+s25], $0x40, s8, s25, $0xb8;
	[tilespmem:$0x19D00] =	vst v63  }
0x96: {  	s18 =	simm.s32 $0x150;
	s21 =	simm.s32 $0x5F00  }
0x97: {  	[tilespmem:s21], [sflag:$0x6] =	stream.indirect.gather [hbm4b:s3+s30], $0x40, s18, s30, $0xb8;
	[tilespmem:$0x19D00] =	vst v63  }
0x98: {  	s26 =	simm.s32 $0xB10;
	s29 =	simm.s32 $0x12700;
	s11 =	rddreg [dreg:$0x9]  }
0x99: {  	[tilespmem:s29], [sflag:$0x6] =	stream.indirect.gather [hbm4b:s4+s30], $0x40, s26, s30, $0xb8;
	[tilespmem:$0x19D00] =	vst v63  }
0x9a: {  	s18 =	rddreg [dreg:$0xa]  }
0x9b: {  	[tilespmem:s10], [sflag:$0x3] =	stream.linear.gather [hbm4b:s11+s2], $0xC8, $0x38;
	[tilespmem:$0x19D00] =	vst v63  }
0x9c: {  	s21 =	simm.s32 $0x4E0;
	s26 =	rddreg [dreg:$0xb]  }
0x9d: {  	[tilespmem:s21], [sflag:$0x3] =	stream.linear.gather [hbm4b:s18+s2], $0xC8, $0x38;
	[tilespmem:$0x19D00] =	vst v63  }
0x9e: {  	s29 =	simm.s32 $0x820;
	s11 =	simm.s32 $0x0;
	s21 =	rddreg [dreg:$0xd]  }
0x9f: {  	[tilespmem:s29], [sflag:$0x3] =	stream.linear.gather [hbm4b:s26+s2], $0xC8, $0x38;
	[tilespmem:$0x19D00] =	vst v63  }
.LBB2_2:
0xa0: {  	p0 =	seq.s32 s11, $0x0  }
0xa1: {  	s6 =	simm.s32 @!p0 $0xB  }
0xa2: {  	_ =	swait.ge @!p0 [sflag:s6], $0x3200  }
0xa3: {  	[sflag:s6] =	ssyncset.done @!p0 $0x0  }
0xa4: {  	[sflag:s6] =	ssyncadd.s32 @!p0 $0xFFFFCE00  }
0xa5: {  	_ =	swait.ge @!p0 [sflag:s6], $0x3200  }
0xa6: {  	[sflag:s6] =	ssyncset.done @!p0 $0x0  }
0xa7: {  	[sflag:s6] =	ssyncadd.s32 @!p0 $0xFFFFCE00  }
0xa8: {  	_ =	swait.ge [sflag:s19], $0xC8  }
0xa9: {  	[sflag:s19] =	ssyncset.done $0x0  }
0xaa: {  	[sflag:s19] =	ssyncadd.s32 $0xFFFFFF38  }
0xab: {  	_ =	swait.ge [sflag:s19], $0xC8  }
0xac: {  	[sflag:s19] =	ssyncset.done $0x0  }
0xad: {  	[sflag:s19] =	ssyncadd.s32 $0xFFFFFF38  }
0xae: {  	_ =	swait.ge [sflag:s19], $0xC8  }
0xaf: {  	[sflag:s19] =	ssyncset.done $0x0  }
0xb0: {  	[sflag:s19] =	ssyncadd.s32 $0xFFFFFF38  }
0xb1: {  	v0 =	vld [tilespmem:$0x4E0]  }
0xb2: {  	v1 =	vld [tilespmem:$0x820]  }
0xb3: {  	v2 =	vld [tilespmem:$0x4F0]  }
0xb4: {  	v3 =	vld [tilespmem:$0x830]  }
0xb5: {  	v4 =	vld [tilespmem:$0x500]  }
0xb6: {  	v5 =	vld [tilespmem:$0x840]  }
0xb7: {  	v6 =	vld [tilespmem:$0x510]  }
0xb8: {  	v7 =	vld [tilespmem:$0x850]  }
0xb9: {  	v8 =	vld [tilespmem:$0x520]  }
0xba: {  	v9 =	vld [tilespmem:$0x860]  }
0xbb: {  	v10 =	vld [tilespmem:$0x530]  }
0xbc: {  	v11 =	vld [tilespmem:$0x870]  }
0xbd: {  	v12 =	vld [tilespmem:$0x540]  }
0xbe: {  	v13 =	vld [tilespmem:$0x880]  }
0xbf: {  	v14 =	vld [tilespmem:$0x550]  }
0xc0: {  	v15 =	vld [tilespmem:$0x890]  }
0xc1: {  	v16 =	vld [tilespmem:$0x560];
	v0 =	vmul.u32 $0xC9, v0  }
0xc2: {  	v17 =	vld [tilespmem:$0x8A0];
	v2 =	vmul.u32 $0xC9, v2  }
0xc3: {  	v29 =	vld [tilespmem:$0x570];
	v28 =	vmul.u32 $0xC9, v4;
	v0 =	vadd.s32 v1, v0  }
0xc4: {  	v32 =	vld [tilespmem:$0x8B0];
	v31 =	vmul.u32 $0xC9, v6;
	v30 =	vadd.s32 v3, v2;
	[tilespmem:$0xB60] =	vst v0  }
0xc5: {  	v35 =	vld [tilespmem:$0x580];
	v34 =	vmul.u32 $0xC9, v8;
	v33 =	vadd.s32 v5, v28;
	[tilespmem:$0xB70] =	vst v30  }
0xc6: {  	v38 =	vld [tilespmem:$0x8C0];
	v37 =	vmul.u32 $0xC9, v10;
	v36 =	vadd.s32 v7, v31;
	[tilespmem:$0xB80] =	vst v33  }
0xc7: {  	v41 =	vld [tilespmem:$0x590];
	v40 =	vmul.u32 $0xC9, v12;
	v39 =	vadd.s32 v9, v34;
	[tilespmem:$0xB90] =	vst v36  }
0xc8: {  	v44 =	vld [tilespmem:$0x5A0];
	v43 =	vmul.u32 $0xC9, v14;
	v42 =	vadd.s32 v11, v37;
	[tilespmem:$0xBA0] =	vst v39  }
0xc9: {  	v47 =	vld [tilespmem:$0x8D0];
	v46 =	vmul.u32 $0xC9, v16;
	v45 =	vadd.s32 v13, v40;
	[tilespmem:$0xBB0] =	vst v42  }
0xca: {  	v50 =	vld [tilespmem:$0x8E0];
	v49 =	vmul.u32 $0xC9, v29;
	v48 =	vadd.s32 v15, v43;
	[tilespmem:$0xBC0] =	vst v45  }
0xcb: {  	v52 =	vmul.u32 $0xC9, v35;
	v51 =	vadd.s32 v17, v46;
	[tilespmem:$0xBD0] =	vst v48  }
0xcc: {  	v54 =	vmul.u32 $0xC9, v41;
	v53 =	vadd.s32 v32, v49;
	[tilespmem:$0xBE0] =	vst v51  }
0xcd: {  	v56 =	vmul.u32 $0xC9, v44;
	v55 =	vadd.s32 v38, v52;
	[tilespmem:$0xBF0] =	vst v53  }
0xce: {  	v57 =	vadd.s32 v47, v54;
	[tilespmem:$0xC00] =	vst v55  }
0xcf: {  	v58 =	vadd.s32 v50, v56;
	[tilespmem:$0xC10] =	vst v57  }
0xd0: {  	s18 =	simm.s32 $0x7100;
	[tilespmem:$0xC20] =	vst v58  }
0xd1: {  	[tilespmem:s18], [sflag:$0x7] =	stream.indirect.gather [hbm4b:s3+s25], $0x40, s10, s25, $0xb8;
	[tilespmem:$0x19D00] =	vst v63  }
0xd2: {  	s26 =	simm.s32 $0xB60;
	s8 =	simm.s32 $0x13900  }
0xd3: {  	[tilespmem:s8], [sflag:$0x7] =	stream.indirect.gather [hbm4b:s4+s25], $0x40, s26, s25, $0xb8;
	[tilespmem:$0x19D00] =	vst v63  }
0xd4: {  	s10 =	simm.s32 $0x9100;
	s8 =	simm.s32 $0x220  }
0xd5: {  	[tilespmem:s10], [sflag:$0x7] =	stream.indirect.gather [hbm4b:s3+s30], $0x40, s8, s30, $0xb8;
	[tilespmem:$0x19D00] =	vst v63  }
0xd6: {  	s18 =	simm.s32 $0xBE0;
	s26 =	simm.s32 $0x15900  }
0xd7: {  	[tilespmem:s26], [sflag:$0x7] =	stream.indirect.gather [hbm4b:s4+s30], $0x40, s18, s30, $0xb8;
	[tilespmem:$0x19D00] =	vst v63  }
0xd8: {  	_ =	swait.ge [sflag:s7], $0x2000  }
0xd9: {  	[sflag:s7] =	ssyncset.done $0x0  }
0xda: {  	[sflag:s7] =	ssyncadd.s32 $0xFFFFE000  }
0xdb: {  	_ =	swait.ge [sflag:s7], $0x2000  }
0xdc: {  	[sflag:s7] =	ssyncset.done $0x0  }
0xdd: {  	[sflag:s7] =	ssyncadd.s32 $0xFFFFE000  }
0xde: {  	_ =	swait.ge [sflag:s7], $0x1200  }
0xdf: {  	[sflag:s7] =	ssyncset.done $0x0  }
0xe0: {  	[sflag:s7] =	ssyncadd.s32 $0xFFFFEE00  }
0xe1: {  	_ =	swait.ge [sflag:s7], $0x1200  }
0xe2: {  	[sflag:s7] =	ssyncset.done $0x0  }
0xe3: {  	s8 =	sadd.s32 $0xFFFFDA78, s21;
	[sflag:s7] =	ssyncadd.s32 $0xFFFFEE00  }
0xe4: {  	[hbm4b:s8+s9] =	stream.strided.scatter [tilespmem:s20], [sflag:$0x9], $0x3200, s25, s9, $0x38;
	[tilespmem:$0x19D00] =	vst v63  }
0xe5: {  	s10 =	sadd.s32 $0xFFFFDA80, s21;
	s26 =	sadd.s32 s11, s15  }
0xe6: {  	[hbm4b:s10+s9] =	stream.strided.scatter [tilespmem:s13], [sflag:$0x9], $0x3200, s25, s9, $0x38;
	[tilespmem:$0x19D00] =	vst v63  }
0xe7: {  	s29 =	sadd.s32 s11, s16;
	s18 =	sadd.s32 $0x4B, s26;
	s10 =	simm.s32 $0x270  }
0xe8: {  	[tilespmem:s10], [sflag:$0x4] =	stream.linear.gather [hbm4b:s18+s2], $0xC8, $0x38;
	[tilespmem:$0x19D00] =	vst v63  }
0xe9: {  	s6 =	sadd.s32 s11, s17;
	s8 =	sadd.s32 $0x4B, s29;
	s18 =	simm.s32 $0x5B0  }
0xea: {  	[tilespmem:s18], [sflag:$0x4] =	stream.linear.gather [hbm4b:s8+s2], $0xC8, $0x38;
	[tilespmem:$0x19D00] =	vst v63  }
0xeb: {  	s8 =	sadd.s32 $0x4B, s6;
	s18 =	simm.s32 $0x8F0  }
0xec: {  	[tilespmem:s18], [sflag:$0x4] =	stream.linear.gather [hbm4b:s8+s2], $0xC8, $0x38;
	[tilespmem:$0x19D00] =	vst v63  }
0xed: {  	s8 =	simm.s32 @!p0 $0xC  }
0xee: {  	_ =	swait.ge @!p0 [sflag:s8], $0x3200  }
0xef: {  	[sflag:s8] =	ssyncset.done @!p0 $0x0  }
0xf0: {  	[sflag:s8] =	ssyncadd.s32 @!p0 $0xFFFFCE00  }
0xf1: {  	_ =	swait.ge @!p0 [sflag:s8], $0x3200  }
0xf2: {  	[sflag:s8] =	ssyncset.done @!p0 $0x0  }
0xf3: {  	[sflag:s8] =	ssyncadd.s32 @!p0 $0xFFFFCE00  }
0xf4: {  	_ =	swait.ge [sflag:s14], $0xC8  }
0xf5: {  	[sflag:s14] =	ssyncset.done $0x0  }
0xf6: {  	[sflag:s14] =	ssyncadd.s32 $0xFFFFFF38  }
0xf7: {  	_ =	swait.ge [sflag:s14], $0xC8  }
0xf8: {  	[sflag:s14] =	ssyncset.done $0x0  }
0xf9: {  	[sflag:s14] =	ssyncadd.s32 $0xFFFFFF38  }
0xfa: {  	_ =	swait.ge [sflag:s14], $0xC8  }
0xfb: {  	[sflag:s14] =	ssyncset.done $0x0  }
0xfc: {  	[sflag:s14] =	ssyncadd.s32 $0xFFFFFF38  }
0xfd: {  	v59 =	vld [tilespmem:$0x5B0]  }
0xfe: {  	v60 =	vld [tilespmem:$0x8F0]  }
0xff: {  	v61 =	vld [tilespmem:$0x5C0]  }
0x100: {  	v62 =	vld [tilespmem:$0x900]  }
0x101: {  	v63 =	vld [tilespmem:$0x5D0]  }
0x102: {  	v20 =	vld [tilespmem:$0x910]  }
0x103: {  	v21 =	vld [tilespmem:$0x5E0]  }
0x104: {  	v22 =	vld [tilespmem:$0x920]  }
0x105: {  	v23 =	vld [tilespmem:$0x5F0]  }
0x106: {  	v24 =	vld [tilespmem:$0x930]  }
0x107: {  	v25 =	vld [tilespmem:$0x600]  }
0x108: {  	v26 =	vld [tilespmem:$0x940]  }
0x109: {  	v27 =	vld [tilespmem:$0x610]  }
0x10a: {  	v28 =	vld [tilespmem:$0x950]  }
0x10b: {  	v29 =	vld [tilespmem:$0x620]  }
0x10c: {  	v30 =	vld [tilespmem:$0x960]  }
0x10d: {  	v31 =	vld [tilespmem:$0x630];
	v0 =	vmul.u32 $0xC9, v59  }
0x10e: {  	v32 =	vld [tilespmem:$0x970];
	v2 =	vmul.u32 $0xC9, v61  }
0x10f: {  	v34 =	vld [tilespmem:$0x640];
	v33 =	vmul.u32 $0xC9, v63;
	v0 =	vadd.s32 v60, v0  }
0x110: {  	v37 =	vld [tilespmem:$0x980];
	v36 =	vmul.u32 $0xC9, v21;
	v35 =	vadd.s32 v62, v2;
	[tilespmem:$0xC30] =	vst v0  }
0x111: {  	v40 =	vld [tilespmem:$0x650];
	v39 =	vmul.u32 $0xC9, v23;
	v38 =	vadd.s32 v20, v33;
	[tilespmem:$0xC40] =	vst v35  }
0x112: {  	v43 =	vld [tilespmem:$0x990];
	v42 =	vmul.u32 $0xC9, v25;
	v41 =	vadd.s32 v22, v36;
	[tilespmem:$0xC50] =	vst v38  }
0x113: {  	v46 =	vld [tilespmem:$0x660];
	v45 =	vmul.u32 $0xC9, v27;
	v44 =	vadd.s32 v24, v39;
	[tilespmem:$0xC60] =	vst v41  }
0x114: {  	v49 =	vld [tilespmem:$0x670];
	v48 =	vmul.u32 $0xC9, v29;
	v47 =	vadd.s32 v26, v42;
	[tilespmem:$0xC70] =	vst v44  }
0x115: {  	v52 =	vld [tilespmem:$0x9A0];
	v51 =	vmul.u32 $0xC9, v31;
	v50 =	vadd.s32 v28, v45;
	[tilespmem:$0xC80] =	vst v47  }
0x116: {  	v55 =	vld [tilespmem:$0x9B0];
	v54 =	vmul.u32 $0xC9, v34;
	v53 =	vadd.s32 v30, v48;
	[tilespmem:$0xC90] =	vst v50  }
0x117: {  	v57 =	vmul.u32 $0xC9, v40;
	v56 =	vadd.s32 v32, v51;
	[tilespmem:$0xCA0] =	vst v53  }
0x118: {  	v59 =	vmul.u32 $0xC9, v46;
	v58 =	vadd.s32 v37, v54;
	[tilespmem:$0xCB0] =	vst v56  }
0x119: {  	v61 =	vmul.u32 $0xC9, v49;
	v60 =	vadd.s32 v43, v57;
	[tilespmem:$0xCC0] =	vst v58  }
0x11a: {  	v62 =	vadd.s32 v52, v59;
	[tilespmem:$0xCD0] =	vst v60  }
0x11b: {  	v63 =	vadd.s32 v55, v61;
	[tilespmem:$0xCE0] =	vst v62  }
0x11c: {  	s18 =	simm.s32 $0xA300;
	[tilespmem:$0xCF0] =	vst v63  }
0x11d: {  	[tilespmem:s18], [sflag:$0x8] =	stream.indirect.gather [hbm4b:s3+s25], $0x40, s10, s25, $0xb8;
	[tilespmem:$0x19D00] =	vst v63  }
0x11e: {  	s10 =	simm.s32 $0xC30  }
0x11f: {  	[tilespmem:s28], [sflag:$0x8] =	stream.indirect.gather [hbm4b:s4+s25], $0x40, s10, s25, $0xb8;
	[tilespmem:$0x19D00] =	vst v63  }
0x120: {  	s8 =	simm.s32 $0x2F0;
	s10 =	simm.s32 $0xC300  }
0x121: {  	[tilespmem:s10], [sflag:$0x8] =	stream.indirect.gather [hbm4b:s3+s30], $0x40, s8, s30, $0xb8;
	[tilespmem:$0x19D00] =	vst v63  }
0x122: {  	s8 =	simm.s32 $0xCB0;
	s10 =	simm.s32 $0x18B00  }
0x123: {  	[tilespmem:s10], [sflag:$0x8] =	stream.indirect.gather [hbm4b:s4+s30], $0x40, s8, s30, $0xb8;
	[tilespmem:$0x19D00] =	vst v63  }
0x124: {  	_ =	swait.ge [sflag:s12], $0x2000  }
0x125: {  	[sflag:s12] =	ssyncset.done $0x0  }
0x126: {  	[sflag:s12] =	ssyncadd.s32 $0xFFFFE000  }
0x127: {  	_ =	swait.ge [sflag:s12], $0x2000  }
0x128: {  	[sflag:s12] =	ssyncset.done $0x0  }
0x129: {  	[sflag:s12] =	ssyncadd.s32 $0xFFFFE000  }
0x12a: {  	_ =	swait.ge [sflag:s12], $0x1200  }
0x12b: {  	[sflag:s12] =	ssyncset.done $0x0  }
0x12c: {  	[sflag:s12] =	ssyncadd.s32 $0xFFFFEE00  }
0x12d: {  	p0 =	seq.s32 s11, $0xC1C;
	_ =	swait.ge [sflag:s12], $0x1200  }
.Ltmp2:
0x12e: {  	[sflag:s12] =	ssyncset.done $0x0;
	(pc) =	sbr.rel @!p0 .LBB2_3-.Ltmp2, $4  }
0x12f: {  	s10 =	sadd.s32 $0xFFFFE6F8, s21;
	[sflag:s12] =	ssyncadd.s32 $0xFFFFEE00  }
0x130: {  	[hbm4b:s10+s9] =	stream.strided.scatter [tilespmem:s23], [sflag:$0xA], $0x3200, s25, s9, $0x38;
	[tilespmem:$0x19D00] =	vst v63  }
0x131: {  	s8 =	sadd.s32 $0xFFFFE700, s21;
	s10 =	simm.s32 $0x10700  }
0x132: {  	[hbm4b:s8+s9] =	stream.strided.scatter [tilespmem:s10], [sflag:$0xA], $0x3200, s25, s9, $0x38;
	[tilespmem:$0x19D00] =	vst v63  }
0x133: {  	_ =	swait.ge [sflag:s22], $0x3200  }
.Ltmp3:
0x134: {  	[sflag:s22] =	ssyncset.done $0x0;
	(pc) =	sbr.rel .LBB2_5-.Ltmp3, $4  }
0x135: {  	[sflag:s22] =	ssyncadd.s32 $0xFFFFCE00  }
0x136: {  	_ =	swait.ge [sflag:s22], $0x3200  }
0x137: {  	[sflag:s22] =	ssyncset.done $0x0  }
0x138: {  	[sflag:s22] =	ssyncadd.s32 $0xFFFFCE00  }
.LBB2_3:
0x139: {  	s8 =	sadd.s32 $0x64, s26;
	s13 =	smov.u32 s17  }
0x13a: {  	s17 =	smov.u32 s16;
	s23 =	smov.u32 s15;
	s10 =	simm.s32 $0x340  }
0x13b: {  	[tilespmem:s2], [sflag:$0x1] =	stream.linear.gather [hbm4b:s8+s2], $0xC8, $0x38;
	[tilespmem:$0x19D00] =	vst v63  }
0x13c: {  	s8 =	sadd.s32 $0x64, s29;
	s15 =	smov.u32 s23;
	s16 =	smov.u32 s17  }
0x13d: {  	[tilespmem:s10], [sflag:$0x1] =	stream.linear.gather [hbm4b:s8+s2], $0xC8, $0x38;
	[tilespmem:$0x19D00] =	vst v63  }
0x13e: {  	s17 =	smov.u32 s13;
	s13 =	sadd.s32 $0x64, s6;
	s23 =	simm.s32 $0x680  }
0x13f: {  	[tilespmem:s23], [sflag:$0x1] =	stream.linear.gather [hbm4b:s13+s2], $0xC8, $0x38;
	[tilespmem:$0x19D00] =	vst v63  }
0x140: {  	_ =	swait.ge [sflag:s22], $0x3200  }
0x141: {  	[sflag:s22] =	ssyncset.done $0x0  }
0x142: {  	[sflag:s22] =	ssyncadd.s32 $0xFFFFCE00  }
0x143: {  	_ =	swait.ge [sflag:s22], $0x3200  }
0x144: {  	[sflag:s22] =	ssyncset.done $0x0  }
0x145: {  	[sflag:s22] =	ssyncadd.s32 $0xFFFFCE00  }
0x146: {  	_ =	swait.ge [sflag:s24], $0xC8  }
0x147: {  	[sflag:s24] =	ssyncset.done $0x0  }
0x148: {  	[sflag:s24] =	ssyncadd.s32 $0xFFFFFF38  }
0x149: {  	_ =	swait.ge [sflag:s24], $0xC8  }
0x14a: {  	[sflag:s24] =	ssyncset.done $0x0  }
0x14b: {  	[sflag:s24] =	ssyncadd.s32 $0xFFFFFF38  }
0x14c: {  	_ =	swait.ge [sflag:s24], $0xC8  }
0x14d: {  	[sflag:s24] =	ssyncset.done $0x0  }
0x14e: {  	[sflag:s24] =	ssyncadd.s32 $0xFFFFFF38  }
0x14f: {  	v0 =	vld [tilespmem:$0x340]  }
0x150: {  	v1 =	vld [tilespmem:$0x680]  }
0x151: {  	v2 =	vld [tilespmem:$0x350]  }
0x152: {  	v3 =	vld [tilespmem:$0x690]  }
0x153: {  	v4 =	vld [tilespmem:$0x360]  }
0x154: {  	v5 =	vld [tilespmem:$0x6A0]  }
0x155: {  	v6 =	vld [tilespmem:$0x370]  }
0x156: {  	v7 =	vld [tilespmem:$0x6B0]  }
0x157: {  	v8 =	vld [tilespmem:$0x380]  }
0x158: {  	v9 =	vld [tilespmem:$0x6C0]  }
0x159: {  	v10 =	vld [tilespmem:$0x390]  }
0x15a: {  	v11 =	vld [tilespmem:$0x6D0]  }
0x15b: {  	v12 =	vld [tilespmem:$0x3A0]  }
0x15c: {  	v13 =	vld [tilespmem:$0x6E0]  }
0x15d: {  	v14 =	vld [tilespmem:$0x3B0]  }
0x15e: {  	v15 =	vld [tilespmem:$0x6F0]  }
0x15f: {  	v16 =	vld [tilespmem:$0x3C0];
	v0 =	vmul.u32 $0xC9, v0  }
0x160: {  	v17 =	vld [tilespmem:$0x700];
	v2 =	vmul.u32 $0xC9, v2  }
0x161: {  	v34 =	vld [tilespmem:$0x3D0];
	v33 =	vmul.u32 $0xC9, v4;
	v0 =	vadd.s32 v1, v0  }
0x162: {  	v37 =	vld [tilespmem:$0x710];
	v36 =	vmul.u32 $0xC9, v6;
	v35 =	vadd.s32 v3, v2;
	[tilespmem:$0x9C0] =	vst v0  }
0x163: {  	v40 =	vld [tilespmem:$0x3E0];
	v39 =	vmul.u32 $0xC9, v8;
	v38 =	vadd.s32 v5, v33;
	[tilespmem:$0x9D0] =	vst v35  }
0x164: {  	v43 =	vld [tilespmem:$0x720];
	v42 =	vmul.u32 $0xC9, v10;
	v41 =	vadd.s32 v7, v36;
	[tilespmem:$0x9E0] =	vst v38  }
0x165: {  	v46 =	vld [tilespmem:$0x3F0];
	v45 =	vmul.u32 $0xC9, v12;
	v44 =	vadd.s32 v9, v39;
	[tilespmem:$0x9F0] =	vst v41  }
0x166: {  	v49 =	vld [tilespmem:$0x400];
	v48 =	vmul.u32 $0xC9, v14;
	v47 =	vadd.s32 v11, v42;
	[tilespmem:$0xA00] =	vst v44  }
0x167: {  	v52 =	vld [tilespmem:$0x730];
	v51 =	vmul.u32 $0xC9, v16;
	v50 =	vadd.s32 v13, v45;
	[tilespmem:$0xA10] =	vst v47  }
0x168: {  	v55 =	vld [tilespmem:$0x740];
	v54 =	vmul.u32 $0xC9, v34;
	v53 =	vadd.s32 v15, v48;
	[tilespmem:$0xA20] =	vst v50  }
0x169: {  	v57 =	vmul.u32 $0xC9, v40;
	v56 =	vadd.s32 v17, v51;
	[tilespmem:$0xA30] =	vst v53  }
0x16a: {  	v59 =	vmul.u32 $0xC9, v46;
	v58 =	vadd.s32 v37, v54;
	[tilespmem:$0xA40] =	vst v56  }
0x16b: {  	v61 =	vmul.u32 $0xC9, v49;
	v60 =	vadd.s32 v43, v57;
	[tilespmem:$0xA50] =	vst v58  }
0x16c: {  	v62 =	vadd.s32 v52, v59;
	[tilespmem:$0xA60] =	vst v60  }
0x16d: {  	v63 =	vadd.s32 v55, v61;
	[tilespmem:$0xA70] =	vst v62  }
0x16e: {  	[tilespmem:$0xA80] =	vst v63  }
0x16f: {  	[tilespmem:s20], [sflag:$0x5] =	stream.indirect.gather [hbm4b:s3+s25], $0x40, s2, s25, $0xb8;
	[tilespmem:$0x19D00] =	vst v63  }
0x170: {  	s10 =	simm.s32 $0x9C0;
	s13 =	simm.s32 $0xD500  }
0x171: {  	[tilespmem:s13], [sflag:$0x5] =	stream.indirect.gather [hbm4b:s4+s25], $0x40, s10, s25, $0xb8;
	[tilespmem:$0x19D00] =	vst v63  }
0x172: {  	s23 =	simm.s32 $0x2D00  }
0x173: {  	[tilespmem:s23], [sflag:$0x5] =	stream.indirect.gather [hbm4b:s3+s30], $0x40, s25, s30, $0xb8;
	[tilespmem:$0x19D00] =	vst v63  }
0x174: {  	s10 =	simm.s32 $0xA40;
	s23 =	simm.s32 $0xF500  }
0x175: {  	[tilespmem:s23], [sflag:$0x5] =	stream.indirect.gather [hbm4b:s4+s30], $0x40, s10, s30, $0xb8;
	[tilespmem:$0x19D00] =	vst v63  }
0x176: {  	s23 =	simm.s32 $0x3F00  }
.LBB2_5:
0x177: {  	_ =	swait.ge [sflag:s31], $0x2000  }
0x178: {  	[sflag:s31] =	ssyncset.done $0x0  }
0x179: {  	[sflag:s31] =	ssyncadd.s32 $0xFFFFE000  }
0x17a: {  	_ =	swait.ge [sflag:s31], $0x2000  }
0x17b: {  	[sflag:s31] =	ssyncset.done $0x0  }
0x17c: {  	[sflag:s31] =	ssyncadd.s32 $0xFFFFE000  }
0x17d: {  	_ =	swait.ge [sflag:s31], $0x1200  }
0x17e: {  	[sflag:s31] =	ssyncset.done $0x0  }
0x17f: {  	[sflag:s31] =	ssyncadd.s32 $0xFFFFEE00  }
0x180: {  	_ =	swait.ge [sflag:s31], $0x1200  }
.Ltmp4:
0x181: {  	[sflag:s31] =	ssyncset.done $0x0;
	(pc) =	sbr.rel @!p0 .LBB2_6-.Ltmp4, $4  }
0x182: {  	s8 =	sadd.s32 $0xFFFFF378, s21;
	s10 =	simm.s32 $0x7100;
	[sflag:s31] =	ssyncadd.s32 $0xFFFFEE00  }
0x183: {  	[hbm4b:s8+s9] =	stream.strided.scatter [tilespmem:s10], [sflag:$0xB], $0x3200, s25, s9, $0x38;
	[tilespmem:$0x19D00] =	vst v63  }
0x184: {  	s8 =	sadd.s32 $0xFFFFF380, s21;
	s10 =	simm.s32 $0x13900  }
0x185: {  	[hbm4b:s8+s9] =	stream.strided.scatter [tilespmem:s10], [sflag:$0xB], $0x3200, s25, s9, $0x38;
	[tilespmem:$0x19D00] =	vst v63  }
0x186: {  	_ =	swait.ge [sflag:s0], $0x3200  }
.Ltmp5:
0x187: {  	[sflag:s0] =	ssyncset.done $0x0;
	(pc) =	sbr.rel .LBB2_8-.Ltmp5, $4  }
0x188: {  	[sflag:s0] =	ssyncadd.s32 $0xFFFFCE00  }
0x189: {  	_ =	swait.ge [sflag:s0], $0x3200  }
0x18a: {  	[sflag:s0] =	ssyncset.done $0x0  }
0x18b: {  	s10 =	simm.s32 $0x1A0;
	[sflag:s0] =	ssyncadd.s32 $0xFFFFCE00  }
.LBB2_6:
0x18c: {  	s8 =	sadd.s32 $0x7D, s26;
	s13 =	simm.s32 $0xD0  }
0x18d: {  	[tilespmem:s13], [sflag:$0x2] =	stream.linear.gather [hbm4b:s8+s2], $0xC8, $0x38;
	[tilespmem:$0x19D00] =	vst v63  }
0x18e: {  	s10 =	sadd.s32 $0x7D, s29;
	s20 =	simm.s32 $0x410  }
0x18f: {  	[tilespmem:s20], [sflag:$0x2] =	stream.linear.gather [hbm4b:s10+s2], $0xC8, $0x38;
	[tilespmem:$0x19D00] =	vst v63  }
0x190: {  	s20 =	sadd.s32 $0x7D, s6;
	s10 =	simm.s32 $0x750  }
0x191: {  	[tilespmem:s10], [sflag:$0x2] =	stream.linear.gather [hbm4b:s20+s2], $0xC8, $0x38;
	[tilespmem:$0x19D00] =	vst v63  }
0x192: {  	_ =	swait.ge [sflag:s0], $0x3200  }
0x193: {  	[sflag:s0] =	ssyncset.done $0x0  }
0x194: {  	[sflag:s0] =	ssyncadd.s32 $0xFFFFCE00  }
0x195: {  	_ =	swait.ge [sflag:s0], $0x3200  }
0x196: {  	[sflag:s0] =	ssyncset.done $0x0  }
0x197: {  	[sflag:s0] =	ssyncadd.s32 $0xFFFFCE00  }
0x198: {  	_ =	swait.ge [sflag:s5], $0xC8  }
0x199: {  	[sflag:s5] =	ssyncset.done $0x0  }
0x19a: {  	[sflag:s5] =	ssyncadd.s32 $0xFFFFFF38  }
0x19b: {  	_ =	swait.ge [sflag:s5], $0xC8  }
0x19c: {  	[sflag:s5] =	ssyncset.done $0x0  }
0x19d: {  	[sflag:s5] =	ssyncadd.s32 $0xFFFFFF38  }
0x19e: {  	_ =	swait.ge [sflag:s5], $0xC8  }
0x19f: {  	[sflag:s5] =	ssyncset.done $0x0  }
0x1a0: {  	[sflag:s5] =	ssyncadd.s32 $0xFFFFFF38  }
0x1a1: {  	v0 =	vld [tilespmem:$0x410]  }
0x1a2: {  	v1 =	vld [tilespmem:$0x750]  }
0x1a3: {  	v2 =	vld [tilespmem:$0x420]  }
0x1a4: {  	v3 =	vld [tilespmem:$0x760]  }
0x1a5: {  	v4 =	vld [tilespmem:$0x430]  }
0x1a6: {  	v5 =	vld [tilespmem:$0x770]  }
0x1a7: {  	v6 =	vld [tilespmem:$0x440]  }
0x1a8: {  	v7 =	vld [tilespmem:$0x780]  }
0x1a9: {  	v8 =	vld [tilespmem:$0x450]  }
0x1aa: {  	v9 =	vld [tilespmem:$0x790]  }
0x1ab: {  	v10 =	vld [tilespmem:$0x460]  }
0x1ac: {  	v11 =	vld [tilespmem:$0x7A0]  }
0x1ad: {  	v12 =	vld [tilespmem:$0x470]  }
0x1ae: {  	v13 =	vld [tilespmem:$0x7B0]  }
0x1af: {  	v14 =	vld [tilespmem:$0x480]  }
0x1b0: {  	v15 =	vld [tilespmem:$0x7C0]  }
0x1b1: {  	v16 =	vld [tilespmem:$0x490];
	v0 =	vmul.u32 $0xC9, v0  }
0x1b2: {  	v17 =	vld [tilespmem:$0x7D0];
	v2 =	vmul.u32 $0xC9, v2  }
0x1b3: {  	v34 =	vld [tilespmem:$0x4A0];
	v33 =	vmul.u32 $0xC9, v4;
	v0 =	vadd.s32 v1, v0  }
0x1b4: {  	v37 =	vld [tilespmem:$0x7E0];
	v36 =	vmul.u32 $0xC9, v6;
	v35 =	vadd.s32 v3, v2;
	[tilespmem:$0xA90] =	vst v0  }
0x1b5: {  	v40 =	vld [tilespmem:$0x4B0];
	v39 =	vmul.u32 $0xC9, v8;
	v38 =	vadd.s32 v5, v33;
	[tilespmem:$0xAA0] =	vst v35  }
0x1b6: {  	v43 =	vld [tilespmem:$0x7F0];
	v42 =	vmul.u32 $0xC9, v10;
	v41 =	vadd.s32 v7, v36;
	[tilespmem:$0xAB0] =	vst v38  }
0x1b7: {  	v46 =	vld [tilespmem:$0x4C0];
	v45 =	vmul.u32 $0xC9, v12;
	v44 =	vadd.s32 v9, v39;
	[tilespmem:$0xAC0] =	vst v41  }
0x1b8: {  	v49 =	vld [tilespmem:$0x4D0];
	v48 =	vmul.u32 $0xC9, v14;
	v47 =	vadd.s32 v11, v42;
	[tilespmem:$0xAD0] =	vst v44  }
0x1b9: {  	v52 =	vld [tilespmem:$0x800];
	v51 =	vmul.u32 $0xC9, v16;
	v50 =	vadd.s32 v13, v45;
	[tilespmem:$0xAE0] =	vst v47  }
0x1ba: {  	v55 =	vld [tilespmem:$0x810];
	v54 =	vmul.u32 $0xC9, v34;
	v53 =	vadd.s32 v15, v48;
	[tilespmem:$0xAF0] =	vst v50  }
0x1bb: {  	v57 =	vmul.u32 $0xC9, v40;
	v56 =	vadd.s32 v17, v51;
	[tilespmem:$0xB00] =	vst v53  }
0x1bc: {  	v59 =	vmul.u32 $0xC9, v46;
	v58 =	vadd.s32 v37, v54;
	[tilespmem:$0xB10] =	vst v56  }
0x1bd: {  	v61 =	vmul.u32 $0xC9, v49;
	v60 =	vadd.s32 v43, v57;
	[tilespmem:$0xB20] =	vst v58  }
0x1be: {  	v62 =	vadd.s32 v52, v59;
	[tilespmem:$0xB30] =	vst v60  }
0x1bf: {  	v63 =	vadd.s32 v55, v61;
	[tilespmem:$0xB40] =	vst v62  }
0x1c0: {  	[tilespmem:$0xB50] =	vst v63  }
0x1c1: {  	[tilespmem:s23], [sflag:$0x6] =	stream.indirect.gather [hbm4b:s3+s25], $0x40, s13, s25, $0xb8;
	[tilespmem:$0x19D00] =	vst v63  }
0x1c2: {  	s8 =	simm.s32 $0xA90;
	s10 =	simm.s32 $0x10700  }
0x1c3: {  	[tilespmem:s10], [sflag:$0x6] =	stream.indirect.gather [hbm4b:s4+s25], $0x40, s8, s25, $0xb8;
	[tilespmem:$0x19D00] =	vst v63  }
0x1c4: {  	s8 =	simm.s32 $0x150;
	s10 =	simm.s32 $0x5F00  }
0x1c5: {  	[tilespmem:s10], [sflag:$0x6] =	stream.indirect.gather [hbm4b:s3+s30], $0x40, s8, s30, $0xb8;
	[tilespmem:$0x19D00] =	vst v63  }
0x1c6: {  	s8 =	simm.s32 $0xB10;
	s10 =	simm.s32 $0x12700  }
0x1c7: {  	[tilespmem:s10], [sflag:$0x6] =	stream.indirect.gather [hbm4b:s4+s30], $0x40, s8, s30, $0xb8;
	[tilespmem:$0x19D00] =	vst v63  }
0x1c8: {  	s20 =	simm.s32 $0xD00;
	s13 =	simm.s32 $0xD500;
	s10 =	simm.s32 $0x1A0  }
.LBB2_8:
0x1c9: {  	_ =	swait.ge [sflag:s1], $0x2000  }
0x1ca: {  	[sflag:s1] =	ssyncset.done $0x0  }
0x1cb: {  	[sflag:s1] =	ssyncadd.s32 $0xFFFFE000  }
0x1cc: {  	_ =	swait.ge [sflag:s1], $0x2000  }
0x1cd: {  	[sflag:s1] =	ssyncset.done $0x0  }
0x1ce: {  	[sflag:s1] =	ssyncadd.s32 $0xFFFFE000  }
0x1cf: {  	_ =	swait.ge [sflag:s1], $0x1200  }
0x1d0: {  	[sflag:s1] =	ssyncset.done $0x0  }
0x1d1: {  	[sflag:s1] =	ssyncadd.s32 $0xFFFFEE00  }
0x1d2: {  	_ =	swait.ge [sflag:s1], $0x1200  }
.Ltmp6:
0x1d3: {  	[sflag:s1] =	ssyncset.done $0x0;
	(pc) =	sbr.rel @p0 .LBB2_10-.Ltmp6, $4  }
0x1d4: {  	s8 =	sadd.s32 $0xFFFFFFF8, s21;
	[sflag:s1] =	ssyncadd.s32 $0xFFFFEE00  }
0x1d5: {  	[hbm4b:s8+s9] =	stream.strided.scatter [tilespmem:s18], [sflag:$0xC], $0x3200, s25, s9, $0x38;
	[tilespmem:$0x19D00] =	vst v63  }
0x1d6: {  	_ = 	snop  }
0x1d7: {  	[hbm4b:s21+s9] =	stream.strided.scatter [tilespmem:s28], [sflag:$0xC], $0x3200, s25, s9, $0x38;
	[tilespmem:$0x19D00] =	vst v63  }
0x1d8: {  	s8 =	sadd.s32 $0x96, s26  }
0x1d9: {  	[tilespmem:s10], [sflag:$0x3] =	stream.linear.gather [hbm4b:s8+s2], $0xC8, $0x38;
	[tilespmem:$0x19D00] =	vst v63  }
.Ltmp7:
0x1da: {  	_ = 	snop;
	(pc) =	sbr.rel .LBB2_2-.Ltmp7, $4  }
0x1db: {  	s29 =	sadd.s32 $0x96, s29;
	s18 =	simm.s32 $0x4E0;
	s6 =	sadd.s32 $0x96, s6  }
0x1dc: {  	[tilespmem:s18], [sflag:$0x3] =	stream.linear.gather [hbm4b:s29+s2], $0xC8, $0x38;
	[tilespmem:$0x19D00] =	vst v63  }
0x1dd: {  	s11 =	sadd.s32 $0x64, s11;
	s21 =	sadd.s32 $0x3200, s21;
	s29 =	simm.s32 $0x820  }
0x1de: {  	[tilespmem:s29], [sflag:$0x3] =	stream.linear.gather [hbm4b:s6+s2], $0xC8, $0x38;
	[tilespmem:$0x19D00] =	vst v63  }
.LBB2_11:
0x1df: {  	_ =	sfence.sel $0x180000  }
0x1e0: {  	[bflag:$0x0] =	sbarrier.arrive $0xFFFF  }
0x1e1: {  	_ =	strace $0x90000047  }
0x1e2: {  	s0 =	stileid.u32;
	[bflag:$0x2] =	sbarrier.arrive $0xFFFF  }
0x1e3: {  	p0 =	sne.s32 s0, $0x0;
	s0 =	rddreg [dreg:$0x2]  }
0x1e4: {  	s0 =	sadd.s32 @!p0 $0x100000, s0  }
0x1e5: {  	[sflag:s0] =	ssyncadd.tile.s32 @!p0 $0x1;
	_ =	shalt  }
.Lfunc_end2:
_tile_overlayer_lowered:
.L_overlay_start_2:
0x1e6: {  	(tag) =	ssettag $0x2  }
0x1e7: {  	s0 =	rddreg [dreg:$0x0];
	s2 =	stileid.u32  }
0x1e8: {  	s1 =	rddreg [dreg:$0x1];
	p0 =	sne.s32 s2, $0x0  }
0x1e9: {  	s3 =	rddreg [dreg:$0x2];
	[bflag:$0x3] =	sbarrier.arrive $0xFFFF;
	s2 =	simm.s32 @!p0 $0x1C0D  }
0x1ea: {  	[timem:s3], [sflag:s2] =	dma.local @!p0 [hbm:s0], s1  }
0x1eb: {  	s0 =	simm.s32 @!p0 $0xD  }
0x1ec: {  	_ =	swait.ge @!p0 [sflag:s0], s1  }
0x1ed: {  	s1 =	ssub.s32 @!p0 $0x0, s1;
	[sflag:s0] =	ssyncset.done @!p0 $0x0  }
0x1ee: {  	[sflag:s0] =	ssyncadd.s32 @!p0 s1  }
0x1ef: {  	[bflag:$0x3] =	sbarrier.arrive $0xFFFF  }
0x1f0: {  	_ =	shalt  }

</sc_bundles>
